<compile_context>
chip_gen: v7x
topology: tpu7x:2x2x1
jax: 0.10.2.dev20260603
libtpu: 0.0.44.dev20260713+nightly
codegen_flags: <defaults>
</compile_context>

<pallas_src>
import functools

import jax
import jax.numpy as jnp
from jax import lax
from jax.experimental import pallas as pl
from jax.experimental.pallas import tpu as pltpu
from jax.experimental.pallas import tpu_sc as plsc

_N = 16384
_K = 20
_D = 128
_R = _K + 2
_NC, _NS, _L = 2, 16, 16
_NW = _NC * _NS
_SPW = _N // _NW
_CS = 16
_NCHUNK = _SPW // _CS
_RPC = _CS * _R
_IPC = 384
_SC = 2 * _L
_PIECES = ((0, 128), (128, 128), (256, 96))


def _sc_scores(table, comb):
    mesh = plsc.VectorSubcoreMesh(core_axis_name="c", subcore_axis_name="s")

    @functools.partial(
        pl.kernel,
        out_type=jax.ShapeDtypeStruct((_N * _SC,), jnp.float32),
        mesh=mesh,
        compiler_params=pltpu.CompilerParams(needs_layout_passes=False),
        scratch_types=[
            pltpu.VMEM((_IPC,), jnp.int32),
            pltpu.VMEM((_IPC,), jnp.int32),
            pltpu.VMEM((2, _RPC, _D), jnp.float32),
            pltpu.VMEM((_SC, _L), jnp.float32),
            pltpu.VMEM((_SPW * _SC,), jnp.float32),
            pltpu.SemaphoreType.DMA,
            pltpu.SemaphoreType.DMA,
        ],
    )
    def k(table_hbm, comb_hbm, out_hbm, idx0, idx1, rows_v, acc_v, stage,
          sem0, sem1):
        sems = (sem0, sem1)
        idxs = (idx0, idx1)
        wid = lax.axis_index("s") * _NC + lax.axis_index("c")
        base = wid * _SPW
        zero = jnp.zeros((_L,), jnp.float32)
        lane = lax.iota(jnp.int32, _L)

        for r in range(_R - 1, _SC):
            acc_v[r, :] = zero

        def start_gathers(b, g):
            start = (base + g * _CS) * _R
            pltpu.sync_copy(comb_hbm.at[pl.ds(start, _IPC)], idxs[b])
            for off, cnt in _PIECES:
                pltpu.async_copy(
                    table_hbm.at[idxs[b].at[pl.ds(off, cnt)]],
                    rows_v.at[b, pl.ds(off, cnt)],
                    sems[b],
                )

        def wait_gathers(b):
            for off, cnt in _PIECES:
                pltpu.make_async_copy(
                    table_hbm.at[idxs[b].at[pl.ds(off, cnt)]],
                    rows_v.at[b, pl.ds(off, cnt)],
                    sems[b],
                ).wait()

        def compute_chunk(b, g):
            rows = rows_v.at[b]

            def body(j, carry):
                r0 = j * _R
                c = [rows[r0, pl.ds(cc * _L, _L)] for cc in range(_D // _L)]
                for d in range(_R - 1):
                    ri = r0 + 1 + d
                    acc = c[0] * rows[ri, pl.ds(0, _L)]
                    for cc in range(1, _D // _L):
                        acc = acc + c[cc] * rows[ri, pl.ds(cc * _L, _L)]
                    acc_v[d, :] = acc
                lo = plsc.load_gather(acc_v, [lane, jnp.zeros((_L,), jnp.int32)])
                hi = plsc.load_gather(
                    acc_v, [lane + _L, jnp.zeros((_L,), jnp.int32)])
                for l in range(1, _L):
                    col = jnp.full((_L,), l, jnp.int32)
                    lo = lo + plsc.load_gather(acc_v, [lane, col])
                    hi = hi + plsc.load_gather(acc_v, [lane + _L, col])
                jg = g * _CS + j
                stage[pl.ds(jg * _SC, _L)] = lo
                stage[pl.ds(jg * _SC + _L, _L)] = hi
                return carry

            lax.fori_loop(0, _CS, body, 0)

        start_gathers(0, 0)

        def outer(gg, carry):
            for b in range(2):
                g = gg * 2 + b

                @pl.when(g + 1 < _NCHUNK)
                def _():
                    start_gathers(1 - b, g + 1)

                wait_gathers(b)
                compute_chunk(b, g)
            return carry

        lax.fori_loop(0, _NCHUNK // 2, outer, 0)

        pltpu.sync_copy(stage, out_hbm.at[pl.ds(base * _SC, _SPW * _SC)])

    return k(table, comb)


def _tc_loss(scores):
    def body(s_ref, out_ref):
        s = s_ref[...]
        p = s[:, 0]
        n = s[:, 1:_K + 1]
        lp = jnp.maximum(-p, 0.0) + jnp.log1p(jnp.exp(-jnp.abs(p)))
        ln = jnp.maximum(n, 0.0) + jnp.log1p(jnp.exp(-jnp.abs(n)))
        out_ref[0, 0] = (jnp.sum(lp) + jnp.sum(ln)) / _N

    return pl.pallas_call(
        body,
        out_shape=jax.ShapeDtypeStruct((1, 1), jnp.float32),
        out_specs=pl.BlockSpec(memory_space=pltpu.SMEM),
    )(scores)


def kernel(center_words, target_words, negative_words, emb_weight):
    c = center_words.astype(jnp.int32)
    t = target_words.astype(jnp.int32)
    n = negative_words.astype(jnp.int32)
    comb = jnp.concatenate([c[:, None], t[:, None], n], axis=1).reshape(-1)
    comb = jnp.pad(comb, (0, _IPC - _RPC))
    scores = _sc_scores(emb_weight, comb)
    loss = _tc_loss(scores.reshape(_N, _SC))
    return loss[0, 0]

# --- scband reference (transcript-rebuilt; emitter-appended) ---
"""Pipeline reference for scband-w2-v-38233798869685 (READ-ONLY COPY).

The authoritative reference and input builder live on the scoring server;
editing this copy changes nothing except your own understanding.
"""

import jax, jax.numpy as jnp
import numpy as np

VOCAB = 100000
EMB_DIM = 128
N = 16384
K = 20


def setup_inputs(seed: int = 0) -> dict:
    key = jax.random.key(seed)
    k1, k2, k3, k4 = jax.random.split(key, 4)
    center_words = jax.random.randint(k1, (N,), 0, VOCAB, dtype=jnp.int64 if jax.config.jax_enable_x64 else jnp.int32)
    target_words = jax.random.randint(k2, (N,), 0, VOCAB, dtype=jnp.int64 if jax.config.jax_enable_x64 else jnp.int32)
    negative_words = jax.random.randint(k3, (N, K), 0, VOCAB, dtype=jnp.int64 if jax.config.jax_enable_x64 else jnp.int32)
    emb_weight = jax.random.uniform(k4, (VOCAB, EMB_DIM), dtype=jnp.float32, minval=-0.5, maxval=0.5)
    return {
        "center_words": center_words,
        "target_words": target_words,
        "negative_words": negative_words,
        "emb_weight": emb_weight,
    }


def reference(center_words, target_words, negative_words, emb_weight):
    # embedding lookups (gather)
    emb_center = jnp.take(emb_weight, center_words, axis=0)      # (N, D)
    emb_target = jnp.take(emb_weight, target_words, axis=0)      # (N, D)
    emb_negative = jnp.take(emb_weight, negative_words, axis=0)  # (N, K, D)

    positive_score = jnp.sum(emb_center * emb_target, axis=1)                 # (N,)
    negative_score = jnp.sum(emb_center[:, None, :] * emb_negative, axis=2)   # (N, K)

    positive_loss = -jax.nn.log_sigmoid(positive_score)
    negative_loss = -jax.nn.log_sigmoid(-negative_score)
    loss = jnp.mean(positive_loss + jnp.sum(negative_loss, axis=1))
    return loss

if __name__ == "__main__":
    import jax
    _d = setup_inputs()
    print(jax.jit(kernel)(*tuple(_d.values())))

</pallas_src>

<mosaic_0001>
#map = affine_map<(d0, d1) -> (0, 0)>
#map1 = affine_map<(d0, d1) -> (0)>
module attributes {stable_mosaic.version = 14 : i64} {
  func.func @k(%arg0: i32, %arg1: i32, %arg2: memref<100000x128xf32, #tpu.memory_space<hbm>>, %arg3: memref<360480xi32, #tpu.memory_space<hbm>>, %arg4: memref<524288xf32, #tpu.memory_space<hbm>>, %arg5: memref<384xi32, #tpu.memory_space<vmem>>, %arg6: memref<384xi32, #tpu.memory_space<vmem>>, %arg7: memref<2x352x128xf32, #tpu.memory_space<vmem>>, %arg8: memref<32x16xf32, #tpu.memory_space<vmem>>, %arg9: memref<16384xf32, #tpu.memory_space<vmem>>, %arg10: memref<!tpu.dma_semaphore, #tpu.memory_space<semaphore_mem>>, %arg11: memref<!tpu.dma_semaphore, #tpu.memory_space<semaphore_mem>>) attributes {dimension_semantics = [#tpu.dimension_semantics<core_parallel>, #tpu.dimension_semantics<subcore_parallel>], iteration_bounds = array<i64: 2, 16>, scalar_prefetch = 0 : i64, scratch_operands = 7 : i64, tpu.core_type = #tpu.core_type<sc_vector_subcore>, window_params = [{transform_indices = #map}, {transform_indices = #map1}, {transform_indices = #map1}]} {
    %mul3A = arith.constant 2 : i32
    %mul3A_0 = arith.muli %arg1, %mul3A : i32
    %add3A = arith.addi %mul3A_0, %arg0 : i32
    %mul3A_1 = arith.constant 512 : i32
    %mul3A_2 = arith.muli %add3A, %mul3A_1 : i32
    %broadcast_in_dim3A = arith.constant 0.000000e+00 : f32
    %broadcast_in_dim3A_3 = vector.broadcast %broadcast_in_dim3A : f32 to vector<16xf32>
    %iota3A = tpu.iota {dimensions = array<i32: 0>} : vector<16xi32>
    %swap3A = arith.constant 21 : i32
    %swap3A_4 = arith.index_cast %swap3A : i32 to index
    %swap3A_5 = arith.constant 0 : index
    %swap3A_6 = tpu.vector_load %arg8[%swap3A_4, %swap3A_5] {strides = array<i32>} : memref<32x16xf32, #tpu.memory_space<vmem>>, vector<16xf32>,
    tpu.vector_store %arg8[%swap3A_4, %swap3A_5], %broadcast_in_dim3A_3 {strides = array<i32>} : memref<32x16xf32, #tpu.memory_space<vmem>>, vector<16xf32>,
    %swap3A_7 = arith.constant 22 : i32
    %swap3A_8 = arith.index_cast %swap3A_7 : i32 to index
    %swap3A_9 = arith.constant 0 : index
    %swap3A_10 = tpu.vector_load %arg8[%swap3A_8, %swap3A_9] {strides = array<i32>} : memref<32x16xf32, #tpu.memory_space<vmem>>, vector<16xf32>,
    tpu.vector_store %arg8[%swap3A_8, %swap3A_9], %broadcast_in_dim3A_3 {strides = array<i32>} : memref<32x16xf32, #tpu.memory_space<vmem>>, vector<16xf32>,
    %swap3A_11 = arith.constant 23 : i32
    %swap3A_12 = arith.index_cast %swap3A_11 : i32 to index
    %swap3A_13 = arith.constant 0 : index
    %swap3A_14 = tpu.vector_load %arg8[%swap3A_12, %swap3A_13] {strides = array<i32>} : memref<32x16xf32, #tpu.memory_space<vmem>>, vector<16xf32>,
    tpu.vector_store %arg8[%swap3A_12, %swap3A_13], %broadcast_in_dim3A_3 {strides = array<i32>} : memref<32x16xf32, #tpu.memory_space<vmem>>, vector<16xf32>,
    %swap3A_15 = arith.constant 24 : i32
    %swap3A_16 = arith.index_cast %swap3A_15 : i32 to index
    %swap3A_17 = arith.constant 0 : index
    %swap3A_18 = tpu.vector_load %arg8[%swap3A_16, %swap3A_17] {strides = array<i32>} : memref<32x16xf32, #tpu.memory_space<vmem>>, vector<16xf32>,
    tpu.vector_store %arg8[%swap3A_16, %swap3A_17], %broadcast_in_dim3A_3 {strides = array<i32>} : memref<32x16xf32, #tpu.memory_space<vmem>>, vector<16xf32>,
    %swap3A_19 = arith.constant 25 : i32
    %swap3A_20 = arith.index_cast %swap3A_19 : i32 to index
    %swap3A_21 = arith.constant 0 : index
    %swap3A_22 = tpu.vector_load %arg8[%swap3A_20, %swap3A_21] {strides = array<i32>} : memref<32x16xf32, #tpu.memory_space<vmem>>, vector<16xf32>,
    tpu.vector_store %arg8[%swap3A_20, %swap3A_21], %broadcast_in_dim3A_3 {strides = array<i32>} : memref<32x16xf32, #tpu.memory_space<vmem>>, vector<16xf32>,
    %swap3A_23 = arith.constant 26 : i32
    %swap3A_24 = arith.index_cast %swap3A_23 : i32 to index
    %swap3A_25 = arith.constant 0 : index
    %swap3A_26 = tpu.vector_load %arg8[%swap3A_24, %swap3A_25] {strides = array<i32>} : memref<32x16xf32, #tpu.memory_space<vmem>>, vector<16xf32>,
    tpu.vector_store %arg8[%swap3A_24, %swap3A_25], %broadcast_in_dim3A_3 {strides = array<i32>} : memref<32x16xf32, #tpu.memory_space<vmem>>, vector<16xf32>,
    %swap3A_27 = arith.constant 27 : i32
    %swap3A_28 = arith.index_cast %swap3A_27 : i32 to index
    %swap3A_29 = arith.constant 0 : index
    %swap3A_30 = tpu.vector_load %arg8[%swap3A_28, %swap3A_29] {strides = array<i32>} : memref<32x16xf32, #tpu.memory_space<vmem>>, vector<16xf32>,
    tpu.vector_store %arg8[%swap3A_28, %swap3A_29], %broadcast_in_dim3A_3 {strides = array<i32>} : memref<32x16xf32, #tpu.memory_space<vmem>>, vector<16xf32>,
    %swap3A_31 = arith.constant 28 : i32
    %swap3A_32 = arith.index_cast %swap3A_31 : i32 to index
    %swap3A_33 = arith.constant 0 : index
    %swap3A_34 = tpu.vector_load %arg8[%swap3A_32, %swap3A_33] {strides = array<i32>} : memref<32x16xf32, #tpu.memory_space<vmem>>, vector<16xf32>,
    tpu.vector_store %arg8[%swap3A_32, %swap3A_33], %broadcast_in_dim3A_3 {strides = array<i32>} : memref<32x16xf32, #tpu.memory_space<vmem>>, vector<16xf32>,
    %swap3A_35 = arith.constant 29 : i32
    %swap3A_36 = arith.index_cast %swap3A_35 : i32 to index
    %swap3A_37 = arith.constant 0 : index
    %swap3A_38 = tpu.vector_load %arg8[%swap3A_36, %swap3A_37] {strides = array<i32>} : memref<32x16xf32, #tpu.memory_space<vmem>>, vector<16xf32>,
    tpu.vector_store %arg8[%swap3A_36, %swap3A_37], %broadcast_in_dim3A_3 {strides = array<i32>} : memref<32x16xf32, #tpu.memory_space<vmem>>, vector<16xf32>,
    %swap3A_39 = arith.constant 30 : i32
    %swap3A_40 = arith.index_cast %swap3A_39 : i32 to index
    %swap3A_41 = arith.constant 0 : index
    %swap3A_42 = tpu.vector_load %arg8[%swap3A_40, %swap3A_41] {strides = array<i32>} : memref<32x16xf32, #tpu.memory_space<vmem>>, vector<16xf32>,
    tpu.vector_store %arg8[%swap3A_40, %swap3A_41], %broadcast_in_dim3A_3 {strides = array<i32>} : memref<32x16xf32, #tpu.memory_space<vmem>>, vector<16xf32>,
    %swap3A_43 = arith.constant 31 : i32
    %swap3A_44 = arith.index_cast %swap3A_43 : i32 to index
    %swap3A_45 = arith.constant 0 : index
    %swap3A_46 = tpu.vector_load %arg8[%swap3A_44, %swap3A_45] {strides = array<i32>} : memref<32x16xf32, #tpu.memory_space<vmem>>, vector<16xf32>,
    tpu.vector_store %arg8[%swap3A_44, %swap3A_45], %broadcast_in_dim3A_3 {strides = array<i32>} : memref<32x16xf32, #tpu.memory_space<vmem>>, vector<16xf32>,
    %add3A_47 = arith.constant 0 : i32
    %add3A_48 = arith.addi %mul3A_2, %add3A_47 : i32
    %mul3A_49 = arith.constant 22 : i32
    %mul3A_50 = arith.muli %add3A_48, %mul3A_49 : i32
    "tpu.region"() ({
      %run_scoped3A = tpu.sem_alloc : memref<!tpu.dma_semaphore, #tpu.memory_space<semaphore_mem>>
      %dma_start3A_87 = tpu.memref_slice %arg3[%mul3A_50] : memref<360480xi32, #tpu.memory_space<hbm>> -> memref<384xi32, #tpu.memory_space<hbm>>
      %dma_start3A_88 = tpu.memref_slice %arg3[%mul3A_50] : memref<360480xi32, #tpu.memory_space<hbm>> -> memref<384xi32, #tpu.memory_space<hbm>>
      tpu.enqueue_dma source(%dma_start3A_88 : memref<384xi32, #tpu.memory_space<hbm>>) target(%arg5 : memref<384xi32, #tpu.memory_space<vmem>>) target_semaphore(%run_scoped3A : memref<!tpu.dma_semaphore, #tpu.memory_space<semaphore_mem>>)
      %dma_wait3A = tpu.memref_slice %arg3[%mul3A_50] : memref<360480xi32, #tpu.memory_space<hbm>> -> memref<384xi32, #tpu.memory_space<hbm>>
      %dma_wait3A_89 = tpu.memref_slice %arg3[%mul3A_50] : memref<360480xi32, #tpu.memory_space<hbm>> -> memref<384xi32, #tpu.memory_space<hbm>>
      tpu.wait_dma2 semaphore(%run_scoped3A : memref<!tpu.dma_semaphore, #tpu.memory_space<semaphore_mem>>) src(%dma_wait3A_89 : memref<384xi32, #tpu.memory_space<hbm>>) dst(%arg5 : memref<384xi32, #tpu.memory_space<vmem>>)
      tpu.yield
    }) : () -> ()
    %dma_start3A = arith.constant 0 : i32
    %dma_start3A_51 = arith.constant 0 : i32
    %dma_start3A_52 = arith.constant 0 : i32
    %dma_start3A_53 = tpu.memref_slice %arg7[%dma_start3A, %dma_start3A_51, %dma_start3A_52] : memref<2x352x128xf32, #tpu.memory_space<vmem>> -> memref<1x128x128xf32, #tpu.memory_space<vmem>>
    %dma_start3A_54 = tpu.memref_squeeze %dma_start3A_53 : memref<1x128x128xf32, #tpu.memory_space<vmem>> -> memref<128x128xf32, #tpu.memory_space<vmem>>
    %dma_start3A_55 = arith.constant 0 : i32
    %dma_start3A_56 = tpu.memref_slice %arg5[%dma_start3A_55] : memref<384xi32, #tpu.memory_space<vmem>> -> memref<128xi32, #tpu.memory_space<vmem>>
    %dma_start3A_57 = arith.constant 0 : i32
    %dma_start3A_58 = arith.constant 0 : i32
    %dma_start3A_59 = tpu.memref_slice %arg2[%dma_start3A_57, %dma_start3A_58] : memref<100000x128xf32, #tpu.memory_space<hbm>> -> memref<100000x128xf32, #tpu.memory_space<hbm>>
    tpu.enqueue_indirect_dma source(%dma_start3A_59 : memref<100000x128xf32, #tpu.memory_space<hbm>>) target(%dma_start3A_54 : memref<128x128xf32, #tpu.memory_space<vmem>>) offsets(%dma_start3A_56 : memref<128xi32, #tpu.memory_space<vmem>>) semaphore(%arg10 : memref<!tpu.dma_semaphore, #tpu.memory_space<semaphore_mem>>)
    %dma_start3A_60 = arith.constant 0 : i32
    %dma_start3A_61 = arith.constant 128 : i32
    %dma_start3A_62 = arith.constant 0 : i32
    %dma_start3A_63 = tpu.memref_slice %arg7[%dma_start3A_60, %dma_start3A_61, %dma_start3A_62] : memref<2x352x128xf32, #tpu.memory_space<vmem>> -> memref<1x128x128xf32, #tpu.memory_space<vmem>>
    %dma_start3A_64 = tpu.memref_squeeze %dma_start3A_63 : memref<1x128x128xf32, #tpu.memory_space<vmem>> -> memref<128x128xf32, #tpu.memory_space<vmem>>
    %dma_start3A_65 = arith.constant 128 : i32
    %dma_start3A_66 = tpu.memref_slice %arg5[%dma_start3A_65] : memref<384xi32, #tpu.memory_space<vmem>> -> memref<128xi32, #tpu.memory_space<vmem>>
    %dma_start3A_67 = arith.constant 0 : i32
    %dma_start3A_68 = arith.constant 0 : i32
    %dma_start3A_69 = tpu.memref_slice %arg2[%dma_start3A_67, %dma_start3A_68] : memref<100000x128xf32, #tpu.memory_space<hbm>> -> memref<100000x128xf32, #tpu.memory_space<hbm>>
    tpu.enqueue_indirect_dma source(%dma_start3A_69 : memref<100000x128xf32, #tpu.memory_space<hbm>>) target(%dma_start3A_64 : memref<128x128xf32, #tpu.memory_space<vmem>>) offsets(%dma_start3A_66 : memref<128xi32, #tpu.memory_space<vmem>>) semaphore(%arg10 : memref<!tpu.dma_semaphore, #tpu.memory_space<semaphore_mem>>)
    %dma_start3A_70 = arith.constant 0 : i32
    %dma_start3A_71 = arith.constant 256 : i32
    %dma_start3A_72 = arith.constant 0 : i32
    %dma_start3A_73 = tpu.memref_slice %arg7[%dma_start3A_70, %dma_start3A_71, %dma_start3A_72] : memref<2x352x128xf32, #tpu.memory_space<vmem>> -> memref<1x96x128xf32, #tpu.memory_space<vmem>>
    %dma_start3A_74 = tpu.memref_squeeze %dma_start3A_73 : memref<1x96x128xf32, #tpu.memory_space<vmem>> -> memref<96x128xf32, #tpu.memory_space<vmem>>
    %dma_start3A_75 = arith.constant 256 : i32
    %dma_start3A_76 = tpu.memref_slice %arg5[%dma_start3A_75] : memref<384xi32, #tpu.memory_space<vmem>> -> memref<96xi32, #tpu.memory_space<vmem>>
    %dma_start3A_77 = arith.constant 0 : i32
    %dma_start3A_78 = arith.constant 0 : i32
    %dma_start3A_79 = tpu.memref_slice %arg2[%dma_start3A_77, %dma_start3A_78] : memref<100000x128xf32, #tpu.memory_space<hbm>> -> memref<100000x128xf32, #tpu.memory_space<hbm>>
    tpu.enqueue_indirect_dma source(%dma_start3A_79 : memref<100000x128xf32, #tpu.memory_space<hbm>>) target(%dma_start3A_74 : memref<96x128xf32, #tpu.memory_space<vmem>>) offsets(%dma_start3A_76 : memref<96xi32, #tpu.memory_space<vmem>>) semaphore(%arg10 : memref<!tpu.dma_semaphore, #tpu.memory_space<semaphore_mem>>)
    %scan3A = arith.constant 0 : i32
    %scan3A_80 = arith.constant 0 : i32
    %scan3A_81 = arith.constant 16 : i32
    %scan3A_82 = arith.addi %scan3A_80, %scan3A_81 : i32
    %scan3A_83 = arith.constant 1 : i32
    scf.for %scan3A_87 = %scan3A_80 to %scan3A_82 step %scan3A_83  : i32 {
      %mul3A_88 = arith.constant 2 : i32
      %mul3A_89 = arith.muli %scan3A_87, %mul3A_88 : i32
      %add3A_90 = arith.constant 0 : i32
      %add3A_91 = arith.addi %mul3A_89, %add3A_90 : i32
      %add3A_92 = arith.constant 1 : i32
      %add3A_93 = arith.addi %add3A_91, %add3A_92 : i32
      %lt3A = arith.constant 32 : i32
      %lt3A_94 = arith.cmpi slt, %add3A_93, %lt3A : i32
      %convert_element_type3A = arith.extui %lt3A_94 : i1 to i32
      %cond3A = arith.constant 0 : i32
      %cond3A_95 = arith.cmpi ne, %convert_element_type3A, %cond3A : i32
      scf.if %cond3A_95 {
        %add3A_180 = arith.constant 1 : i32
        %add3A_181 = arith.addi %add3A_91, %add3A_180 : i32
        %mul3A_182 = arith.constant 16 : i32
        %mul3A_183 = arith.muli %add3A_181, %mul3A_182 : i32
        %add3A_184 = arith.addi %mul3A_2, %mul3A_183 : i32
        %mul3A_185 = arith.constant 22 : i32
        %mul3A_186 = arith.muli %add3A_184, %mul3A_185 : i32
        "tpu.region"() ({
          %run_scoped3A = tpu.sem_alloc : memref<!tpu.dma_semaphore, #tpu.memory_space<semaphore_mem>>
          %dma_start3A_217 = tpu.memref_slice %arg3[%mul3A_186] : memref<360480xi32, #tpu.memory_space<hbm>> -> memref<384xi32, #tpu.memory_space<hbm>>
          %dma_start3A_218 = tpu.memref_slice %arg3[%mul3A_186] : memref<360480xi32, #tpu.memory_space<hbm>> -> memref<384xi32, #tpu.memory_space<hbm>>
          tpu.enqueue_dma source(%dma_start3A_218 : memref<384xi32, #tpu.memory_space<hbm>>) target(%arg6 : memref<384xi32, #tpu.memory_space<vmem>>) target_semaphore(%run_scoped3A : memref<!tpu.dma_semaphore, #tpu.memory_space<semaphore_mem>>)
          %dma_wait3A_219 = tpu.memref_slice %arg3[%mul3A_186] : memref<360480xi32, #tpu.memory_space<hbm>> -> memref<384xi32, #tpu.memory_space<hbm>>
          %dma_wait3A_220 = tpu.memref_slice %arg3[%mul3A_186] : memref<360480xi32, #tpu.memory_space<hbm>> -> memref<384xi32, #tpu.memory_space<hbm>>
          tpu.wait_dma2 semaphore(%run_scoped3A : memref<!tpu.dma_semaphore, #tpu.memory_space<semaphore_mem>>) src(%dma_wait3A_220 : memref<384xi32, #tpu.memory_space<hbm>>) dst(%arg6 : memref<384xi32, #tpu.memory_space<vmem>>)
          tpu.yield
        }) : () -> ()
        %dma_start3A_187 = arith.constant 1 : i32
        %dma_start3A_188 = arith.constant 0 : i32
        %dma_start3A_189 = arith.constant 0 : i32
        %dma_start3A_190 = tpu.memref_slice %arg7[%dma_start3A_187, %dma_start3A_188, %dma_start3A_189] : memref<2x352x128xf32, #tpu.memory_space<vmem>> -> memref<1x128x128xf32, #tpu.memory_space<vmem>>
        %dma_start3A_191 = tpu.memref_squeeze %dma_start3A_190 : memref<1x128x128xf32, #tpu.memory_space<vmem>> -> memref<128x128xf32, #tpu.memory_space<vmem>>
        %dma_start3A_192 = arith.constant 0 : i32
        %dma_start3A_193 = tpu.memref_slice %arg6[%dma_start3A_192] : memref<384xi32, #tpu.memory_space<vmem>> -> memref<128xi32, #tpu.memory_space<vmem>>
        %dma_start3A_194 = arith.constant 0 : i32
        %dma_start3A_195 = arith.constant 0 : i32
        %dma_start3A_196 = tpu.memref_slice %arg2[%dma_start3A_194, %dma_start3A_195] : memref<100000x128xf32, #tpu.memory_space<hbm>> -> memref<100000x128xf32, #tpu.memory_space<hbm>>
        tpu.enqueue_indirect_dma source(%dma_start3A_196 : memref<100000x128xf32, #tpu.memory_space<hbm>>) target(%dma_start3A_191 : memref<128x128xf32, #tpu.memory_space<vmem>>) offsets(%dma_start3A_193 : memref<128xi32, #tpu.memory_space<vmem>>) semaphore(%arg11 : memref<!tpu.dma_semaphore, #tpu.memory_space<semaphore_mem>>)
        %dma_start3A_197 = arith.constant 1 : i32
        %dma_start3A_198 = arith.constant 128 : i32
        %dma_start3A_199 = arith.constant 0 : i32
        %dma_start3A_200 = tpu.memref_slice %arg7[%dma_start3A_197, %dma_start3A_198, %dma_start3A_199] : memref<2x352x128xf32, #tpu.memory_space<vmem>> -> memref<1x128x128xf32, #tpu.memory_space<vmem>>
        %dma_start3A_201 = tpu.memref_squeeze %dma_start3A_200 : memref<1x128x128xf32, #tpu.memory_space<vmem>> -> memref<128x128xf32, #tpu.memory_space<vmem>>
        %dma_start3A_202 = arith.constant 128 : i32
        %dma_start3A_203 = tpu.memref_slice %arg6[%dma_start3A_202] : memref<384xi32, #tpu.memory_space<vmem>> -> memref<128xi32, #tpu.memory_space<vmem>>
        %dma_start3A_204 = arith.constant 0 : i32
        %dma_start3A_205 = arith.constant 0 : i32
        %dma_start3A_206 = tpu.memref_slice %arg2[%dma_start3A_204, %dma_start3A_205] : memref<100000x128xf32, #tpu.memory_space<hbm>> -> memref<100000x128xf32, #tpu.memory_space<hbm>>
        tpu.enqueue_indirect_dma source(%dma_start3A_206 : memref<100000x128xf32, #tpu.memory_space<hbm>>) target(%dma_start3A_201 : memref<128x128xf32, #tpu.memory_space<vmem>>) offsets(%dma_start3A_203 : memref<128xi32, #tpu.memory_space<vmem>>) semaphore(%arg11 : memref<!tpu.dma_semaphore, #tpu.memory_space<semaphore_mem>>)
        %dma_start3A_207 = arith.constant 1 : i32
        %dma_start3A_208 = arith.constant 256 : i32
        %dma_start3A_209 = arith.constant 0 : i32
        %dma_start3A_210 = tpu.memref_slice %arg7[%dma_start3A_207, %dma_start3A_208, %dma_start3A_209] : memref<2x352x128xf32, #tpu.memory_space<vmem>> -> memref<1x96x128xf32, #tpu.memory_space<vmem>>
        %dma_start3A_211 = tpu.memref_squeeze %dma_start3A_210 : memref<1x96x128xf32, #tpu.memory_space<vmem>> -> memref<96x128xf32, #tpu.memory_space<vmem>>
        %dma_start3A_212 = arith.constant 256 : i32
        %dma_start3A_213 = tpu.memref_slice %arg6[%dma_start3A_212] : memref<384xi32, #tpu.memory_space<vmem>> -> memref<96xi32, #tpu.memory_space<vmem>>
        %dma_start3A_214 = arith.constant 0 : i32
        %dma_start3A_215 = arith.constant 0 : i32
        %dma_start3A_216 = tpu.memref_slice %arg2[%dma_start3A_214, %dma_start3A_215] : memref<100000x128xf32, #tpu.memory_space<hbm>> -> memref<100000x128xf32, #tpu.memory_space<hbm>>
        tpu.enqueue_indirect_dma source(%dma_start3A_216 : memref<100000x128xf32, #tpu.memory_space<hbm>>) target(%dma_start3A_211 : memref<96x128xf32, #tpu.memory_space<vmem>>) offsets(%dma_start3A_213 : memref<96xi32, #tpu.memory_space<vmem>>) semaphore(%arg11 : memref<!tpu.dma_semaphore, #tpu.memory_space<semaphore_mem>>)
      } else {
      }
      %dma_wait3A = arith.constant 0 : i32
      %dma_wait3A_96 = arith.constant 0 : i32
      %dma_wait3A_97 = arith.constant 0 : i32
      %dma_wait3A_98 = tpu.memref_slice %arg7[%dma_wait3A, %dma_wait3A_96, %dma_wait3A_97] : memref<2x352x128xf32, #tpu.memory_space<vmem>> -> memref<1x128x128xf32, #tpu.memory_space<vmem>>
      %dma_wait3A_99 = tpu.memref_squeeze %dma_wait3A_98 : memref<1x128x128xf32, #tpu.memory_space<vmem>> -> memref<128x128xf32, #tpu.memory_space<vmem>>
      %dma_wait3A_100 = arith.constant 0 : i32
      %dma_wait3A_101 = tpu.memref_slice %arg5[%dma_wait3A_100] : memref<384xi32, #tpu.memory_space<vmem>> -> memref<128xi32, #tpu.memory_space<vmem>>
      %dma_wait3A_102 = arith.constant 0 : i32
      %dma_wait3A_103 = arith.constant 0 : i32
      %dma_wait3A_104 = tpu.memref_slice %arg2[%dma_wait3A_102, %dma_wait3A_103] : memref<100000x128xf32, #tpu.memory_space<hbm>> -> memref<100000x128xf32, #tpu.memory_space<hbm>>
      tpu.wait_indirect_dma semaphore(%arg10 : memref<!tpu.dma_semaphore, #tpu.memory_space<semaphore_mem>>) src(%dma_wait3A_104 : memref<100000x128xf32, #tpu.memory_space<hbm>>) dst(%dma_wait3A_99 : memref<128x128xf32, #tpu.memory_space<vmem>>)
      %dma_wait3A_105 = arith.constant 0 : i32
      %dma_wait3A_106 = arith.constant 128 : i32
      %dma_wait3A_107 = arith.constant 0 : i32
      %dma_wait3A_108 = tpu.memref_slice %arg7[%dma_wait3A_105, %dma_wait3A_106, %dma_wait3A_107] : memref<2x352x128xf32, #tpu.memory_space<vmem>> -> memref<1x128x128xf32, #tpu.memory_space<vmem>>
      %dma_wait3A_109 = tpu.memref_squeeze %dma_wait3A_108 : memref<1x128x128xf32, #tpu.memory_space<vmem>> -> memref<128x128xf32, #tpu.memory_space<vmem>>
      %dma_wait3A_110 = arith.constant 128 : i32
      %dma_wait3A_111 = tpu.memref_slice %arg5[%dma_wait3A_110] : memref<384xi32, #tpu.memory_space<vmem>> -> memref<128xi32, #tpu.memory_space<vmem>>
      %dma_wait3A_112 = arith.constant 0 : i32
      %dma_wait3A_113 = arith.constant 0 : i32
      %dma_wait3A_114 = tpu.memref_slice %arg2[%dma_wait3A_112, %dma_wait3A_113] : memref<100000x128xf32, #tpu.memory_space<hbm>> -> memref<100000x128xf32, #tpu.memory_space<hbm>>
      tpu.wait_indirect_dma semaphore(%arg10 : memref<!tpu.dma_semaphore, #tpu.memory_space<semaphore_mem>>) src(%dma_wait3A_114 : memref<100000x128xf32, #tpu.memory_space<hbm>>) dst(%dma_wait3A_109 : memref<128x128xf32, #tpu.memory_space<vmem>>)
      %dma_wait3A_115 = arith.constant 0 : i32
      %dma_wait3A_116 = arith.constant 256 : i32
      %dma_wait3A_117 = arith.constant 0 : i32
      %dma_wait3A_118 = tpu.memref_slice %arg7[%dma_wait3A_115, %dma_wait3A_116, %dma_wait3A_117] : memref<2x352x128xf32, #tpu.memory_space<vmem>> -> memref<1x96x128xf32, #tpu.memory_space<vmem>>
      %dma_wait3A_119 = tpu.memref_squeeze %dma_wait3A_118 : memref<1x96x128xf32, #tpu.memory_space<vmem>> -> memref<96x128xf32, #tpu.memory_space<vmem>>
      %dma_wait3A_120 = arith.constant 256 : i32
      %dma_wait3A_121 = tpu.memref_slice %arg5[%dma_wait3A_120] : memref<384xi32, #tpu.memory_space<vmem>> -> memref<96xi32, #tpu.memory_space<vmem>>
      %dma_wait3A_122 = arith.constant 0 : i32
      %dma_wait3A_123 = arith.constant 0 : i32
      %dma_wait3A_124 = tpu.memref_slice %arg2[%dma_wait3A_122, %dma_wait3A_123] : memref<100000x128xf32, #tpu.memory_space<hbm>> -> memref<100000x128xf32, #tpu.memory_space<hbm>>
      tpu.wait_indirect_dma semaphore(%arg10 : memref<!tpu.dma_semaphore, #tpu.memory_space<semaphore_mem>>) src(%dma_wait3A_124 : memref<100000x128xf32, #tpu.memory_space<hbm>>) dst(%dma_wait3A_119 : memref<96x128xf32, #tpu.memory_space<vmem>>)
      %scan3A_125 = arith.constant 0 : i32
      %scan3A_126 = arith.constant 0 : i32
      %scan3A_127 = arith.constant 0 : i32
      %scan3A_128 = arith.constant 16 : i32
      %scan3A_129 = arith.addi %scan3A_127, %scan3A_128 : i32
      %scan3A_130 = arith.constant 1 : i32
      scf.for %scan3A_180 = %scan3A_127 to %scan3A_129 step %scan3A_130  : i32 {
        %mul3A_181 = arith.constant 22 : i32
        %mul3A_182 = arith.muli %scan3A_180, %mul3A_181 : i32
        %get3A = arith.constant 0 : i32
        %get3A_183 = arith.constant 0 : i32
        %get3A_184 = tpu.memref_slice %arg7[%scan3A_126, %get3A, %get3A_183] : memref<2x352x128xf32, #tpu.memory_space<vmem>> -> memref<1x352x128xf32, #tpu.memory_space<vmem>>
        %get3A_185 = tpu.memref_squeeze %get3A_184 : memref<1x352x128xf32, #tpu.memory_space<vmem>> -> memref<352x128xf32, #tpu.memory_space<vmem>>
        %get3A_186 = arith.index_cast %mul3A_182 : i32 to index
        %get3A_187 = arith.constant 0 : index
        %get3A_188 = tpu.vector_load %get3A_185[%get3A_186, %get3A_187] {strides = array<i32>} : memref<352x128xf32, #tpu.memory_space<vmem>>, vector<16xf32>,
        %get3A_189 = arith.constant 0 : i32
        %get3A_190 = arith.constant 0 : i32
        %get3A_191 = tpu.memref_slice %arg7[%scan3A_126, %get3A_189, %get3A_190] : memref<2x352x128xf32, #tpu.memory_space<vmem>> -> memref<1x352x128xf32, #tpu.memory_space<vmem>>
        %get3A_192 = tpu.memref_squeeze %get3A_191 : memref<1x352x128xf32, #tpu.memory_space<vmem>> -> memref<352x128xf32, #tpu.memory_space<vmem>>
        %get3A_193 = arith.index_cast %mul3A_182 : i32 to index
        %get3A_194 = arith.constant 16 : index
        %get3A_195 = tpu.vector_load %get3A_192[%get3A_193, %get3A_194] {strides = array<i32>} : memref<352x128xf32, #tpu.memory_space<vmem>>, vector<16xf32>,
        %get3A_196 = arith.constant 0 : i32
        %get3A_197 = arith.constant 0 : i32
        %get3A_198 = tpu.memref_slice %arg7[%scan3A_126, %get3A_196, %get3A_197] : memref<2x352x128xf32, #tpu.memory_space<vmem>> -> memref<1x352x128xf32, #tpu.memory_space<vmem>>
        %get3A_199 = tpu.memref_squeeze %get3A_198 : memref<1x352x128xf32, #tpu.memory_space<vmem>> -> memref<352x128xf32, #tpu.memory_space<vmem>>
        %get3A_200 = arith.index_cast %mul3A_182 : i32 to index
        %get3A_201 = arith.constant 32 : index
        %get3A_202 = tpu.vector_load %get3A_199[%get3A_200, %get3A_201] {strides = array<i32>} : memref<352x128xf32, #tpu.memory_space<vmem>>, vector<16xf32>,
        %get3A_203 = arith.constant 0 : i32
        %get3A_204 = arith.constant 0 : i32
        %get3A_205 = tpu.memref_slice %arg7[%scan3A_126, %get3A_203, %get3A_204] : memref<2x352x128xf32, #tpu.memory_space<vmem>> -> memref<1x352x128xf32, #tpu.memory_space<vmem>>
        %get3A_206 = tpu.memref_squeeze %get3A_205 : memref<1x352x128xf32, #tpu.memory_space<vmem>> -> memref<352x128xf32, #tpu.memory_space<vmem>>
        %get3A_207 = arith.index_cast %mul3A_182 : i32 to index
        %get3A_208 = arith.constant 48 : index
        %get3A_209 = tpu.vector_load %get3A_206[%get3A_207, %get3A_208] {strides = array<i32>} : memref<352x128xf32, #tpu.memory_space<vmem>>, vector<16xf32>,
        %get3A_210 = arith.constant 0 : i32
        %get3A_211 = arith.constant 0 : i32
        %get3A_212 = tpu.memref_slice %arg7[%scan3A_126, %get3A_210, %get3A_211] : memref<2x352x128xf32, #tpu.memory_space<vmem>> -> memref<1x352x128xf32, #tpu.memory_space<vmem>>
        %get3A_213 = tpu.memref_squeeze %get3A_212 : memref<1x352x128xf32, #tpu.memory_space<vmem>> -> memref<352x128xf32, #tpu.memory_space<vmem>>
        %get3A_214 = arith.index_cast %mul3A_182 : i32 to index
        %get3A_215 = arith.constant 64 : index
        %get3A_216 = tpu.vector_load %get3A_213[%get3A_214, %get3A_215] {strides = array<i32>} : memref<352x128xf32, #tpu.memory_space<vmem>>, vector<16xf32>,
        %get3A_217 = arith.constant 0 : i32
        %get3A_218 = arith.constant 0 : i32
        %get3A_219 = tpu.memref_slice %arg7[%scan3A_126, %get3A_217, %get3A_218] : memref<2x352x128xf32, #tpu.memory_space<vmem>> -> memref<1x352x128xf32, #tpu.memory_space<vmem>>
        %get3A_220 = tpu.memref_squeeze %get3A_219 : memref<1x352x128xf32, #tpu.memory_space<vmem>> -> memref<352x128xf32, #tpu.memory_space<vmem>>
        %get3A_221 = arith.index_cast %mul3A_182 : i32 to index
        %get3A_222 = arith.constant 80 : index
        %get3A_223 = tpu.vector_load %get3A_220[%get3A_221, %get3A_222] {strides = array<i32>} : memref<352x128xf32, #tpu.memory_space<vmem>>, vector<16xf32>,
        %get3A_224 = arith.constant 0 : i32
        %get3A_225 = arith.constant 0 : i32
        %get3A_226 = tpu.memref_slice %arg7[%scan3A_126, %get3A_224, %get3A_225] : memref<2x352x128xf32, #tpu.memory_space<vmem>> -> memref<1x352x128xf32, #tpu.memory_space<vmem>>
        %get3A_227 = tpu.memref_squeeze %get3A_226 : memref<1x352x128xf32, #tpu.memory_space<vmem>> -> memref<352x128xf32, #tpu.memory_space<vmem>>
        %get3A_228 = arith.index_cast %mul3A_182 : i32 to index
        %get3A_229 = arith.constant 96 : index
        %get3A_230 = tpu.vector_load %get3A_227[%get3A_228, %get3A_229] {strides = array<i32>} : memref<352x128xf32, #tpu.memory_space<vmem>>, vector<16xf32>,
        %get3A_231 = arith.constant 0 : i32
        %get3A_232 = arith.constant 0 : i32
        %get3A_233 = tpu.memref_slice %arg7[%scan3A_126, %get3A_231, %get3A_232] : memref<2x352x128xf32, #tpu.memory_space<vmem>> -> memref<1x352x128xf32, #tpu.memory_space<vmem>>
        %get3A_234 = tpu.memref_squeeze %get3A_233 : memref<1x352x128xf32, #tpu.memory_space<vmem>> -> memref<352x128xf32, #tpu.memory_space<vmem>>
        %get3A_235 = arith.index_cast %mul3A_182 : i32 to index
        %get3A_236 = arith.constant 112 : index
        %get3A_237 = tpu.vector_load %get3A_234[%get3A_235, %get3A_236] {strides = array<i32>} : memref<352x128xf32, #tpu.memory_space<vmem>>, vector<16xf32>,
        %add3A_238 = arith.constant 1 : i32
        %add3A_239 = arith.addi %mul3A_182, %add3A_238 : i32
        %add3A_240 = arith.constant 0 : i32
        %add3A_241 = arith.addi %add3A_239, %add3A_240 : i32
        %get3A_242 = arith.constant 0 : i32
        %get3A_243 = arith.constant 0 : i32
        %get3A_244 = tpu.memref_slice %arg7[%scan3A_126, %get3A_242, %get3A_243] : memref<2x352x128xf32, #tpu.memory_space<vmem>> -> memref<1x352x128xf32, #tpu.memory_space<vmem>>
        %get3A_245 = tpu.memref_squeeze %get3A_244 : memref<1x352x128xf32, #tpu.memory_space<vmem>> -> memref<352x128xf32, #tpu.memory_space<vmem>>
        %get3A_246 = arith.index_cast %add3A_241 : i32 to index
        %get3A_247 = arith.constant 0 : index
        %get3A_248 = tpu.vector_load %get3A_245[%get3A_246, %get3A_247] {strides = array<i32>} : memref<352x128xf32, #tpu.memory_space<vmem>>, vector<16xf32>,
        %mul3A_249 = arith.mulf %get3A_188, %get3A_248 : vector<16xf32>
        %get3A_250 = arith.constant 0 : i32
        %get3A_251 = arith.constant 0 : i32
        %get3A_252 = tpu.memref_slice %arg7[%scan3A_126, %get3A_250, %get3A_251] : memref<2x352x128xf32, #tpu.memory_space<vmem>> -> memref<1x352x128xf32, #tpu.memory_space<vmem>>
        %get3A_253 = tpu.memref_squeeze %get3A_252 : memref<1x352x128xf32, #tpu.memory_space<vmem>> -> memref<352x128xf32, #tpu.memory_space<vmem>>
        %get3A_254 = arith.index_cast %add3A_241 : i32 to index
        %get3A_255 = arith.constant 16 : index
        %get3A_256 = tpu.vector_load %get3A_253[%get3A_254, %get3A_255] {strides = array<i32>} : memref<352x128xf32, #tpu.memory_space<vmem>>, vector<16xf32>,
        %mul3A_257 = arith.mulf %get3A_195, %get3A_256 : vector<16xf32>
        %add3A_258 = arith.addf %mul3A_249, %mul3A_257 : vector<16xf32>
        %get3A_259 = arith.constant 0 : i32
        %get3A_260 = arith.constant 0 : i32
        %get3A_261 = tpu.memref_slice %arg7[%scan3A_126, %get3A_259, %get3A_260] : memref<2x352x128xf32, #tpu.memory_space<vmem>> -> memref<1x352x128xf32, #tpu.memory_space<vmem>>
        %get3A_262 = tpu.memref_squeeze %get3A_261 : memref<1x352x128xf32, #tpu.memory_space<vmem>> -> memref<352x128xf32, #tpu.memory_space<vmem>>
        %get3A_263 = arith.index_cast %add3A_241 : i32 to index
        %get3A_264 = arith.constant 32 : index
        %get3A_265 = tpu.vector_load %get3A_262[%get3A_263, %get3A_264] {strides = array<i32>} : memref<352x128xf32, #tpu.memory_space<vmem>>, vector<16xf32>,
        %mul3A_266 = arith.mulf %get3A_202, %get3A_265 : vector<16xf32>
        %add3A_267 = arith.addf %add3A_258, %mul3A_266 : vector<16xf32>
        %get3A_268 = arith.constant 0 : i32
        %get3A_269 = arith.constant 0 : i32
        %get3A_270 = tpu.memref_slice %arg7[%scan3A_126, %get3A_268, %get3A_269] : memref<2x352x128xf32, #tpu.memory_space<vmem>> -> memref<1x352x128xf32, #tpu.memory_space<vmem>>
        %get3A_271 = tpu.memref_squeeze %get3A_270 : memref<1x352x128xf32, #tpu.memory_space<vmem>> -> memref<352x128xf32, #tpu.memory_space<vmem>>
        %get3A_272 = arith.index_cast %add3A_241 : i32 to index
        %get3A_273 = arith.constant 48 : index
        %get3A_274 = tpu.vector_load %get3A_271[%get3A_272, %get3A_273] {strides = array<i32>} : memref<352x128xf32, #tpu.memory_space<vmem>>, vector<16xf32>,
        %mul3A_275 = arith.mulf %get3A_209, %get3A_274 : vector<16xf32>
        %add3A_276 = arith.addf %add3A_267, %mul3A_275 : vector<16xf32>
        %get3A_277 = arith.constant 0 : i32
        %get3A_278 = arith.constant 0 : i32
        %get3A_279 = tpu.memref_slice %arg7[%scan3A_126, %get3A_277, %get3A_278] : memref<2x352x128xf32, #tpu.memory_space<vmem>> -> memref<1x352x128xf32, #tpu.memory_space<vmem>>
        %get3A_280 = tpu.memref_squeeze %get3A_279 : memref<1x352x128xf32, #tpu.memory_space<vmem>> -> memref<352x128xf32, #tpu.memory_space<vmem>>
        %get3A_281 = arith.index_cast %add3A_241 : i32 to index
        %get3A_282 = arith.constant 64 : index
        %get3A_283 = tpu.vector_load %get3A_280[%get3A_281, %get3A_282] {strides = array<i32>} : memref<352x128xf32, #tpu.memory_space<vmem>>, vector<16xf32>,
        %mul3A_284 = arith.mulf %get3A_216, %get3A_283 : vector<16xf32>
        %add3A_285 = arith.addf %add3A_276, %mul3A_284 : vector<16xf32>
        %get3A_286 = arith.constant 0 : i32
        %get3A_287 = arith.constant 0 : i32
        %get3A_288 = tpu.memref_slice %arg7[%scan3A_126, %get3A_286, %get3A_287] : memref<2x352x128xf32, #tpu.memory_space<vmem>> -> memref<1x352x128xf32, #tpu.memory_space<vmem>>
        %get3A_289 = tpu.memref_squeeze %get3A_288 : memref<1x352x128xf32, #tpu.memory_space<vmem>> -> memref<352x128xf32, #tpu.memory_space<vmem>>
        %get3A_290 = arith.index_cast %add3A_241 : i32 to index
        %get3A_291 = arith.constant 80 : index
        %get3A_292 = tpu.vector_load %get3A_289[%get3A_290, %get3A_291] {strides = array<i32>} : memref<352x128xf32, #tpu.memory_space<vmem>>, vector<16xf32>,
        %mul3A_293 = arith.mulf %get3A_223, %get3A_292 : vector<16xf32>
        %add3A_294 = arith.addf %add3A_285, %mul3A_293 : vector<16xf32>
        %get3A_295 = arith.constant 0 : i32
        %get3A_296 = arith.constant 0 : i32
        %get3A_297 = tpu.memref_slice %arg7[%scan3A_126, %get3A_295, %get3A_296] : memref<2x352x128xf32, #tpu.memory_space<vmem>> -> memref<1x352x128xf32, #tpu.memory_space<vmem>>
        %get3A_298 = tpu.memref_squeeze %get3A_297 : memref<1x352x128xf32, #tpu.memory_space<vmem>> -> memref<352x128xf32, #tpu.memory_space<vmem>>
        %get3A_299 = arith.index_cast %add3A_241 : i32 to index
        %get3A_300 = arith.constant 96 : index
        %get3A_301 = tpu.vector_load %get3A_298[%get3A_299, %get3A_300] {strides = array<i32>} : memref<352x128xf32, #tpu.memory_space<vmem>>, vector<16xf32>,
        %mul3A_302 = arith.mulf %get3A_230, %get3A_301 : vector<16xf32>
        %add3A_303 = arith.addf %add3A_294, %mul3A_302 : vector<16xf32>
        %get3A_304 = arith.constant 0 : i32
        %get3A_305 = arith.constant 0 : i32
        %get3A_306 = tpu.memref_slice %arg7[%scan3A_126, %get3A_304, %get3A_305] : memref<2x352x128xf32, #tpu.memory_space<vmem>> -> memref<1x352x128xf32, #tpu.memory_space<vmem>>
        %get3A_307 = tpu.memref_squeeze %get3A_306 : memref<1x352x128xf32, #tpu.memory_space<vmem>> -> memref<352x128xf32, #tpu.memory_space<vmem>>
        %get3A_308 = arith.index_cast %add3A_241 : i32 to index
        %get3A_309 = arith.constant 112 : index
        %get3A_310 = tpu.vector_load %get3A_307[%get3A_308, %get3A_309] {strides = array<i32>} : memref<352x128xf32, #tpu.memory_space<vmem>>, vector<16xf32>,
        %mul3A_311 = arith.mulf %get3A_237, %get3A_310 : vector<16xf32>
        %add3A_312 = arith.addf %add3A_303, %mul3A_311 : vector<16xf32>
        %swap3A_313 = arith.constant 0 : i32
        %swap3A_314 = arith.index_cast %swap3A_313 : i32 to index
        %swap3A_315 = arith.constant 0 : index
        %swap3A_316 = tpu.vector_load %arg8[%swap3A_314, %swap3A_315] {strides = array<i32>} : memref<32x16xf32, #tpu.memory_space<vmem>>, vector<16xf32>,
        tpu.vector_store %arg8[%swap3A_314, %swap3A_315], %add3A_312 {strides = array<i32>} : memref<32x16xf32, #tpu.memory_space<vmem>>, vector<16xf32>,
        %add3A_317 = arith.constant 1 : i32
        %add3A_318 = arith.addi %mul3A_182, %add3A_317 : i32
        %add3A_319 = arith.constant 1 : i32
        %add3A_320 = arith.addi %add3A_318, %add3A_319 : i32
        %get3A_321 = arith.constant 0 : i32
        %get3A_322 = arith.constant 0 : i32
        %get3A_323 = tpu.memref_slice %arg7[%scan3A_126, %get3A_321, %get3A_322] : memref<2x352x128xf32, #tpu.memory_space<vmem>> -> memref<1x352x128xf32, #tpu.memory_space<vmem>>
        %get3A_324 = tpu.memref_squeeze %get3A_323 : memref<1x352x128xf32, #tpu.memory_space<vmem>> -> memref<352x128xf32, #tpu.memory_space<vmem>>
        %get3A_325 = arith.index_cast %add3A_320 : i32 to index
        %get3A_326 = arith.constant 0 : index
        %get3A_327 = tpu.vector_load %get3A_324[%get3A_325, %get3A_326] {strides = array<i32>} : memref<352x128xf32, #tpu.memory_space<vmem>>, vector<16xf32>,
        %mul3A_328 = arith.mulf %get3A_188, %get3A_327 : vector<16xf32>
        %get3A_329 = arith.constant 0 : i32
        %get3A_330 = arith.constant 0 : i32
        %get3A_331 = tpu.memref_slice %arg7[%scan3A_126, %get3A_329, %get3A_330] : memref<2x352x128xf32, #tpu.memory_space<vmem>> -> memref<1x352x128xf32, #tpu.memory_space<vmem>>
        %get3A_332 = tpu.memref_squeeze %get3A_331 : memref<1x352x128xf32, #tpu.memory_space<vmem>> -> memref<352x128xf32, #tpu.memory_space<vmem>>
        %get3A_333 = arith.index_cast %add3A_320 : i32 to index
        %get3A_334 = arith.constant 16 : index
        %get3A_335 = tpu.vector_load %get3A_332[%get3A_333, %get3A_334] {strides = array<i32>} : memref<352x128xf32, #tpu.memory_space<vmem>>, vector<16xf32>,
        %mul3A_336 = arith.mulf %get3A_195, %get3A_335 : vector<16xf32>
        %add3A_337 = arith.addf %mul3A_328, %mul3A_336 : vector<16xf32>
        %get3A_338 = arith.constant 0 : i32
        %get3A_339 = arith.constant 0 : i32
        %get3A_340 = tpu.memref_slice %arg7[%scan3A_126, %get3A_338, %get3A_339] : memref<2x352x128xf32, #tpu.memory_space<vmem>> -> memref<1x352x128xf32, #tpu.memory_space<vmem>>
        %get3A_341 = tpu.memref_squeeze %get3A_340 : memref<1x352x128xf32, #tpu.memory_space<vmem>> -> memref<352x128xf32, #tpu.memory_space<vmem>>
        %get3A_342 = arith.index_cast %add3A_320 : i32 to index
        %get3A_343 = arith.constant 32 : index
        %get3A_344 = tpu.vector_load %get3A_341[%get3A_342, %get3A_343] {strides = array<i32>} : memref<352x128xf32, #tpu.memory_space<vmem>>, vector<16xf32>,
        %mul3A_345 = arith.mulf %get3A_202, %get3A_344 : vector<16xf32>
        %add3A_346 = arith.addf %add3A_337, %mul3A_345 : vector<16xf32>
        %get3A_347 = arith.constant 0 : i32
        %get3A_348 = arith.constant 0 : i32
        %get3A_349 = tpu.memref_slice %arg7[%scan3A_126, %get3A_347, %get3A_348] : memref<2x352x128xf32, #tpu.memory_space<vmem>> -> memref<1x352x128xf32, #tpu.memory_space<vmem>>
        %get3A_350 = tpu.memref_squeeze %get3A_349 : memref<1x352x128xf32, #tpu.memory_space<vmem>> -> memref<352x128xf32, #tpu.memory_space<vmem>>
        %get3A_351 = arith.index_cast %add3A_320 : i32 to index
        %get3A_352 = arith.constant 48 : index
        %get3A_353 = tpu.vector_load %get3A_350[%get3A_351, %get3A_352] {strides = array<i32>} : memref<352x128xf32, #tpu.memory_space<vmem>>, vector<16xf32>,
        %mul3A_354 = arith.mulf %get3A_209, %get3A_353 : vector<16xf32>
        %add3A_355 = arith.addf %add3A_346, %mul3A_354 : vector<16xf32>
        %get3A_356 = arith.constant 0 : i32
        %get3A_357 = arith.constant 0 : i32
        %get3A_358 = tpu.memref_slice %arg7[%scan3A_126, %get3A_356, %get3A_357] : memref<2x352x128xf32, #tpu.memory_space<vmem>> -> memref<1x352x128xf32, #tpu.memory_space<vmem>>
        %get3A_359 = tpu.memref_squeeze %get3A_358 : memref<1x352x128xf32, #tpu.memory_space<vmem>> -> memref<352x128xf32, #tpu.memory_space<vmem>>
        %get3A_360 = arith.index_cast %add3A_320 : i32 to index
        %get3A_361 = arith.constant 64 : index
        %get3A_362 = tpu.vector_load %get3A_359[%get3A_360, %get3A_361] {strides = array<i32>} : memref<352x128xf32, #tpu.memory_space<vmem>>, vector<16xf32>,
        %mul3A_363 = arith.mulf %get3A_216, %get3A_362 : vector<16xf32>
        %add3A_364 = arith.addf %add3A_355, %mul3A_363 : vector<16xf32>
        %get3A_365 = arith.constant 0 : i32
        %get3A_366 = arith.constant 0 : i32
        %get3A_367 = tpu.memref_slice %arg7[%scan3A_126, %get3A_365, %get3A_366] : memref<2x352x128xf32, #tpu.memory_space<vmem>> -> memref<1x352x128xf32, #tpu.memory_space<vmem>>
        %get3A_368 = tpu.memref_squeeze %get3A_367 : memref<1x352x128xf32, #tpu.memory_space<vmem>> -> memref<352x128xf32, #tpu.memory_space<vmem>>
        %get3A_369 = arith.index_cast %add3A_320 : i32 to index
        %get3A_370 = arith.constant 80 : index
        %get3A_371 = tpu.vector_load %get3A_368[%get3A_369, %get3A_370] {strides = array<i32>} : memref<352x128xf32, #tpu.memory_space<vmem>>, vector<16xf32>,
        %mul3A_372 = arith.mulf %get3A_223, %get3A_371 : vector<16xf32>
        %add3A_373 = arith.addf %add3A_364, %mul3A_372 : vector<16xf32>
        %get3A_374 = arith.constant 0 : i32
        %get3A_375 = arith.constant 0 : i32
        %get3A_376 = tpu.memref_slice %arg7[%scan3A_126, %get3A_374, %get3A_375] : memref<2x352x128xf32, #tpu.memory_space<vmem>> -> memref<1x352x128xf32, #tpu.memory_space<vmem>>
        %get3A_377 = tpu.memref_squeeze %get3A_376 : memref<1x352x128xf32, #tpu.memory_space<vmem>> -> memref<352x128xf32, #tpu.memory_space<vmem>>
        %get3A_378 = arith.index_cast %add3A_320 : i32 to index
        %get3A_379 = arith.constant 96 : index
        %get3A_380 = tpu.vector_load %get3A_377[%get3A_378, %get3A_379] {strides = array<i32>} : memref<352x128xf32, #tpu.memory_space<vmem>>, vector<16xf32>,
        %mul3A_381 = arith.mulf %get3A_230, %get3A_380 : vector<16xf32>
        %add3A_382 = arith.addf %add3A_373, %mul3A_381 : vector<16xf32>
        %get3A_383 = arith.constant 0 : i32
        %get3A_384 = arith.constant 0 : i32
        %get3A_385 = tpu.memref_slice %arg7[%scan3A_126, %get3A_383, %get3A_384] : memref<2x352x128xf32, #tpu.memory_space<vmem>> -> memref<1x352x128xf32, #tpu.memory_space<vmem>>
        %get3A_386 = tpu.memref_squeeze %get3A_385 : memref<1x352x128xf32, #tpu.memory_space<vmem>> -> memref<352x128xf32, #tpu.memory_space<vmem>>
        %get3A_387 = arith.index_cast %add3A_320 : i32 to index
        %get3A_388 = arith.constant 112 : index
        %get3A_389 = tpu.vector_load %get3A_386[%get3A_387, %get3A_388] {strides = array<i32>} : memref<352x128xf32, #tpu.memory_space<vmem>>, vector<16xf32>,
        %mul3A_390 = arith.mulf %get3A_237, %get3A_389 : vector<16xf32>
        %add3A_391 = arith.addf %add3A_382, %mul3A_390 : vector<16xf32>
        %swap3A_392 = arith.constant 1 : i32
        %swap3A_393 = arith.index_cast %swap3A_392 : i32 to index
        %swap3A_394 = arith.constant 0 : index
        %swap3A_395 = tpu.vector_load %arg8[%swap3A_393, %swap3A_394] {strides = array<i32>} : memref<32x16xf32, #tpu.memory_space<vmem>>, vector<16xf32>,
        tpu.vector_store %arg8[%swap3A_393, %swap3A_394], %add3A_391 {strides = array<i32>} : memref<32x16xf32, #tpu.memory_space<vmem>>, vector<16xf32>,
        %add3A_396 = arith.constant 1 : i32
        %add3A_397 = arith.addi %mul3A_182, %add3A_396 : i32
        %add3A_398 = arith.constant 2 : i32
        %add3A_399 = arith.addi %add3A_397, %add3A_398 : i32
        %get3A_400 = arith.constant 0 : i32
        %get3A_401 = arith.constant 0 : i32
        %get3A_402 = tpu.memref_slice %arg7[%scan3A_126, %get3A_400, %get3A_401] : memref<2x352x128xf32, #tpu.memory_space<vmem>> -> memref<1x352x128xf32, #tpu.memory_space<vmem>>
        %get3A_403 = tpu.memref_squeeze %get3A_402 : memref<1x352x128xf32, #tpu.memory_space<vmem>> -> memref<352x128xf32, #tpu.memory_space<vmem>>
        %get3A_404 = arith.index_cast %add3A_399 : i32 to index
        %get3A_405 = arith.constant 0 : index
        %get3A_406 = tpu.vector_load %get3A_403[%get3A_404, %get3A_405] {strides = array<i32>} : memref<352x128xf32, #tpu.memory_space<vmem>>, vector<16xf32>,
        %mul3A_407 = arith.mulf %get3A_188, %get3A_406 : vector<16xf32>
        %get3A_408 = arith.constant 0 : i32
        %get3A_409 = arith.constant 0 : i32
        %get3A_410 = tpu.memref_slice %arg7[%scan3A_126, %get3A_408, %get3A_409] : memref<2x352x128xf32, #tpu.memory_space<vmem>> -> memref<1x352x128xf32, #tpu.memory_space<vmem>>
        %get3A_411 = tpu.memref_squeeze %get3A_410 : memref<1x352x128xf32, #tpu.memory_space<vmem>> -> memref<352x128xf32, #tpu.memory_space<vmem>>
        %get3A_412 = arith.index_cast %add3A_399 : i32 to index
        %get3A_413 = arith.constant 16 : index
        %get3A_414 = tpu.vector_load %get3A_411[%get3A_412, %get3A_413] {strides = array<i32>} : memref<352x128xf32, #tpu.memory_space<vmem>>, vector<16xf32>,
        %mul3A_415 = arith.mulf %get3A_195, %get3A_414 : vector<16xf32>
        %add3A_416 = arith.addf %mul3A_407, %mul3A_415 : vector<16xf32>
        %get3A_417 = arith.constant 0 : i32
        %get3A_418 = arith.constant 0 : i32
        %get3A_419 = tpu.memref_slice %arg7[%scan3A_126, %get3A_417, %get3A_418] : memref<2x352x128xf32, #tpu.memory_space<vmem>> -> memref<1x352x128xf32, #tpu.memory_space<vmem>>
        %get3A_420 = tpu.memref_squeeze %get3A_419 : memref<1x352x128xf32, #tpu.memory_space<vmem>> -> memref<352x128xf32, #tpu.memory_space<vmem>>
        %get3A_421 = arith.index_cast %add3A_399 : i32 to index
        %get3A_422 = arith.constant 32 : index
        %get3A_423 = tpu.vector_load %get3A_420[%get3A_421, %get3A_422] {strides = array<i32>} : memref<352x128xf32, #tpu.memory_space<vmem>>, vector<16xf32>,
        %mul3A_424 = arith.mulf %get3A_202, %get3A_423 : vector<16xf32>
        %add3A_425 = arith.addf %add3A_416, %mul3A_424 : vector<16xf32>
        %get3A_426 = arith.constant 0 : i32
        %get3A_427 = arith.constant 0 : i32
        %get3A_428 = tpu.memref_slice %arg7[%scan3A_126, %get3A_426, %get3A_427] : memref<2x352x128xf32, #tpu.memory_space<vmem>> -> memref<1x352x128xf32, #tpu.memory_space<vmem>>
        %get3A_429 = tpu.memref_squeeze %get3A_428 : memref<1x352x128xf32, #tpu.memory_space<vmem>> -> memref<352x128xf32, #tpu.memory_space<vmem>>
        %get3A_430 = arith.index_cast %add3A_399 : i32 to index
        %get3A_431 = arith.constant 48 : index
        %get3A_432 = tpu.vector_load %get3A_429[%get3A_430, %get3A_431] {strides = array<i32>} : memref<352x128xf32, #tpu.memory_space<vmem>>, vector<16xf32>,
        %mul3A_433 = arith.mulf %get3A_209, %get3A_432 : vector<16xf32>
        %add3A_434 = arith.addf %add3A_425, %mul3A_433 : vector<16xf32>
        %get3A_435 = arith.constant 0 : i32
        %get3A_436 = arith.constant 0 : i32
        %get3A_437 = tpu.memref_slice %arg7[%scan3A_126, %get3A_435, %get3A_436] : memref<2x352x128xf32, #tpu.memory_space<vmem>> -> memref<1x352x128xf32, #tpu.memory_space<vmem>>
        %get3A_438 = tpu.memref_squeeze %get3A_437 : memref<1x352x128xf32, #tpu.memory_space<vmem>> -> memref<352x128xf32, #tpu.memory_space<vmem>>
        %get3A_439 = arith.index_cast %add3A_399 : i32 to index
        %get3A_440 = arith.constant 64 : index
        %get3A_441 = tpu.vector_load %get3A_438[%get3A_439, %get3A_440] {strides = array<i32>} : memref<352x128xf32, #tpu.memory_space<vmem>>, vector<16xf32>,
        %mul3A_442 = arith.mulf %get3A_216, %get3A_441 : vector<16xf32>
        %add3A_443 = arith.addf %add3A_434, %mul3A_442 : vector<16xf32>
        %get3A_444 = arith.constant 0 : i32
        %get3A_445 = arith.constant 0 : i32
        %get3A_446 = tpu.memref_slice %arg7[%scan3A_126, %get3A_444, %get3A_445] : memref<2x352x128xf32, #tpu.memory_space<vmem>> -> memref<1x352x128xf32, #tpu.memory_space<vmem>>
        %get3A_447 = tpu.memref_squeeze %get3A_446 : memref<1x352x128xf32, #tpu.memory_space<vmem>> -> memref<352x128xf32, #tpu.memory_space<vmem>>
        %get3A_448 = arith.index_cast %add3A_399 : i32 to index
        %get3A_449 = arith.constant 80 : index
        %get3A_450 = tpu.vector_load %get3A_447[%get3A_448, %get3A_449] {strides = array<i32>} : memref<352x128xf32, #tpu.memory_space<vmem>>, vector<16xf32>,
        %mul3A_451 = arith.mulf %get3A_223, %get3A_450 : vector<16xf32>
        %add3A_452 = arith.addf %add3A_443, %mul3A_451 : vector<16xf32>
        %get3A_453 = arith.constant 0 : i32
        %get3A_454 = arith.constant 0 : i32
        %get3A_455 = tpu.memref_slice %arg7[%scan3A_126, %get3A_453, %get3A_454] : memref<2x352x128xf32, #tpu.memory_space<vmem>> -> memref<1x352x128xf32, #tpu.memory_space<vmem>>
        %get3A_456 = tpu.memref_squeeze %get3A_455 : memref<1x352x128xf32, #tpu.memory_space<vmem>> -> memref<352x128xf32, #tpu.memory_space<vmem>>
        %get3A_457 = arith.index_cast %add3A_399 : i32 to index
        %get3A_458 = arith.constant 96 : index
        %get3A_459 = tpu.vector_load %get3A_456[%get3A_457, %get3A_458] {strides = array<i32>} : memref<352x128xf32, #tpu.memory_space<vmem>>, vector<16xf32>,
        %mul3A_460 = arith.mulf %get3A_230, %get3A_459 : vector<16xf32>
        %add3A_461 = arith.addf %add3A_452, %mul3A_460 : vector<16xf32>
        %get3A_462 = arith.constant 0 : i32
        %get3A_463 = arith.constant 0 : i32
        %get3A_464 = tpu.memref_slice %arg7[%scan3A_126, %get3A_462, %get3A_463] : memref<2x352x128xf32, #tpu.memory_space<vmem>> -> memref<1x352x128xf32, #tpu.memory_space<vmem>>
        %get3A_465 = tpu.memref_squeeze %get3A_464 : memref<1x352x128xf32, #tpu.memory_space<vmem>> -> memref<352x128xf32, #tpu.memory_space<vmem>>
        %get3A_466 = arith.index_cast %add3A_399 : i32 to index
        %get3A_467 = arith.constant 112 : index
        %get3A_468 = tpu.vector_load %get3A_465[%get3A_466, %get3A_467] {strides = array<i32>} : memref<352x128xf32, #tpu.memory_space<vmem>>, vector<16xf32>,
        %mul3A_469 = arith.mulf %get3A_237, %get3A_468 : vector<16xf32>
        %add3A_470 = arith.addf %add3A_461, %mul3A_469 : vector<16xf32>
        %swap3A_471 = arith.constant 2 : i32
        %swap3A_472 = arith.index_cast %swap3A_471 : i32 to index
        %swap3A_473 = arith.constant 0 : index
        %swap3A_474 = tpu.vector_load %arg8[%swap3A_472, %swap3A_473] {strides = array<i32>} : memref<32x16xf32, #tpu.memory_space<vmem>>, vector<16xf32>,
        tpu.vector_store %arg8[%swap3A_472, %swap3A_473], %add3A_470 {strides = array<i32>} : memref<32x16xf32, #tpu.memory_space<vmem>>, vector<16xf32>,
        %add3A_475 = arith.constant 1 : i32
        %add3A_476 = arith.addi %mul3A_182, %add3A_475 : i32
        %add3A_477 = arith.constant 3 : i32
        %add3A_478 = arith.addi %add3A_476, %add3A_477 : i32
        %get3A_479 = arith.constant 0 : i32
        %get3A_480 = arith.constant 0 : i32
        %get3A_481 = tpu.memref_slice %arg7[%scan3A_126, %get3A_479, %get3A_480] : memref<2x352x128xf32, #tpu.memory_space<vmem>> -> memref<1x352x128xf32, #tpu.memory_space<vmem>>
        %get3A_482 = tpu.memref_squeeze %get3A_481 : memref<1x352x128xf32, #tpu.memory_space<vmem>> -> memref<352x128xf32, #tpu.memory_space<vmem>>
        %get3A_483 = arith.index_cast %add3A_478 : i32 to index
        %get3A_484 = arith.constant 0 : index
        %get3A_485 = tpu.vector_load %get3A_482[%get3A_483, %get3A_484] {strides = array<i32>} : memref<352x128xf32, #tpu.memory_space<vmem>>, vector<16xf32>,
        %mul3A_486 = arith.mulf %get3A_188, %get3A_485 : vector<16xf32>
        %get3A_487 = arith.constant 0 : i32
        %get3A_488 = arith.constant 0 : i32
        %get3A_489 = tpu.memref_slice %arg7[%scan3A_126, %get3A_487, %get3A_488] : memref<2x352x128xf32, #tpu.memory_space<vmem>> -> memref<1x352x128xf32, #tpu.memory_space<vmem>>
        %get3A_490 = tpu.memref_squeeze %get3A_489 : memref<1x352x128xf32, #tpu.memory_space<vmem>> -> memref<352x128xf32, #tpu.memory_space<vmem>>
        %get3A_491 = arith.index_cast %add3A_478 : i32 to index
        %get3A_492 = arith.constant 16 : index
        %get3A_493 = tpu.vector_load %get3A_490[%get3A_491, %get3A_492] {strides = array<i32>} : memref<352x128xf32, #tpu.memory_space<vmem>>, vector<16xf32>,
        %mul3A_494 = arith.mulf %get3A_195, %get3A_493 : vector<16xf32>
        %add3A_495 = arith.addf %mul3A_486, %mul3A_494 : vector<16xf32>
        %get3A_496 = arith.constant 0 : i32
        %get3A_497 = arith.constant 0 : i32
        %get3A_498 = tpu.memref_slice %arg7[%scan3A_126, %get3A_496, %get3A_497] : memref<2x352x128xf32, #tpu.memory_space<vmem>> -> memref<1x352x128xf32, #tpu.memory_space<vmem>>
        %get3A_499 = tpu.memref_squeeze %get3A_498 : memref<1x352x128xf32, #tpu.memory_space<vmem>> -> memref<352x128xf32, #tpu.memory_space<vmem>>
        %get3A_500 = arith.index_cast %add3A_478 : i32 to index
        %get3A_501 = arith.constant 32 : index
        %get3A_502 = tpu.vector_load %get3A_499[%get3A_500, %get3A_501] {strides = array<i32>} : memref<352x128xf32, #tpu.memory_space<vmem>>, vector<16xf32>,
        %mul3A_503 = arith.mulf %get3A_202, %get3A_502 : vector<16xf32>
        %add3A_504 = arith.addf %add3A_495, %mul3A_503 : vector<16xf32>
        %get3A_505 = arith.constant 0 : i32
        %get3A_506 = arith.constant 0 : i32
        %get3A_507 = tpu.memref_slice %arg7[%scan3A_126, %get3A_505, %get3A_506] : memref<2x352x128xf32, #tpu.memory_space<vmem>> -> memref<1x352x128xf32, #tpu.memory_space<vmem>>
        %get3A_508 = tpu.memref_squeeze %get3A_507 : memref<1x352x128xf32, #tpu.memory_space<vmem>> -> memref<352x128xf32, #tpu.memory_space<vmem>>
        %get3A_509 = arith.index_cast %add3A_478 : i32 to index
        %get3A_510 = arith.constant 48 : index
        %get3A_511 = tpu.vector_load %get3A_508[%get3A_509, %get3A_510] {strides = array<i32>} : memref<352x128xf32, #tpu.memory_space<vmem>>, vector<16xf32>,
        %mul3A_512 = arith.mulf %get3A_209, %get3A_511 : vector<16xf32>
        %add3A_513 = arith.addf %add3A_504, %mul3A_512 : vector<16xf32>
        %get3A_514 = arith.constant 0 : i32
        %get3A_515 = arith.constant 0 : i32
        %get3A_516 = tpu.memref_slice %arg7[%scan3A_126, %get3A_514, %get3A_515] : memref<2x352x128xf32, #tpu.memory_space<vmem>> -> memref<1x352x128xf32, #tpu.memory_space<vmem>>
        %get3A_517 = tpu.memref_squeeze %get3A_516 : memref<1x352x128xf32, #tpu.memory_space<vmem>> -> memref<352x128xf32, #tpu.memory_space<vmem>>
        %get3A_518 = arith.index_cast %add3A_478 : i32 to index
        %get3A_519 = arith.constant 64 : index
        %get3A_520 = tpu.vector_load %get3A_517[%get3A_518, %get3A_519] {strides = array<i32>} : memref<352x128xf32, #tpu.memory_space<vmem>>, vector<16xf32>,
        %mul3A_521 = arith.mulf %get3A_216, %get3A_520 : vector<16xf32>
        %add3A_522 = arith.addf %add3A_513, %mul3A_521 : vector<16xf32>
        %get3A_523 = arith.constant 0 : i32
        %get3A_524 = arith.constant 0 : i32
        %get3A_525 = tpu.memref_slice %arg7[%scan3A_126, %get3A_523, %get3A_524] : memref<2x352x128xf32, #tpu.memory_space<vmem>> -> memref<1x352x128xf32, #tpu.memory_space<vmem>>
        %get3A_526 = tpu.memref_squeeze %get3A_525 : memref<1x352x128xf32, #tpu.memory_space<vmem>> -> memref<352x128xf32, #tpu.memory_space<vmem>>
        %get3A_527 = arith.index_cast %add3A_478 : i32 to index
        %get3A_528 = arith.constant 80 : index
        %get3A_529 = tpu.vector_load %get3A_526[%get3A_527, %get3A_528] {strides = array<i32>} : memref<352x128xf32, #tpu.memory_space<vmem>>, vector<16xf32>,
        %mul3A_530 = arith.mulf %get3A_223, %get3A_529 : vector<16xf32>
        %add3A_531 = arith.addf %add3A_522, %mul3A_530 : vector<16xf32>
        %get3A_532 = arith.constant 0 : i32
        %get3A_533 = arith.constant 0 : i32
        %get3A_534 = tpu.memref_slice %arg7[%scan3A_126, %get3A_532, %get3A_533] : memref<2x352x128xf32, #tpu.memory_space<vmem>> -> memref<1x352x128xf32, #tpu.memory_space<vmem>>
        %get3A_535 = tpu.memref_squeeze %get3A_534 : memref<1x352x128xf32, #tpu.memory_space<vmem>> -> memref<352x128xf32, #tpu.memory_space<vmem>>
        %get3A_536 = arith.index_cast %add3A_478 : i32 to index
        %get3A_537 = arith.constant 96 : index
        %get3A_538 = tpu.vector_load %get3A_535[%get3A_536, %get3A_537] {strides = array<i32>} : memref<352x128xf32, #tpu.memory_space<vmem>>, vector<16xf32>,
        %mul3A_539 = arith.mulf %get3A_230, %get3A_538 : vector<16xf32>
        %add3A_540 = arith.addf %add3A_531, %mul3A_539 : vector<16xf32>
        %get3A_541 = arith.constant 0 : i32
        %get3A_542 = arith.constant 0 : i32
        %get3A_543 = tpu.memref_slice %arg7[%scan3A_126, %get3A_541, %get3A_542] : memref<2x352x128xf32, #tpu.memory_space<vmem>> -> memref<1x352x128xf32, #tpu.memory_space<vmem>>
        %get3A_544 = tpu.memref_squeeze %get3A_543 : memref<1x352x128xf32, #tpu.memory_space<vmem>> -> memref<352x128xf32, #tpu.memory_space<vmem>>
        %get3A_545 = arith.index_cast %add3A_478 : i32 to index
        %get3A_546 = arith.constant 112 : index
        %get3A_547 = tpu.vector_load %get3A_544[%get3A_545, %get3A_546] {strides = array<i32>} : memref<352x128xf32, #tpu.memory_space<vmem>>, vector<16xf32>,
        %mul3A_548 = arith.mulf %get3A_237, %get3A_547 : vector<16xf32>
        %add3A_549 = arith.addf %add3A_540, %mul3A_548 : vector<16xf32>
        %swap3A_550 = arith.constant 3 : i32
        %swap3A_551 = arith.index_cast %swap3A_550 : i32 to index
        %swap3A_552 = arith.constant 0 : index
        %swap3A_553 = tpu.vector_load %arg8[%swap3A_551, %swap3A_552] {strides = array<i32>} : memref<32x16xf32, #tpu.memory_space<vmem>>, vector<16xf32>,
        tpu.vector_store %arg8[%swap3A_551, %swap3A_552], %add3A_549 {strides = array<i32>} : memref<32x16xf32, #tpu.memory_space<vmem>>, vector<16xf32>,
        %add3A_554 = arith.constant 1 : i32
        %add3A_555 = arith.addi %mul3A_182, %add3A_554 : i32
        %add3A_556 = arith.constant 4 : i32
        %add3A_557 = arith.addi %add3A_555, %add3A_556 : i32
        %get3A_558 = arith.constant 0 : i32
        %get3A_559 = arith.constant 0 : i32
        %get3A_560 = tpu.memref_slice %arg7[%scan3A_126, %get3A_558, %get3A_559] : memref<2x352x128xf32, #tpu.memory_space<vmem>> -> memref<1x352x128xf32, #tpu.memory_space<vmem>>
        %get3A_561 = tpu.memref_squeeze %get3A_560 : memref<1x352x128xf32, #tpu.memory_space<vmem>> -> memref<352x128xf32, #tpu.memory_space<vmem>>
        %get3A_562 = arith.index_cast %add3A_557 : i32 to index
        %get3A_563 = arith.constant 0 : index
        %get3A_564 = tpu.vector_load %get3A_561[%get3A_562, %get3A_563] {strides = array<i32>} : memref<352x128xf32, #tpu.memory_space<vmem>>, vector<16xf32>,
        %mul3A_565 = arith.mulf %get3A_188, %get3A_564 : vector<16xf32>
        %get3A_566 = arith.constant 0 : i32
        %get3A_567 = arith.constant 0 : i32
        %get3A_568 = tpu.memref_slice %arg7[%scan3A_126, %get3A_566, %get3A_567] : memref<2x352x128xf32, #tpu.memory_space<vmem>> -> memref<1x352x128xf32, #tpu.memory_space<vmem>>
        %get3A_569 = tpu.memref_squeeze %get3A_568 : memref<1x352x128xf32, #tpu.memory_space<vmem>> -> memref<352x128xf32, #tpu.memory_space<vmem>>
        %get3A_570 = arith.index_cast %add3A_557 : i32 to index
        %get3A_571 = arith.constant 16 : index
        %get3A_572 = tpu.vector_load %get3A_569[%get3A_570, %get3A_571] {strides = array<i32>} : memref<352x128xf32, #tpu.memory_space<vmem>>, vector<16xf32>,
        %mul3A_573 = arith.mulf %get3A_195, %get3A_572 : vector<16xf32>
        %add3A_574 = arith.addf %mul3A_565, %mul3A_573 : vector<16xf32>
        %get3A_575 = arith.constant 0 : i32
        %get3A_576 = arith.constant 0 : i32
        %get3A_577 = tpu.memref_slice %arg7[%scan3A_126, %get3A_575, %get3A_576] : memref<2x352x128xf32, #tpu.memory_space<vmem>> -> memref<1x352x128xf32, #tpu.memory_space<vmem>>
        %get3A_578 = tpu.memref_squeeze %get3A_577 : memref<1x352x128xf32, #tpu.memory_space<vmem>> -> memref<352x128xf32, #tpu.memory_space<vmem>>
        %get3A_579 = arith.index_cast %add3A_557 : i32 to index
        %get3A_580 = arith.constant 32 : index
        %get3A_581 = tpu.vector_load %get3A_578[%get3A_579, %get3A_580] {strides = array<i32>} : memref<352x128xf32, #tpu.memory_space<vmem>>, vector<16xf32>,
        %mul3A_582 = arith.mulf %get3A_202, %get3A_581 : vector<16xf32>
        %add3A_583 = arith.addf %add3A_574, %mul3A_582 : vector<16xf32>
        %get3A_584 = arith.constant 0 : i32
        %get3A_585 = arith.constant 0 : i32
        %get3A_586 = tpu.memref_slice %arg7[%scan3A_126, %get3A_584, %get3A_585] : memref<2x352x128xf32, #tpu.memory_space<vmem>> -> memref<1x352x128xf32, #tpu.memory_space<vmem>>
        %get3A_587 = tpu.memref_squeeze %get3A_586 : memref<1x352x128xf32, #tpu.memory_space<vmem>> -> memref<352x128xf32, #tpu.memory_space<vmem>>
        %get3A_588 = arith.index_cast %add3A_557 : i32 to index
        %get3A_589 = arith.constant 48 : index
        %get3A_590 = tpu.vector_load %get3A_587[%get3A_588, %get3A_589] {strides = array<i32>} : memref<352x128xf32, #tpu.memory_space<vmem>>, vector<16xf32>,
        %mul3A_591 = arith.mulf %get3A_209, %get3A_590 : vector<16xf32>
        %add3A_592 = arith.addf %add3A_583, %mul3A_591 : vector<16xf32>
        %get3A_593 = arith.constant 0 : i32
        %get3A_594 = arith.constant 0 : i32
        %get3A_595 = tpu.memref_slice %arg7[%scan3A_126, %get3A_593, %get3A_594] : memref<2x352x128xf32, #tpu.memory_space<vmem>> -> memref<1x352x128xf32, #tpu.memory_space<vmem>>
        %get3A_596 = tpu.memref_squeeze %get3A_595 : memref<1x352x128xf32, #tpu.memory_space<vmem>> -> memref<352x128xf32, #tpu.memory_space<vmem>>
        %get3A_597 = arith.index_cast %add3A_557 : i32 to index
        %get3A_598 = arith.constant 64 : index
        %get3A_599 = tpu.vector_load %get3A_596[%get3A_597, %get3A_598] {strides = array<i32>} : memref<352x128xf32, #tpu.memory_space<vmem>>, vector<16xf32>,
        %mul3A_600 = arith.mulf %get3A_216, %get3A_599 : vector<16xf32>
        %add3A_601 = arith.addf %add3A_592, %mul3A_600 : vector<16xf32>
        %get3A_602 = arith.constant 0 : i32
        %get3A_603 = arith.constant 0 : i32
        %get3A_604 = tpu.memref_slice %arg7[%scan3A_126, %get3A_602, %get3A_603] : memref<2x352x128xf32, #tpu.memory_space<vmem>> -> memref<1x352x128xf32, #tpu.memory_space<vmem>>
        %get3A_605 = tpu.memref_squeeze %get3A_604 : memref<1x352x128xf32, #tpu.memory_space<vmem>> -> memref<352x128xf32, #tpu.memory_space<vmem>>
        %get3A_606 = arith.index_cast %add3A_557 : i32 to index
        %get3A_607 = arith.constant 80 : index
        %get3A_608 = tpu.vector_load %get3A_605[%get3A_606, %get3A_607] {strides = array<i32>} : memref<352x128xf32, #tpu.memory_space<vmem>>, vector<16xf32>,
        %mul3A_609 = arith.mulf %get3A_223, %get3A_608 : vector<16xf32>
        %add3A_610 = arith.addf %add3A_601, %mul3A_609 : vector<16xf32>
        %get3A_611 = arith.constant 0 : i32
        %get3A_612 = arith.constant 0 : i32
        %get3A_613 = tpu.memref_slice %arg7[%scan3A_126, %get3A_611, %get3A_612] : memref<2x352x128xf32, #tpu.memory_space<vmem>> -> memref<1x352x128xf32, #tpu.memory_space<vmem>>
        %get3A_614 = tpu.memref_squeeze %get3A_613 : memref<1x352x128xf32, #tpu.memory_space<vmem>> -> memref<352x128xf32, #tpu.memory_space<vmem>>
        %get3A_615 = arith.index_cast %add3A_557 : i32 to index
        %get3A_616 = arith.constant 96 : index
        %get3A_617 = tpu.vector_load %get3A_614[%get3A_615, %get3A_616] {strides = array<i32>} : memref<352x128xf32, #tpu.memory_space<vmem>>, vector<16xf32>,
        %mul3A_618 = arith.mulf %get3A_230, %get3A_617 : vector<16xf32>
        %add3A_619 = arith.addf %add3A_610, %mul3A_618 : vector<16xf32>
        %get3A_620 = arith.constant 0 : i32
        %get3A_621 = arith.constant 0 : i32
        %get3A_622 = tpu.memref_slice %arg7[%scan3A_126, %get3A_620, %get3A_621] : memref<2x352x128xf32, #tpu.memory_space<vmem>> -> memref<1x352x128xf32, #tpu.memory_space<vmem>>
        %get3A_623 = tpu.memref_squeeze %get3A_622 : memref<1x352x128xf32, #tpu.memory_space<vmem>> -> memref<352x128xf32, #tpu.memory_space<vmem>>
        %get3A_624 = arith.index_cast %add3A_557 : i32 to index
        %get3A_625 = arith.constant 112 : index
        %get3A_626 = tpu.vector_load %get3A_623[%get3A_624, %get3A_625] {strides = array<i32>} : memref<352x128xf32, #tpu.memory_space<vmem>>, vector<16xf32>,
        %mul3A_627 = arith.mulf %get3A_237, %get3A_626 : vector<16xf32>
        %add3A_628 = arith.addf %add3A_619, %mul3A_627 : vector<16xf32>
        %swap3A_629 = arith.constant 4 : i32
        %swap3A_630 = arith.index_cast %swap3A_629 : i32 to index
        %swap3A_631 = arith.constant 0 : index
        %swap3A_632 = tpu.vector_load %arg8[%swap3A_630, %swap3A_631] {strides = array<i32>} : memref<32x16xf32, #tpu.memory_space<vmem>>, vector<16xf32>,
        tpu.vector_store %arg8[%swap3A_630, %swap3A_631], %add3A_628 {strides = array<i32>} : memref<32x16xf32, #tpu.memory_space<vmem>>, vector<16xf32>,
        %add3A_633 = arith.constant 1 : i32
        %add3A_634 = arith.addi %mul3A_182, %add3A_633 : i32
        %add3A_635 = arith.constant 5 : i32
        %add3A_636 = arith.addi %add3A_634, %add3A_635 : i32
        %get3A_637 = arith.constant 0 : i32
        %get3A_638 = arith.constant 0 : i32
        %get3A_639 = tpu.memref_slice %arg7[%scan3A_126, %get3A_637, %get3A_638] : memref<2x352x128xf32, #tpu.memory_space<vmem>> -> memref<1x352x128xf32, #tpu.memory_space<vmem>>
        %get3A_640 = tpu.memref_squeeze %get3A_639 : memref<1x352x128xf32, #tpu.memory_space<vmem>> -> memref<352x128xf32, #tpu.memory_space<vmem>>
        %get3A_641 = arith.index_cast %add3A_636 : i32 to index
        %get3A_642 = arith.constant 0 : index
        %get3A_643 = tpu.vector_load %get3A_640[%get3A_641, %get3A_642] {strides = array<i32>} : memref<352x128xf32, #tpu.memory_space<vmem>>, vector<16xf32>,
        %mul3A_644 = arith.mulf %get3A_188, %get3A_643 : vector<16xf32>
        %get3A_645 = arith.constant 0 : i32
        %get3A_646 = arith.constant 0 : i32
        %get3A_647 = tpu.memref_slice %arg7[%scan3A_126, %get3A_645, %get3A_646] : memref<2x352x128xf32, #tpu.memory_space<vmem>> -> memref<1x352x128xf32, #tpu.memory_space<vmem>>
        %get3A_648 = tpu.memref_squeeze %get3A_647 : memref<1x352x128xf32, #tpu.memory_space<vmem>> -> memref<352x128xf32, #tpu.memory_space<vmem>>
        %get3A_649 = arith.index_cast %add3A_636 : i32 to index
        %get3A_650 = arith.constant 16 : index
        %get3A_651 = tpu.vector_load %get3A_648[%get3A_649, %get3A_650] {strides = array<i32>} : memref<352x128xf32, #tpu.memory_space<vmem>>, vector<16xf32>,
        %mul3A_652 = arith.mulf %get3A_195, %get3A_651 : vector<16xf32>
        %add3A_653 = arith.addf %mul3A_644, %mul3A_652 : vector<16xf32>
        %get3A_654 = arith.constant 0 : i32
        %get3A_655 = arith.constant 0 : i32
        %get3A_656 = tpu.memref_slice %arg7[%scan3A_126, %get3A_654, %get3A_655] : memref<2x352x128xf32, #tpu.memory_space<vmem>> -> memref<1x352x128xf32, #tpu.memory_space<vmem>>
        %get3A_657 = tpu.memref_squeeze %get3A_656 : memref<1x352x128xf32, #tpu.memory_space<vmem>> -> memref<352x128xf32, #tpu.memory_space<vmem>>
        %get3A_658 = arith.index_cast %add3A_636 : i32 to index
        %get3A_659 = arith.constant 32 : index
        %get3A_660 = tpu.vector_load %get3A_657[%get3A_658, %get3A_659] {strides = array<i32>} : memref<352x128xf32, #tpu.memory_space<vmem>>, vector<16xf32>,
        %mul3A_661 = arith.mulf %get3A_202, %get3A_660 : vector<16xf32>
        %add3A_662 = arith.addf %add3A_653, %mul3A_661 : vector<16xf32>
        %get3A_663 = arith.constant 0 : i32
        %get3A_664 = arith.constant 0 : i32
        %get3A_665 = tpu.memref_slice %arg7[%scan3A_126, %get3A_663, %get3A_664] : memref<2x352x128xf32, #tpu.memory_space<vmem>> -> memref<1x352x128xf32, #tpu.memory_space<vmem>>
        %get3A_666 = tpu.memref_squeeze %get3A_665 : memref<1x352x128xf32, #tpu.memory_space<vmem>> -> memref<352x128xf32, #tpu.memory_space<vmem>>
        %get3A_667 = arith.index_cast %add3A_636 : i32 to index
        %get3A_668 = arith.constant 48 : index
        %get3A_669 = tpu.vector_load %get3A_666[%get3A_667, %get3A_668] {strides = array<i32>} : memref<352x128xf32, #tpu.memory_space<vmem>>, vector<16xf32>,
        %mul3A_670 = arith.mulf %get3A_209, %get3A_669 : vector<16xf32>
        %add3A_671 = arith.addf %add3A_662, %mul3A_670 : vector<16xf32>
        %get3A_672 = arith.constant 0 : i32
        %get3A_673 = arith.constant 0 : i32
        %get3A_674 = tpu.memref_slice %arg7[%scan3A_126, %get3A_672, %get3A_673] : memref<2x352x128xf32, #tpu.memory_space<vmem>> -> memref<1x352x128xf32, #tpu.memory_space<vmem>>
        %get3A_675 = tpu.memref_squeeze %get3A_674 : memref<1x352x128xf32, #tpu.memory_space<vmem>> -> memref<352x128xf32, #tpu.memory_space<vmem>>
        %get3A_676 = arith.index_cast %add3A_636 : i32 to index
        %get3A_677 = arith.constant 64 : index
        %get3A_678 = tpu.vector_load %get3A_675[%get3A_676, %get3A_677] {strides = array<i32>} : memref<352x128xf32, #tpu.memory_space<vmem>>, vector<16xf32>,
        %mul3A_679 = arith.mulf %get3A_216, %get3A_678 : vector<16xf32>
        %add3A_680 = arith.addf %add3A_671, %mul3A_679 : vector<16xf32>
        %get3A_681 = arith.constant 0 : i32
        %get3A_682 = arith.constant 0 : i32
        %get3A_683 = tpu.memref_slice %arg7[%scan3A_126, %get3A_681, %get3A_682] : memref<2x352x128xf32, #tpu.memory_space<vmem>> -> memref<1x352x128xf32, #tpu.memory_space<vmem>>
        %get3A_684 = tpu.memref_squeeze %get3A_683 : memref<1x352x128xf32, #tpu.memory_space<vmem>> -> memref<352x128xf32, #tpu.memory_space<vmem>>
        %get3A_685 = arith.index_cast %add3A_636 : i32 to index
        %get3A_686 = arith.constant 80 : index
        %get3A_687 = tpu.vector_load %get3A_684[%get3A_685, %get3A_686] {strides = array<i32>} : memref<352x128xf32, #tpu.memory_space<vmem>>, vector<16xf32>,
        %mul3A_688 = arith.mulf %get3A_223, %get3A_687 : vector<16xf32>
        %add3A_689 = arith.addf %add3A_680, %mul3A_688 : vector<16xf32>
        %get3A_690 = arith.constant 0 : i32
        %get3A_691 = arith.constant 0 : i32
        %get3A_692 = tpu.memref_slice %arg7[%scan3A_126, %get3A_690, %get3A_691] : memref<2x352x128xf32, #tpu.memory_space<vmem>> -> memref<1x352x128xf32, #tpu.memory_space<vmem>>
        %get3A_693 = tpu.memref_squeeze %get3A_692 : memref<1x352x128xf32, #tpu.memory_space<vmem>> -> memref<352x128xf32, #tpu.memory_space<vmem>>
        %get3A_694 = arith.index_cast %add3A_636 : i32 to index
        %get3A_695 = arith.constant 96 : index
        %get3A_696 = tpu.vector_load %get3A_693[%get3A_694, %get3A_695] {strides = array<i32>} : memref<352x128xf32, #tpu.memory_space<vmem>>, vector<16xf32>,
        %mul3A_697 = arith.mulf %get3A_230, %get3A_696 : vector<16xf32>
        %add3A_698 = arith.addf %add3A_689, %mul3A_697 : vector<16xf32>
        %get3A_699 = arith.constant 0 : i32
        %get3A_700 = arith.constant 0 : i32
        %get3A_701 = tpu.memref_slice %arg7[%scan3A_126, %get3A_699, %get3A_700] : memref<2x352x128xf32, #tpu.memory_space<vmem>> -> memref<1x352x128xf32, #tpu.memory_space<vmem>>
        %get3A_702 = tpu.memref_squeeze %get3A_701 : memref<1x352x128xf32, #tpu.memory_space<vmem>> -> memref<352x128xf32, #tpu.memory_space<vmem>>
        %get3A_703 = arith.index_cast %add3A_636 : i32 to index
        %get3A_704 = arith.constant 112 : index
        %get3A_705 = tpu.vector_load %get3A_702[%get3A_703, %get3A_704] {strides = array<i32>} : memref<352x128xf32, #tpu.memory_space<vmem>>, vector<16xf32>,
        %mul3A_706 = arith.mulf %get3A_237, %get3A_705 : vector<16xf32>
        %add3A_707 = arith.addf %add3A_698, %mul3A_706 : vector<16xf32>
        %swap3A_708 = arith.constant 5 : i32
        %swap3A_709 = arith.index_cast %swap3A_708 : i32 to index
        %swap3A_710 = arith.constant 0 : index
        %swap3A_711 = tpu.vector_load %arg8[%swap3A_709, %swap3A_710] {strides = array<i32>} : memref<32x16xf32, #tpu.memory_space<vmem>>, vector<16xf32>,
        tpu.vector_store %arg8[%swap3A_709, %swap3A_710], %add3A_707 {strides = array<i32>} : memref<32x16xf32, #tpu.memory_space<vmem>>, vector<16xf32>,
        %add3A_712 = arith.constant 1 : i32
        %add3A_713 = arith.addi %mul3A_182, %add3A_712 : i32
        %add3A_714 = arith.constant 6 : i32
        %add3A_715 = arith.addi %add3A_713, %add3A_714 : i32
        %get3A_716 = arith.constant 0 : i32
        %get3A_717 = arith.constant 0 : i32
        %get3A_718 = tpu.memref_slice %arg7[%scan3A_126, %get3A_716, %get3A_717] : memref<2x352x128xf32, #tpu.memory_space<vmem>> -> memref<1x352x128xf32, #tpu.memory_space<vmem>>
        %get3A_719 = tpu.memref_squeeze %get3A_718 : memref<1x352x128xf32, #tpu.memory_space<vmem>> -> memref<352x128xf32, #tpu.memory_space<vmem>>
        %get3A_720 = arith.index_cast %add3A_715 : i32 to index
        %get3A_721 = arith.constant 0 : index
        %get3A_722 = tpu.vector_load %get3A_719[%get3A_720, %get3A_721] {strides = array<i32>} : memref<352x128xf32, #tpu.memory_space<vmem>>, vector<16xf32>,
        %mul3A_723 = arith.mulf %get3A_188, %get3A_722 : vector<16xf32>
        %get3A_724 = arith.constant 0 : i32
        %get3A_725 = arith.constant 0 : i32
        %get3A_726 = tpu.memref_slice %arg7[%scan3A_126, %get3A_724, %get3A_725] : memref<2x352x128xf32, #tpu.memory_space<vmem>> -> memref<1x352x128xf32, #tpu.memory_space<vmem>>
        %get3A_727 = tpu.memref_squeeze %get3A_726 : memref<1x352x128xf32, #tpu.memory_space<vmem>> -> memref<352x128xf32, #tpu.memory_space<vmem>>
        %get3A_728 = arith.index_cast %add3A_715 : i32 to index
        %get3A_729 = arith.constant 16 : index
        %get3A_730 = tpu.vector_load %get3A_727[%get3A_728, %get3A_729] {strides = array<i32>} : memref<352x128xf32, #tpu.memory_space<vmem>>, vector<16xf32>,
        %mul3A_731 = arith.mulf %get3A_195, %get3A_730 : vector<16xf32>
        %add3A_732 = arith.addf %mul3A_723, %mul3A_731 : vector<16xf32>
        %get3A_733 = arith.constant 0 : i32
        %get3A_734 = arith.constant 0 : i32
        %get3A_735 = tpu.memref_slice %arg7[%scan3A_126, %get3A_733, %get3A_734] : memref<2x352x128xf32, #tpu.memory_space<vmem>> -> memref<1x352x128xf32, #tpu.memory_space<vmem>>
        %get3A_736 = tpu.memref_squeeze %get3A_735 : memref<1x352x128xf32, #tpu.memory_space<vmem>> -> memref<352x128xf32, #tpu.memory_space<vmem>>
        %get3A_737 = arith.index_cast %add3A_715 : i32 to index
        %get3A_738 = arith.constant 32 : index
        %get3A_739 = tpu.vector_load %get3A_736[%get3A_737, %get3A_738] {strides = array<i32>} : memref<352x128xf32, #tpu.memory_space<vmem>>, vector<16xf32>,
        %mul3A_740 = arith.mulf %get3A_202, %get3A_739 : vector<16xf32>
        %add3A_741 = arith.addf %add3A_732, %mul3A_740 : vector<16xf32>
        %get3A_742 = arith.constant 0 : i32
        %get3A_743 = arith.constant 0 : i32
        %get3A_744 = tpu.memref_slice %arg7[%scan3A_126, %get3A_742, %get3A_743] : memref<2x352x128xf32, #tpu.memory_space<vmem>> -> memref<1x352x128xf32, #tpu.memory_space<vmem>>
        %get3A_745 = tpu.memref_squeeze %get3A_744 : memref<1x352x128xf32, #tpu.memory_space<vmem>> -> memref<352x128xf32, #tpu.memory_space<vmem>>
        %get3A_746 = arith.index_cast %add3A_715 : i32 to index
        %get3A_747 = arith.constant 48 : index
        %get3A_748 = tpu.vector_load %get3A_745[%get3A_746, %get3A_747] {strides = array<i32>} : memref<352x128xf32, #tpu.memory_space<vmem>>, vector<16xf32>,
        %mul3A_749 = arith.mulf %get3A_209, %get3A_748 : vector<16xf32>
        %add3A_750 = arith.addf %add3A_741, %mul3A_749 : vector<16xf32>
        %get3A_751 = arith.constant 0 : i32
        %get3A_752 = arith.constant 0 : i32
        %get3A_753 = tpu.memref_slice %arg7[%scan3A_126, %get3A_751, %get3A_752] : memref<2x352x128xf32, #tpu.memory_space<vmem>> -> memref<1x352x128xf32, #tpu.memory_space<vmem>>
        %get3A_754 = tpu.memref_squeeze %get3A_753 : memref<1x352x128xf32, #tpu.memory_space<vmem>> -> memref<352x128xf32, #tpu.memory_space<vmem>>
        %get3A_755 = arith.index_cast %add3A_715 : i32 to index
        %get3A_756 = arith.constant 64 : index
        %get3A_757 = tpu.vector_load %get3A_754[%get3A_755, %get3A_756] {strides = array<i32>} : memref<352x128xf32, #tpu.memory_space<vmem>>, vector<16xf32>,
        %mul3A_758 = arith.mulf %get3A_216, %get3A_757 : vector<16xf32>
        %add3A_759 = arith.addf %add3A_750, %mul3A_758 : vector<16xf32>
        %get3A_760 = arith.constant 0 : i32
        %get3A_761 = arith.constant 0 : i32
        %get3A_762 = tpu.memref_slice %arg7[%scan3A_126, %get3A_760, %get3A_761] : memref<2x352x128xf32, #tpu.memory_space<vmem>> -> memref<1x352x128xf32, #tpu.memory_space<vmem>>
        %get3A_763 = tpu.memref_squeeze %get3A_762 : memref<1x352x128xf32, #tpu.memory_space<vmem>> -> memref<352x128xf32, #tpu.memory_space<vmem>>
        %get3A_764 = arith.index_cast %add3A_715 : i32 to index
        %get3A_765 = arith.constant 80 : index
        %get3A_766 = tpu.vector_load %get3A_763[%get3A_764, %get3A_765] {strides = array<i32>} : memref<352x128xf32, #tpu.memory_space<vmem>>, vector<16xf32>,
        %mul3A_767 = arith.mulf %get3A_223, %get3A_766 : vector<16xf32>
        %add3A_768 = arith.addf %add3A_759, %mul3A_767 : vector<16xf32>
        %get3A_769 = arith.constant 0 : i32
        %get3A_770 = arith.constant 0 : i32
        %get3A_771 = tpu.memref_slice %arg7[%scan3A_126, %get3A_769, %get3A_770] : memref<2x352x128xf32, #tpu.memory_space<vmem>> -> memref<1x352x128xf32, #tpu.memory_space<vmem>>
        %get3A_772 = tpu.memref_squeeze %get3A_771 : memref<1x352x128xf32, #tpu.memory_space<vmem>> -> memref<352x128xf32, #tpu.memory_space<vmem>>
        %get3A_773 = arith.index_cast %add3A_715 : i32 to index
        %get3A_774 = arith.constant 96 : index
        %get3A_775 = tpu.vector_load %get3A_772[%get3A_773, %get3A_774] {strides = array<i32>} : memref<352x128xf32, #tpu.memory_space<vmem>>, vector<16xf32>,
        %mul3A_776 = arith.mulf %get3A_230, %get3A_775 : vector<16xf32>
        %add3A_777 = arith.addf %add3A_768, %mul3A_776 : vector<16xf32>
        %get3A_778 = arith.constant 0 : i32
        %get3A_779 = arith.constant 0 : i32
        %get3A_780 = tpu.memref_slice %arg7[%scan3A_126, %get3A_778, %get3A_779] : memref<2x352x128xf32, #tpu.memory_space<vmem>> -> memref<1x352x128xf32, #tpu.memory_space<vmem>>
        %get3A_781 = tpu.memref_squeeze %get3A_780 : memref<1x352x128xf32, #tpu.memory_space<vmem>> -> memref<352x128xf32, #tpu.memory_space<vmem>>
        %get3A_782 = arith.index_cast %add3A_715 : i32 to index
        %get3A_783 = arith.constant 112 : index
        %get3A_784 = tpu.vector_load %get3A_781[%get3A_782, %get3A_783] {strides = array<i32>} : memref<352x128xf32, #tpu.memory_space<vmem>>, vector<16xf32>,
        %mul3A_785 = arith.mulf %get3A_237, %get3A_784 : vector<16xf32>
        %add3A_786 = arith.addf %add3A_777, %mul3A_785 : vector<16xf32>
        %swap3A_787 = arith.constant 6 : i32
        %swap3A_788 = arith.index_cast %swap3A_787 : i32 to index
        %swap3A_789 = arith.constant 0 : index
        %swap3A_790 = tpu.vector_load %arg8[%swap3A_788, %swap3A_789] {strides = array<i32>} : memref<32x16xf32, #tpu.memory_space<vmem>>, vector<16xf32>,
        tpu.vector_store %arg8[%swap3A_788, %swap3A_789], %add3A_786 {strides = array<i32>} : memref<32x16xf32, #tpu.memory_space<vmem>>, vector<16xf32>,
        %add3A_791 = arith.constant 1 : i32
        %add3A_792 = arith.addi %mul3A_182, %add3A_791 : i32
        %add3A_793 = arith.constant 7 : i32
        %add3A_794 = arith.addi %add3A_792, %add3A_793 : i32
        %get3A_795 = arith.constant 0 : i32
        %get3A_796 = arith.constant 0 : i32
        %get3A_797 = tpu.memref_slice %arg7[%scan3A_126, %get3A_795, %get3A_796] : memref<2x352x128xf32, #tpu.memory_space<vmem>> -> memref<1x352x128xf32, #tpu.memory_space<vmem>>
        %get3A_798 = tpu.memref_squeeze %get3A_797 : memref<1x352x128xf32, #tpu.memory_space<vmem>> -> memref<352x128xf32, #tpu.memory_space<vmem>>
        %get3A_799 = arith.index_cast %add3A_794 : i32 to index
        %get3A_800 = arith.constant 0 : index
        %get3A_801 = tpu.vector_load %get3A_798[%get3A_799, %get3A_800] {strides = array<i32>} : memref<352x128xf32, #tpu.memory_space<vmem>>, vector<16xf32>,
        %mul3A_802 = arith.mulf %get3A_188, %get3A_801 : vector<16xf32>
        %get3A_803 = arith.constant 0 : i32
        %get3A_804 = arith.constant 0 : i32
        %get3A_805 = tpu.memref_slice %arg7[%scan3A_126, %get3A_803, %get3A_804] : memref<2x352x128xf32, #tpu.memory_space<vmem>> -> memref<1x352x128xf32, #tpu.memory_space<vmem>>
        %get3A_806 = tpu.memref_squeeze %get3A_805 : memref<1x352x128xf32, #tpu.memory_space<vmem>> -> memref<352x128xf32, #tpu.memory_space<vmem>>
        %get3A_807 = arith.index_cast %add3A_794 : i32 to index
        %get3A_808 = arith.constant 16 : index
        %get3A_809 = tpu.vector_load %get3A_806[%get3A_807, %get3A_808] {strides = array<i32>} : memref<352x128xf32, #tpu.memory_space<vmem>>, vector<16xf32>,
        %mul3A_810 = arith.mulf %get3A_195, %get3A_809 : vector<16xf32>
        %add3A_811 = arith.addf %mul3A_802, %mul3A_810 : vector<16xf32>
        %get3A_812 = arith.constant 0 : i32
        %get3A_813 = arith.constant 0 : i32
        %get3A_814 = tpu.memref_slice %arg7[%scan3A_126, %get3A_812, %get3A_813] : memref<2x352x128xf32, #tpu.memory_space<vmem>> -> memref<1x352x128xf32, #tpu.memory_space<vmem>>
        %get3A_815 = tpu.memref_squeeze %get3A_814 : memref<1x352x128xf32, #tpu.memory_space<vmem>> -> memref<352x128xf32, #tpu.memory_space<vmem>>
        %get3A_816 = arith.index_cast %add3A_794 : i32 to index
        %get3A_817 = arith.constant 32 : index
        %get3A_818 = tpu.vector_load %get3A_815[%get3A_816, %get3A_817] {strides = array<i32>} : memref<352x128xf32, #tpu.memory_space<vmem>>, vector<16xf32>,
        %mul3A_819 = arith.mulf %get3A_202, %get3A_818 : vector<16xf32>
        %add3A_820 = arith.addf %add3A_811, %mul3A_819 : vector<16xf32>
        %get3A_821 = arith.constant 0 : i32
        %get3A_822 = arith.constant 0 : i32
        %get3A_823 = tpu.memref_slice %arg7[%scan3A_126, %get3A_821, %get3A_822] : memref<2x352x128xf32, #tpu.memory_space<vmem>> -> memref<1x352x128xf32, #tpu.memory_space<vmem>>
        %get3A_824 = tpu.memref_squeeze %get3A_823 : memref<1x352x128xf32, #tpu.memory_space<vmem>> -> memref<352x128xf32, #tpu.memory_space<vmem>>
        %get3A_825 = arith.index_cast %add3A_794 : i32 to index
        %get3A_826 = arith.constant 48 : index
        %get3A_827 = tpu.vector_load %get3A_824[%get3A_825, %get3A_826] {strides = array<i32>} : memref<352x128xf32, #tpu.memory_space<vmem>>, vector<16xf32>,
        %mul3A_828 = arith.mulf %get3A_209, %get3A_827 : vector<16xf32>
        %add3A_829 = arith.addf %add3A_820, %mul3A_828 : vector<16xf32>
        %get3A_830 = arith.constant 0 : i32
        %get3A_831 = arith.constant 0 : i32
        %get3A_832 = tpu.memref_slice %arg7[%scan3A_126, %get3A_830, %get3A_831] : memref<2x352x128xf32, #tpu.memory_space<vmem>> -> memref<1x352x128xf32, #tpu.memory_space<vmem>>
        %get3A_833 = tpu.memref_squeeze %get3A_832 : memref<1x352x128xf32, #tpu.memory_space<vmem>> -> memref<352x128xf32, #tpu.memory_space<vmem>>
        %get3A_834 = arith.index_cast %add3A_794 : i32 to index
        %get3A_835 = arith.constant 64 : index
        %get3A_836 = tpu.vector_load %get3A_833[%get3A_834, %get3A_835] {strides = array<i32>} : memref<352x128xf32, #tpu.memory_space<vmem>>, vector<16xf32>,
        %mul3A_837 = arith.mulf %get3A_216, %get3A_836 : vector<16xf32>
        %add3A_838 = arith.addf %add3A_829, %mul3A_837 : vector<16xf32>
        %get3A_839 = arith.constant 0 : i32
        %get3A_840 = arith.constant 0 : i32
        %get3A_841 = tpu.memref_slice %arg7[%scan3A_126, %get3A_839, %get3A_840] : memref<2x352x128xf32, #tpu.memory_space<vmem>> -> memref<1x352x128xf32, #tpu.memory_space<vmem>>
        %get3A_842 = tpu.memref_squeeze %get3A_841 : memref<1x352x128xf32, #tpu.memory_space<vmem>> -> memref<352x128xf32, #tpu.memory_space<vmem>>
        %get3A_843 = arith.index_cast %add3A_794 : i32 to index
        %get3A_844 = arith.constant 80 : index
        %get3A_845 = tpu.vector_load %get3A_842[%get3A_843, %get3A_844] {strides = array<i32>} : memref<352x128xf32, #tpu.memory_space<vmem>>, vector<16xf32>,
        %mul3A_846 = arith.mulf %get3A_223, %get3A_845 : vector<16xf32>
        %add3A_847 = arith.addf %add3A_838, %mul3A_846 : vector<16xf32>
        %get3A_848 = arith.constant 0 : i32
        %get3A_849 = arith.constant 0 : i32
        %get3A_850 = tpu.memref_slice %arg7[%scan3A_126, %get3A_848, %get3A_849] : memref<2x352x128xf32, #tpu.memory_space<vmem>> -> memref<1x352x128xf32, #tpu.memory_space<vmem>>
        %get3A_851 = tpu.memref_squeeze %get3A_850 : memref<1x352x128xf32, #tpu.memory_space<vmem>> -> memref<352x128xf32, #tpu.memory_space<vmem>>
        %get3A_852 = arith.index_cast %add3A_794 : i32 to index
        %get3A_853 = arith.constant 96 : index
        %get3A_854 = tpu.vector_load %get3A_851[%get3A_852, %get3A_853] {strides = array<i32>} : memref<352x128xf32, #tpu.memory_space<vmem>>, vector<16xf32>,
        %mul3A_855 = arith.mulf %get3A_230, %get3A_854 : vector<16xf32>
        %add3A_856 = arith.addf %add3A_847, %mul3A_855 : vector<16xf32>
        %get3A_857 = arith.constant 0 : i32
        %get3A_858 = arith.constant 0 : i32
        %get3A_859 = tpu.memref_slice %arg7[%scan3A_126, %get3A_857, %get3A_858] : memref<2x352x128xf32, #tpu.memory_space<vmem>> -> memref<1x352x128xf32, #tpu.memory_space<vmem>>
        %get3A_860 = tpu.memref_squeeze %get3A_859 : memref<1x352x128xf32, #tpu.memory_space<vmem>> -> memref<352x128xf32, #tpu.memory_space<vmem>>
        %get3A_861 = arith.index_cast %add3A_794 : i32 to index
        %get3A_862 = arith.constant 112 : index
        %get3A_863 = tpu.vector_load %get3A_860[%get3A_861, %get3A_862] {strides = array<i32>} : memref<352x128xf32, #tpu.memory_space<vmem>>, vector<16xf32>,
        %mul3A_864 = arith.mulf %get3A_237, %get3A_863 : vector<16xf32>
        %add3A_865 = arith.addf %add3A_856, %mul3A_864 : vector<16xf32>
        %swap3A_866 = arith.constant 7 : i32
        %swap3A_867 = arith.index_cast %swap3A_866 : i32 to index
        %swap3A_868 = arith.constant 0 : index
        %swap3A_869 = tpu.vector_load %arg8[%swap3A_867, %swap3A_868] {strides = array<i32>} : memref<32x16xf32, #tpu.memory_space<vmem>>, vector<16xf32>,
        tpu.vector_store %arg8[%swap3A_867, %swap3A_868], %add3A_865 {strides = array<i32>} : memref<32x16xf32, #tpu.memory_space<vmem>>, vector<16xf32>,
        %add3A_870 = arith.constant 1 : i32
        %add3A_871 = arith.addi %mul3A_182, %add3A_870 : i32
        %add3A_872 = arith.constant 8 : i32
        %add3A_873 = arith.addi %add3A_871, %add3A_872 : i32
        %get3A_874 = arith.constant 0 : i32
        %get3A_875 = arith.constant 0 : i32
        %get3A_876 = tpu.memref_slice %arg7[%scan3A_126, %get3A_874, %get3A_875] : memref<2x352x128xf32, #tpu.memory_space<vmem>> -> memref<1x352x128xf32, #tpu.memory_space<vmem>>
        %get3A_877 = tpu.memref_squeeze %get3A_876 : memref<1x352x128xf32, #tpu.memory_space<vmem>> -> memref<352x128xf32, #tpu.memory_space<vmem>>
        %get3A_878 = arith.index_cast %add3A_873 : i32 to index
        %get3A_879 = arith.constant 0 : index
        %get3A_880 = tpu.vector_load %get3A_877[%get3A_878, %get3A_879] {strides = array<i32>} : memref<352x128xf32, #tpu.memory_space<vmem>>, vector<16xf32>,
        %mul3A_881 = arith.mulf %get3A_188, %get3A_880 : vector<16xf32>
        %get3A_882 = arith.constant 0 : i32
        %get3A_883 = arith.constant 0 : i32
        %get3A_884 = tpu.memref_slice %arg7[%scan3A_126, %get3A_882, %get3A_883] : memref<2x352x128xf32, #tpu.memory_space<vmem>> -> memref<1x352x128xf32, #tpu.memory_space<vmem>>
        %get3A_885 = tpu.memref_squeeze %get3A_884 : memref<1x352x128xf32, #tpu.memory_space<vmem>> -> memref<352x128xf32, #tpu.memory_space<vmem>>
        %get3A_886 = arith.index_cast %add3A_873 : i32 to index
        %get3A_887 = arith.constant 16 : index
        %get3A_888 = tpu.vector_load %get3A_885[%get3A_886, %get3A_887] {strides = array<i32>} : memref<352x128xf32, #tpu.memory_space<vmem>>, vector<16xf32>,
        %mul3A_889 = arith.mulf %get3A_195, %get3A_888 : vector<16xf32>
        %add3A_890 = arith.addf %mul3A_881, %mul3A_889 : vector<16xf32>
        %get3A_891 = arith.constant 0 : i32
        %get3A_892 = arith.constant 0 : i32
        %get3A_893 = tpu.memref_slice %arg7[%scan3A_126, %get3A_891, %get3A_892] : memref<2x352x128xf32, #tpu.memory_space<vmem>> -> memref<1x352x128xf32, #tpu.memory_space<vmem>>
        %get3A_894 = tpu.memref_squeeze %get3A_893 : memref<1x352x128xf32, #tpu.memory_space<vmem>> -> memref<352x128xf32, #tpu.memory_space<vmem>>
        %get3A_895 = arith.index_cast %add3A_873 : i32 to index
        %get3A_896 = arith.constant 32 : index
        %get3A_897 = tpu.vector_load %get3A_894[%get3A_895, %get3A_896] {strides = array<i32>} : memref<352x128xf32, #tpu.memory_space<vmem>>, vector<16xf32>,
        %mul3A_898 = arith.mulf %get3A_202, %get3A_897 : vector<16xf32>
        %add3A_899 = arith.addf %add3A_890, %mul3A_898 : vector<16xf32>
        %get3A_900 = arith.constant 0 : i32
        %get3A_901 = arith.constant 0 : i32
        %get3A_902 = tpu.memref_slice %arg7[%scan3A_126, %get3A_900, %get3A_901] : memref<2x352x128xf32, #tpu.memory_space<vmem>> -> memref<1x352x128xf32, #tpu.memory_space<vmem>>
        %get3A_903 = tpu.memref_squeeze %get3A_902 : memref<1x352x128xf32, #tpu.memory_space<vmem>> -> memref<352x128xf32, #tpu.memory_space<vmem>>
        %get3A_904 = arith.index_cast %add3A_873 : i32 to index
        %get3A_905 = arith.constant 48 : index
        %get3A_906 = tpu.vector_load %get3A_903[%get3A_904, %get3A_905] {strides = array<i32>} : memref<352x128xf32, #tpu.memory_space<vmem>>, vector<16xf32>,
        %mul3A_907 = arith.mulf %get3A_209, %get3A_906 : vector<16xf32>
        %add3A_908 = arith.addf %add3A_899, %mul3A_907 : vector<16xf32>
        %get3A_909 = arith.constant 0 : i32
        %get3A_910 = arith.constant 0 : i32
        %get3A_911 = tpu.memref_slice %arg7[%scan3A_126, %get3A_909, %get3A_910] : memref<2x352x128xf32, #tpu.memory_space<vmem>> -> memref<1x352x128xf32, #tpu.memory_space<vmem>>
        %get3A_912 = tpu.memref_squeeze %get3A_911 : memref<1x352x128xf32, #tpu.memory_space<vmem>> -> memref<352x128xf32, #tpu.memory_space<vmem>>
        %get3A_913 = arith.index_cast %add3A_873 : i32 to index
        %get3A_914 = arith.constant 64 : index
        %get3A_915 = tpu.vector_load %get3A_912[%get3A_913, %get3A_914] {strides = array<i32>} : memref<352x128xf32, #tpu.memory_space<vmem>>, vector<16xf32>,
        %mul3A_916 = arith.mulf %get3A_216, %get3A_915 : vector<16xf32>
        %add3A_917 = arith.addf %add3A_908, %mul3A_916 : vector<16xf32>
        %get3A_918 = arith.constant 0 : i32
        %get3A_919 = arith.constant 0 : i32
        %get3A_920 = tpu.memref_slice %arg7[%scan3A_126, %get3A_918, %get3A_919] : memref<2x352x128xf32, #tpu.memory_space<vmem>> -> memref<1x352x128xf32, #tpu.memory_space<vmem>>
        %get3A_921 = tpu.memref_squeeze %get3A_920 : memref<1x352x128xf32, #tpu.memory_space<vmem>> -> memref<352x128xf32, #tpu.memory_space<vmem>>
        %get3A_922 = arith.index_cast %add3A_873 : i32 to index
        %get3A_923 = arith.constant 80 : index
        %get3A_924 = tpu.vector_load %get3A_921[%get3A_922, %get3A_923] {strides = array<i32>} : memref<352x128xf32, #tpu.memory_space<vmem>>, vector<16xf32>,
        %mul3A_925 = arith.mulf %get3A_223, %get3A_924 : vector<16xf32>
        %add3A_926 = arith.addf %add3A_917, %mul3A_925 : vector<16xf32>
        %get3A_927 = arith.constant 0 : i32
        %get3A_928 = arith.constant 0 : i32
        %get3A_929 = tpu.memref_slice %arg7[%scan3A_126, %get3A_927, %get3A_928] : memref<2x352x128xf32, #tpu.memory_space<vmem>> -> memref<1x352x128xf32, #tpu.memory_space<vmem>>
        %get3A_930 = tpu.memref_squeeze %get3A_929 : memref<1x352x128xf32, #tpu.memory_space<vmem>> -> memref<352x128xf32, #tpu.memory_space<vmem>>
        %get3A_931 = arith.index_cast %add3A_873 : i32 to index
        %get3A_932 = arith.constant 96 : index
        %get3A_933 = tpu.vector_load %get3A_930[%get3A_931, %get3A_932] {strides = array<i32>} : memref<352x128xf32, #tpu.memory_space<vmem>>, vector<16xf32>,
        %mul3A_934 = arith.mulf %get3A_230, %get3A_933 : vector<16xf32>
        %add3A_935 = arith.addf %add3A_926, %mul3A_934 : vector<16xf32>
        %get3A_936 = arith.constant 0 : i32
        %get3A_937 = arith.constant 0 : i32
        %get3A_938 = tpu.memref_slice %arg7[%scan3A_126, %get3A_936, %get3A_937] : memref<2x352x128xf32, #tpu.memory_space<vmem>> -> memref<1x352x128xf32, #tpu.memory_space<vmem>>
        %get3A_939 = tpu.memref_squeeze %get3A_938 : memref<1x352x128xf32, #tpu.memory_space<vmem>> -> memref<352x128xf32, #tpu.memory_space<vmem>>
        %get3A_940 = arith.index_cast %add3A_873 : i32 to index
        %get3A_941 = arith.constant 112 : index
        %get3A_942 = tpu.vector_load %get3A_939[%get3A_940, %get3A_941] {strides = array<i32>} : memref<352x128xf32, #tpu.memory_space<vmem>>, vector<16xf32>,
        %mul3A_943 = arith.mulf %get3A_237, %get3A_942 : vector<16xf32>
        %add3A_944 = arith.addf %add3A_935, %mul3A_943 : vector<16xf32>
        %swap3A_945 = arith.constant 8 : i32
        %swap3A_946 = arith.index_cast %swap3A_945 : i32 to index
        %swap3A_947 = arith.constant 0 : index
        %swap3A_948 = tpu.vector_load %arg8[%swap3A_946, %swap3A_947] {strides = array<i32>} : memref<32x16xf32, #tpu.memory_space<vmem>>, vector<16xf32>,
        tpu.vector_store %arg8[%swap3A_946, %swap3A_947], %add3A_944 {strides = array<i32>} : memref<32x16xf32, #tpu.memory_space<vmem>>, vector<16xf32>,
        %add3A_949 = arith.constant 1 : i32
        %add3A_950 = arith.addi %mul3A_182, %add3A_949 : i32
        %add3A_951 = arith.constant 9 : i32
        %add3A_952 = arith.addi %add3A_950, %add3A_951 : i32
        %get3A_953 = arith.constant 0 : i32
        %get3A_954 = arith.constant 0 : i32
        %get3A_955 = tpu.memref_slice %arg7[%scan3A_126, %get3A_953, %get3A_954] : memref<2x352x128xf32, #tpu.memory_space<vmem>> -> memref<1x352x128xf32, #tpu.memory_space<vmem>>
        %get3A_956 = tpu.memref_squeeze %get3A_955 : memref<1x352x128xf32, #tpu.memory_space<vmem>> -> memref<352x128xf32, #tpu.memory_space<vmem>>
        %get3A_957 = arith.index_cast %add3A_952 : i32 to index
        %get3A_958 = arith.constant 0 : index
        %get3A_959 = tpu.vector_load %get3A_956[%get3A_957, %get3A_958] {strides = array<i32>} : memref<352x128xf32, #tpu.memory_space<vmem>>, vector<16xf32>,
        %mul3A_960 = arith.mulf %get3A_188, %get3A_959 : vector<16xf32>
        %get3A_961 = arith.constant 0 : i32
        %get3A_962 = arith.constant 0 : i32
        %get3A_963 = tpu.memref_slice %arg7[%scan3A_126, %get3A_961, %get3A_962] : memref<2x352x128xf32, #tpu.memory_space<vmem>> -> memref<1x352x128xf32, #tpu.memory_space<vmem>>
        %get3A_964 = tpu.memref_squeeze %get3A_963 : memref<1x352x128xf32, #tpu.memory_space<vmem>> -> memref<352x128xf32, #tpu.memory_space<vmem>>
        %get3A_965 = arith.index_cast %add3A_952 : i32 to index
        %get3A_966 = arith.constant 16 : index
        %get3A_967 = tpu.vector_load %get3A_964[%get3A_965, %get3A_966] {strides = array<i32>} : memref<352x128xf32, #tpu.memory_space<vmem>>, vector<16xf32>,
        %mul3A_968 = arith.mulf %get3A_195, %get3A_967 : vector<16xf32>
        %add3A_969 = arith.addf %mul3A_960, %mul3A_968 : vector<16xf32>
        %get3A_970 = arith.constant 0 : i32
        %get3A_971 = arith.constant 0 : i32
        %get3A_972 = tpu.memref_slice %arg7[%scan3A_126, %get3A_970, %get3A_971] : memref<2x352x128xf32, #tpu.memory_space<vmem>> -> memref<1x352x128xf32, #tpu.memory_space<vmem>>
        %get3A_973 = tpu.memref_squeeze %get3A_972 : memref<1x352x128xf32, #tpu.memory_space<vmem>> -> memref<352x128xf32, #tpu.memory_space<vmem>>
        %get3A_974 = arith.index_cast %add3A_952 : i32 to index
        %get3A_975 = arith.constant 32 : index
        %get3A_976 = tpu.vector_load %get3A_973[%get3A_974, %get3A_975] {strides = array<i32>} : memref<352x128xf32, #tpu.memory_space<vmem>>, vector<16xf32>,
        %mul3A_977 = arith.mulf %get3A_202, %get3A_976 : vector<16xf32>
        %add3A_978 = arith.addf %add3A_969, %mul3A_977 : vector<16xf32>
        %get3A_979 = arith.constant 0 : i32
        %get3A_980 = arith.constant 0 : i32
        %get3A_981 = tpu.memref_slice %arg7[%scan3A_126, %get3A_979, %get3A_980] : memref<2x352x128xf32, #tpu.memory_space<vmem>> -> memref<1x352x128xf32, #tpu.memory_space<vmem>>
        %get3A_982 = tpu.memref_squeeze %get3A_981 : memref<1x352x128xf32, #tpu.memory_space<vmem>> -> memref<352x128xf32, #tpu.memory_space<vmem>>
        %get3A_983 = arith.index_cast %add3A_952 : i32 to index
        %get3A_984 = arith.constant 48 : index
        %get3A_985 = tpu.vector_load %get3A_982[%get3A_983, %get3A_984] {strides = array<i32>} : memref<352x128xf32, #tpu.memory_space<vmem>>, vector<16xf32>,
        %mul3A_986 = arith.mulf %get3A_209, %get3A_985 : vector<16xf32>
        %add3A_987 = arith.addf %add3A_978, %mul3A_986 : vector<16xf32>
        %get3A_988 = arith.constant 0 : i32
        %get3A_989 = arith.constant 0 : i32
        %get3A_990 = tpu.memref_slice %arg7[%scan3A_126, %get3A_988, %get3A_989] : memref<2x352x128xf32, #tpu.memory_space<vmem>> -> memref<1x352x128xf32, #tpu.memory_space<vmem>>
        %get3A_991 = tpu.memref_squeeze %get3A_990 : memref<1x352x128xf32, #tpu.memory_space<vmem>> -> memref<352x128xf32, #tpu.memory_space<vmem>>
        %get3A_992 = arith.index_cast %add3A_952 : i32 to index
        %get3A_993 = arith.constant 64 : index
        %get3A_994 = tpu.vector_load %get3A_991[%get3A_992, %get3A_993] {strides = array<i32>} : memref<352x128xf32, #tpu.memory_space<vmem>>, vector<16xf32>,
        %mul3A_995 = arith.mulf %get3A_216, %get3A_994 : vector<16xf32>
        %add3A_996 = arith.addf %add3A_987, %mul3A_995 : vector<16xf32>
        %get3A_997 = arith.constant 0 : i32
        %get3A_998 = arith.constant 0 : i32
        %get3A_999 = tpu.memref_slice %arg7[%scan3A_126, %get3A_997, %get3A_998] : memref<2x352x128xf32, #tpu.memory_space<vmem>> -> memref<1x352x128xf32, #tpu.memory_space<vmem>>
        %get3A_1000 = tpu.memref_squeeze %get3A_999 : memref<1x352x128xf32, #tpu.memory_space<vmem>> -> memref<352x128xf32, #tpu.memory_space<vmem>>
        %get3A_1001 = arith.index_cast %add3A_952 : i32 to index
        %get3A_1002 = arith.constant 80 : index
        %get3A_1003 = tpu.vector_load %get3A_1000[%get3A_1001, %get3A_1002] {strides = array<i32>} : memref<352x128xf32, #tpu.memory_space<vmem>>, vector<16xf32>,
        %mul3A_1004 = arith.mulf %get3A_223, %get3A_1003 : vector<16xf32>
        %add3A_1005 = arith.addf %add3A_996, %mul3A_1004 : vector<16xf32>
        %get3A_1006 = arith.constant 0 : i32
        %get3A_1007 = arith.constant 0 : i32
        %get3A_1008 = tpu.memref_slice %arg7[%scan3A_126, %get3A_1006, %get3A_1007] : memref<2x352x128xf32, #tpu.memory_space<vmem>> -> memref<1x352x128xf32, #tpu.memory_space<vmem>>
        %get3A_1009 = tpu.memref_squeeze %get3A_1008 : memref<1x352x128xf32, #tpu.memory_space<vmem>> -> memref<352x128xf32, #tpu.memory_space<vmem>>
        %get3A_1010 = arith.index_cast %add3A_952 : i32 to index
        %get3A_1011 = arith.constant 96 : index
        %get3A_1012 = tpu.vector_load %get3A_1009[%get3A_1010, %get3A_1011] {strides = array<i32>} : memref<352x128xf32, #tpu.memory_space<vmem>>, vector<16xf32>,
        %mul3A_1013 = arith.mulf %get3A_230, %get3A_1012 : vector<16xf32>
        %add3A_1014 = arith.addf %add3A_1005, %mul3A_1013 : vector<16xf32>
        %get3A_1015 = arith.constant 0 : i32
        %get3A_1016 = arith.constant 0 : i32
        %get3A_1017 = tpu.memref_slice %arg7[%scan3A_126, %get3A_1015, %get3A_1016] : memref<2x352x128xf32, #tpu.memory_space<vmem>> -> memref<1x352x128xf32, #tpu.memory_space<vmem>>
        %get3A_1018 = tpu.memref_squeeze %get3A_1017 : memref<1x352x128xf32, #tpu.memory_space<vmem>> -> memref<352x128xf32, #tpu.memory_space<vmem>>
        %get3A_1019 = arith.index_cast %add3A_952 : i32 to index
        %get3A_1020 = arith.constant 112 : index
        %get3A_1021 = tpu.vector_load %get3A_1018[%get3A_1019, %get3A_1020] {strides = array<i32>} : memref<352x128xf32, #tpu.memory_space<vmem>>, vector<16xf32>,
        %mul3A_1022 = arith.mulf %get3A_237, %get3A_1021 : vector<16xf32>
        %add3A_1023 = arith.addf %add3A_1014, %mul3A_1022 : vector<16xf32>
        %swap3A_1024 = arith.constant 9 : i32
        %swap3A_1025 = arith.index_cast %swap3A_1024 : i32 to index
        %swap3A_1026 = arith.constant 0 : index
        %swap3A_1027 = tpu.vector_load %arg8[%swap3A_1025, %swap3A_1026] {strides = array<i32>} : memref<32x16xf32, #tpu.memory_space<vmem>>, vector<16xf32>,
        tpu.vector_store %arg8[%swap3A_1025, %swap3A_1026], %add3A_1023 {strides = array<i32>} : memref<32x16xf32, #tpu.memory_space<vmem>>, vector<16xf32>,
        %add3A_1028 = arith.constant 1 : i32
        %add3A_1029 = arith.addi %mul3A_182, %add3A_1028 : i32
        %add3A_1030 = arith.constant 10 : i32
        %add3A_1031 = arith.addi %add3A_1029, %add3A_1030 : i32
        %get3A_1032 = arith.constant 0 : i32
        %get3A_1033 = arith.constant 0 : i32
        %get3A_1034 = tpu.memref_slice %arg7[%scan3A_126, %get3A_1032, %get3A_1033] : memref<2x352x128xf32, #tpu.memory_space<vmem>> -> memref<1x352x128xf32, #tpu.memory_space<vmem>>
        %get3A_1035 = tpu.memref_squeeze %get3A_1034 : memref<1x352x128xf32, #tpu.memory_space<vmem>> -> memref<352x128xf32, #tpu.memory_space<vmem>>
        %get3A_1036 = arith.index_cast %add3A_1031 : i32 to index
        %get3A_1037 = arith.constant 0 : index
        %get3A_1038 = tpu.vector_load %get3A_1035[%get3A_1036, %get3A_1037] {strides = array<i32>} : memref<352x128xf32, #tpu.memory_space<vmem>>, vector<16xf32>,
        %mul3A_1039 = arith.mulf %get3A_188, %get3A_1038 : vector<16xf32>
        %get3A_1040 = arith.constant 0 : i32
        %get3A_1041 = arith.constant 0 : i32
        %get3A_1042 = tpu.memref_slice %arg7[%scan3A_126, %get3A_1040, %get3A_1041] : memref<2x352x128xf32, #tpu.memory_space<vmem>> -> memref<1x352x128xf32, #tpu.memory_space<vmem>>
        %get3A_1043 = tpu.memref_squeeze %get3A_1042 : memref<1x352x128xf32, #tpu.memory_space<vmem>> -> memref<352x128xf32, #tpu.memory_space<vmem>>
        %get3A_1044 = arith.index_cast %add3A_1031 : i32 to index
        %get3A_1045 = arith.constant 16 : index
        %get3A_1046 = tpu.vector_load %get3A_1043[%get3A_1044, %get3A_1045] {strides = array<i32>} : memref<352x128xf32, #tpu.memory_space<vmem>>, vector<16xf32>,
        %mul3A_1047 = arith.mulf %get3A_195, %get3A_1046 : vector<16xf32>
        %add3A_1048 = arith.addf %mul3A_1039, %mul3A_1047 : vector<16xf32>
        %get3A_1049 = arith.constant 0 : i32
        %get3A_1050 = arith.constant 0 : i32
        %get3A_1051 = tpu.memref_slice %arg7[%scan3A_126, %get3A_1049, %get3A_1050] : memref<2x352x128xf32, #tpu.memory_space<vmem>> -> memref<1x352x128xf32, #tpu.memory_space<vmem>>
        %get3A_1052 = tpu.memref_squeeze %get3A_1051 : memref<1x352x128xf32, #tpu.memory_space<vmem>> -> memref<352x128xf32, #tpu.memory_space<vmem>>
        %get3A_1053 = arith.index_cast %add3A_1031 : i32 to index
        %get3A_1054 = arith.constant 32 : index
        %get3A_1055 = tpu.vector_load %get3A_1052[%get3A_1053, %get3A_1054] {strides = array<i32>} : memref<352x128xf32, #tpu.memory_space<vmem>>, vector<16xf32>,
        %mul3A_1056 = arith.mulf %get3A_202, %get3A_1055 : vector<16xf32>
        %add3A_1057 = arith.addf %add3A_1048, %mul3A_1056 : vector<16xf32>
        %get3A_1058 = arith.constant 0 : i32
        %get3A_1059 = arith.constant 0 : i32
        %get3A_1060 = tpu.memref_slice %arg7[%scan3A_126, %get3A_1058, %get3A_1059] : memref<2x352x128xf32, #tpu.memory_space<vmem>> -> memref<1x352x128xf32, #tpu.memory_space<vmem>>
        %get3A_1061 = tpu.memref_squeeze %get3A_1060 : memref<1x352x128xf32, #tpu.memory_space<vmem>> -> memref<352x128xf32, #tpu.memory_space<vmem>>
        %get3A_1062 = arith.index_cast %add3A_1031 : i32 to index
        %get3A_1063 = arith.constant 48 : index
        %get3A_1064 = tpu.vector_load %get3A_1061[%get3A_1062, %get3A_1063] {strides = array<i32>} : memref<352x128xf32, #tpu.memory_space<vmem>>, vector<16xf32>,
        %mul3A_1065 = arith.mulf %get3A_209, %get3A_1064 : vector<16xf32>
        %add3A_1066 = arith.addf %add3A_1057, %mul3A_1065 : vector<16xf32>
        %get3A_1067 = arith.constant 0 : i32
        %get3A_1068 = arith.constant 0 : i32
        %get3A_1069 = tpu.memref_slice %arg7[%scan3A_126, %get3A_1067, %get3A_1068] : memref<2x352x128xf32, #tpu.memory_space<vmem>> -> memref<1x352x128xf32, #tpu.memory_space<vmem>>
        %get3A_1070 = tpu.memref_squeeze %get3A_1069 : memref<1x352x128xf32, #tpu.memory_space<vmem>> -> memref<352x128xf32, #tpu.memory_space<vmem>>
        %get3A_1071 = arith.index_cast %add3A_1031 : i32 to index
        %get3A_1072 = arith.constant 64 : index
        %get3A_1073 = tpu.vector_load %get3A_1070[%get3A_1071, %get3A_1072] {strides = array<i32>} : memref<352x128xf32, #tpu.memory_space<vmem>>, vector<16xf32>,
        %mul3A_1074 = arith.mulf %get3A_216, %get3A_1073 : vector<16xf32>
        %add3A_1075 = arith.addf %add3A_1066, %mul3A_1074 : vector<16xf32>
        %get3A_1076 = arith.constant 0 : i32
        %get3A_1077 = arith.constant 0 : i32
        %get3A_1078 = tpu.memref_slice %arg7[%scan3A_126, %get3A_1076, %get3A_1077] : memref<2x352x128xf32, #tpu.memory_space<vmem>> -> memref<1x352x128xf32, #tpu.memory_space<vmem>>
        %get3A_1079 = tpu.memref_squeeze %get3A_1078 : memref<1x352x128xf32, #tpu.memory_space<vmem>> -> memref<352x128xf32, #tpu.memory_space<vmem>>
        %get3A_1080 = arith.index_cast %add3A_1031 : i32 to index
        %get3A_1081 = arith.constant 80 : index
        %get3A_1082 = tpu.vector_load %get3A_1079[%get3A_1080, %get3A_1081] {strides = array<i32>} : memref<352x128xf32, #tpu.memory_space<vmem>>, vector<16xf32>,
        %mul3A_1083 = arith.mulf %get3A_223, %get3A_1082 : vector<16xf32>
        %add3A_1084 = arith.addf %add3A_1075, %mul3A_1083 : vector<16xf32>
        %get3A_1085 = arith.constant 0 : i32
        %get3A_1086 = arith.constant 0 : i32
        %get3A_1087 = tpu.memref_slice %arg7[%scan3A_126, %get3A_1085, %get3A_1086] : memref<2x352x128xf32, #tpu.memory_space<vmem>> -> memref<1x352x128xf32, #tpu.memory_space<vmem>>
        %get3A_1088 = tpu.memref_squeeze %get3A_1087 : memref<1x352x128xf32, #tpu.memory_space<vmem>> -> memref<352x128xf32, #tpu.memory_space<vmem>>
        %get3A_1089 = arith.index_cast %add3A_1031 : i32 to index
        %get3A_1090 = arith.constant 96 : index
        %get3A_1091 = tpu.vector_load %get3A_1088[%get3A_1089, %get3A_1090] {strides = array<i32>} : memref<352x128xf32, #tpu.memory_space<vmem>>, vector<16xf32>,
        %mul3A_1092 = arith.mulf %get3A_230, %get3A_1091 : vector<16xf32>
        %add3A_1093 = arith.addf %add3A_1084, %mul3A_1092 : vector<16xf32>
        %get3A_1094 = arith.constant 0 : i32
        %get3A_1095 = arith.constant 0 : i32
        %get3A_1096 = tpu.memref_slice %arg7[%scan3A_126, %get3A_1094, %get3A_1095] : memref<2x352x128xf32, #tpu.memory_space<vmem>> -> memref<1x352x128xf32, #tpu.memory_space<vmem>>
        %get3A_1097 = tpu.memref_squeeze %get3A_1096 : memref<1x352x128xf32, #tpu.memory_space<vmem>> -> memref<352x128xf32, #tpu.memory_space<vmem>>
        %get3A_1098 = arith.index_cast %add3A_1031 : i32 to index
        %get3A_1099 = arith.constant 112 : index
        %get3A_1100 = tpu.vector_load %get3A_1097[%get3A_1098, %get3A_1099] {strides = array<i32>} : memref<352x128xf32, #tpu.memory_space<vmem>>, vector<16xf32>,
        %mul3A_1101 = arith.mulf %get3A_237, %get3A_1100 : vector<16xf32>
        %add3A_1102 = arith.addf %add3A_1093, %mul3A_1101 : vector<16xf32>
        %swap3A_1103 = arith.constant 10 : i32
        %swap3A_1104 = arith.index_cast %swap3A_1103 : i32 to index
        %swap3A_1105 = arith.constant 0 : index
        %swap3A_1106 = tpu.vector_load %arg8[%swap3A_1104, %swap3A_1105] {strides = array<i32>} : memref<32x16xf32, #tpu.memory_space<vmem>>, vector<16xf32>,
        tpu.vector_store %arg8[%swap3A_1104, %swap3A_1105], %add3A_1102 {strides = array<i32>} : memref<32x16xf32, #tpu.memory_space<vmem>>, vector<16xf32>,
        %add3A_1107 = arith.constant 1 : i32
        %add3A_1108 = arith.addi %mul3A_182, %add3A_1107 : i32
        %add3A_1109 = arith.constant 11 : i32
        %add3A_1110 = arith.addi %add3A_1108, %add3A_1109 : i32
        %get3A_1111 = arith.constant 0 : i32
        %get3A_1112 = arith.constant 0 : i32
        %get3A_1113 = tpu.memref_slice %arg7[%scan3A_126, %get3A_1111, %get3A_1112] : memref<2x352x128xf32, #tpu.memory_space<vmem>> -> memref<1x352x128xf32, #tpu.memory_space<vmem>>
        %get3A_1114 = tpu.memref_squeeze %get3A_1113 : memref<1x352x128xf32, #tpu.memory_space<vmem>> -> memref<352x128xf32, #tpu.memory_space<vmem>>
        %get3A_1115 = arith.index_cast %add3A_1110 : i32 to index
        %get3A_1116 = arith.constant 0 : index
        %get3A_1117 = tpu.vector_load %get3A_1114[%get3A_1115, %get3A_1116] {strides = array<i32>} : memref<352x128xf32, #tpu.memory_space<vmem>>, vector<16xf32>,
        %mul3A_1118 = arith.mulf %get3A_188, %get3A_1117 : vector<16xf32>
        %get3A_1119 = arith.constant 0 : i32
        %get3A_1120 = arith.constant 0 : i32
        %get3A_1121 = tpu.memref_slice %arg7[%scan3A_126, %get3A_1119, %get3A_1120] : memref<2x352x128xf32, #tpu.memory_space<vmem>> -> memref<1x352x128xf32, #tpu.memory_space<vmem>>
        %get3A_1122 = tpu.memref_squeeze %get3A_1121 : memref<1x352x128xf32, #tpu.memory_space<vmem>> -> memref<352x128xf32, #tpu.memory_space<vmem>>
        %get3A_1123 = arith.index_cast %add3A_1110 : i32 to index
        %get3A_1124 = arith.constant 16 : index
        %get3A_1125 = tpu.vector_load %get3A_1122[%get3A_1123, %get3A_1124] {strides = array<i32>} : memref<352x128xf32, #tpu.memory_space<vmem>>, vector<16xf32>,
        %mul3A_1126 = arith.mulf %get3A_195, %get3A_1125 : vector<16xf32>
        %add3A_1127 = arith.addf %mul3A_1118, %mul3A_1126 : vector<16xf32>
        %get3A_1128 = arith.constant 0 : i32
        %get3A_1129 = arith.constant 0 : i32
        %get3A_1130 = tpu.memref_slice %arg7[%scan3A_126, %get3A_1128, %get3A_1129] : memref<2x352x128xf32, #tpu.memory_space<vmem>> -> memref<1x352x128xf32, #tpu.memory_space<vmem>>
        %get3A_1131 = tpu.memref_squeeze %get3A_1130 : memref<1x352x128xf32, #tpu.memory_space<vmem>> -> memref<352x128xf32, #tpu.memory_space<vmem>>
        %get3A_1132 = arith.index_cast %add3A_1110 : i32 to index
        %get3A_1133 = arith.constant 32 : index
        %get3A_1134 = tpu.vector_load %get3A_1131[%get3A_1132, %get3A_1133] {strides = array<i32>} : memref<352x128xf32, #tpu.memory_space<vmem>>, vector<16xf32>,
        %mul3A_1135 = arith.mulf %get3A_202, %get3A_1134 : vector<16xf32>
        %add3A_1136 = arith.addf %add3A_1127, %mul3A_1135 : vector<16xf32>
        %get3A_1137 = arith.constant 0 : i32
        %get3A_1138 = arith.constant 0 : i32
        %get3A_1139 = tpu.memref_slice %arg7[%scan3A_126, %get3A_1137, %get3A_1138] : memref<2x352x128xf32, #tpu.memory_space<vmem>> -> memref<1x352x128xf32, #tpu.memory_space<vmem>>
        %get3A_1140 = tpu.memref_squeeze %get3A_1139 : memref<1x352x128xf32, #tpu.memory_space<vmem>> -> memref<352x128xf32, #tpu.memory_space<vmem>>
        %get3A_1141 = arith.index_cast %add3A_1110 : i32 to index
        %get3A_1142 = arith.constant 48 : index
        %get3A_1143 = tpu.vector_load %get3A_1140[%get3A_1141, %get3A_1142] {strides = array<i32>} : memref<352x128xf32, #tpu.memory_space<vmem>>, vector<16xf32>,
        %mul3A_1144 = arith.mulf %get3A_209, %get3A_1143 : vector<16xf32>
        %add3A_1145 = arith.addf %add3A_1136, %mul3A_1144 : vector<16xf32>
        %get3A_1146 = arith.constant 0 : i32
        %get3A_1147 = arith.constant 0 : i32
        %get3A_1148 = tpu.memref_slice %arg7[%scan3A_126, %get3A_1146, %get3A_1147] : memref<2x352x128xf32, #tpu.memory_space<vmem>> -> memref<1x352x128xf32, #tpu.memory_space<vmem>>
        %get3A_1149 = tpu.memref_squeeze %get3A_1148 : memref<1x352x128xf32, #tpu.memory_space<vmem>> -> memref<352x128xf32, #tpu.memory_space<vmem>>
        %get3A_1150 = arith.index_cast %add3A_1110 : i32 to index
        %get3A_1151 = arith.constant 64 : index
        %get3A_1152 = tpu.vector_load %get3A_1149[%get3A_1150, %get3A_1151] {strides = array<i32>} : memref<352x128xf32, #tpu.memory_space<vmem>>, vector<16xf32>,
        %mul3A_1153 = arith.mulf %get3A_216, %get3A_1152 : vector<16xf32>
        %add3A_1154 = arith.addf %add3A_1145, %mul3A_1153 : vector<16xf32>
        %get3A_1155 = arith.constant 0 : i32
        %get3A_1156 = arith.constant 0 : i32
        %get3A_1157 = tpu.memref_slice %arg7[%scan3A_126, %get3A_1155, %get3A_1156] : memref<2x352x128xf32, #tpu.memory_space<vmem>> -> memref<1x352x128xf32, #tpu.memory_space<vmem>>
        %get3A_1158 = tpu.memref_squeeze %get3A_1157 : memref<1x352x128xf32, #tpu.memory_space<vmem>> -> memref<352x128xf32, #tpu.memory_space<vmem>>
        %get3A_1159 = arith.index_cast %add3A_1110 : i32 to index
        %get3A_1160 = arith.constant 80 : index
        %get3A_1161 = tpu.vector_load %get3A_1158[%get3A_1159, %get3A_1160] {strides = array<i32>} : memref<352x128xf32, #tpu.memory_space<vmem>>, vector<16xf32>,
        %mul3A_1162 = arith.mulf %get3A_223, %get3A_1161 : vector<16xf32>
        %add3A_1163 = arith.addf %add3A_1154, %mul3A_1162 : vector<16xf32>
        %get3A_1164 = arith.constant 0 : i32
        %get3A_1165 = arith.constant 0 : i32
        %get3A_1166 = tpu.memref_slice %arg7[%scan3A_126, %get3A_1164, %get3A_1165] : memref<2x352x128xf32, #tpu.memory_space<vmem>> -> memref<1x352x128xf32, #tpu.memory_space<vmem>>
        %get3A_1167 = tpu.memref_squeeze %get3A_1166 : memref<1x352x128xf32, #tpu.memory_space<vmem>> -> memref<352x128xf32, #tpu.memory_space<vmem>>
        %get3A_1168 = arith.index_cast %add3A_1110 : i32 to index
        %get3A_1169 = arith.constant 96 : index
        %get3A_1170 = tpu.vector_load %get3A_1167[%get3A_1168, %get3A_1169] {strides = array<i32>} : memref<352x128xf32, #tpu.memory_space<vmem>>, vector<16xf32>,
        %mul3A_1171 = arith.mulf %get3A_230, %get3A_1170 : vector<16xf32>
        %add3A_1172 = arith.addf %add3A_1163, %mul3A_1171 : vector<16xf32>
        %get3A_1173 = arith.constant 0 : i32
        %get3A_1174 = arith.constant 0 : i32
        %get3A_1175 = tpu.memref_slice %arg7[%scan3A_126, %get3A_1173, %get3A_1174] : memref<2x352x128xf32, #tpu.memory_space<vmem>> -> memref<1x352x128xf32, #tpu.memory_space<vmem>>
        %get3A_1176 = tpu.memref_squeeze %get3A_1175 : memref<1x352x128xf32, #tpu.memory_space<vmem>> -> memref<352x128xf32, #tpu.memory_space<vmem>>
        %get3A_1177 = arith.index_cast %add3A_1110 : i32 to index
        %get3A_1178 = arith.constant 112 : index
        %get3A_1179 = tpu.vector_load %get3A_1176[%get3A_1177, %get3A_1178] {strides = array<i32>} : memref<352x128xf32, #tpu.memory_space<vmem>>, vector<16xf32>,
        %mul3A_1180 = arith.mulf %get3A_237, %get3A_1179 : vector<16xf32>
        %add3A_1181 = arith.addf %add3A_1172, %mul3A_1180 : vector<16xf32>
        %swap3A_1182 = arith.constant 11 : i32
        %swap3A_1183 = arith.index_cast %swap3A_1182 : i32 to index
        %swap3A_1184 = arith.constant 0 : index
        %swap3A_1185 = tpu.vector_load %arg8[%swap3A_1183, %swap3A_1184] {strides = array<i32>} : memref<32x16xf32, #tpu.memory_space<vmem>>, vector<16xf32>,
        tpu.vector_store %arg8[%swap3A_1183, %swap3A_1184], %add3A_1181 {strides = array<i32>} : memref<32x16xf32, #tpu.memory_space<vmem>>, vector<16xf32>,
        %add3A_1186 = arith.constant 1 : i32
        %add3A_1187 = arith.addi %mul3A_182, %add3A_1186 : i32
        %add3A_1188 = arith.constant 12 : i32
        %add3A_1189 = arith.addi %add3A_1187, %add3A_1188 : i32
        %get3A_1190 = arith.constant 0 : i32
        %get3A_1191 = arith.constant 0 : i32
        %get3A_1192 = tpu.memref_slice %arg7[%scan3A_126, %get3A_1190, %get3A_1191] : memref<2x352x128xf32, #tpu.memory_space<vmem>> -> memref<1x352x128xf32, #tpu.memory_space<vmem>>
        %get3A_1193 = tpu.memref_squeeze %get3A_1192 : memref<1x352x128xf32, #tpu.memory_space<vmem>> -> memref<352x128xf32, #tpu.memory_space<vmem>>
        %get3A_1194 = arith.index_cast %add3A_1189 : i32 to index
        %get3A_1195 = arith.constant 0 : index
        %get3A_1196 = tpu.vector_load %get3A_1193[%get3A_1194, %get3A_1195] {strides = array<i32>} : memref<352x128xf32, #tpu.memory_space<vmem>>, vector<16xf32>,
        %mul3A_1197 = arith.mulf %get3A_188, %get3A_1196 : vector<16xf32>
        %get3A_1198 = arith.constant 0 : i32
        %get3A_1199 = arith.constant 0 : i32
        %get3A_1200 = tpu.memref_slice %arg7[%scan3A_126, %get3A_1198, %get3A_1199] : memref<2x352x128xf32, #tpu.memory_space<vmem>> -> memref<1x352x128xf32, #tpu.memory_space<vmem>>
        %get3A_1201 = tpu.memref_squeeze %get3A_1200 : memref<1x352x128xf32, #tpu.memory_space<vmem>> -> memref<352x128xf32, #tpu.memory_space<vmem>>
        %get3A_1202 = arith.index_cast %add3A_1189 : i32 to index
        %get3A_1203 = arith.constant 16 : index
        %get3A_1204 = tpu.vector_load %get3A_1201[%get3A_1202, %get3A_1203] {strides = array<i32>} : memref<352x128xf32, #tpu.memory_space<vmem>>, vector<16xf32>,
        %mul3A_1205 = arith.mulf %get3A_195, %get3A_1204 : vector<16xf32>
        %add3A_1206 = arith.addf %mul3A_1197, %mul3A_1205 : vector<16xf32>
        %get3A_1207 = arith.constant 0 : i32
        %get3A_1208 = arith.constant 0 : i32
        %get3A_1209 = tpu.memref_slice %arg7[%scan3A_126, %get3A_1207, %get3A_1208] : memref<2x352x128xf32, #tpu.memory_space<vmem>> -> memref<1x352x128xf32, #tpu.memory_space<vmem>>
        %get3A_1210 = tpu.memref_squeeze %get3A_1209 : memref<1x352x128xf32, #tpu.memory_space<vmem>> -> memref<352x128xf32, #tpu.memory_space<vmem>>
        %get3A_1211 = arith.index_cast %add3A_1189 : i32 to index
        %get3A_1212 = arith.constant 32 : index
        %get3A_1213 = tpu.vector_load %get3A_1210[%get3A_1211, %get3A_1212] {strides = array<i32>} : memref<352x128xf32, #tpu.memory_space<vmem>>, vector<16xf32>,
        %mul3A_1214 = arith.mulf %get3A_202, %get3A_1213 : vector<16xf32>
        %add3A_1215 = arith.addf %add3A_1206, %mul3A_1214 : vector<16xf32>
        %get3A_1216 = arith.constant 0 : i32
        %get3A_1217 = arith.constant 0 : i32
        %get3A_1218 = tpu.memref_slice %arg7[%scan3A_126, %get3A_1216, %get3A_1217] : memref<2x352x128xf32, #tpu.memory_space<vmem>> -> memref<1x352x128xf32, #tpu.memory_space<vmem>>
        %get3A_1219 = tpu.memref_squeeze %get3A_1218 : memref<1x352x128xf32, #tpu.memory_space<vmem>> -> memref<352x128xf32, #tpu.memory_space<vmem>>
        %get3A_1220 = arith.index_cast %add3A_1189 : i32 to index
        %get3A_1221 = arith.constant 48 : index
        %get3A_1222 = tpu.vector_load %get3A_1219[%get3A_1220, %get3A_1221] {strides = array<i32>} : memref<352x128xf32, #tpu.memory_space<vmem>>, vector<16xf32>,
        %mul3A_1223 = arith.mulf %get3A_209, %get3A_1222 : vector<16xf32>
        %add3A_1224 = arith.addf %add3A_1215, %mul3A_1223 : vector<16xf32>
        %get3A_1225 = arith.constant 0 : i32
        %get3A_1226 = arith.constant 0 : i32
        %get3A_1227 = tpu.memref_slice %arg7[%scan3A_126, %get3A_1225, %get3A_1226] : memref<2x352x128xf32, #tpu.memory_space<vmem>> -> memref<1x352x128xf32, #tpu.memory_space<vmem>>
        %get3A_1228 = tpu.memref_squeeze %get3A_1227 : memref<1x352x128xf32, #tpu.memory_space<vmem>> -> memref<352x128xf32, #tpu.memory_space<vmem>>
        %get3A_1229 = arith.index_cast %add3A_1189 : i32 to index
        %get3A_1230 = arith.constant 64 : index
        %get3A_1231 = tpu.vector_load %get3A_1228[%get3A_1229, %get3A_1230] {strides = array<i32>} : memref<352x128xf32, #tpu.memory_space<vmem>>, vector<16xf32>,
        %mul3A_1232 = arith.mulf %get3A_216, %get3A_1231 : vector<16xf32>
        %add3A_1233 = arith.addf %add3A_1224, %mul3A_1232 : vector<16xf32>
        %get3A_1234 = arith.constant 0 : i32
        %get3A_1235 = arith.constant 0 : i32
        %get3A_1236 = tpu.memref_slice %arg7[%scan3A_126, %get3A_1234, %get3A_1235] : memref<2x352x128xf32, #tpu.memory_space<vmem>> -> memref<1x352x128xf32, #tpu.memory_space<vmem>>
        %get3A_1237 = tpu.memref_squeeze %get3A_1236 : memref<1x352x128xf32, #tpu.memory_space<vmem>> -> memref<352x128xf32, #tpu.memory_space<vmem>>
        %get3A_1238 = arith.index_cast %add3A_1189 : i32 to index
        %get3A_1239 = arith.constant 80 : index
        %get3A_1240 = tpu.vector_load %get3A_1237[%get3A_1238, %get3A_1239] {strides = array<i32>} : memref<352x128xf32, #tpu.memory_space<vmem>>, vector<16xf32>,
        %mul3A_1241 = arith.mulf %get3A_223, %get3A_1240 : vector<16xf32>
        %add3A_1242 = arith.addf %add3A_1233, %mul3A_1241 : vector<16xf32>
        %get3A_1243 = arith.constant 0 : i32
        %get3A_1244 = arith.constant 0 : i32
        %get3A_1245 = tpu.memref_slice %arg7[%scan3A_126, %get3A_1243, %get3A_1244] : memref<2x352x128xf32, #tpu.memory_space<vmem>> -> memref<1x352x128xf32, #tpu.memory_space<vmem>>
        %get3A_1246 = tpu.memref_squeeze %get3A_1245 : memref<1x352x128xf32, #tpu.memory_space<vmem>> -> memref<352x128xf32, #tpu.memory_space<vmem>>
        %get3A_1247 = arith.index_cast %add3A_1189 : i32 to index
        %get3A_1248 = arith.constant 96 : index
        %get3A_1249 = tpu.vector_load %get3A_1246[%get3A_1247, %get3A_1248] {strides = array<i32>} : memref<352x128xf32, #tpu.memory_space<vmem>>, vector<16xf32>,
        %mul3A_1250 = arith.mulf %get3A_230, %get3A_1249 : vector<16xf32>
        %add3A_1251 = arith.addf %add3A_1242, %mul3A_1250 : vector<16xf32>
        %get3A_1252 = arith.constant 0 : i32
        %get3A_1253 = arith.constant 0 : i32
        %get3A_1254 = tpu.memref_slice %arg7[%scan3A_126, %get3A_1252, %get3A_1253] : memref<2x352x128xf32, #tpu.memory_space<vmem>> -> memref<1x352x128xf32, #tpu.memory_space<vmem>>
        %get3A_1255 = tpu.memref_squeeze %get3A_1254 : memref<1x352x128xf32, #tpu.memory_space<vmem>> -> memref<352x128xf32, #tpu.memory_space<vmem>>
        %get3A_1256 = arith.index_cast %add3A_1189 : i32 to index
        %get3A_1257 = arith.constant 112 : index
        %get3A_1258 = tpu.vector_load %get3A_1255[%get3A_1256, %get3A_1257] {strides = array<i32>} : memref<352x128xf32, #tpu.memory_space<vmem>>, vector<16xf32>,
        %mul3A_1259 = arith.mulf %get3A_237, %get3A_1258 : vector<16xf32>
        %add3A_1260 = arith.addf %add3A_1251, %mul3A_1259 : vector<16xf32>
        %swap3A_1261 = arith.constant 12 : i32
        %swap3A_1262 = arith.index_cast %swap3A_1261 : i32 to index
        %swap3A_1263 = arith.constant 0 : index
        %swap3A_1264 = tpu.vector_load %arg8[%swap3A_1262, %swap3A_1263] {strides = array<i32>} : memref<32x16xf32, #tpu.memory_space<vmem>>, vector<16xf32>,
        tpu.vector_store %arg8[%swap3A_1262, %swap3A_1263], %add3A_1260 {strides = array<i32>} : memref<32x16xf32, #tpu.memory_space<vmem>>, vector<16xf32>,
        %add3A_1265 = arith.constant 1 : i32
        %add3A_1266 = arith.addi %mul3A_182, %add3A_1265 : i32
        %add3A_1267 = arith.constant 13 : i32
        %add3A_1268 = arith.addi %add3A_1266, %add3A_1267 : i32
        %get3A_1269 = arith.constant 0 : i32
        %get3A_1270 = arith.constant 0 : i32
        %get3A_1271 = tpu.memref_slice %arg7[%scan3A_126, %get3A_1269, %get3A_1270] : memref<2x352x128xf32, #tpu.memory_space<vmem>> -> memref<1x352x128xf32, #tpu.memory_space<vmem>>
        %get3A_1272 = tpu.memref_squeeze %get3A_1271 : memref<1x352x128xf32, #tpu.memory_space<vmem>> -> memref<352x128xf32, #tpu.memory_space<vmem>>
        %get3A_1273 = arith.index_cast %add3A_1268 : i32 to index
        %get3A_1274 = arith.constant 0 : index
        %get3A_1275 = tpu.vector_load %get3A_1272[%get3A_1273, %get3A_1274] {strides = array<i32>} : memref<352x128xf32, #tpu.memory_space<vmem>>, vector<16xf32>,
        %mul3A_1276 = arith.mulf %get3A_188, %get3A_1275 : vector<16xf32>
        %get3A_1277 = arith.constant 0 : i32
        %get3A_1278 = arith.constant 0 : i32
        %get3A_1279 = tpu.memref_slice %arg7[%scan3A_126, %get3A_1277, %get3A_1278] : memref<2x352x128xf32, #tpu.memory_space<vmem>> -> memref<1x352x128xf32, #tpu.memory_space<vmem>>
        %get3A_1280 = tpu.memref_squeeze %get3A_1279 : memref<1x352x128xf32, #tpu.memory_space<vmem>> -> memref<352x128xf32, #tpu.memory_space<vmem>>
        %get3A_1281 = arith.index_cast %add3A_1268 : i32 to index
        %get3A_1282 = arith.constant 16 : index
        %get3A_1283 = tpu.vector_load %get3A_1280[%get3A_1281, %get3A_1282] {strides = array<i32>} : memref<352x128xf32, #tpu.memory_space<vmem>>, vector<16xf32>,
        %mul3A_1284 = arith.mulf %get3A_195, %get3A_1283 : vector<16xf32>
        %add3A_1285 = arith.addf %mul3A_1276, %mul3A_1284 : vector<16xf32>
        %get3A_1286 = arith.constant 0 : i32
        %get3A_1287 = arith.constant 0 : i32
        %get3A_1288 = tpu.memref_slice %arg7[%scan3A_126, %get3A_1286, %get3A_1287] : memref<2x352x128xf32, #tpu.memory_space<vmem>> -> memref<1x352x128xf32, #tpu.memory_space<vmem>>
        %get3A_1289 = tpu.memref_squeeze %get3A_1288 : memref<1x352x128xf32, #tpu.memory_space<vmem>> -> memref<352x128xf32, #tpu.memory_space<vmem>>
        %get3A_1290 = arith.index_cast %add3A_1268 : i32 to index
        %get3A_1291 = arith.constant 32 : index
        %get3A_1292 = tpu.vector_load %get3A_1289[%get3A_1290, %get3A_1291] {strides = array<i32>} : memref<352x128xf32, #tpu.memory_space<vmem>>, vector<16xf32>,
        %mul3A_1293 = arith.mulf %get3A_202, %get3A_1292 : vector<16xf32>
        %add3A_1294 = arith.addf %add3A_1285, %mul3A_1293 : vector<16xf32>
        %get3A_1295 = arith.constant 0 : i32
        %get3A_1296 = arith.constant 0 : i32
        %get3A_1297 = tpu.memref_slice %arg7[%scan3A_126, %get3A_1295, %get3A_1296] : memref<2x352x128xf32, #tpu.memory_space<vmem>> -> memref<1x352x128xf32, #tpu.memory_space<vmem>>
        %get3A_1298 = tpu.memref_squeeze %get3A_1297 : memref<1x352x128xf32, #tpu.memory_space<vmem>> -> memref<352x128xf32, #tpu.memory_space<vmem>>
        %get3A_1299 = arith.index_cast %add3A_1268 : i32 to index
        %get3A_1300 = arith.constant 48 : index
        %get3A_1301 = tpu.vector_load %get3A_1298[%get3A_1299, %get3A_1300] {strides = array<i32>} : memref<352x128xf32, #tpu.memory_space<vmem>>, vector<16xf32>,
        %mul3A_1302 = arith.mulf %get3A_209, %get3A_1301 : vector<16xf32>
        %add3A_1303 = arith.addf %add3A_1294, %mul3A_1302 : vector<16xf32>
        %get3A_1304 = arith.constant 0 : i32
        %get3A_1305 = arith.constant 0 : i32
        %get3A_1306 = tpu.memref_slice %arg7[%scan3A_126, %get3A_1304, %get3A_1305] : memref<2x352x128xf32, #tpu.memory_space<vmem>> -> memref<1x352x128xf32, #tpu.memory_space<vmem>>
        %get3A_1307 = tpu.memref_squeeze %get3A_1306 : memref<1x352x128xf32, #tpu.memory_space<vmem>> -> memref<352x128xf32, #tpu.memory_space<vmem>>
        %get3A_1308 = arith.index_cast %add3A_1268 : i32 to index
        %get3A_1309 = arith.constant 64 : index
        %get3A_1310 = tpu.vector_load %get3A_1307[%get3A_1308, %get3A_1309] {strides = array<i32>} : memref<352x128xf32, #tpu.memory_space<vmem>>, vector<16xf32>,
        %mul3A_1311 = arith.mulf %get3A_216, %get3A_1310 : vector<16xf32>
        %add3A_1312 = arith.addf %add3A_1303, %mul3A_1311 : vector<16xf32>
        %get3A_1313 = arith.constant 0 : i32
        %get3A_1314 = arith.constant 0 : i32
        %get3A_1315 = tpu.memref_slice %arg7[%scan3A_126, %get3A_1313, %get3A_1314] : memref<2x352x128xf32, #tpu.memory_space<vmem>> -> memref<1x352x128xf32, #tpu.memory_space<vmem>>
        %get3A_1316 = tpu.memref_squeeze %get3A_1315 : memref<1x352x128xf32, #tpu.memory_space<vmem>> -> memref<352x128xf32, #tpu.memory_space<vmem>>
        %get3A_1317 = arith.index_cast %add3A_1268 : i32 to index
        %get3A_1318 = arith.constant 80 : index
        %get3A_1319 = tpu.vector_load %get3A_1316[%get3A_1317, %get3A_1318] {strides = array<i32>} : memref<352x128xf32, #tpu.memory_space<vmem>>, vector<16xf32>,
        %mul3A_1320 = arith.mulf %get3A_223, %get3A_1319 : vector<16xf32>
        %add3A_1321 = arith.addf %add3A_1312, %mul3A_1320 : vector<16xf32>
        %get3A_1322 = arith.constant 0 : i32
        %get3A_1323 = arith.constant 0 : i32
        %get3A_1324 = tpu.memref_slice %arg7[%scan3A_126, %get3A_1322, %get3A_1323] : memref<2x352x128xf32, #tpu.memory_space<vmem>> -> memref<1x352x128xf32, #tpu.memory_space<vmem>>
        %get3A_1325 = tpu.memref_squeeze %get3A_1324 : memref<1x352x128xf32, #tpu.memory_space<vmem>> -> memref<352x128xf32, #tpu.memory_space<vmem>>
        %get3A_1326 = arith.index_cast %add3A_1268 : i32 to index
        %get3A_1327 = arith.constant 96 : index
        %get3A_1328 = tpu.vector_load %get3A_1325[%get3A_1326, %get3A_1327] {strides = array<i32>} : memref<352x128xf32, #tpu.memory_space<vmem>>, vector<16xf32>,
        %mul3A_1329 = arith.mulf %get3A_230, %get3A_1328 : vector<16xf32>
        %add3A_1330 = arith.addf %add3A_1321, %mul3A_1329 : vector<16xf32>
        %get3A_1331 = arith.constant 0 : i32
        %get3A_1332 = arith.constant 0 : i32
        %get3A_1333 = tpu.memref_slice %arg7[%scan3A_126, %get3A_1331, %get3A_1332] : memref<2x352x128xf32, #tpu.memory_space<vmem>> -> memref<1x352x128xf32, #tpu.memory_space<vmem>>
        %get3A_1334 = tpu.memref_squeeze %get3A_1333 : memref<1x352x128xf32, #tpu.memory_space<vmem>> -> memref<352x128xf32, #tpu.memory_space<vmem>>
        %get3A_1335 = arith.index_cast %add3A_1268 : i32 to index
        %get3A_1336 = arith.constant 112 : index
        %get3A_1337 = tpu.vector_load %get3A_1334[%get3A_1335, %get3A_1336] {strides = array<i32>} : memref<352x128xf32, #tpu.memory_space<vmem>>, vector<16xf32>,
        %mul3A_1338 = arith.mulf %get3A_237, %get3A_1337 : vector<16xf32>
        %add3A_1339 = arith.addf %add3A_1330, %mul3A_1338 : vector<16xf32>
        %swap3A_1340 = arith.constant 13 : i32
        %swap3A_1341 = arith.index_cast %swap3A_1340 : i32 to index
        %swap3A_1342 = arith.constant 0 : index
        %swap3A_1343 = tpu.vector_load %arg8[%swap3A_1341, %swap3A_1342] {strides = array<i32>} : memref<32x16xf32, #tpu.memory_space<vmem>>, vector<16xf32>,
        tpu.vector_store %arg8[%swap3A_1341, %swap3A_1342], %add3A_1339 {strides = array<i32>} : memref<32x16xf32, #tpu.memory_space<vmem>>, vector<16xf32>,
        %add3A_1344 = arith.constant 1 : i32
        %add3A_1345 = arith.addi %mul3A_182, %add3A_1344 : i32
        %add3A_1346 = arith.constant 14 : i32
        %add3A_1347 = arith.addi %add3A_1345, %add3A_1346 : i32
        %get3A_1348 = arith.constant 0 : i32
        %get3A_1349 = arith.constant 0 : i32
        %get3A_1350 = tpu.memref_slice %arg7[%scan3A_126, %get3A_1348, %get3A_1349] : memref<2x352x128xf32, #tpu.memory_space<vmem>> -> memref<1x352x128xf32, #tpu.memory_space<vmem>>
        %get3A_1351 = tpu.memref_squeeze %get3A_1350 : memref<1x352x128xf32, #tpu.memory_space<vmem>> -> memref<352x128xf32, #tpu.memory_space<vmem>>
        %get3A_1352 = arith.index_cast %add3A_1347 : i32 to index
        %get3A_1353 = arith.constant 0 : index
        %get3A_1354 = tpu.vector_load %get3A_1351[%get3A_1352, %get3A_1353] {strides = array<i32>} : memref<352x128xf32, #tpu.memory_space<vmem>>, vector<16xf32>,
        %mul3A_1355 = arith.mulf %get3A_188, %get3A_1354 : vector<16xf32>
        %get3A_1356 = arith.constant 0 : i32
        %get3A_1357 = arith.constant 0 : i32
        %get3A_1358 = tpu.memref_slice %arg7[%scan3A_126, %get3A_1356, %get3A_1357] : memref<2x352x128xf32, #tpu.memory_space<vmem>> -> memref<1x352x128xf32, #tpu.memory_space<vmem>>
        %get3A_1359 = tpu.memref_squeeze %get3A_1358 : memref<1x352x128xf32, #tpu.memory_space<vmem>> -> memref<352x128xf32, #tpu.memory_space<vmem>>
        %get3A_1360 = arith.index_cast %add3A_1347 : i32 to index
        %get3A_1361 = arith.constant 16 : index
        %get3A_1362 = tpu.vector_load %get3A_1359[%get3A_1360, %get3A_1361] {strides = array<i32>} : memref<352x128xf32, #tpu.memory_space<vmem>>, vector<16xf32>,
        %mul3A_1363 = arith.mulf %get3A_195, %get3A_1362 : vector<16xf32>
        %add3A_1364 = arith.addf %mul3A_1355, %mul3A_1363 : vector<16xf32>
        %get3A_1365 = arith.constant 0 : i32
        %get3A_1366 = arith.constant 0 : i32
        %get3A_1367 = tpu.memref_slice %arg7[%scan3A_126, %get3A_1365, %get3A_1366] : memref<2x352x128xf32, #tpu.memory_space<vmem>> -> memref<1x352x128xf32, #tpu.memory_space<vmem>>
        %get3A_1368 = tpu.memref_squeeze %get3A_1367 : memref<1x352x128xf32, #tpu.memory_space<vmem>> -> memref<352x128xf32, #tpu.memory_space<vmem>>
        %get3A_1369 = arith.index_cast %add3A_1347 : i32 to index
        %get3A_1370 = arith.constant 32 : index
        %get3A_1371 = tpu.vector_load %get3A_1368[%get3A_1369, %get3A_1370] {strides = array<i32>} : memref<352x128xf32, #tpu.memory_space<vmem>>, vector<16xf32>,
        %mul3A_1372 = arith.mulf %get3A_202, %get3A_1371 : vector<16xf32>
        %add3A_1373 = arith.addf %add3A_1364, %mul3A_1372 : vector<16xf32>
        %get3A_1374 = arith.constant 0 : i32
        %get3A_1375 = arith.constant 0 : i32
        %get3A_1376 = tpu.memref_slice %arg7[%scan3A_126, %get3A_1374, %get3A_1375] : memref<2x352x128xf32, #tpu.memory_space<vmem>> -> memref<1x352x128xf32, #tpu.memory_space<vmem>>
        %get3A_1377 = tpu.memref_squeeze %get3A_1376 : memref<1x352x128xf32, #tpu.memory_space<vmem>> -> memref<352x128xf32, #tpu.memory_space<vmem>>
        %get3A_1378 = arith.index_cast %add3A_1347 : i32 to index
        %get3A_1379 = arith.constant 48 : index
        %get3A_1380 = tpu.vector_load %get3A_1377[%get3A_1378, %get3A_1379] {strides = array<i32>} : memref<352x128xf32, #tpu.memory_space<vmem>>, vector<16xf32>,
        %mul3A_1381 = arith.mulf %get3A_209, %get3A_1380 : vector<16xf32>
        %add3A_1382 = arith.addf %add3A_1373, %mul3A_1381 : vector<16xf32>
        %get3A_1383 = arith.constant 0 : i32
        %get3A_1384 = arith.constant 0 : i32
        %get3A_1385 = tpu.memref_slice %arg7[%scan3A_126, %get3A_1383, %get3A_1384] : memref<2x352x128xf32, #tpu.memory_space<vmem>> -> memref<1x352x128xf32, #tpu.memory_space<vmem>>
        %get3A_1386 = tpu.memref_squeeze %get3A_1385 : memref<1x352x128xf32, #tpu.memory_space<vmem>> -> memref<352x128xf32, #tpu.memory_space<vmem>>
        %get3A_1387 = arith.index_cast %add3A_1347 : i32 to index
        %get3A_1388 = arith.constant 64 : index
        %get3A_1389 = tpu.vector_load %get3A_1386[%get3A_1387, %get3A_1388] {strides = array<i32>} : memref<352x128xf32, #tpu.memory_space<vmem>>, vector<16xf32>,
        %mul3A_1390 = arith.mulf %get3A_216, %get3A_1389 : vector<16xf32>
        %add3A_1391 = arith.addf %add3A_1382, %mul3A_1390 : vector<16xf32>
        %get3A_1392 = arith.constant 0 : i32
        %get3A_1393 = arith.constant 0 : i32
        %get3A_1394 = tpu.memref_slice %arg7[%scan3A_126, %get3A_1392, %get3A_1393] : memref<2x352x128xf32, #tpu.memory_space<vmem>> -> memref<1x352x128xf32, #tpu.memory_space<vmem>>
        %get3A_1395 = tpu.memref_squeeze %get3A_1394 : memref<1x352x128xf32, #tpu.memory_space<vmem>> -> memref<352x128xf32, #tpu.memory_space<vmem>>
        %get3A_1396 = arith.index_cast %add3A_1347 : i32 to index
        %get3A_1397 = arith.constant 80 : index
        %get3A_1398 = tpu.vector_load %get3A_1395[%get3A_1396, %get3A_1397] {strides = array<i32>} : memref<352x128xf32, #tpu.memory_space<vmem>>, vector<16xf32>,
        %mul3A_1399 = arith.mulf %get3A_223, %get3A_1398 : vector<16xf32>
        %add3A_1400 = arith.addf %add3A_1391, %mul3A_1399 : vector<16xf32>
        %get3A_1401 = arith.constant 0 : i32
        %get3A_1402 = arith.constant 0 : i32
        %get3A_1403 = tpu.memref_slice %arg7[%scan3A_126, %get3A_1401, %get3A_1402] : memref<2x352x128xf32, #tpu.memory_space<vmem>> -> memref<1x352x128xf32, #tpu.memory_space<vmem>>
        %get3A_1404 = tpu.memref_squeeze %get3A_1403 : memref<1x352x128xf32, #tpu.memory_space<vmem>> -> memref<352x128xf32, #tpu.memory_space<vmem>>
        %get3A_1405 = arith.index_cast %add3A_1347 : i32 to index
        %get3A_1406 = arith.constant 96 : index
        %get3A_1407 = tpu.vector_load %get3A_1404[%get3A_1405, %get3A_1406] {strides = array<i32>} : memref<352x128xf32, #tpu.memory_space<vmem>>, vector<16xf32>,
        %mul3A_1408 = arith.mulf %get3A_230, %get3A_1407 : vector<16xf32>
        %add3A_1409 = arith.addf %add3A_1400, %mul3A_1408 : vector<16xf32>
        %get3A_1410 = arith.constant 0 : i32
        %get3A_1411 = arith.constant 0 : i32
        %get3A_1412 = tpu.memref_slice %arg7[%scan3A_126, %get3A_1410, %get3A_1411] : memref<2x352x128xf32, #tpu.memory_space<vmem>> -> memref<1x352x128xf32, #tpu.memory_space<vmem>>
        %get3A_1413 = tpu.memref_squeeze %get3A_1412 : memref<1x352x128xf32, #tpu.memory_space<vmem>> -> memref<352x128xf32, #tpu.memory_space<vmem>>
        %get3A_1414 = arith.index_cast %add3A_1347 : i32 to index
        %get3A_1415 = arith.constant 112 : index
        %get3A_1416 = tpu.vector_load %get3A_1413[%get3A_1414, %get3A_1415] {strides = array<i32>} : memref<352x128xf32, #tpu.memory_space<vmem>>, vector<16xf32>,
        %mul3A_1417 = arith.mulf %get3A_237, %get3A_1416 : vector<16xf32>
        %add3A_1418 = arith.addf %add3A_1409, %mul3A_1417 : vector<16xf32>
        %swap3A_1419 = arith.constant 14 : i32
        %swap3A_1420 = arith.index_cast %swap3A_1419 : i32 to index
        %swap3A_1421 = arith.constant 0 : index
        %swap3A_1422 = tpu.vector_load %arg8[%swap3A_1420, %swap3A_1421] {strides = array<i32>} : memref<32x16xf32, #tpu.memory_space<vmem>>, vector<16xf32>,
        tpu.vector_store %arg8[%swap3A_1420, %swap3A_1421], %add3A_1418 {strides = array<i32>} : memref<32x16xf32, #tpu.memory_space<vmem>>, vector<16xf32>,
        %add3A_1423 = arith.constant 1 : i32
        %add3A_1424 = arith.addi %mul3A_182, %add3A_1423 : i32
        %add3A_1425 = arith.constant 15 : i32
        %add3A_1426 = arith.addi %add3A_1424, %add3A_1425 : i32
        %get3A_1427 = arith.constant 0 : i32
        %get3A_1428 = arith.constant 0 : i32
        %get3A_1429 = tpu.memref_slice %arg7[%scan3A_126, %get3A_1427, %get3A_1428] : memref<2x352x128xf32, #tpu.memory_space<vmem>> -> memref<1x352x128xf32, #tpu.memory_space<vmem>>
        %get3A_1430 = tpu.memref_squeeze %get3A_1429 : memref<1x352x128xf32, #tpu.memory_space<vmem>> -> memref<352x128xf32, #tpu.memory_space<vmem>>
        %get3A_1431 = arith.index_cast %add3A_1426 : i32 to index
        %get3A_1432 = arith.constant 0 : index
        %get3A_1433 = tpu.vector_load %get3A_1430[%get3A_1431, %get3A_1432] {strides = array<i32>} : memref<352x128xf32, #tpu.memory_space<vmem>>, vector<16xf32>,
        %mul3A_1434 = arith.mulf %get3A_188, %get3A_1433 : vector<16xf32>
        %get3A_1435 = arith.constant 0 : i32
        %get3A_1436 = arith.constant 0 : i32
        %get3A_1437 = tpu.memref_slice %arg7[%scan3A_126, %get3A_1435, %get3A_1436] : memref<2x352x128xf32, #tpu.memory_space<vmem>> -> memref<1x352x128xf32, #tpu.memory_space<vmem>>
        %get3A_1438 = tpu.memref_squeeze %get3A_1437 : memref<1x352x128xf32, #tpu.memory_space<vmem>> -> memref<352x128xf32, #tpu.memory_space<vmem>>
        %get3A_1439 = arith.index_cast %add3A_1426 : i32 to index
        %get3A_1440 = arith.constant 16 : index
        %get3A_1441 = tpu.vector_load %get3A_1438[%get3A_1439, %get3A_1440] {strides = array<i32>} : memref<352x128xf32, #tpu.memory_space<vmem>>, vector<16xf32>,
        %mul3A_1442 = arith.mulf %get3A_195, %get3A_1441 : vector<16xf32>
        %add3A_1443 = arith.addf %mul3A_1434, %mul3A_1442 : vector<16xf32>
        %get3A_1444 = arith.constant 0 : i32
        %get3A_1445 = arith.constant 0 : i32
        %get3A_1446 = tpu.memref_slice %arg7[%scan3A_126, %get3A_1444, %get3A_1445] : memref<2x352x128xf32, #tpu.memory_space<vmem>> -> memref<1x352x128xf32, #tpu.memory_space<vmem>>
        %get3A_1447 = tpu.memref_squeeze %get3A_1446 : memref<1x352x128xf32, #tpu.memory_space<vmem>> -> memref<352x128xf32, #tpu.memory_space<vmem>>
        %get3A_1448 = arith.index_cast %add3A_1426 : i32 to index
        %get3A_1449 = arith.constant 32 : index
        %get3A_1450 = tpu.vector_load %get3A_1447[%get3A_1448, %get3A_1449] {strides = array<i32>} : memref<352x128xf32, #tpu.memory_space<vmem>>, vector<16xf32>,
        %mul3A_1451 = arith.mulf %get3A_202, %get3A_1450 : vector<16xf32>
        %add3A_1452 = arith.addf %add3A_1443, %mul3A_1451 : vector<16xf32>
        %get3A_1453 = arith.constant 0 : i32
        %get3A_1454 = arith.constant 0 : i32
        %get3A_1455 = tpu.memref_slice %arg7[%scan3A_126, %get3A_1453, %get3A_1454] : memref<2x352x128xf32, #tpu.memory_space<vmem>> -> memref<1x352x128xf32, #tpu.memory_space<vmem>>
        %get3A_1456 = tpu.memref_squeeze %get3A_1455 : memref<1x352x128xf32, #tpu.memory_space<vmem>> -> memref<352x128xf32, #tpu.memory_space<vmem>>
        %get3A_1457 = arith.index_cast %add3A_1426 : i32 to index
        %get3A_1458 = arith.constant 48 : index
        %get3A_1459 = tpu.vector_load %get3A_1456[%get3A_1457, %get3A_1458] {strides = array<i32>} : memref<352x128xf32, #tpu.memory_space<vmem>>, vector<16xf32>,
        %mul3A_1460 = arith.mulf %get3A_209, %get3A_1459 : vector<16xf32>
        %add3A_1461 = arith.addf %add3A_1452, %mul3A_1460 : vector<16xf32>
        %get3A_1462 = arith.constant 0 : i32
        %get3A_1463 = arith.constant 0 : i32
        %get3A_1464 = tpu.memref_slice %arg7[%scan3A_126, %get3A_1462, %get3A_1463] : memref<2x352x128xf32, #tpu.memory_space<vmem>> -> memref<1x352x128xf32, #tpu.memory_space<vmem>>
        %get3A_1465 = tpu.memref_squeeze %get3A_1464 : memref<1x352x128xf32, #tpu.memory_space<vmem>> -> memref<352x128xf32, #tpu.memory_space<vmem>>
        %get3A_1466 = arith.index_cast %add3A_1426 : i32 to index
        %get3A_1467 = arith.constant 64 : index
        %get3A_1468 = tpu.vector_load %get3A_1465[%get3A_1466, %get3A_1467] {strides = array<i32>} : memref<352x128xf32, #tpu.memory_space<vmem>>, vector<16xf32>,
        %mul3A_1469 = arith.mulf %get3A_216, %get3A_1468 : vector<16xf32>
        %add3A_1470 = arith.addf %add3A_1461, %mul3A_1469 : vector<16xf32>
        %get3A_1471 = arith.constant 0 : i32
        %get3A_1472 = arith.constant 0 : i32
        %get3A_1473 = tpu.memref_slice %arg7[%scan3A_126, %get3A_1471, %get3A_1472] : memref<2x352x128xf32, #tpu.memory_space<vmem>> -> memref<1x352x128xf32, #tpu.memory_space<vmem>>
        %get3A_1474 = tpu.memref_squeeze %get3A_1473 : memref<1x352x128xf32, #tpu.memory_space<vmem>> -> memref<352x128xf32, #tpu.memory_space<vmem>>
        %get3A_1475 = arith.index_cast %add3A_1426 : i32 to index
        %get3A_1476 = arith.constant 80 : index
        %get3A_1477 = tpu.vector_load %get3A_1474[%get3A_1475, %get3A_1476] {strides = array<i32>} : memref<352x128xf32, #tpu.memory_space<vmem>>, vector<16xf32>,
        %mul3A_1478 = arith.mulf %get3A_223, %get3A_1477 : vector<16xf32>
        %add3A_1479 = arith.addf %add3A_1470, %mul3A_1478 : vector<16xf32>
        %get3A_1480 = arith.constant 0 : i32
        %get3A_1481 = arith.constant 0 : i32
        %get3A_1482 = tpu.memref_slice %arg7[%scan3A_126, %get3A_1480, %get3A_1481] : memref<2x352x128xf32, #tpu.memory_space<vmem>> -> memref<1x352x128xf32, #tpu.memory_space<vmem>>
        %get3A_1483 = tpu.memref_squeeze %get3A_1482 : memref<1x352x128xf32, #tpu.memory_space<vmem>> -> memref<352x128xf32, #tpu.memory_space<vmem>>
        %get3A_1484 = arith.index_cast %add3A_1426 : i32 to index
        %get3A_1485 = arith.constant 96 : index
        %get3A_1486 = tpu.vector_load %get3A_1483[%get3A_1484, %get3A_1485] {strides = array<i32>} : memref<352x128xf32, #tpu.memory_space<vmem>>, vector<16xf32>,
        %mul3A_1487 = arith.mulf %get3A_230, %get3A_1486 : vector<16xf32>
        %add3A_1488 = arith.addf %add3A_1479, %mul3A_1487 : vector<16xf32>
        %get3A_1489 = arith.constant 0 : i32
        %get3A_1490 = arith.constant 0 : i32
        %get3A_1491 = tpu.memref_slice %arg7[%scan3A_126, %get3A_1489, %get3A_1490] : memref<2x352x128xf32, #tpu.memory_space<vmem>> -> memref<1x352x128xf32, #tpu.memory_space<vmem>>
        %get3A_1492 = tpu.memref_squeeze %get3A_1491 : memref<1x352x128xf32, #tpu.memory_space<vmem>> -> memref<352x128xf32, #tpu.memory_space<vmem>>
        %get3A_1493 = arith.index_cast %add3A_1426 : i32 to index
        %get3A_1494 = arith.constant 112 : index
        %get3A_1495 = tpu.vector_load %get3A_1492[%get3A_1493, %get3A_1494] {strides = array<i32>} : memref<352x128xf32, #tpu.memory_space<vmem>>, vector<16xf32>,
        %mul3A_1496 = arith.mulf %get3A_237, %get3A_1495 : vector<16xf32>
        %add3A_1497 = arith.addf %add3A_1488, %mul3A_1496 : vector<16xf32>
        %swap3A_1498 = arith.constant 15 : i32
        %swap3A_1499 = arith.index_cast %swap3A_1498 : i32 to index
        %swap3A_1500 = arith.constant 0 : index
        %swap3A_1501 = tpu.vector_load %arg8[%swap3A_1499, %swap3A_1500] {strides = array<i32>} : memref<32x16xf32, #tpu.memory_space<vmem>>, vector<16xf32>,
        tpu.vector_store %arg8[%swap3A_1499, %swap3A_1500], %add3A_1497 {strides = array<i32>} : memref<32x16xf32, #tpu.memory_space<vmem>>, vector<16xf32>,
        %add3A_1502 = arith.constant 1 : i32
        %add3A_1503 = arith.addi %mul3A_182, %add3A_1502 : i32
        %add3A_1504 = arith.constant 16 : i32
        %add3A_1505 = arith.addi %add3A_1503, %add3A_1504 : i32
        %get3A_1506 = arith.constant 0 : i32
        %get3A_1507 = arith.constant 0 : i32
        %get3A_1508 = tpu.memref_slice %arg7[%scan3A_126, %get3A_1506, %get3A_1507] : memref<2x352x128xf32, #tpu.memory_space<vmem>> -> memref<1x352x128xf32, #tpu.memory_space<vmem>>
        %get3A_1509 = tpu.memref_squeeze %get3A_1508 : memref<1x352x128xf32, #tpu.memory_space<vmem>> -> memref<352x128xf32, #tpu.memory_space<vmem>>
        %get3A_1510 = arith.index_cast %add3A_1505 : i32 to index
        %get3A_1511 = arith.constant 0 : index
        %get3A_1512 = tpu.vector_load %get3A_1509[%get3A_1510, %get3A_1511] {strides = array<i32>} : memref<352x128xf32, #tpu.memory_space<vmem>>, vector<16xf32>,
        %mul3A_1513 = arith.mulf %get3A_188, %get3A_1512 : vector<16xf32>
        %get3A_1514 = arith.constant 0 : i32
        %get3A_1515 = arith.constant 0 : i32
        %get3A_1516 = tpu.memref_slice %arg7[%scan3A_126, %get3A_1514, %get3A_1515] : memref<2x352x128xf32, #tpu.memory_space<vmem>> -> memref<1x352x128xf32, #tpu.memory_space<vmem>>
        %get3A_1517 = tpu.memref_squeeze %get3A_1516 : memref<1x352x128xf32, #tpu.memory_space<vmem>> -> memref<352x128xf32, #tpu.memory_space<vmem>>
        %get3A_1518 = arith.index_cast %add3A_1505 : i32 to index
        %get3A_1519 = arith.constant 16 : index
        %get3A_1520 = tpu.vector_load %get3A_1517[%get3A_1518, %get3A_1519] {strides = array<i32>} : memref<352x128xf32, #tpu.memory_space<vmem>>, vector<16xf32>,
        %mul3A_1521 = arith.mulf %get3A_195, %get3A_1520 : vector<16xf32>
        %add3A_1522 = arith.addf %mul3A_1513, %mul3A_1521 : vector<16xf32>
        %get3A_1523 = arith.constant 0 : i32
        %get3A_1524 = arith.constant 0 : i32
        %get3A_1525 = tpu.memref_slice %arg7[%scan3A_126, %get3A_1523, %get3A_1524] : memref<2x352x128xf32, #tpu.memory_space<vmem>> -> memref<1x352x128xf32, #tpu.memory_space<vmem>>
        %get3A_1526 = tpu.memref_squeeze %get3A_1525 : memref<1x352x128xf32, #tpu.memory_space<vmem>> -> memref<352x128xf32, #tpu.memory_space<vmem>>
        %get3A_1527 = arith.index_cast %add3A_1505 : i32 to index
        %get3A_1528 = arith.constant 32 : index
        %get3A_1529 = tpu.vector_load %get3A_1526[%get3A_1527, %get3A_1528] {strides = array<i32>} : memref<352x128xf32, #tpu.memory_space<vmem>>, vector<16xf32>,
        %mul3A_1530 = arith.mulf %get3A_202, %get3A_1529 : vector<16xf32>
        %add3A_1531 = arith.addf %add3A_1522, %mul3A_1530 : vector<16xf32>
        %get3A_1532 = arith.constant 0 : i32
        %get3A_1533 = arith.constant 0 : i32
        %get3A_1534 = tpu.memref_slice %arg7[%scan3A_126, %get3A_1532, %get3A_1533] : memref<2x352x128xf32, #tpu.memory_space<vmem>> -> memref<1x352x128xf32, #tpu.memory_space<vmem>>
        %get3A_1535 = tpu.memref_squeeze %get3A_1534 : memref<1x352x128xf32, #tpu.memory_space<vmem>> -> memref<352x128xf32, #tpu.memory_space<vmem>>
        %get3A_1536 = arith.index_cast %add3A_1505 : i32 to index
        %get3A_1537 = arith.constant 48 : index
        %get3A_1538 = tpu.vector_load %get3A_1535[%get3A_1536, %get3A_1537] {strides = array<i32>} : memref<352x128xf32, #tpu.memory_space<vmem>>, vector<16xf32>,
        %mul3A_1539 = arith.mulf %get3A_209, %get3A_1538 : vector<16xf32>
        %add3A_1540 = arith.addf %add3A_1531, %mul3A_1539 : vector<16xf32>
        %get3A_1541 = arith.constant 0 : i32
        %get3A_1542 = arith.constant 0 : i32
        %get3A_1543 = tpu.memref_slice %arg7[%scan3A_126, %get3A_1541, %get3A_1542] : memref<2x352x128xf32, #tpu.memory_space<vmem>> -> memref<1x352x128xf32, #tpu.memory_space<vmem>>
        %get3A_1544 = tpu.memref_squeeze %get3A_1543 : memref<1x352x128xf32, #tpu.memory_space<vmem>> -> memref<352x128xf32, #tpu.memory_space<vmem>>
        %get3A_1545 = arith.index_cast %add3A_1505 : i32 to index
        %get3A_1546 = arith.constant 64 : index
        %get3A_1547 = tpu.vector_load %get3A_1544[%get3A_1545, %get3A_1546] {strides = array<i32>} : memref<352x128xf32, #tpu.memory_space<vmem>>, vector<16xf32>,
        %mul3A_1548 = arith.mulf %get3A_216, %get3A_1547 : vector<16xf32>
        %add3A_1549 = arith.addf %add3A_1540, %mul3A_1548 : vector<16xf32>
        %get3A_1550 = arith.constant 0 : i32
        %get3A_1551 = arith.constant 0 : i32
        %get3A_1552 = tpu.memref_slice %arg7[%scan3A_126, %get3A_1550, %get3A_1551] : memref<2x352x128xf32, #tpu.memory_space<vmem>> -> memref<1x352x128xf32, #tpu.memory_space<vmem>>
        %get3A_1553 = tpu.memref_squeeze %get3A_1552 : memref<1x352x128xf32, #tpu.memory_space<vmem>> -> memref<352x128xf32, #tpu.memory_space<vmem>>
        %get3A_1554 = arith.index_cast %add3A_1505 : i32 to index
        %get3A_1555 = arith.constant 80 : index
        %get3A_1556 = tpu.vector_load %get3A_1553[%get3A_1554, %get3A_1555] {strides = array<i32>} : memref<352x128xf32, #tpu.memory_space<vmem>>, vector<16xf32>,
        %mul3A_1557 = arith.mulf %get3A_223, %get3A_1556 : vector<16xf32>
        %add3A_1558 = arith.addf %add3A_1549, %mul3A_1557 : vector<16xf32>
        %get3A_1559 = arith.constant 0 : i32
        %get3A_1560 = arith.constant 0 : i32
        %get3A_1561 = tpu.memref_slice %arg7[%scan3A_126, %get3A_1559, %get3A_1560] : memref<2x352x128xf32, #tpu.memory_space<vmem>> -> memref<1x352x128xf32, #tpu.memory_space<vmem>>
        %get3A_1562 = tpu.memref_squeeze %get3A_1561 : memref<1x352x128xf32, #tpu.memory_space<vmem>> -> memref<352x128xf32, #tpu.memory_space<vmem>>
        %get3A_1563 = arith.index_cast %add3A_1505 : i32 to index
        %get3A_1564 = arith.constant 96 : index
        %get3A_1565 = tpu.vector_load %get3A_1562[%get3A_1563, %get3A_1564] {strides = array<i32>} : memref<352x128xf32, #tpu.memory_space<vmem>>, vector<16xf32>,
        %mul3A_1566 = arith.mulf %get3A_230, %get3A_1565 : vector<16xf32>
        %add3A_1567 = arith.addf %add3A_1558, %mul3A_1566 : vector<16xf32>
        %get3A_1568 = arith.constant 0 : i32
        %get3A_1569 = arith.constant 0 : i32
        %get3A_1570 = tpu.memref_slice %arg7[%scan3A_126, %get3A_1568, %get3A_1569] : memref<2x352x128xf32, #tpu.memory_space<vmem>> -> memref<1x352x128xf32, #tpu.memory_space<vmem>>
        %get3A_1571 = tpu.memref_squeeze %get3A_1570 : memref<1x352x128xf32, #tpu.memory_space<vmem>> -> memref<352x128xf32, #tpu.memory_space<vmem>>
        %get3A_1572 = arith.index_cast %add3A_1505 : i32 to index
        %get3A_1573 = arith.constant 112 : index
        %get3A_1574 = tpu.vector_load %get3A_1571[%get3A_1572, %get3A_1573] {strides = array<i32>} : memref<352x128xf32, #tpu.memory_space<vmem>>, vector<16xf32>,
        %mul3A_1575 = arith.mulf %get3A_237, %get3A_1574 : vector<16xf32>
        %add3A_1576 = arith.addf %add3A_1567, %mul3A_1575 : vector<16xf32>
        %swap3A_1577 = arith.constant 16 : i32
        %swap3A_1578 = arith.index_cast %swap3A_1577 : i32 to index
        %swap3A_1579 = arith.constant 0 : index
        %swap3A_1580 = tpu.vector_load %arg8[%swap3A_1578, %swap3A_1579] {strides = array<i32>} : memref<32x16xf32, #tpu.memory_space<vmem>>, vector<16xf32>,
        tpu.vector_store %arg8[%swap3A_1578, %swap3A_1579], %add3A_1576 {strides = array<i32>} : memref<32x16xf32, #tpu.memory_space<vmem>>, vector<16xf32>,
        %add3A_1581 = arith.constant 1 : i32
        %add3A_1582 = arith.addi %mul3A_182, %add3A_1581 : i32
        %add3A_1583 = arith.constant 17 : i32
        %add3A_1584 = arith.addi %add3A_1582, %add3A_1583 : i32
        %get3A_1585 = arith.constant 0 : i32
        %get3A_1586 = arith.constant 0 : i32
        %get3A_1587 = tpu.memref_slice %arg7[%scan3A_126, %get3A_1585, %get3A_1586] : memref<2x352x128xf32, #tpu.memory_space<vmem>> -> memref<1x352x128xf32, #tpu.memory_space<vmem>>
        %get3A_1588 = tpu.memref_squeeze %get3A_1587 : memref<1x352x128xf32, #tpu.memory_space<vmem>> -> memref<352x128xf32, #tpu.memory_space<vmem>>
        %get3A_1589 = arith.index_cast %add3A_1584 : i32 to index
        %get3A_1590 = arith.constant 0 : index
        %get3A_1591 = tpu.vector_load %get3A_1588[%get3A_1589, %get3A_1590] {strides = array<i32>} : memref<352x128xf32, #tpu.memory_space<vmem>>, vector<16xf32>,
        %mul3A_1592 = arith.mulf %get3A_188, %get3A_1591 : vector<16xf32>
        %get3A_1593 = arith.constant 0 : i32
        %get3A_1594 = arith.constant 0 : i32
        %get3A_1595 = tpu.memref_slice %arg7[%scan3A_126, %get3A_1593, %get3A_1594] : memref<2x352x128xf32, #tpu.memory_space<vmem>> -> memref<1x352x128xf32, #tpu.memory_space<vmem>>
        %get3A_1596 = tpu.memref_squeeze %get3A_1595 : memref<1x352x128xf32, #tpu.memory_space<vmem>> -> memref<352x128xf32, #tpu.memory_space<vmem>>
        %get3A_1597 = arith.index_cast %add3A_1584 : i32 to index
        %get3A_1598 = arith.constant 16 : index
        %get3A_1599 = tpu.vector_load %get3A_1596[%get3A_1597, %get3A_1598] {strides = array<i32>} : memref<352x128xf32, #tpu.memory_space<vmem>>, vector<16xf32>,
        %mul3A_1600 = arith.mulf %get3A_195, %get3A_1599 : vector<16xf32>
        %add3A_1601 = arith.addf %mul3A_1592, %mul3A_1600 : vector<16xf32>
        %get3A_1602 = arith.constant 0 : i32
        %get3A_1603 = arith.constant 0 : i32
        %get3A_1604 = tpu.memref_slice %arg7[%scan3A_126, %get3A_1602, %get3A_1603] : memref<2x352x128xf32, #tpu.memory_space<vmem>> -> memref<1x352x128xf32, #tpu.memory_space<vmem>>
        %get3A_1605 = tpu.memref_squeeze %get3A_1604 : memref<1x352x128xf32, #tpu.memory_space<vmem>> -> memref<352x128xf32, #tpu.memory_space<vmem>>
        %get3A_1606 = arith.index_cast %add3A_1584 : i32 to index
        %get3A_1607 = arith.constant 32 : index
        %get3A_1608 = tpu.vector_load %get3A_1605[%get3A_1606, %get3A_1607] {strides = array<i32>} : memref<352x128xf32, #tpu.memory_space<vmem>>, vector<16xf32>,
        %mul3A_1609 = arith.mulf %get3A_202, %get3A_1608 : vector<16xf32>
        %add3A_1610 = arith.addf %add3A_1601, %mul3A_1609 : vector<16xf32>
        %get3A_1611 = arith.constant 0 : i32
        %get3A_1612 = arith.constant 0 : i32
        %get3A_1613 = tpu.memref_slice %arg7[%scan3A_126, %get3A_1611, %get3A_1612] : memref<2x352x128xf32, #tpu.memory_space<vmem>> -> memref<1x352x128xf32, #tpu.memory_space<vmem>>
        %get3A_1614 = tpu.memref_squeeze %get3A_1613 : memref<1x352x128xf32, #tpu.memory_space<vmem>> -> memref<352x128xf32, #tpu.memory_space<vmem>>
        %get3A_1615 = arith.index_cast %add3A_1584 : i32 to index
        %get3A_1616 = arith.constant 48 : index
        %get3A_1617 = tpu.vector_load %get3A_1614[%get3A_1615, %get3A_1616] {strides = array<i32>} : memref<352x128xf32, #tpu.memory_space<vmem>>, vector<16xf32>,
        %mul3A_1618 = arith.mulf %get3A_209, %get3A_1617 : vector<16xf32>
        %add3A_1619 = arith.addf %add3A_1610, %mul3A_1618 : vector<16xf32>
        %get3A_1620 = arith.constant 0 : i32
        %get3A_1621 = arith.constant 0 : i32
        %get3A_1622 = tpu.memref_slice %arg7[%scan3A_126, %get3A_1620, %get3A_1621] : memref<2x352x128xf32, #tpu.memory_space<vmem>> -> memref<1x352x128xf32, #tpu.memory_space<vmem>>
        %get3A_1623 = tpu.memref_squeeze %get3A_1622 : memref<1x352x128xf32, #tpu.memory_space<vmem>> -> memref<352x128xf32, #tpu.memory_space<vmem>>
        %get3A_1624 = arith.index_cast %add3A_1584 : i32 to index
        %get3A_1625 = arith.constant 64 : index
        %get3A_1626 = tpu.vector_load %get3A_1623[%get3A_1624, %get3A_1625] {strides = array<i32>} : memref<352x128xf32, #tpu.memory_space<vmem>>, vector<16xf32>,
        %mul3A_1627 = arith.mulf %get3A_216, %get3A_1626 : vector<16xf32>
        %add3A_1628 = arith.addf %add3A_1619, %mul3A_1627 : vector<16xf32>
        %get3A_1629 = arith.constant 0 : i32
        %get3A_1630 = arith.constant 0 : i32
        %get3A_1631 = tpu.memref_slice %arg7[%scan3A_126, %get3A_1629, %get3A_1630] : memref<2x352x128xf32, #tpu.memory_space<vmem>> -> memref<1x352x128xf32, #tpu.memory_space<vmem>>
        %get3A_1632 = tpu.memref_squeeze %get3A_1631 : memref<1x352x128xf32, #tpu.memory_space<vmem>> -> memref<352x128xf32, #tpu.memory_space<vmem>>
        %get3A_1633 = arith.index_cast %add3A_1584 : i32 to index
        %get3A_1634 = arith.constant 80 : index
        %get3A_1635 = tpu.vector_load %get3A_1632[%get3A_1633, %get3A_1634] {strides = array<i32>} : memref<352x128xf32, #tpu.memory_space<vmem>>, vector<16xf32>,
        %mul3A_1636 = arith.mulf %get3A_223, %get3A_1635 : vector<16xf32>
        %add3A_1637 = arith.addf %add3A_1628, %mul3A_1636 : vector<16xf32>
        %get3A_1638 = arith.constant 0 : i32
        %get3A_1639 = arith.constant 0 : i32
        %get3A_1640 = tpu.memref_slice %arg7[%scan3A_126, %get3A_1638, %get3A_1639] : memref<2x352x128xf32, #tpu.memory_space<vmem>> -> memref<1x352x128xf32, #tpu.memory_space<vmem>>
        %get3A_1641 = tpu.memref_squeeze %get3A_1640 : memref<1x352x128xf32, #tpu.memory_space<vmem>> -> memref<352x128xf32, #tpu.memory_space<vmem>>
        %get3A_1642 = arith.index_cast %add3A_1584 : i32 to index
        %get3A_1643 = arith.constant 96 : index
        %get3A_1644 = tpu.vector_load %get3A_1641[%get3A_1642, %get3A_1643] {strides = array<i32>} : memref<352x128xf32, #tpu.memory_space<vmem>>, vector<16xf32>,
        %mul3A_1645 = arith.mulf %get3A_230, %get3A_1644 : vector<16xf32>
        %add3A_1646 = arith.addf %add3A_1637, %mul3A_1645 : vector<16xf32>
        %get3A_1647 = arith.constant 0 : i32
        %get3A_1648 = arith.constant 0 : i32
        %get3A_1649 = tpu.memref_slice %arg7[%scan3A_126, %get3A_1647, %get3A_1648] : memref<2x352x128xf32, #tpu.memory_space<vmem>> -> memref<1x352x128xf32, #tpu.memory_space<vmem>>
        %get3A_1650 = tpu.memref_squeeze %get3A_1649 : memref<1x352x128xf32, #tpu.memory_space<vmem>> -> memref<352x128xf32, #tpu.memory_space<vmem>>
        %get3A_1651 = arith.index_cast %add3A_1584 : i32 to index
        %get3A_1652 = arith.constant 112 : index
        %get3A_1653 = tpu.vector_load %get3A_1650[%get3A_1651, %get3A_1652] {strides = array<i32>} : memref<352x128xf32, #tpu.memory_space<vmem>>, vector<16xf32>,
        %mul3A_1654 = arith.mulf %get3A_237, %get3A_1653 : vector<16xf32>
        %add3A_1655 = arith.addf %add3A_1646, %mul3A_1654 : vector<16xf32>
        %swap3A_1656 = arith.constant 17 : i32
        %swap3A_1657 = arith.index_cast %swap3A_1656 : i32 to index
        %swap3A_1658 = arith.constant 0 : index
        %swap3A_1659 = tpu.vector_load %arg8[%swap3A_1657, %swap3A_1658] {strides = array<i32>} : memref<32x16xf32, #tpu.memory_space<vmem>>, vector<16xf32>,
        tpu.vector_store %arg8[%swap3A_1657, %swap3A_1658], %add3A_1655 {strides = array<i32>} : memref<32x16xf32, #tpu.memory_space<vmem>>, vector<16xf32>,
        %add3A_1660 = arith.constant 1 : i32
        %add3A_1661 = arith.addi %mul3A_182, %add3A_1660 : i32
        %add3A_1662 = arith.constant 18 : i32
        %add3A_1663 = arith.addi %add3A_1661, %add3A_1662 : i32
        %get3A_1664 = arith.constant 0 : i32
        %get3A_1665 = arith.constant 0 : i32
        %get3A_1666 = tpu.memref_slice %arg7[%scan3A_126, %get3A_1664, %get3A_1665] : memref<2x352x128xf32, #tpu.memory_space<vmem>> -> memref<1x352x128xf32, #tpu.memory_space<vmem>>
        %get3A_1667 = tpu.memref_squeeze %get3A_1666 : memref<1x352x128xf32, #tpu.memory_space<vmem>> -> memref<352x128xf32, #tpu.memory_space<vmem>>
        %get3A_1668 = arith.index_cast %add3A_1663 : i32 to index
        %get3A_1669 = arith.constant 0 : index
        %get3A_1670 = tpu.vector_load %get3A_1667[%get3A_1668, %get3A_1669] {strides = array<i32>} : memref<352x128xf32, #tpu.memory_space<vmem>>, vector<16xf32>,
        %mul3A_1671 = arith.mulf %get3A_188, %get3A_1670 : vector<16xf32>
        %get3A_1672 = arith.constant 0 : i32
        %get3A_1673 = arith.constant 0 : i32
        %get3A_1674 = tpu.memref_slice %arg7[%scan3A_126, %get3A_1672, %get3A_1673] : memref<2x352x128xf32, #tpu.memory_space<vmem>> -> memref<1x352x128xf32, #tpu.memory_space<vmem>>
        %get3A_1675 = tpu.memref_squeeze %get3A_1674 : memref<1x352x128xf32, #tpu.memory_space<vmem>> -> memref<352x128xf32, #tpu.memory_space<vmem>>
        %get3A_1676 = arith.index_cast %add3A_1663 : i32 to index
        %get3A_1677 = arith.constant 16 : index
        %get3A_1678 = tpu.vector_load %get3A_1675[%get3A_1676, %get3A_1677] {strides = array<i32>} : memref<352x128xf32, #tpu.memory_space<vmem>>, vector<16xf32>,
        %mul3A_1679 = arith.mulf %get3A_195, %get3A_1678 : vector<16xf32>
        %add3A_1680 = arith.addf %mul3A_1671, %mul3A_1679 : vector<16xf32>
        %get3A_1681 = arith.constant 0 : i32
        %get3A_1682 = arith.constant 0 : i32
        %get3A_1683 = tpu.memref_slice %arg7[%scan3A_126, %get3A_1681, %get3A_1682] : memref<2x352x128xf32, #tpu.memory_space<vmem>> -> memref<1x352x128xf32, #tpu.memory_space<vmem>>
        %get3A_1684 = tpu.memref_squeeze %get3A_1683 : memref<1x352x128xf32, #tpu.memory_space<vmem>> -> memref<352x128xf32, #tpu.memory_space<vmem>>
        %get3A_1685 = arith.index_cast %add3A_1663 : i32 to index
        %get3A_1686 = arith.constant 32 : index
        %get3A_1687 = tpu.vector_load %get3A_1684[%get3A_1685, %get3A_1686] {strides = array<i32>} : memref<352x128xf32, #tpu.memory_space<vmem>>, vector<16xf32>,
        %mul3A_1688 = arith.mulf %get3A_202, %get3A_1687 : vector<16xf32>
        %add3A_1689 = arith.addf %add3A_1680, %mul3A_1688 : vector<16xf32>
        %get3A_1690 = arith.constant 0 : i32
        %get3A_1691 = arith.constant 0 : i32
        %get3A_1692 = tpu.memref_slice %arg7[%scan3A_126, %get3A_1690, %get3A_1691] : memref<2x352x128xf32, #tpu.memory_space<vmem>> -> memref<1x352x128xf32, #tpu.memory_space<vmem>>
        %get3A_1693 = tpu.memref_squeeze %get3A_1692 : memref<1x352x128xf32, #tpu.memory_space<vmem>> -> memref<352x128xf32, #tpu.memory_space<vmem>>
        %get3A_1694 = arith.index_cast %add3A_1663 : i32 to index
        %get3A_1695 = arith.constant 48 : index
        %get3A_1696 = tpu.vector_load %get3A_1693[%get3A_1694, %get3A_1695] {strides = array<i32>} : memref<352x128xf32, #tpu.memory_space<vmem>>, vector<16xf32>,
        %mul3A_1697 = arith.mulf %get3A_209, %get3A_1696 : vector<16xf32>
        %add3A_1698 = arith.addf %add3A_1689, %mul3A_1697 : vector<16xf32>
        %get3A_1699 = arith.constant 0 : i32
        %get3A_1700 = arith.constant 0 : i32
        %get3A_1701 = tpu.memref_slice %arg7[%scan3A_126, %get3A_1699, %get3A_1700] : memref<2x352x128xf32, #tpu.memory_space<vmem>> -> memref<1x352x128xf32, #tpu.memory_space<vmem>>
        %get3A_1702 = tpu.memref_squeeze %get3A_1701 : memref<1x352x128xf32, #tpu.memory_space<vmem>> -> memref<352x128xf32, #tpu.memory_space<vmem>>
        %get3A_1703 = arith.index_cast %add3A_1663 : i32 to index
        %get3A_1704 = arith.constant 64 : index
        %get3A_1705 = tpu.vector_load %get3A_1702[%get3A_1703, %get3A_1704] {strides = array<i32>} : memref<352x128xf32, #tpu.memory_space<vmem>>, vector<16xf32>,
        %mul3A_1706 = arith.mulf %get3A_216, %get3A_1705 : vector<16xf32>
        %add3A_1707 = arith.addf %add3A_1698, %mul3A_1706 : vector<16xf32>
        %get3A_1708 = arith.constant 0 : i32
        %get3A_1709 = arith.constant 0 : i32
        %get3A_1710 = tpu.memref_slice %arg7[%scan3A_126, %get3A_1708, %get3A_1709] : memref<2x352x128xf32, #tpu.memory_space<vmem>> -> memref<1x352x128xf32, #tpu.memory_space<vmem>>
        %get3A_1711 = tpu.memref_squeeze %get3A_1710 : memref<1x352x128xf32, #tpu.memory_space<vmem>> -> memref<352x128xf32, #tpu.memory_space<vmem>>
        %get3A_1712 = arith.index_cast %add3A_1663 : i32 to index
        %get3A_1713 = arith.constant 80 : index
        %get3A_1714 = tpu.vector_load %get3A_1711[%get3A_1712, %get3A_1713] {strides = array<i32>} : memref<352x128xf32, #tpu.memory_space<vmem>>, vector<16xf32>,
        %mul3A_1715 = arith.mulf %get3A_223, %get3A_1714 : vector<16xf32>
        %add3A_1716 = arith.addf %add3A_1707, %mul3A_1715 : vector<16xf32>
        %get3A_1717 = arith.constant 0 : i32
        %get3A_1718 = arith.constant 0 : i32
        %get3A_1719 = tpu.memref_slice %arg7[%scan3A_126, %get3A_1717, %get3A_1718] : memref<2x352x128xf32, #tpu.memory_space<vmem>> -> memref<1x352x128xf32, #tpu.memory_space<vmem>>
        %get3A_1720 = tpu.memref_squeeze %get3A_1719 : memref<1x352x128xf32, #tpu.memory_space<vmem>> -> memref<352x128xf32, #tpu.memory_space<vmem>>
        %get3A_1721 = arith.index_cast %add3A_1663 : i32 to index
        %get3A_1722 = arith.constant 96 : index
        %get3A_1723 = tpu.vector_load %get3A_1720[%get3A_1721, %get3A_1722] {strides = array<i32>} : memref<352x128xf32, #tpu.memory_space<vmem>>, vector<16xf32>,
        %mul3A_1724 = arith.mulf %get3A_230, %get3A_1723 : vector<16xf32>
        %add3A_1725 = arith.addf %add3A_1716, %mul3A_1724 : vector<16xf32>
        %get3A_1726 = arith.constant 0 : i32
        %get3A_1727 = arith.constant 0 : i32
        %get3A_1728 = tpu.memref_slice %arg7[%scan3A_126, %get3A_1726, %get3A_1727] : memref<2x352x128xf32, #tpu.memory_space<vmem>> -> memref<1x352x128xf32, #tpu.memory_space<vmem>>
        %get3A_1729 = tpu.memref_squeeze %get3A_1728 : memref<1x352x128xf32, #tpu.memory_space<vmem>> -> memref<352x128xf32, #tpu.memory_space<vmem>>
        %get3A_1730 = arith.index_cast %add3A_1663 : i32 to index
        %get3A_1731 = arith.constant 112 : index
        %get3A_1732 = tpu.vector_load %get3A_1729[%get3A_1730, %get3A_1731] {strides = array<i32>} : memref<352x128xf32, #tpu.memory_space<vmem>>, vector<16xf32>,
        %mul3A_1733 = arith.mulf %get3A_237, %get3A_1732 : vector<16xf32>
        %add3A_1734 = arith.addf %add3A_1725, %mul3A_1733 : vector<16xf32>
        %swap3A_1735 = arith.constant 18 : i32
        %swap3A_1736 = arith.index_cast %swap3A_1735 : i32 to index
        %swap3A_1737 = arith.constant 0 : index
        %swap3A_1738 = tpu.vector_load %arg8[%swap3A_1736, %swap3A_1737] {strides = array<i32>} : memref<32x16xf32, #tpu.memory_space<vmem>>, vector<16xf32>,
        tpu.vector_store %arg8[%swap3A_1736, %swap3A_1737], %add3A_1734 {strides = array<i32>} : memref<32x16xf32, #tpu.memory_space<vmem>>, vector<16xf32>,
        %add3A_1739 = arith.constant 1 : i32
        %add3A_1740 = arith.addi %mul3A_182, %add3A_1739 : i32
        %add3A_1741 = arith.constant 19 : i32
        %add3A_1742 = arith.addi %add3A_1740, %add3A_1741 : i32
        %get3A_1743 = arith.constant 0 : i32
        %get3A_1744 = arith.constant 0 : i32
        %get3A_1745 = tpu.memref_slice %arg7[%scan3A_126, %get3A_1743, %get3A_1744] : memref<2x352x128xf32, #tpu.memory_space<vmem>> -> memref<1x352x128xf32, #tpu.memory_space<vmem>>
        %get3A_1746 = tpu.memref_squeeze %get3A_1745 : memref<1x352x128xf32, #tpu.memory_space<vmem>> -> memref<352x128xf32, #tpu.memory_space<vmem>>
        %get3A_1747 = arith.index_cast %add3A_1742 : i32 to index
        %get3A_1748 = arith.constant 0 : index
        %get3A_1749 = tpu.vector_load %get3A_1746[%get3A_1747, %get3A_1748] {strides = array<i32>} : memref<352x128xf32, #tpu.memory_space<vmem>>, vector<16xf32>,
        %mul3A_1750 = arith.mulf %get3A_188, %get3A_1749 : vector<16xf32>
        %get3A_1751 = arith.constant 0 : i32
        %get3A_1752 = arith.constant 0 : i32
        %get3A_1753 = tpu.memref_slice %arg7[%scan3A_126, %get3A_1751, %get3A_1752] : memref<2x352x128xf32, #tpu.memory_space<vmem>> -> memref<1x352x128xf32, #tpu.memory_space<vmem>>
        %get3A_1754 = tpu.memref_squeeze %get3A_1753 : memref<1x352x128xf32, #tpu.memory_space<vmem>> -> memref<352x128xf32, #tpu.memory_space<vmem>>
        %get3A_1755 = arith.index_cast %add3A_1742 : i32 to index
        %get3A_1756 = arith.constant 16 : index
        %get3A_1757 = tpu.vector_load %get3A_1754[%get3A_1755, %get3A_1756] {strides = array<i32>} : memref<352x128xf32, #tpu.memory_space<vmem>>, vector<16xf32>,
        %mul3A_1758 = arith.mulf %get3A_195, %get3A_1757 : vector<16xf32>
        %add3A_1759 = arith.addf %mul3A_1750, %mul3A_1758 : vector<16xf32>
        %get3A_1760 = arith.constant 0 : i32
        %get3A_1761 = arith.constant 0 : i32
        %get3A_1762 = tpu.memref_slice %arg7[%scan3A_126, %get3A_1760, %get3A_1761] : memref<2x352x128xf32, #tpu.memory_space<vmem>> -> memref<1x352x128xf32, #tpu.memory_space<vmem>>
        %get3A_1763 = tpu.memref_squeeze %get3A_1762 : memref<1x352x128xf32, #tpu.memory_space<vmem>> -> memref<352x128xf32, #tpu.memory_space<vmem>>
        %get3A_1764 = arith.index_cast %add3A_1742 : i32 to index
        %get3A_1765 = arith.constant 32 : index
        %get3A_1766 = tpu.vector_load %get3A_1763[%get3A_1764, %get3A_1765] {strides = array<i32>} : memref<352x128xf32, #tpu.memory_space<vmem>>, vector<16xf32>,
        %mul3A_1767 = arith.mulf %get3A_202, %get3A_1766 : vector<16xf32>
        %add3A_1768 = arith.addf %add3A_1759, %mul3A_1767 : vector<16xf32>
        %get3A_1769 = arith.constant 0 : i32
        %get3A_1770 = arith.constant 0 : i32
        %get3A_1771 = tpu.memref_slice %arg7[%scan3A_126, %get3A_1769, %get3A_1770] : memref<2x352x128xf32, #tpu.memory_space<vmem>> -> memref<1x352x128xf32, #tpu.memory_space<vmem>>
        %get3A_1772 = tpu.memref_squeeze %get3A_1771 : memref<1x352x128xf32, #tpu.memory_space<vmem>> -> memref<352x128xf32, #tpu.memory_space<vmem>>
        %get3A_1773 = arith.index_cast %add3A_1742 : i32 to index
        %get3A_1774 = arith.constant 48 : index
        %get3A_1775 = tpu.vector_load %get3A_1772[%get3A_1773, %get3A_1774] {strides = array<i32>} : memref<352x128xf32, #tpu.memory_space<vmem>>, vector<16xf32>,
        %mul3A_1776 = arith.mulf %get3A_209, %get3A_1775 : vector<16xf32>
        %add3A_1777 = arith.addf %add3A_1768, %mul3A_1776 : vector<16xf32>
        %get3A_1778 = arith.constant 0 : i32
        %get3A_1779 = arith.constant 0 : i32
        %get3A_1780 = tpu.memref_slice %arg7[%scan3A_126, %get3A_1778, %get3A_1779] : memref<2x352x128xf32, #tpu.memory_space<vmem>> -> memref<1x352x128xf32, #tpu.memory_space<vmem>>
        %get3A_1781 = tpu.memref_squeeze %get3A_1780 : memref<1x352x128xf32, #tpu.memory_space<vmem>> -> memref<352x128xf32, #tpu.memory_space<vmem>>
        %get3A_1782 = arith.index_cast %add3A_1742 : i32 to index
        %get3A_1783 = arith.constant 64 : index
        %get3A_1784 = tpu.vector_load %get3A_1781[%get3A_1782, %get3A_1783] {strides = array<i32>} : memref<352x128xf32, #tpu.memory_space<vmem>>, vector<16xf32>,
        %mul3A_1785 = arith.mulf %get3A_216, %get3A_1784 : vector<16xf32>
        %add3A_1786 = arith.addf %add3A_1777, %mul3A_1785 : vector<16xf32>
        %get3A_1787 = arith.constant 0 : i32
        %get3A_1788 = arith.constant 0 : i32
        %get3A_1789 = tpu.memref_slice %arg7[%scan3A_126, %get3A_1787, %get3A_1788] : memref<2x352x128xf32, #tpu.memory_space<vmem>> -> memref<1x352x128xf32, #tpu.memory_space<vmem>>
        %get3A_1790 = tpu.memref_squeeze %get3A_1789 : memref<1x352x128xf32, #tpu.memory_space<vmem>> -> memref<352x128xf32, #tpu.memory_space<vmem>>
        %get3A_1791 = arith.index_cast %add3A_1742 : i32 to index
        %get3A_1792 = arith.constant 80 : index
        %get3A_1793 = tpu.vector_load %get3A_1790[%get3A_1791, %get3A_1792] {strides = array<i32>} : memref<352x128xf32, #tpu.memory_space<vmem>>, vector<16xf32>,
        %mul3A_1794 = arith.mulf %get3A_223, %get3A_1793 : vector<16xf32>
        %add3A_1795 = arith.addf %add3A_1786, %mul3A_1794 : vector<16xf32>
        %get3A_1796 = arith.constant 0 : i32
        %get3A_1797 = arith.constant 0 : i32
        %get3A_1798 = tpu.memref_slice %arg7[%scan3A_126, %get3A_1796, %get3A_1797] : memref<2x352x128xf32, #tpu.memory_space<vmem>> -> memref<1x352x128xf32, #tpu.memory_space<vmem>>
        %get3A_1799 = tpu.memref_squeeze %get3A_1798 : memref<1x352x128xf32, #tpu.memory_space<vmem>> -> memref<352x128xf32, #tpu.memory_space<vmem>>
        %get3A_1800 = arith.index_cast %add3A_1742 : i32 to index
        %get3A_1801 = arith.constant 96 : index
        %get3A_1802 = tpu.vector_load %get3A_1799[%get3A_1800, %get3A_1801] {strides = array<i32>} : memref<352x128xf32, #tpu.memory_space<vmem>>, vector<16xf32>,
        %mul3A_1803 = arith.mulf %get3A_230, %get3A_1802 : vector<16xf32>
        %add3A_1804 = arith.addf %add3A_1795, %mul3A_1803 : vector<16xf32>
        %get3A_1805 = arith.constant 0 : i32
        %get3A_1806 = arith.constant 0 : i32
        %get3A_1807 = tpu.memref_slice %arg7[%scan3A_126, %get3A_1805, %get3A_1806] : memref<2x352x128xf32, #tpu.memory_space<vmem>> -> memref<1x352x128xf32, #tpu.memory_space<vmem>>
        %get3A_1808 = tpu.memref_squeeze %get3A_1807 : memref<1x352x128xf32, #tpu.memory_space<vmem>> -> memref<352x128xf32, #tpu.memory_space<vmem>>
        %get3A_1809 = arith.index_cast %add3A_1742 : i32 to index
        %get3A_1810 = arith.constant 112 : index
        %get3A_1811 = tpu.vector_load %get3A_1808[%get3A_1809, %get3A_1810] {strides = array<i32>} : memref<352x128xf32, #tpu.memory_space<vmem>>, vector<16xf32>,
        %mul3A_1812 = arith.mulf %get3A_237, %get3A_1811 : vector<16xf32>
        %add3A_1813 = arith.addf %add3A_1804, %mul3A_1812 : vector<16xf32>
        %swap3A_1814 = arith.constant 19 : i32
        %swap3A_1815 = arith.index_cast %swap3A_1814 : i32 to index
        %swap3A_1816 = arith.constant 0 : index
        %swap3A_1817 = tpu.vector_load %arg8[%swap3A_1815, %swap3A_1816] {strides = array<i32>} : memref<32x16xf32, #tpu.memory_space<vmem>>, vector<16xf32>,
        tpu.vector_store %arg8[%swap3A_1815, %swap3A_1816], %add3A_1813 {strides = array<i32>} : memref<32x16xf32, #tpu.memory_space<vmem>>, vector<16xf32>,
        %add3A_1818 = arith.constant 1 : i32
        %add3A_1819 = arith.addi %mul3A_182, %add3A_1818 : i32
        %add3A_1820 = arith.constant 20 : i32
        %add3A_1821 = arith.addi %add3A_1819, %add3A_1820 : i32
        %get3A_1822 = arith.constant 0 : i32
        %get3A_1823 = arith.constant 0 : i32
        %get3A_1824 = tpu.memref_slice %arg7[%scan3A_126, %get3A_1822, %get3A_1823] : memref<2x352x128xf32, #tpu.memory_space<vmem>> -> memref<1x352x128xf32, #tpu.memory_space<vmem>>
        %get3A_1825 = tpu.memref_squeeze %get3A_1824 : memref<1x352x128xf32, #tpu.memory_space<vmem>> -> memref<352x128xf32, #tpu.memory_space<vmem>>
        %get3A_1826 = arith.index_cast %add3A_1821 : i32 to index
        %get3A_1827 = arith.constant 0 : index
        %get3A_1828 = tpu.vector_load %get3A_1825[%get3A_1826, %get3A_1827] {strides = array<i32>} : memref<352x128xf32, #tpu.memory_space<vmem>>, vector<16xf32>,
        %mul3A_1829 = arith.mulf %get3A_188, %get3A_1828 : vector<16xf32>
        %get3A_1830 = arith.constant 0 : i32
        %get3A_1831 = arith.constant 0 : i32
        %get3A_1832 = tpu.memref_slice %arg7[%scan3A_126, %get3A_1830, %get3A_1831] : memref<2x352x128xf32, #tpu.memory_space<vmem>> -> memref<1x352x128xf32, #tpu.memory_space<vmem>>
        %get3A_1833 = tpu.memref_squeeze %get3A_1832 : memref<1x352x128xf32, #tpu.memory_space<vmem>> -> memref<352x128xf32, #tpu.memory_space<vmem>>
        %get3A_1834 = arith.index_cast %add3A_1821 : i32 to index
        %get3A_1835 = arith.constant 16 : index
        %get3A_1836 = tpu.vector_load %get3A_1833[%get3A_1834, %get3A_1835] {strides = array<i32>} : memref<352x128xf32, #tpu.memory_space<vmem>>, vector<16xf32>,
        %mul3A_1837 = arith.mulf %get3A_195, %get3A_1836 : vector<16xf32>
        %add3A_1838 = arith.addf %mul3A_1829, %mul3A_1837 : vector<16xf32>
        %get3A_1839 = arith.constant 0 : i32
        %get3A_1840 = arith.constant 0 : i32
        %get3A_1841 = tpu.memref_slice %arg7[%scan3A_126, %get3A_1839, %get3A_1840] : memref<2x352x128xf32, #tpu.memory_space<vmem>> -> memref<1x352x128xf32, #tpu.memory_space<vmem>>
        %get3A_1842 = tpu.memref_squeeze %get3A_1841 : memref<1x352x128xf32, #tpu.memory_space<vmem>> -> memref<352x128xf32, #tpu.memory_space<vmem>>
        %get3A_1843 = arith.index_cast %add3A_1821 : i32 to index
        %get3A_1844 = arith.constant 32 : index
        %get3A_1845 = tpu.vector_load %get3A_1842[%get3A_1843, %get3A_1844] {strides = array<i32>} : memref<352x128xf32, #tpu.memory_space<vmem>>, vector<16xf32>,
        %mul3A_1846 = arith.mulf %get3A_202, %get3A_1845 : vector<16xf32>
        %add3A_1847 = arith.addf %add3A_1838, %mul3A_1846 : vector<16xf32>
        %get3A_1848 = arith.constant 0 : i32
        %get3A_1849 = arith.constant 0 : i32
        %get3A_1850 = tpu.memref_slice %arg7[%scan3A_126, %get3A_1848, %get3A_1849] : memref<2x352x128xf32, #tpu.memory_space<vmem>> -> memref<1x352x128xf32, #tpu.memory_space<vmem>>
        %get3A_1851 = tpu.memref_squeeze %get3A_1850 : memref<1x352x128xf32, #tpu.memory_space<vmem>> -> memref<352x128xf32, #tpu.memory_space<vmem>>
        %get3A_1852 = arith.index_cast %add3A_1821 : i32 to index
        %get3A_1853 = arith.constant 48 : index
        %get3A_1854 = tpu.vector_load %get3A_1851[%get3A_1852, %get3A_1853] {strides = array<i32>} : memref<352x128xf32, #tpu.memory_space<vmem>>, vector<16xf32>,
        %mul3A_1855 = arith.mulf %get3A_209, %get3A_1854 : vector<16xf32>
        %add3A_1856 = arith.addf %add3A_1847, %mul3A_1855 : vector<16xf32>
        %get3A_1857 = arith.constant 0 : i32
        %get3A_1858 = arith.constant 0 : i32
        %get3A_1859 = tpu.memref_slice %arg7[%scan3A_126, %get3A_1857, %get3A_1858] : memref<2x352x128xf32, #tpu.memory_space<vmem>> -> memref<1x352x128xf32, #tpu.memory_space<vmem>>
        %get3A_1860 = tpu.memref_squeeze %get3A_1859 : memref<1x352x128xf32, #tpu.memory_space<vmem>> -> memref<352x128xf32, #tpu.memory_space<vmem>>
        %get3A_1861 = arith.index_cast %add3A_1821 : i32 to index
        %get3A_1862 = arith.constant 64 : index
        %get3A_1863 = tpu.vector_load %get3A_1860[%get3A_1861, %get3A_1862] {strides = array<i32>} : memref<352x128xf32, #tpu.memory_space<vmem>>, vector<16xf32>,
        %mul3A_1864 = arith.mulf %get3A_216, %get3A_1863 : vector<16xf32>
        %add3A_1865 = arith.addf %add3A_1856, %mul3A_1864 : vector<16xf32>
        %get3A_1866 = arith.constant 0 : i32
        %get3A_1867 = arith.constant 0 : i32
        %get3A_1868 = tpu.memref_slice %arg7[%scan3A_126, %get3A_1866, %get3A_1867] : memref<2x352x128xf32, #tpu.memory_space<vmem>> -> memref<1x352x128xf32, #tpu.memory_space<vmem>>
        %get3A_1869 = tpu.memref_squeeze %get3A_1868 : memref<1x352x128xf32, #tpu.memory_space<vmem>> -> memref<352x128xf32, #tpu.memory_space<vmem>>
        %get3A_1870 = arith.index_cast %add3A_1821 : i32 to index
        %get3A_1871 = arith.constant 80 : index
        %get3A_1872 = tpu.vector_load %get3A_1869[%get3A_1870, %get3A_1871] {strides = array<i32>} : memref<352x128xf32, #tpu.memory_space<vmem>>, vector<16xf32>,
        %mul3A_1873 = arith.mulf %get3A_223, %get3A_1872 : vector<16xf32>
        %add3A_1874 = arith.addf %add3A_1865, %mul3A_1873 : vector<16xf32>
        %get3A_1875 = arith.constant 0 : i32
        %get3A_1876 = arith.constant 0 : i32
        %get3A_1877 = tpu.memref_slice %arg7[%scan3A_126, %get3A_1875, %get3A_1876] : memref<2x352x128xf32, #tpu.memory_space<vmem>> -> memref<1x352x128xf32, #tpu.memory_space<vmem>>
        %get3A_1878 = tpu.memref_squeeze %get3A_1877 : memref<1x352x128xf32, #tpu.memory_space<vmem>> -> memref<352x128xf32, #tpu.memory_space<vmem>>
        %get3A_1879 = arith.index_cast %add3A_1821 : i32 to index
        %get3A_1880 = arith.constant 96 : index
        %get3A_1881 = tpu.vector_load %get3A_1878[%get3A_1879, %get3A_1880] {strides = array<i32>} : memref<352x128xf32, #tpu.memory_space<vmem>>, vector<16xf32>,
        %mul3A_1882 = arith.mulf %get3A_230, %get3A_1881 : vector<16xf32>
        %add3A_1883 = arith.addf %add3A_1874, %mul3A_1882 : vector<16xf32>
        %get3A_1884 = arith.constant 0 : i32
        %get3A_1885 = arith.constant 0 : i32
        %get3A_1886 = tpu.memref_slice %arg7[%scan3A_126, %get3A_1884, %get3A_1885] : memref<2x352x128xf32, #tpu.memory_space<vmem>> -> memref<1x352x128xf32, #tpu.memory_space<vmem>>
        %get3A_1887 = tpu.memref_squeeze %get3A_1886 : memref<1x352x128xf32, #tpu.memory_space<vmem>> -> memref<352x128xf32, #tpu.memory_space<vmem>>
        %get3A_1888 = arith.index_cast %add3A_1821 : i32 to index
        %get3A_1889 = arith.constant 112 : index
        %get3A_1890 = tpu.vector_load %get3A_1887[%get3A_1888, %get3A_1889] {strides = array<i32>} : memref<352x128xf32, #tpu.memory_space<vmem>>, vector<16xf32>,
        %mul3A_1891 = arith.mulf %get3A_237, %get3A_1890 : vector<16xf32>
        %add3A_1892 = arith.addf %add3A_1883, %mul3A_1891 : vector<16xf32>
        %swap3A_1893 = arith.constant 20 : i32
        %swap3A_1894 = arith.index_cast %swap3A_1893 : i32 to index
        %swap3A_1895 = arith.constant 0 : index
        %swap3A_1896 = tpu.vector_load %arg8[%swap3A_1894, %swap3A_1895] {strides = array<i32>} : memref<32x16xf32, #tpu.memory_space<vmem>>, vector<16xf32>,
        tpu.vector_store %arg8[%swap3A_1894, %swap3A_1895], %add3A_1892 {strides = array<i32>} : memref<32x16xf32, #tpu.memory_space<vmem>>, vector<16xf32>,
        %broadcast_in_dim3A_1897 = arith.constant 0 : i32
        %broadcast_in_dim3A_1898 = vector.broadcast %broadcast_in_dim3A_1897 : i32 to vector<16xi32>
        %gather3A = tpu.vector_load_idx %arg8[%iota3A, %broadcast_in_dim3A_1898] : memref<32x16xf32, #tpu.memory_space<vmem>>[vector<16xi32>, vector<16xi32>], vector<16xf32>,
        %add3A_1899 = arith.constant 16 : i32
        %add3A_1900 = vector.broadcast %add3A_1899 : i32 to vector<16xi32>
        %add3A_1901 = arith.addi %iota3A, %add3A_1900 : vector<16xi32>
        %broadcast_in_dim3A_1902 = arith.constant 0 : i32
        %broadcast_in_dim3A_1903 = vector.broadcast %broadcast_in_dim3A_1902 : i32 to vector<16xi32>
        %gather3A_1904 = tpu.vector_load_idx %arg8[%add3A_1901, %broadcast_in_dim3A_1903] : memref<32x16xf32, #tpu.memory_space<vmem>>[vector<16xi32>, vector<16xi32>], vector<16xf32>,
        %broadcast_in_dim3A_1905 = arith.constant 1 : i32
        %broadcast_in_dim3A_1906 = vector.broadcast %broadcast_in_dim3A_1905 : i32 to vector<16xi32>
        %gather3A_1907 = tpu.vector_load_idx %arg8[%iota3A, %broadcast_in_dim3A_1906] : memref<32x16xf32, #tpu.memory_space<vmem>>[vector<16xi32>, vector<16xi32>], vector<16xf32>,
        %add3A_1908 = arith.addf %gather3A, %gather3A_1907 : vector<16xf32>
        %add3A_1909 = arith.constant 16 : i32
        %add3A_1910 = vector.broadcast %add3A_1909 : i32 to vector<16xi32>
        %add3A_1911 = arith.addi %iota3A, %add3A_1910 : vector<16xi32>
        %gather3A_1912 = tpu.vector_load_idx %arg8[%add3A_1911, %broadcast_in_dim3A_1906] : memref<32x16xf32, #tpu.memory_space<vmem>>[vector<16xi32>, vector<16xi32>], vector<16xf32>,
        %add3A_1913 = arith.addf %gather3A_1904, %gather3A_1912 : vector<16xf32>
        %broadcast_in_dim3A_1914 = arith.constant 2 : i32
        %broadcast_in_dim3A_1915 = vector.broadcast %broadcast_in_dim3A_1914 : i32 to vector<16xi32>
        %gather3A_1916 = tpu.vector_load_idx %arg8[%iota3A, %broadcast_in_dim3A_1915] : memref<32x16xf32, #tpu.memory_space<vmem>>[vector<16xi32>, vector<16xi32>], vector<16xf32>,
        %add3A_1917 = arith.addf %add3A_1908, %gather3A_1916 : vector<16xf32>
        %add3A_1918 = arith.constant 16 : i32
        %add3A_1919 = vector.broadcast %add3A_1918 : i32 to vector<16xi32>
        %add3A_1920 = arith.addi %iota3A, %add3A_1919 : vector<16xi32>
        %gather3A_1921 = tpu.vector_load_idx %arg8[%add3A_1920, %broadcast_in_dim3A_1915] : memref<32x16xf32, #tpu.memory_space<vmem>>[vector<16xi32>, vector<16xi32>], vector<16xf32>,
        %add3A_1922 = arith.addf %add3A_1913, %gather3A_1921 : vector<16xf32>
        %broadcast_in_dim3A_1923 = arith.constant 3 : i32
        %broadcast_in_dim3A_1924 = vector.broadcast %broadcast_in_dim3A_1923 : i32 to vector<16xi32>
        %gather3A_1925 = tpu.vector_load_idx %arg8[%iota3A, %broadcast_in_dim3A_1924] : memref<32x16xf32, #tpu.memory_space<vmem>>[vector<16xi32>, vector<16xi32>], vector<16xf32>,
        %add3A_1926 = arith.addf %add3A_1917, %gather3A_1925 : vector<16xf32>
        %add3A_1927 = arith.constant 16 : i32
        %add3A_1928 = vector.broadcast %add3A_1927 : i32 to vector<16xi32>
        %add3A_1929 = arith.addi %iota3A, %add3A_1928 : vector<16xi32>
        %gather3A_1930 = tpu.vector_load_idx %arg8[%add3A_1929, %broadcast_in_dim3A_1924] : memref<32x16xf32, #tpu.memory_space<vmem>>[vector<16xi32>, vector<16xi32>], vector<16xf32>,
        %add3A_1931 = arith.addf %add3A_1922, %gather3A_1930 : vector<16xf32>
        %broadcast_in_dim3A_1932 = arith.constant 4 : i32
        %broadcast_in_dim3A_1933 = vector.broadcast %broadcast_in_dim3A_1932 : i32 to vector<16xi32>
        %gather3A_1934 = tpu.vector_load_idx %arg8[%iota3A, %broadcast_in_dim3A_1933] : memref<32x16xf32, #tpu.memory_space<vmem>>[vector<16xi32>, vector<16xi32>], vector<16xf32>,
        %add3A_1935 = arith.addf %add3A_1926, %gather3A_1934 : vector<16xf32>
        %add3A_1936 = arith.constant 16 : i32
        %add3A_1937 = vector.broadcast %add3A_1936 : i32 to vector<16xi32>
        %add3A_1938 = arith.addi %iota3A, %add3A_1937 : vector<16xi32>
        %gather3A_1939 = tpu.vector_load_idx %arg8[%add3A_1938, %broadcast_in_dim3A_1933] : memref<32x16xf32, #tpu.memory_space<vmem>>[vector<16xi32>, vector<16xi32>], vector<16xf32>,
        %add3A_1940 = arith.addf %add3A_1931, %gather3A_1939 : vector<16xf32>
        %broadcast_in_dim3A_1941 = arith.constant 5 : i32
        %broadcast_in_dim3A_1942 = vector.broadcast %broadcast_in_dim3A_1941 : i32 to vector<16xi32>
        %gather3A_1943 = tpu.vector_load_idx %arg8[%iota3A, %broadcast_in_dim3A_1942] : memref<32x16xf32, #tpu.memory_space<vmem>>[vector<16xi32>, vector<16xi32>], vector<16xf32>,
        %add3A_1944 = arith.addf %add3A_1935, %gather3A_1943 : vector<16xf32>
        %add3A_1945 = arith.constant 16 : i32
        %add3A_1946 = vector.broadcast %add3A_1945 : i32 to vector<16xi32>
        %add3A_1947 = arith.addi %iota3A, %add3A_1946 : vector<16xi32>
        %gather3A_1948 = tpu.vector_load_idx %arg8[%add3A_1947, %broadcast_in_dim3A_1942] : memref<32x16xf32, #tpu.memory_space<vmem>>[vector<16xi32>, vector<16xi32>], vector<16xf32>,
        %add3A_1949 = arith.addf %add3A_1940, %gather3A_1948 : vector<16xf32>
        %broadcast_in_dim3A_1950 = arith.constant 6 : i32
        %broadcast_in_dim3A_1951 = vector.broadcast %broadcast_in_dim3A_1950 : i32 to vector<16xi32>
        %gather3A_1952 = tpu.vector_load_idx %arg8[%iota3A, %broadcast_in_dim3A_1951] : memref<32x16xf32, #tpu.memory_space<vmem>>[vector<16xi32>, vector<16xi32>], vector<16xf32>,
        %add3A_1953 = arith.addf %add3A_1944, %gather3A_1952 : vector<16xf32>
        %add3A_1954 = arith.constant 16 : i32
        %add3A_1955 = vector.broadcast %add3A_1954 : i32 to vector<16xi32>
        %add3A_1956 = arith.addi %iota3A, %add3A_1955 : vector<16xi32>
        %gather3A_1957 = tpu.vector_load_idx %arg8[%add3A_1956, %broadcast_in_dim3A_1951] : memref<32x16xf32, #tpu.memory_space<vmem>>[vector<16xi32>, vector<16xi32>], vector<16xf32>,
        %add3A_1958 = arith.addf %add3A_1949, %gather3A_1957 : vector<16xf32>
        %broadcast_in_dim3A_1959 = arith.constant 7 : i32
        %broadcast_in_dim3A_1960 = vector.broadcast %broadcast_in_dim3A_1959 : i32 to vector<16xi32>
        %gather3A_1961 = tpu.vector_load_idx %arg8[%iota3A, %broadcast_in_dim3A_1960] : memref<32x16xf32, #tpu.memory_space<vmem>>[vector<16xi32>, vector<16xi32>], vector<16xf32>,
        %add3A_1962 = arith.addf %add3A_1953, %gather3A_1961 : vector<16xf32>
        %add3A_1963 = arith.constant 16 : i32
        %add3A_1964 = vector.broadcast %add3A_1963 : i32 to vector<16xi32>
        %add3A_1965 = arith.addi %iota3A, %add3A_1964 : vector<16xi32>
        %gather3A_1966 = tpu.vector_load_idx %arg8[%add3A_1965, %broadcast_in_dim3A_1960] : memref<32x16xf32, #tpu.memory_space<vmem>>[vector<16xi32>, vector<16xi32>], vector<16xf32>,
        %add3A_1967 = arith.addf %add3A_1958, %gather3A_1966 : vector<16xf32>
        %broadcast_in_dim3A_1968 = arith.constant 8 : i32
        %broadcast_in_dim3A_1969 = vector.broadcast %broadcast_in_dim3A_1968 : i32 to vector<16xi32>
        %gather3A_1970 = tpu.vector_load_idx %arg8[%iota3A, %broadcast_in_dim3A_1969] : memref<32x16xf32, #tpu.memory_space<vmem>>[vector<16xi32>, vector<16xi32>], vector<16xf32>,
        %add3A_1971 = arith.addf %add3A_1962, %gather3A_1970 : vector<16xf32>
        %add3A_1972 = arith.constant 16 : i32
        %add3A_1973 = vector.broadcast %add3A_1972 : i32 to vector<16xi32>
        %add3A_1974 = arith.addi %iota3A, %add3A_1973 : vector<16xi32>
        %gather3A_1975 = tpu.vector_load_idx %arg8[%add3A_1974, %broadcast_in_dim3A_1969] : memref<32x16xf32, #tpu.memory_space<vmem>>[vector<16xi32>, vector<16xi32>], vector<16xf32>,
        %add3A_1976 = arith.addf %add3A_1967, %gather3A_1975 : vector<16xf32>
        %broadcast_in_dim3A_1977 = arith.constant 9 : i32
        %broadcast_in_dim3A_1978 = vector.broadcast %broadcast_in_dim3A_1977 : i32 to vector<16xi32>
        %gather3A_1979 = tpu.vector_load_idx %arg8[%iota3A, %broadcast_in_dim3A_1978] : memref<32x16xf32, #tpu.memory_space<vmem>>[vector<16xi32>, vector<16xi32>], vector<16xf32>,
        %add3A_1980 = arith.addf %add3A_1971, %gather3A_1979 : vector<16xf32>
        %add3A_1981 = arith.constant 16 : i32
        %add3A_1982 = vector.broadcast %add3A_1981 : i32 to vector<16xi32>
        %add3A_1983 = arith.addi %iota3A, %add3A_1982 : vector<16xi32>
        %gather3A_1984 = tpu.vector_load_idx %arg8[%add3A_1983, %broadcast_in_dim3A_1978] : memref<32x16xf32, #tpu.memory_space<vmem>>[vector<16xi32>, vector<16xi32>], vector<16xf32>,
        %add3A_1985 = arith.addf %add3A_1976, %gather3A_1984 : vector<16xf32>
        %broadcast_in_dim3A_1986 = arith.constant 10 : i32
        %broadcast_in_dim3A_1987 = vector.broadcast %broadcast_in_dim3A_1986 : i32 to vector<16xi32>
        %gather3A_1988 = tpu.vector_load_idx %arg8[%iota3A, %broadcast_in_dim3A_1987] : memref<32x16xf32, #tpu.memory_space<vmem>>[vector<16xi32>, vector<16xi32>], vector<16xf32>,
        %add3A_1989 = arith.addf %add3A_1980, %gather3A_1988 : vector<16xf32>
        %add3A_1990 = arith.constant 16 : i32
        %add3A_1991 = vector.broadcast %add3A_1990 : i32 to vector<16xi32>
        %add3A_1992 = arith.addi %iota3A, %add3A_1991 : vector<16xi32>
        %gather3A_1993 = tpu.vector_load_idx %arg8[%add3A_1992, %broadcast_in_dim3A_1987] : memref<32x16xf32, #tpu.memory_space<vmem>>[vector<16xi32>, vector<16xi32>], vector<16xf32>,
        %add3A_1994 = arith.addf %add3A_1985, %gather3A_1993 : vector<16xf32>
        %broadcast_in_dim3A_1995 = arith.constant 11 : i32
        %broadcast_in_dim3A_1996 = vector.broadcast %broadcast_in_dim3A_1995 : i32 to vector<16xi32>
        %gather3A_1997 = tpu.vector_load_idx %arg8[%iota3A, %broadcast_in_dim3A_1996] : memref<32x16xf32, #tpu.memory_space<vmem>>[vector<16xi32>, vector<16xi32>], vector<16xf32>,
        %add3A_1998 = arith.addf %add3A_1989, %gather3A_1997 : vector<16xf32>
        %add3A_1999 = arith.constant 16 : i32
        %add3A_2000 = vector.broadcast %add3A_1999 : i32 to vector<16xi32>
        %add3A_2001 = arith.addi %iota3A, %add3A_2000 : vector<16xi32>
        %gather3A_2002 = tpu.vector_load_idx %arg8[%add3A_2001, %broadcast_in_dim3A_1996] : memref<32x16xf32, #tpu.memory_space<vmem>>[vector<16xi32>, vector<16xi32>], vector<16xf32>,
        %add3A_2003 = arith.addf %add3A_1994, %gather3A_2002 : vector<16xf32>
        %broadcast_in_dim3A_2004 = arith.constant 12 : i32
        %broadcast_in_dim3A_2005 = vector.broadcast %broadcast_in_dim3A_2004 : i32 to vector<16xi32>
        %gather3A_2006 = tpu.vector_load_idx %arg8[%iota3A, %broadcast_in_dim3A_2005] : memref<32x16xf32, #tpu.memory_space<vmem>>[vector<16xi32>, vector<16xi32>], vector<16xf32>,
        %add3A_2007 = arith.addf %add3A_1998, %gather3A_2006 : vector<16xf32>
        %add3A_2008 = arith.constant 16 : i32
        %add3A_2009 = vector.broadcast %add3A_2008 : i32 to vector<16xi32>
        %add3A_2010 = arith.addi %iota3A, %add3A_2009 : vector<16xi32>
        %gather3A_2011 = tpu.vector_load_idx %arg8[%add3A_2010, %broadcast_in_dim3A_2005] : memref<32x16xf32, #tpu.memory_space<vmem>>[vector<16xi32>, vector<16xi32>], vector<16xf32>,
        %add3A_2012 = arith.addf %add3A_2003, %gather3A_2011 : vector<16xf32>
        %broadcast_in_dim3A_2013 = arith.constant 13 : i32
        %broadcast_in_dim3A_2014 = vector.broadcast %broadcast_in_dim3A_2013 : i32 to vector<16xi32>
        %gather3A_2015 = tpu.vector_load_idx %arg8[%iota3A, %broadcast_in_dim3A_2014] : memref<32x16xf32, #tpu.memory_space<vmem>>[vector<16xi32>, vector<16xi32>], vector<16xf32>,
        %add3A_2016 = arith.addf %add3A_2007, %gather3A_2015 : vector<16xf32>
        %add3A_2017 = arith.constant 16 : i32
        %add3A_2018 = vector.broadcast %add3A_2017 : i32 to vector<16xi32>
        %add3A_2019 = arith.addi %iota3A, %add3A_2018 : vector<16xi32>
        %gather3A_2020 = tpu.vector_load_idx %arg8[%add3A_2019, %broadcast_in_dim3A_2014] : memref<32x16xf32, #tpu.memory_space<vmem>>[vector<16xi32>, vector<16xi32>], vector<16xf32>,
        %add3A_2021 = arith.addf %add3A_2012, %gather3A_2020 : vector<16xf32>
        %broadcast_in_dim3A_2022 = arith.constant 14 : i32
        %broadcast_in_dim3A_2023 = vector.broadcast %broadcast_in_dim3A_2022 : i32 to vector<16xi32>
        %gather3A_2024 = tpu.vector_load_idx %arg8[%iota3A, %broadcast_in_dim3A_2023] : memref<32x16xf32, #tpu.memory_space<vmem>>[vector<16xi32>, vector<16xi32>], vector<16xf32>,
        %add3A_2025 = arith.addf %add3A_2016, %gather3A_2024 : vector<16xf32>
        %add3A_2026 = arith.constant 16 : i32
        %add3A_2027 = vector.broadcast %add3A_2026 : i32 to vector<16xi32>
        %add3A_2028 = arith.addi %iota3A, %add3A_2027 : vector<16xi32>
        %gather3A_2029 = tpu.vector_load_idx %arg8[%add3A_2028, %broadcast_in_dim3A_2023] : memref<32x16xf32, #tpu.memory_space<vmem>>[vector<16xi32>, vector<16xi32>], vector<16xf32>,
        %add3A_2030 = arith.addf %add3A_2021, %gather3A_2029 : vector<16xf32>
        %broadcast_in_dim3A_2031 = arith.constant 15 : i32
        %broadcast_in_dim3A_2032 = vector.broadcast %broadcast_in_dim3A_2031 : i32 to vector<16xi32>
        %gather3A_2033 = tpu.vector_load_idx %arg8[%iota3A, %broadcast_in_dim3A_2032] : memref<32x16xf32, #tpu.memory_space<vmem>>[vector<16xi32>, vector<16xi32>], vector<16xf32>,
        %add3A_2034 = arith.addf %add3A_2025, %gather3A_2033 : vector<16xf32>
        %add3A_2035 = arith.constant 16 : i32
        %add3A_2036 = vector.broadcast %add3A_2035 : i32 to vector<16xi32>
        %add3A_2037 = arith.addi %iota3A, %add3A_2036 : vector<16xi32>
        %gather3A_2038 = tpu.vector_load_idx %arg8[%add3A_2037, %broadcast_in_dim3A_2032] : memref<32x16xf32, #tpu.memory_space<vmem>>[vector<16xi32>, vector<16xi32>], vector<16xf32>,
        %add3A_2039 = arith.addf %add3A_2030, %gather3A_2038 : vector<16xf32>
        %mul3A_2040 = arith.constant 16 : i32
        %mul3A_2041 = arith.muli %add3A_91, %mul3A_2040 : i32
        %add3A_2042 = arith.addi %mul3A_2041, %scan3A_180 : i32
        %mul3A_2043 = arith.constant 32 : i32
        %mul3A_2044 = arith.muli %add3A_2042, %mul3A_2043 : i32
        %swap3A_2045 = arith.index_cast %mul3A_2044 : i32 to index
        %swap3A_2046 = tpu.vector_load %arg9[%swap3A_2045] {strides = array<i32>} : memref<16384xf32, #tpu.memory_space<vmem>>, vector<16xf32>,
        tpu.vector_store %arg9[%swap3A_2045], %add3A_2034 {strides = array<i32>} : memref<16384xf32, #tpu.memory_space<vmem>>, vector<16xf32>,
        %mul3A_2047 = arith.constant 32 : i32
        %mul3A_2048 = arith.muli %add3A_2042, %mul3A_2047 : i32
        %add3A_2049 = arith.constant 16 : i32
        %add3A_2050 = arith.addi %mul3A_2048, %add3A_2049 : i32
        %swap3A_2051 = arith.index_cast %add3A_2050 : i32 to index
        %swap3A_2052 = tpu.vector_load %arg9[%swap3A_2051] {strides = array<i32>} : memref<16384xf32, #tpu.memory_space<vmem>>, vector<16xf32>,
        tpu.vector_store %arg9[%swap3A_2051], %add3A_2039 {strides = array<i32>} : memref<16384xf32, #tpu.memory_space<vmem>>, vector<16xf32>,
      }
      %scan3A_131 = arith.constant 16 : i32
      %mul3A_132 = arith.constant 2 : i32
      %mul3A_133 = arith.muli %scan3A_87, %mul3A_132 : i32
      %add3A_134 = arith.constant 1 : i32
      %add3A_135 = arith.addi %mul3A_133, %add3A_134 : i32
      %add3A_136 = arith.constant 1 : i32
      %add3A_137 = arith.addi %add3A_135, %add3A_136 : i32
      %lt3A_138 = arith.constant 32 : i32
      %lt3A_139 = arith.cmpi slt, %add3A_137, %lt3A_138 : i32
      %convert_element_type3A_140 = arith.extui %lt3A_139 : i1 to i32
      %cond3A_141 = arith.constant 0 : i32
      %cond3A_142 = arith.cmpi ne, %convert_element_type3A_140, %cond3A_141 : i32
      scf.if %cond3A_142 {
        %add3A_180 = arith.constant 1 : i32
        %add3A_181 = arith.addi %add3A_135, %add3A_180 : i32
        %mul3A_182 = arith.constant 16 : i32
        %mul3A_183 = arith.muli %add3A_181, %mul3A_182 : i32
        %add3A_184 = arith.addi %mul3A_2, %mul3A_183 : i32
        %mul3A_185 = arith.constant 22 : i32
        %mul3A_186 = arith.muli %add3A_184, %mul3A_185 : i32
        "tpu.region"() ({
          %run_scoped3A = tpu.sem_alloc : memref<!tpu.dma_semaphore, #tpu.memory_space<semaphore_mem>>
          %dma_start3A_217 = tpu.memref_slice %arg3[%mul3A_186] : memref<360480xi32, #tpu.memory_space<hbm>> -> memref<384xi32, #tpu.memory_space<hbm>>
          %dma_start3A_218 = tpu.memref_slice %arg3[%mul3A_186] : memref<360480xi32, #tpu.memory_space<hbm>> -> memref<384xi32, #tpu.memory_space<hbm>>
          tpu.enqueue_dma source(%dma_start3A_218 : memref<384xi32, #tpu.memory_space<hbm>>) target(%arg5 : memref<384xi32, #tpu.memory_space<vmem>>) target_semaphore(%run_scoped3A : memref<!tpu.dma_semaphore, #tpu.memory_space<semaphore_mem>>)
          %dma_wait3A_219 = tpu.memref_slice %arg3[%mul3A_186] : memref<360480xi32, #tpu.memory_space<hbm>> -> memref<384xi32, #tpu.memory_space<hbm>>
          %dma_wait3A_220 = tpu.memref_slice %arg3[%mul3A_186] : memref<360480xi32, #tpu.memory_space<hbm>> -> memref<384xi32, #tpu.memory_space<hbm>>
          tpu.wait_dma2 semaphore(%run_scoped3A : memref<!tpu.dma_semaphore, #tpu.memory_space<semaphore_mem>>) src(%dma_wait3A_220 : memref<384xi32, #tpu.memory_space<hbm>>) dst(%arg5 : memref<384xi32, #tpu.memory_space<vmem>>)
          tpu.yield
        }) : () -> ()
        %dma_start3A_187 = arith.constant 0 : i32
        %dma_start3A_188 = arith.constant 0 : i32
        %dma_start3A_189 = arith.constant 0 : i32
        %dma_start3A_190 = tpu.memref_slice %arg7[%dma_start3A_187, %dma_start3A_188, %dma_start3A_189] : memref<2x352x128xf32, #tpu.memory_space<vmem>> -> memref<1x128x128xf32, #tpu.memory_space<vmem>>
        %dma_start3A_191 = tpu.memref_squeeze %dma_start3A_190 : memref<1x128x128xf32, #tpu.memory_space<vmem>> -> memref<128x128xf32, #tpu.memory_space<vmem>>
        %dma_start3A_192 = arith.constant 0 : i32
        %dma_start3A_193 = tpu.memref_slice %arg5[%dma_start3A_192] : memref<384xi32, #tpu.memory_space<vmem>> -> memref<128xi32, #tpu.memory_space<vmem>>
        %dma_start3A_194 = arith.constant 0 : i32
        %dma_start3A_195 = arith.constant 0 : i32
        %dma_start3A_196 = tpu.memref_slice %arg2[%dma_start3A_194, %dma_start3A_195] : memref<100000x128xf32, #tpu.memory_space<hbm>> -> memref<100000x128xf32, #tpu.memory_space<hbm>>
        tpu.enqueue_indirect_dma source(%dma_start3A_196 : memref<100000x128xf32, #tpu.memory_space<hbm>>) target(%dma_start3A_191 : memref<128x128xf32, #tpu.memory_space<vmem>>) offsets(%dma_start3A_193 : memref<128xi32, #tpu.memory_space<vmem>>) semaphore(%arg10 : memref<!tpu.dma_semaphore, #tpu.memory_space<semaphore_mem>>)
        %dma_start3A_197 = arith.constant 0 : i32
        %dma_start3A_198 = arith.constant 128 : i32
        %dma_start3A_199 = arith.constant 0 : i32
        %dma_start3A_200 = tpu.memref_slice %arg7[%dma_start3A_197, %dma_start3A_198, %dma_start3A_199] : memref<2x352x128xf32, #tpu.memory_space<vmem>> -> memref<1x128x128xf32, #tpu.memory_space<vmem>>
        %dma_start3A_201 = tpu.memref_squeeze %dma_start3A_200 : memref<1x128x128xf32, #tpu.memory_space<vmem>> -> memref<128x128xf32, #tpu.memory_space<vmem>>
        %dma_start3A_202 = arith.constant 128 : i32
        %dma_start3A_203 = tpu.memref_slice %arg5[%dma_start3A_202] : memref<384xi32, #tpu.memory_space<vmem>> -> memref<128xi32, #tpu.memory_space<vmem>>
        %dma_start3A_204 = arith.constant 0 : i32
        %dma_start3A_205 = arith.constant 0 : i32
        %dma_start3A_206 = tpu.memref_slice %arg2[%dma_start3A_204, %dma_start3A_205] : memref<100000x128xf32, #tpu.memory_space<hbm>> -> memref<100000x128xf32, #tpu.memory_space<hbm>>
        tpu.enqueue_indirect_dma source(%dma_start3A_206 : memref<100000x128xf32, #tpu.memory_space<hbm>>) target(%dma_start3A_201 : memref<128x128xf32, #tpu.memory_space<vmem>>) offsets(%dma_start3A_203 : memref<128xi32, #tpu.memory_space<vmem>>) semaphore(%arg10 : memref<!tpu.dma_semaphore, #tpu.memory_space<semaphore_mem>>)
        %dma_start3A_207 = arith.constant 0 : i32
        %dma_start3A_208 = arith.constant 256 : i32
        %dma_start3A_209 = arith.constant 0 : i32
        %dma_start3A_210 = tpu.memref_slice %arg7[%dma_start3A_207, %dma_start3A_208, %dma_start3A_209] : memref<2x352x128xf32, #tpu.memory_space<vmem>> -> memref<1x96x128xf32, #tpu.memory_space<vmem>>
        %dma_start3A_211 = tpu.memref_squeeze %dma_start3A_210 : memref<1x96x128xf32, #tpu.memory_space<vmem>> -> memref<96x128xf32, #tpu.memory_space<vmem>>
        %dma_start3A_212 = arith.constant 256 : i32
        %dma_start3A_213 = tpu.memref_slice %arg5[%dma_start3A_212] : memref<384xi32, #tpu.memory_space<vmem>> -> memref<96xi32, #tpu.memory_space<vmem>>
        %dma_start3A_214 = arith.constant 0 : i32
        %dma_start3A_215 = arith.constant 0 : i32
        %dma_start3A_216 = tpu.memref_slice %arg2[%dma_start3A_214, %dma_start3A_215] : memref<100000x128xf32, #tpu.memory_space<hbm>> -> memref<100000x128xf32, #tpu.memory_space<hbm>>
        tpu.enqueue_indirect_dma source(%dma_start3A_216 : memref<100000x128xf32, #tpu.memory_space<hbm>>) target(%dma_start3A_211 : memref<96x128xf32, #tpu.memory_space<vmem>>) offsets(%dma_start3A_213 : memref<96xi32, #tpu.memory_space<vmem>>) semaphore(%arg10 : memref<!tpu.dma_semaphore, #tpu.memory_space<semaphore_mem>>)
      } else {
      }
      %dma_wait3A_143 = arith.constant 1 : i32
      %dma_wait3A_144 = arith.constant 0 : i32
      %dma_wait3A_145 = arith.constant 0 : i32
      %dma_wait3A_146 = tpu.memref_slice %arg7[%dma_wait3A_143, %dma_wait3A_144, %dma_wait3A_145] : memref<2x352x128xf32, #tpu.memory_space<vmem>> -> memref<1x128x128xf32, #tpu.memory_space<vmem>>
      %dma_wait3A_147 = tpu.memref_squeeze %dma_wait3A_146 : memref<1x128x128xf32, #tpu.memory_space<vmem>> -> memref<128x128xf32, #tpu.memory_space<vmem>>
      %dma_wait3A_148 = arith.constant 0 : i32
      %dma_wait3A_149 = tpu.memref_slice %arg6[%dma_wait3A_148] : memref<384xi32, #tpu.memory_space<vmem>> -> memref<128xi32, #tpu.memory_space<vmem>>
      %dma_wait3A_150 = arith.constant 0 : i32
      %dma_wait3A_151 = arith.constant 0 : i32
      %dma_wait3A_152 = tpu.memref_slice %arg2[%dma_wait3A_150, %dma_wait3A_151] : memref<100000x128xf32, #tpu.memory_space<hbm>> -> memref<100000x128xf32, #tpu.memory_space<hbm>>
      tpu.wait_indirect_dma semaphore(%arg11 : memref<!tpu.dma_semaphore, #tpu.memory_space<semaphore_mem>>) src(%dma_wait3A_152 : memref<100000x128xf32, #tpu.memory_space<hbm>>) dst(%dma_wait3A_147 : memref<128x128xf32, #tpu.memory_space<vmem>>)
      %dma_wait3A_153 = arith.constant 1 : i32
      %dma_wait3A_154 = arith.constant 128 : i32
      %dma_wait3A_155 = arith.constant 0 : i32
      %dma_wait3A_156 = tpu.memref_slice %arg7[%dma_wait3A_153, %dma_wait3A_154, %dma_wait3A_155] : memref<2x352x128xf32, #tpu.memory_space<vmem>> -> memref<1x128x128xf32, #tpu.memory_space<vmem>>
      %dma_wait3A_157 = tpu.memref_squeeze %dma_wait3A_156 : memref<1x128x128xf32, #tpu.memory_space<vmem>> -> memref<128x128xf32, #tpu.memory_space<vmem>>
      %dma_wait3A_158 = arith.constant 128 : i32
      %dma_wait3A_159 = tpu.memref_slice %arg6[%dma_wait3A_158] : memref<384xi32, #tpu.memory_space<vmem>> -> memref<128xi32, #tpu.memory_space<vmem>>
      %dma_wait3A_160 = arith.constant 0 : i32
      %dma_wait3A_161 = arith.constant 0 : i32
      %dma_wait3A_162 = tpu.memref_slice %arg2[%dma_wait3A_160, %dma_wait3A_161] : memref<100000x128xf32, #tpu.memory_space<hbm>> -> memref<100000x128xf32, #tpu.memory_space<hbm>>
      tpu.wait_indirect_dma semaphore(%arg11 : memref<!tpu.dma_semaphore, #tpu.memory_space<semaphore_mem>>) src(%dma_wait3A_162 : memref<100000x128xf32, #tpu.memory_space<hbm>>) dst(%dma_wait3A_157 : memref<128x128xf32, #tpu.memory_space<vmem>>)
      %dma_wait3A_163 = arith.constant 1 : i32
      %dma_wait3A_164 = arith.constant 256 : i32
      %dma_wait3A_165 = arith.constant 0 : i32
      %dma_wait3A_166 = tpu.memref_slice %arg7[%dma_wait3A_163, %dma_wait3A_164, %dma_wait3A_165] : memref<2x352x128xf32, #tpu.memory_space<vmem>> -> memref<1x96x128xf32, #tpu.memory_space<vmem>>
      %dma_wait3A_167 = tpu.memref_squeeze %dma_wait3A_166 : memref<1x96x128xf32, #tpu.memory_space<vmem>> -> memref<96x128xf32, #tpu.memory_space<vmem>>
      %dma_wait3A_168 = arith.constant 256 : i32
      %dma_wait3A_169 = tpu.memref_slice %arg6[%dma_wait3A_168] : memref<384xi32, #tpu.memory_space<vmem>> -> memref<96xi32, #tpu.memory_space<vmem>>
      %dma_wait3A_170 = arith.constant 0 : i32
      %dma_wait3A_171 = arith.constant 0 : i32
      %dma_wait3A_172 = tpu.memref_slice %arg2[%dma_wait3A_170, %dma_wait3A_171] : memref<100000x128xf32, #tpu.memory_space<hbm>> -> memref<100000x128xf32, #tpu.memory_space<hbm>>
      tpu.wait_indirect_dma semaphore(%arg11 : memref<!tpu.dma_semaphore, #tpu.memory_space<semaphore_mem>>) src(%dma_wait3A_172 : memref<100000x128xf32, #tpu.memory_space<hbm>>) dst(%dma_wait3A_167 : memref<96x128xf32, #tpu.memory_space<vmem>>)
      %scan3A_173 = arith.constant 0 : i32
      %scan3A_174 = arith.constant 1 : i32
      %scan3A_175 = arith.constant 0 : i32
      %scan3A_176 = arith.constant 16 : i32
      %scan3A_177 = arith.addi %scan3A_175, %scan3A_176 : i32
      %scan3A_178 = arith.constant 1 : i32
      scf.for %scan3A_180 = %scan3A_175 to %scan3A_177 step %scan3A_178  : i32 {
        %mul3A_181 = arith.constant 22 : i32
        %mul3A_182 = arith.muli %scan3A_180, %mul3A_181 : i32
        %get3A = arith.constant 0 : i32
        %get3A_183 = arith.constant 0 : i32
        %get3A_184 = tpu.memref_slice %arg7[%scan3A_174, %get3A, %get3A_183] : memref<2x352x128xf32, #tpu.memory_space<vmem>> -> memref<1x352x128xf32, #tpu.memory_space<vmem>>
        %get3A_185 = tpu.memref_squeeze %get3A_184 : memref<1x352x128xf32, #tpu.memory_space<vmem>> -> memref<352x128xf32, #tpu.memory_space<vmem>>
        %get3A_186 = arith.index_cast %mul3A_182 : i32 to index
        %get3A_187 = arith.constant 0 : index
        %get3A_188 = tpu.vector_load %get3A_185[%get3A_186, %get3A_187] {strides = array<i32>} : memref<352x128xf32, #tpu.memory_space<vmem>>, vector<16xf32>,
        %get3A_189 = arith.constant 0 : i32
        %get3A_190 = arith.constant 0 : i32
        %get3A_191 = tpu.memref_slice %arg7[%scan3A_174, %get3A_189, %get3A_190] : memref<2x352x128xf32, #tpu.memory_space<vmem>> -> memref<1x352x128xf32, #tpu.memory_space<vmem>>
        %get3A_192 = tpu.memref_squeeze %get3A_191 : memref<1x352x128xf32, #tpu.memory_space<vmem>> -> memref<352x128xf32, #tpu.memory_space<vmem>>
        %get3A_193 = arith.index_cast %mul3A_182 : i32 to index
        %get3A_194 = arith.constant 16 : index
        %get3A_195 = tpu.vector_load %get3A_192[%get3A_193, %get3A_194] {strides = array<i32>} : memref<352x128xf32, #tpu.memory_space<vmem>>, vector<16xf32>,
        %get3A_196 = arith.constant 0 : i32
        %get3A_197 = arith.constant 0 : i32
        %get3A_198 = tpu.memref_slice %arg7[%scan3A_174, %get3A_196, %get3A_197] : memref<2x352x128xf32, #tpu.memory_space<vmem>> -> memref<1x352x128xf32, #tpu.memory_space<vmem>>
        %get3A_199 = tpu.memref_squeeze %get3A_198 : memref<1x352x128xf32, #tpu.memory_space<vmem>> -> memref<352x128xf32, #tpu.memory_space<vmem>>
        %get3A_200 = arith.index_cast %mul3A_182 : i32 to index
        %get3A_201 = arith.constant 32 : index
        %get3A_202 = tpu.vector_load %get3A_199[%get3A_200, %get3A_201] {strides = array<i32>} : memref<352x128xf32, #tpu.memory_space<vmem>>, vector<16xf32>,
        %get3A_203 = arith.constant 0 : i32
        %get3A_204 = arith.constant 0 : i32
        %get3A_205 = tpu.memref_slice %arg7[%scan3A_174, %get3A_203, %get3A_204] : memref<2x352x128xf32, #tpu.memory_space<vmem>> -> memref<1x352x128xf32, #tpu.memory_space<vmem>>
        %get3A_206 = tpu.memref_squeeze %get3A_205 : memref<1x352x128xf32, #tpu.memory_space<vmem>> -> memref<352x128xf32, #tpu.memory_space<vmem>>
        %get3A_207 = arith.index_cast %mul3A_182 : i32 to index
        %get3A_208 = arith.constant 48 : index
        %get3A_209 = tpu.vector_load %get3A_206[%get3A_207, %get3A_208] {strides = array<i32>} : memref<352x128xf32, #tpu.memory_space<vmem>>, vector<16xf32>,
        %get3A_210 = arith.constant 0 : i32
        %get3A_211 = arith.constant 0 : i32
        %get3A_212 = tpu.memref_slice %arg7[%scan3A_174, %get3A_210, %get3A_211] : memref<2x352x128xf32, #tpu.memory_space<vmem>> -> memref<1x352x128xf32, #tpu.memory_space<vmem>>
        %get3A_213 = tpu.memref_squeeze %get3A_212 : memref<1x352x128xf32, #tpu.memory_space<vmem>> -> memref<352x128xf32, #tpu.memory_space<vmem>>
        %get3A_214 = arith.index_cast %mul3A_182 : i32 to index
        %get3A_215 = arith.constant 64 : index
        %get3A_216 = tpu.vector_load %get3A_213[%get3A_214, %get3A_215] {strides = array<i32>} : memref<352x128xf32, #tpu.memory_space<vmem>>, vector<16xf32>,
        %get3A_217 = arith.constant 0 : i32
        %get3A_218 = arith.constant 0 : i32
        %get3A_219 = tpu.memref_slice %arg7[%scan3A_174, %get3A_217, %get3A_218] : memref<2x352x128xf32, #tpu.memory_space<vmem>> -> memref<1x352x128xf32, #tpu.memory_space<vmem>>
        %get3A_220 = tpu.memref_squeeze %get3A_219 : memref<1x352x128xf32, #tpu.memory_space<vmem>> -> memref<352x128xf32, #tpu.memory_space<vmem>>
        %get3A_221 = arith.index_cast %mul3A_182 : i32 to index
        %get3A_222 = arith.constant 80 : index
        %get3A_223 = tpu.vector_load %get3A_220[%get3A_221, %get3A_222] {strides = array<i32>} : memref<352x128xf32, #tpu.memory_space<vmem>>, vector<16xf32>,
        %get3A_224 = arith.constant 0 : i32
        %get3A_225 = arith.constant 0 : i32
        %get3A_226 = tpu.memref_slice %arg7[%scan3A_174, %get3A_224, %get3A_225] : memref<2x352x128xf32, #tpu.memory_space<vmem>> -> memref<1x352x128xf32, #tpu.memory_space<vmem>>
        %get3A_227 = tpu.memref_squeeze %get3A_226 : memref<1x352x128xf32, #tpu.memory_space<vmem>> -> memref<352x128xf32, #tpu.memory_space<vmem>>
        %get3A_228 = arith.index_cast %mul3A_182 : i32 to index
        %get3A_229 = arith.constant 96 : index
        %get3A_230 = tpu.vector_load %get3A_227[%get3A_228, %get3A_229] {strides = array<i32>} : memref<352x128xf32, #tpu.memory_space<vmem>>, vector<16xf32>,
        %get3A_231 = arith.constant 0 : i32
        %get3A_232 = arith.constant 0 : i32
        %get3A_233 = tpu.memref_slice %arg7[%scan3A_174, %get3A_231, %get3A_232] : memref<2x352x128xf32, #tpu.memory_space<vmem>> -> memref<1x352x128xf32, #tpu.memory_space<vmem>>
        %get3A_234 = tpu.memref_squeeze %get3A_233 : memref<1x352x128xf32, #tpu.memory_space<vmem>> -> memref<352x128xf32, #tpu.memory_space<vmem>>
        %get3A_235 = arith.index_cast %mul3A_182 : i32 to index
        %get3A_236 = arith.constant 112 : index
        %get3A_237 = tpu.vector_load %get3A_234[%get3A_235, %get3A_236] {strides = array<i32>} : memref<352x128xf32, #tpu.memory_space<vmem>>, vector<16xf32>,
        %add3A_238 = arith.constant 1 : i32
        %add3A_239 = arith.addi %mul3A_182, %add3A_238 : i32
        %add3A_240 = arith.constant 0 : i32
        %add3A_241 = arith.addi %add3A_239, %add3A_240 : i32
        %get3A_242 = arith.constant 0 : i32
        %get3A_243 = arith.constant 0 : i32
        %get3A_244 = tpu.memref_slice %arg7[%scan3A_174, %get3A_242, %get3A_243] : memref<2x352x128xf32, #tpu.memory_space<vmem>> -> memref<1x352x128xf32, #tpu.memory_space<vmem>>
        %get3A_245 = tpu.memref_squeeze %get3A_244 : memref<1x352x128xf32, #tpu.memory_space<vmem>> -> memref<352x128xf32, #tpu.memory_space<vmem>>
        %get3A_246 = arith.index_cast %add3A_241 : i32 to index
        %get3A_247 = arith.constant 0 : index
        %get3A_248 = tpu.vector_load %get3A_245[%get3A_246, %get3A_247] {strides = array<i32>} : memref<352x128xf32, #tpu.memory_space<vmem>>, vector<16xf32>,
        %mul3A_249 = arith.mulf %get3A_188, %get3A_248 : vector<16xf32>
        %get3A_250 = arith.constant 0 : i32
        %get3A_251 = arith.constant 0 : i32
        %get3A_252 = tpu.memref_slice %arg7[%scan3A_174, %get3A_250, %get3A_251] : memref<2x352x128xf32, #tpu.memory_space<vmem>> -> memref<1x352x128xf32, #tpu.memory_space<vmem>>
        %get3A_253 = tpu.memref_squeeze %get3A_252 : memref<1x352x128xf32, #tpu.memory_space<vmem>> -> memref<352x128xf32, #tpu.memory_space<vmem>>
        %get3A_254 = arith.index_cast %add3A_241 : i32 to index
        %get3A_255 = arith.constant 16 : index
        %get3A_256 = tpu.vector_load %get3A_253[%get3A_254, %get3A_255] {strides = array<i32>} : memref<352x128xf32, #tpu.memory_space<vmem>>, vector<16xf32>,
        %mul3A_257 = arith.mulf %get3A_195, %get3A_256 : vector<16xf32>
        %add3A_258 = arith.addf %mul3A_249, %mul3A_257 : vector<16xf32>
        %get3A_259 = arith.constant 0 : i32
        %get3A_260 = arith.constant 0 : i32
        %get3A_261 = tpu.memref_slice %arg7[%scan3A_174, %get3A_259, %get3A_260] : memref<2x352x128xf32, #tpu.memory_space<vmem>> -> memref<1x352x128xf32, #tpu.memory_space<vmem>>
        %get3A_262 = tpu.memref_squeeze %get3A_261 : memref<1x352x128xf32, #tpu.memory_space<vmem>> -> memref<352x128xf32, #tpu.memory_space<vmem>>
        %get3A_263 = arith.index_cast %add3A_241 : i32 to index
        %get3A_264 = arith.constant 32 : index
        %get3A_265 = tpu.vector_load %get3A_262[%get3A_263, %get3A_264] {strides = array<i32>} : memref<352x128xf32, #tpu.memory_space<vmem>>, vector<16xf32>,
        %mul3A_266 = arith.mulf %get3A_202, %get3A_265 : vector<16xf32>
        %add3A_267 = arith.addf %add3A_258, %mul3A_266 : vector<16xf32>
        %get3A_268 = arith.constant 0 : i32
        %get3A_269 = arith.constant 0 : i32
        %get3A_270 = tpu.memref_slice %arg7[%scan3A_174, %get3A_268, %get3A_269] : memref<2x352x128xf32, #tpu.memory_space<vmem>> -> memref<1x352x128xf32, #tpu.memory_space<vmem>>
        %get3A_271 = tpu.memref_squeeze %get3A_270 : memref<1x352x128xf32, #tpu.memory_space<vmem>> -> memref<352x128xf32, #tpu.memory_space<vmem>>
        %get3A_272 = arith.index_cast %add3A_241 : i32 to index
        %get3A_273 = arith.constant 48 : index
        %get3A_274 = tpu.vector_load %get3A_271[%get3A_272, %get3A_273] {strides = array<i32>} : memref<352x128xf32, #tpu.memory_space<vmem>>, vector<16xf32>,
        %mul3A_275 = arith.mulf %get3A_209, %get3A_274 : vector<16xf32>
        %add3A_276 = arith.addf %add3A_267, %mul3A_275 : vector<16xf32>
        %get3A_277 = arith.constant 0 : i32
        %get3A_278 = arith.constant 0 : i32
        %get3A_279 = tpu.memref_slice %arg7[%scan3A_174, %get3A_277, %get3A_278] : memref<2x352x128xf32, #tpu.memory_space<vmem>> -> memref<1x352x128xf32, #tpu.memory_space<vmem>>
        %get3A_280 = tpu.memref_squeeze %get3A_279 : memref<1x352x128xf32, #tpu.memory_space<vmem>> -> memref<352x128xf32, #tpu.memory_space<vmem>>
        %get3A_281 = arith.index_cast %add3A_241 : i32 to index
        %get3A_282 = arith.constant 64 : index
        %get3A_283 = tpu.vector_load %get3A_280[%get3A_281, %get3A_282] {strides = array<i32>} : memref<352x128xf32, #tpu.memory_space<vmem>>, vector<16xf32>,
        %mul3A_284 = arith.mulf %get3A_216, %get3A_283 : vector<16xf32>
        %add3A_285 = arith.addf %add3A_276, %mul3A_284 : vector<16xf32>
        %get3A_286 = arith.constant 0 : i32
        %get3A_287 = arith.constant 0 : i32
        %get3A_288 = tpu.memref_slice %arg7[%scan3A_174, %get3A_286, %get3A_287] : memref<2x352x128xf32, #tpu.memory_space<vmem>> -> memref<1x352x128xf32, #tpu.memory_space<vmem>>
        %get3A_289 = tpu.memref_squeeze %get3A_288 : memref<1x352x128xf32, #tpu.memory_space<vmem>> -> memref<352x128xf32, #tpu.memory_space<vmem>>
        %get3A_290 = arith.index_cast %add3A_241 : i32 to index
        %get3A_291 = arith.constant 80 : index
        %get3A_292 = tpu.vector_load %get3A_289[%get3A_290, %get3A_291] {strides = array<i32>} : memref<352x128xf32, #tpu.memory_space<vmem>>, vector<16xf32>,
        %mul3A_293 = arith.mulf %get3A_223, %get3A_292 : vector<16xf32>
        %add3A_294 = arith.addf %add3A_285, %mul3A_293 : vector<16xf32>
        %get3A_295 = arith.constant 0 : i32
        %get3A_296 = arith.constant 0 : i32
        %get3A_297 = tpu.memref_slice %arg7[%scan3A_174, %get3A_295, %get3A_296] : memref<2x352x128xf32, #tpu.memory_space<vmem>> -> memref<1x352x128xf32, #tpu.memory_space<vmem>>
        %get3A_298 = tpu.memref_squeeze %get3A_297 : memref<1x352x128xf32, #tpu.memory_space<vmem>> -> memref<352x128xf32, #tpu.memory_space<vmem>>
        %get3A_299 = arith.index_cast %add3A_241 : i32 to index
        %get3A_300 = arith.constant 96 : index
        %get3A_301 = tpu.vector_load %get3A_298[%get3A_299, %get3A_300] {strides = array<i32>} : memref<352x128xf32, #tpu.memory_space<vmem>>, vector<16xf32>,
        %mul3A_302 = arith.mulf %get3A_230, %get3A_301 : vector<16xf32>
        %add3A_303 = arith.addf %add3A_294, %mul3A_302 : vector<16xf32>
        %get3A_304 = arith.constant 0 : i32
        %get3A_305 = arith.constant 0 : i32
        %get3A_306 = tpu.memref_slice %arg7[%scan3A_174, %get3A_304, %get3A_305] : memref<2x352x128xf32, #tpu.memory_space<vmem>> -> memref<1x352x128xf32, #tpu.memory_space<vmem>>
        %get3A_307 = tpu.memref_squeeze %get3A_306 : memref<1x352x128xf32, #tpu.memory_space<vmem>> -> memref<352x128xf32, #tpu.memory_space<vmem>>
        %get3A_308 = arith.index_cast %add3A_241 : i32 to index
        %get3A_309 = arith.constant 112 : index
        %get3A_310 = tpu.vector_load %get3A_307[%get3A_308, %get3A_309] {strides = array<i32>} : memref<352x128xf32, #tpu.memory_space<vmem>>, vector<16xf32>,
        %mul3A_311 = arith.mulf %get3A_237, %get3A_310 : vector<16xf32>
        %add3A_312 = arith.addf %add3A_303, %mul3A_311 : vector<16xf32>
        %swap3A_313 = arith.constant 0 : i32
        %swap3A_314 = arith.index_cast %swap3A_313 : i32 to index
        %swap3A_315 = arith.constant 0 : index
        %swap3A_316 = tpu.vector_load %arg8[%swap3A_314, %swap3A_315] {strides = array<i32>} : memref<32x16xf32, #tpu.memory_space<vmem>>, vector<16xf32>,
        tpu.vector_store %arg8[%swap3A_314, %swap3A_315], %add3A_312 {strides = array<i32>} : memref<32x16xf32, #tpu.memory_space<vmem>>, vector<16xf32>,
        %add3A_317 = arith.constant 1 : i32
        %add3A_318 = arith.addi %mul3A_182, %add3A_317 : i32
        %add3A_319 = arith.constant 1 : i32
        %add3A_320 = arith.addi %add3A_318, %add3A_319 : i32
        %get3A_321 = arith.constant 0 : i32
        %get3A_322 = arith.constant 0 : i32
        %get3A_323 = tpu.memref_slice %arg7[%scan3A_174, %get3A_321, %get3A_322] : memref<2x352x128xf32, #tpu.memory_space<vmem>> -> memref<1x352x128xf32, #tpu.memory_space<vmem>>
        %get3A_324 = tpu.memref_squeeze %get3A_323 : memref<1x352x128xf32, #tpu.memory_space<vmem>> -> memref<352x128xf32, #tpu.memory_space<vmem>>
        %get3A_325 = arith.index_cast %add3A_320 : i32 to index
        %get3A_326 = arith.constant 0 : index
        %get3A_327 = tpu.vector_load %get3A_324[%get3A_325, %get3A_326] {strides = array<i32>} : memref<352x128xf32, #tpu.memory_space<vmem>>, vector<16xf32>,
        %mul3A_328 = arith.mulf %get3A_188, %get3A_327 : vector<16xf32>
        %get3A_329 = arith.constant 0 : i32
        %get3A_330 = arith.constant 0 : i32
        %get3A_331 = tpu.memref_slice %arg7[%scan3A_174, %get3A_329, %get3A_330] : memref<2x352x128xf32, #tpu.memory_space<vmem>> -> memref<1x352x128xf32, #tpu.memory_space<vmem>>
        %get3A_332 = tpu.memref_squeeze %get3A_331 : memref<1x352x128xf32, #tpu.memory_space<vmem>> -> memref<352x128xf32, #tpu.memory_space<vmem>>
        %get3A_333 = arith.index_cast %add3A_320 : i32 to index
        %get3A_334 = arith.constant 16 : index
        %get3A_335 = tpu.vector_load %get3A_332[%get3A_333, %get3A_334] {strides = array<i32>} : memref<352x128xf32, #tpu.memory_space<vmem>>, vector<16xf32>,
        %mul3A_336 = arith.mulf %get3A_195, %get3A_335 : vector<16xf32>
        %add3A_337 = arith.addf %mul3A_328, %mul3A_336 : vector<16xf32>
        %get3A_338 = arith.constant 0 : i32
        %get3A_339 = arith.constant 0 : i32
        %get3A_340 = tpu.memref_slice %arg7[%scan3A_174, %get3A_338, %get3A_339] : memref<2x352x128xf32, #tpu.memory_space<vmem>> -> memref<1x352x128xf32, #tpu.memory_space<vmem>>
        %get3A_341 = tpu.memref_squeeze %get3A_340 : memref<1x352x128xf32, #tpu.memory_space<vmem>> -> memref<352x128xf32, #tpu.memory_space<vmem>>
        %get3A_342 = arith.index_cast %add3A_320 : i32 to index
        %get3A_343 = arith.constant 32 : index
        %get3A_344 = tpu.vector_load %get3A_341[%get3A_342, %get3A_343] {strides = array<i32>} : memref<352x128xf32, #tpu.memory_space<vmem>>, vector<16xf32>,
        %mul3A_345 = arith.mulf %get3A_202, %get3A_344 : vector<16xf32>
        %add3A_346 = arith.addf %add3A_337, %mul3A_345 : vector<16xf32>
        %get3A_347 = arith.constant 0 : i32
        %get3A_348 = arith.constant 0 : i32
        %get3A_349 = tpu.memref_slice %arg7[%scan3A_174, %get3A_347, %get3A_348] : memref<2x352x128xf32, #tpu.memory_space<vmem>> -> memref<1x352x128xf32, #tpu.memory_space<vmem>>
        %get3A_350 = tpu.memref_squeeze %get3A_349 : memref<1x352x128xf32, #tpu.memory_space<vmem>> -> memref<352x128xf32, #tpu.memory_space<vmem>>
        %get3A_351 = arith.index_cast %add3A_320 : i32 to index
        %get3A_352 = arith.constant 48 : index
        %get3A_353 = tpu.vector_load %get3A_350[%get3A_351, %get3A_352] {strides = array<i32>} : memref<352x128xf32, #tpu.memory_space<vmem>>, vector<16xf32>,
        %mul3A_354 = arith.mulf %get3A_209, %get3A_353 : vector<16xf32>
        %add3A_355 = arith.addf %add3A_346, %mul3A_354 : vector<16xf32>
        %get3A_356 = arith.constant 0 : i32
        %get3A_357 = arith.constant 0 : i32
        %get3A_358 = tpu.memref_slice %arg7[%scan3A_174, %get3A_356, %get3A_357] : memref<2x352x128xf32, #tpu.memory_space<vmem>> -> memref<1x352x128xf32, #tpu.memory_space<vmem>>
        %get3A_359 = tpu.memref_squeeze %get3A_358 : memref<1x352x128xf32, #tpu.memory_space<vmem>> -> memref<352x128xf32, #tpu.memory_space<vmem>>
        %get3A_360 = arith.index_cast %add3A_320 : i32 to index
        %get3A_361 = arith.constant 64 : index
        %get3A_362 = tpu.vector_load %get3A_359[%get3A_360, %get3A_361] {strides = array<i32>} : memref<352x128xf32, #tpu.memory_space<vmem>>, vector<16xf32>,
        %mul3A_363 = arith.mulf %get3A_216, %get3A_362 : vector<16xf32>
        %add3A_364 = arith.addf %add3A_355, %mul3A_363 : vector<16xf32>
        %get3A_365 = arith.constant 0 : i32
        %get3A_366 = arith.constant 0 : i32
        %get3A_367 = tpu.memref_slice %arg7[%scan3A_174, %get3A_365, %get3A_366] : memref<2x352x128xf32, #tpu.memory_space<vmem>> -> memref<1x352x128xf32, #tpu.memory_space<vmem>>
        %get3A_368 = tpu.memref_squeeze %get3A_367 : memref<1x352x128xf32, #tpu.memory_space<vmem>> -> memref<352x128xf32, #tpu.memory_space<vmem>>
        %get3A_369 = arith.index_cast %add3A_320 : i32 to index
        %get3A_370 = arith.constant 80 : index
        %get3A_371 = tpu.vector_load %get3A_368[%get3A_369, %get3A_370] {strides = array<i32>} : memref<352x128xf32, #tpu.memory_space<vmem>>, vector<16xf32>,
        %mul3A_372 = arith.mulf %get3A_223, %get3A_371 : vector<16xf32>
        %add3A_373 = arith.addf %add3A_364, %mul3A_372 : vector<16xf32>
        %get3A_374 = arith.constant 0 : i32
        %get3A_375 = arith.constant 0 : i32
        %get3A_376 = tpu.memref_slice %arg7[%scan3A_174, %get3A_374, %get3A_375] : memref<2x352x128xf32, #tpu.memory_space<vmem>> -> memref<1x352x128xf32, #tpu.memory_space<vmem>>
        %get3A_377 = tpu.memref_squeeze %get3A_376 : memref<1x352x128xf32, #tpu.memory_space<vmem>> -> memref<352x128xf32, #tpu.memory_space<vmem>>
        %get3A_378 = arith.index_cast %add3A_320 : i32 to index
        %get3A_379 = arith.constant 96 : index
        %get3A_380 = tpu.vector_load %get3A_377[%get3A_378, %get3A_379] {strides = array<i32>} : memref<352x128xf32, #tpu.memory_space<vmem>>, vector<16xf32>,
        %mul3A_381 = arith.mulf %get3A_230, %get3A_380 : vector<16xf32>
        %add3A_382 = arith.addf %add3A_373, %mul3A_381 : vector<16xf32>
        %get3A_383 = arith.constant 0 : i32
        %get3A_384 = arith.constant 0 : i32
        %get3A_385 = tpu.memref_slice %arg7[%scan3A_174, %get3A_383, %get3A_384] : memref<2x352x128xf32, #tpu.memory_space<vmem>> -> memref<1x352x128xf32, #tpu.memory_space<vmem>>
        %get3A_386 = tpu.memref_squeeze %get3A_385 : memref<1x352x128xf32, #tpu.memory_space<vmem>> -> memref<352x128xf32, #tpu.memory_space<vmem>>
        %get3A_387 = arith.index_cast %add3A_320 : i32 to index
        %get3A_388 = arith.constant 112 : index
        %get3A_389 = tpu.vector_load %get3A_386[%get3A_387, %get3A_388] {strides = array<i32>} : memref<352x128xf32, #tpu.memory_space<vmem>>, vector<16xf32>,
        %mul3A_390 = arith.mulf %get3A_237, %get3A_389 : vector<16xf32>
        %add3A_391 = arith.addf %add3A_382, %mul3A_390 : vector<16xf32>
        %swap3A_392 = arith.constant 1 : i32
        %swap3A_393 = arith.index_cast %swap3A_392 : i32 to index
        %swap3A_394 = arith.constant 0 : index
        %swap3A_395 = tpu.vector_load %arg8[%swap3A_393, %swap3A_394] {strides = array<i32>} : memref<32x16xf32, #tpu.memory_space<vmem>>, vector<16xf32>,
        tpu.vector_store %arg8[%swap3A_393, %swap3A_394], %add3A_391 {strides = array<i32>} : memref<32x16xf32, #tpu.memory_space<vmem>>, vector<16xf32>,
        %add3A_396 = arith.constant 1 : i32
        %add3A_397 = arith.addi %mul3A_182, %add3A_396 : i32
        %add3A_398 = arith.constant 2 : i32
        %add3A_399 = arith.addi %add3A_397, %add3A_398 : i32
        %get3A_400 = arith.constant 0 : i32
        %get3A_401 = arith.constant 0 : i32
        %get3A_402 = tpu.memref_slice %arg7[%scan3A_174, %get3A_400, %get3A_401] : memref<2x352x128xf32, #tpu.memory_space<vmem>> -> memref<1x352x128xf32, #tpu.memory_space<vmem>>
        %get3A_403 = tpu.memref_squeeze %get3A_402 : memref<1x352x128xf32, #tpu.memory_space<vmem>> -> memref<352x128xf32, #tpu.memory_space<vmem>>
        %get3A_404 = arith.index_cast %add3A_399 : i32 to index
        %get3A_405 = arith.constant 0 : index
        %get3A_406 = tpu.vector_load %get3A_403[%get3A_404, %get3A_405] {strides = array<i32>} : memref<352x128xf32, #tpu.memory_space<vmem>>, vector<16xf32>,
        %mul3A_407 = arith.mulf %get3A_188, %get3A_406 : vector<16xf32>
        %get3A_408 = arith.constant 0 : i32
        %get3A_409 = arith.constant 0 : i32
        %get3A_410 = tpu.memref_slice %arg7[%scan3A_174, %get3A_408, %get3A_409] : memref<2x352x128xf32, #tpu.memory_space<vmem>> -> memref<1x352x128xf32, #tpu.memory_space<vmem>>
        %get3A_411 = tpu.memref_squeeze %get3A_410 : memref<1x352x128xf32, #tpu.memory_space<vmem>> -> memref<352x128xf32, #tpu.memory_space<vmem>>
        %get3A_412 = arith.index_cast %add3A_399 : i32 to index
        %get3A_413 = arith.constant 16 : index
        %get3A_414 = tpu.vector_load %get3A_411[%get3A_412, %get3A_413] {strides = array<i32>} : memref<352x128xf32, #tpu.memory_space<vmem>>, vector<16xf32>,
        %mul3A_415 = arith.mulf %get3A_195, %get3A_414 : vector<16xf32>
        %add3A_416 = arith.addf %mul3A_407, %mul3A_415 : vector<16xf32>
        %get3A_417 = arith.constant 0 : i32
        %get3A_418 = arith.constant 0 : i32
        %get3A_419 = tpu.memref_slice %arg7[%scan3A_174, %get3A_417, %get3A_418] : memref<2x352x128xf32, #tpu.memory_space<vmem>> -> memref<1x352x128xf32, #tpu.memory_space<vmem>>
        %get3A_420 = tpu.memref_squeeze %get3A_419 : memref<1x352x128xf32, #tpu.memory_space<vmem>> -> memref<352x128xf32, #tpu.memory_space<vmem>>
        %get3A_421 = arith.index_cast %add3A_399 : i32 to index
        %get3A_422 = arith.constant 32 : index
        %get3A_423 = tpu.vector_load %get3A_420[%get3A_421, %get3A_422] {strides = array<i32>} : memref<352x128xf32, #tpu.memory_space<vmem>>, vector<16xf32>,
        %mul3A_424 = arith.mulf %get3A_202, %get3A_423 : vector<16xf32>
        %add3A_425 = arith.addf %add3A_416, %mul3A_424 : vector<16xf32>
        %get3A_426 = arith.constant 0 : i32
        %get3A_427 = arith.constant 0 : i32
        %get3A_428 = tpu.memref_slice %arg7[%scan3A_174, %get3A_426, %get3A_427] : memref<2x352x128xf32, #tpu.memory_space<vmem>> -> memref<1x352x128xf32, #tpu.memory_space<vmem>>
        %get3A_429 = tpu.memref_squeeze %get3A_428 : memref<1x352x128xf32, #tpu.memory_space<vmem>> -> memref<352x128xf32, #tpu.memory_space<vmem>>
        %get3A_430 = arith.index_cast %add3A_399 : i32 to index
        %get3A_431 = arith.constant 48 : index
        %get3A_432 = tpu.vector_load %get3A_429[%get3A_430, %get3A_431] {strides = array<i32>} : memref<352x128xf32, #tpu.memory_space<vmem>>, vector<16xf32>,
        %mul3A_433 = arith.mulf %get3A_209, %get3A_432 : vector<16xf32>
        %add3A_434 = arith.addf %add3A_425, %mul3A_433 : vector<16xf32>
        %get3A_435 = arith.constant 0 : i32
        %get3A_436 = arith.constant 0 : i32
        %get3A_437 = tpu.memref_slice %arg7[%scan3A_174, %get3A_435, %get3A_436] : memref<2x352x128xf32, #tpu.memory_space<vmem>> -> memref<1x352x128xf32, #tpu.memory_space<vmem>>
        %get3A_438 = tpu.memref_squeeze %get3A_437 : memref<1x352x128xf32, #tpu.memory_space<vmem>> -> memref<352x128xf32, #tpu.memory_space<vmem>>
        %get3A_439 = arith.index_cast %add3A_399 : i32 to index
        %get3A_440 = arith.constant 64 : index
        %get3A_441 = tpu.vector_load %get3A_438[%get3A_439, %get3A_440] {strides = array<i32>} : memref<352x128xf32, #tpu.memory_space<vmem>>, vector<16xf32>,
        %mul3A_442 = arith.mulf %get3A_216, %get3A_441 : vector<16xf32>
        %add3A_443 = arith.addf %add3A_434, %mul3A_442 : vector<16xf32>
        %get3A_444 = arith.constant 0 : i32
        %get3A_445 = arith.constant 0 : i32
        %get3A_446 = tpu.memref_slice %arg7[%scan3A_174, %get3A_444, %get3A_445] : memref<2x352x128xf32, #tpu.memory_space<vmem>> -> memref<1x352x128xf32, #tpu.memory_space<vmem>>
        %get3A_447 = tpu.memref_squeeze %get3A_446 : memref<1x352x128xf32, #tpu.memory_space<vmem>> -> memref<352x128xf32, #tpu.memory_space<vmem>>
        %get3A_448 = arith.index_cast %add3A_399 : i32 to index
        %get3A_449 = arith.constant 80 : index
        %get3A_450 = tpu.vector_load %get3A_447[%get3A_448, %get3A_449] {strides = array<i32>} : memref<352x128xf32, #tpu.memory_space<vmem>>, vector<16xf32>,
        %mul3A_451 = arith.mulf %get3A_223, %get3A_450 : vector<16xf32>
        %add3A_452 = arith.addf %add3A_443, %mul3A_451 : vector<16xf32>
        %get3A_453 = arith.constant 0 : i32
        %get3A_454 = arith.constant 0 : i32
        %get3A_455 = tpu.memref_slice %arg7[%scan3A_174, %get3A_453, %get3A_454] : memref<2x352x128xf32, #tpu.memory_space<vmem>> -> memref<1x352x128xf32, #tpu.memory_space<vmem>>
        %get3A_456 = tpu.memref_squeeze %get3A_455 : memref<1x352x128xf32, #tpu.memory_space<vmem>> -> memref<352x128xf32, #tpu.memory_space<vmem>>
        %get3A_457 = arith.index_cast %add3A_399 : i32 to index
        %get3A_458 = arith.constant 96 : index
        %get3A_459 = tpu.vector_load %get3A_456[%get3A_457, %get3A_458] {strides = array<i32>} : memref<352x128xf32, #tpu.memory_space<vmem>>, vector<16xf32>,
        %mul3A_460 = arith.mulf %get3A_230, %get3A_459 : vector<16xf32>
        %add3A_461 = arith.addf %add3A_452, %mul3A_460 : vector<16xf32>
        %get3A_462 = arith.constant 0 : i32
        %get3A_463 = arith.constant 0 : i32
        %get3A_464 = tpu.memref_slice %arg7[%scan3A_174, %get3A_462, %get3A_463] : memref<2x352x128xf32, #tpu.memory_space<vmem>> -> memref<1x352x128xf32, #tpu.memory_space<vmem>>
        %get3A_465 = tpu.memref_squeeze %get3A_464 : memref<1x352x128xf32, #tpu.memory_space<vmem>> -> memref<352x128xf32, #tpu.memory_space<vmem>>
        %get3A_466 = arith.index_cast %add3A_399 : i32 to index
        %get3A_467 = arith.constant 112 : index
        %get3A_468 = tpu.vector_load %get3A_465[%get3A_466, %get3A_467] {strides = array<i32>} : memref<352x128xf32, #tpu.memory_space<vmem>>, vector<16xf32>,
        %mul3A_469 = arith.mulf %get3A_237, %get3A_468 : vector<16xf32>
        %add3A_470 = arith.addf %add3A_461, %mul3A_469 : vector<16xf32>
        %swap3A_471 = arith.constant 2 : i32
        %swap3A_472 = arith.index_cast %swap3A_471 : i32 to index
        %swap3A_473 = arith.constant 0 : index
        %swap3A_474 = tpu.vector_load %arg8[%swap3A_472, %swap3A_473] {strides = array<i32>} : memref<32x16xf32, #tpu.memory_space<vmem>>, vector<16xf32>,
        tpu.vector_store %arg8[%swap3A_472, %swap3A_473], %add3A_470 {strides = array<i32>} : memref<32x16xf32, #tpu.memory_space<vmem>>, vector<16xf32>,
        %add3A_475 = arith.constant 1 : i32
        %add3A_476 = arith.addi %mul3A_182, %add3A_475 : i32
        %add3A_477 = arith.constant 3 : i32
        %add3A_478 = arith.addi %add3A_476, %add3A_477 : i32
        %get3A_479 = arith.constant 0 : i32
        %get3A_480 = arith.constant 0 : i32
        %get3A_481 = tpu.memref_slice %arg7[%scan3A_174, %get3A_479, %get3A_480] : memref<2x352x128xf32, #tpu.memory_space<vmem>> -> memref<1x352x128xf32, #tpu.memory_space<vmem>>
        %get3A_482 = tpu.memref_squeeze %get3A_481 : memref<1x352x128xf32, #tpu.memory_space<vmem>> -> memref<352x128xf32, #tpu.memory_space<vmem>>
        %get3A_483 = arith.index_cast %add3A_478 : i32 to index
        %get3A_484 = arith.constant 0 : index
        %get3A_485 = tpu.vector_load %get3A_482[%get3A_483, %get3A_484] {strides = array<i32>} : memref<352x128xf32, #tpu.memory_space<vmem>>, vector<16xf32>,
        %mul3A_486 = arith.mulf %get3A_188, %get3A_485 : vector<16xf32>
        %get3A_487 = arith.constant 0 : i32
        %get3A_488 = arith.constant 0 : i32
        %get3A_489 = tpu.memref_slice %arg7[%scan3A_174, %get3A_487, %get3A_488] : memref<2x352x128xf32, #tpu.memory_space<vmem>> -> memref<1x352x128xf32, #tpu.memory_space<vmem>>
        %get3A_490 = tpu.memref_squeeze %get3A_489 : memref<1x352x128xf32, #tpu.memory_space<vmem>> -> memref<352x128xf32, #tpu.memory_space<vmem>>
        %get3A_491 = arith.index_cast %add3A_478 : i32 to index
        %get3A_492 = arith.constant 16 : index
        %get3A_493 = tpu.vector_load %get3A_490[%get3A_491, %get3A_492] {strides = array<i32>} : memref<352x128xf32, #tpu.memory_space<vmem>>, vector<16xf32>,
        %mul3A_494 = arith.mulf %get3A_195, %get3A_493 : vector<16xf32>
        %add3A_495 = arith.addf %mul3A_486, %mul3A_494 : vector<16xf32>
        %get3A_496 = arith.constant 0 : i32
        %get3A_497 = arith.constant 0 : i32
        %get3A_498 = tpu.memref_slice %arg7[%scan3A_174, %get3A_496, %get3A_497] : memref<2x352x128xf32, #tpu.memory_space<vmem>> -> memref<1x352x128xf32, #tpu.memory_space<vmem>>
        %get3A_499 = tpu.memref_squeeze %get3A_498 : memref<1x352x128xf32, #tpu.memory_space<vmem>> -> memref<352x128xf32, #tpu.memory_space<vmem>>
        %get3A_500 = arith.index_cast %add3A_478 : i32 to index
        %get3A_501 = arith.constant 32 : index
        %get3A_502 = tpu.vector_load %get3A_499[%get3A_500, %get3A_501] {strides = array<i32>} : memref<352x128xf32, #tpu.memory_space<vmem>>, vector<16xf32>,
        %mul3A_503 = arith.mulf %get3A_202, %get3A_502 : vector<16xf32>
        %add3A_504 = arith.addf %add3A_495, %mul3A_503 : vector<16xf32>
        %get3A_505 = arith.constant 0 : i32
        %get3A_506 = arith.constant 0 : i32
        %get3A_507 = tpu.memref_slice %arg7[%scan3A_174, %get3A_505, %get3A_506] : memref<2x352x128xf32, #tpu.memory_space<vmem>> -> memref<1x352x128xf32, #tpu.memory_space<vmem>>
        %get3A_508 = tpu.memref_squeeze %get3A_507 : memref<1x352x128xf32, #tpu.memory_space<vmem>> -> memref<352x128xf32, #tpu.memory_space<vmem>>
        %get3A_509 = arith.index_cast %add3A_478 : i32 to index
        %get3A_510 = arith.constant 48 : index
        %get3A_511 = tpu.vector_load %get3A_508[%get3A_509, %get3A_510] {strides = array<i32>} : memref<352x128xf32, #tpu.memory_space<vmem>>, vector<16xf32>,
        %mul3A_512 = arith.mulf %get3A_209, %get3A_511 : vector<16xf32>
        %add3A_513 = arith.addf %add3A_504, %mul3A_512 : vector<16xf32>
        %get3A_514 = arith.constant 0 : i32
        %get3A_515 = arith.constant 0 : i32
        %get3A_516 = tpu.memref_slice %arg7[%scan3A_174, %get3A_514, %get3A_515] : memref<2x352x128xf32, #tpu.memory_space<vmem>> -> memref<1x352x128xf32, #tpu.memory_space<vmem>>
        %get3A_517 = tpu.memref_squeeze %get3A_516 : memref<1x352x128xf32, #tpu.memory_space<vmem>> -> memref<352x128xf32, #tpu.memory_space<vmem>>
        %get3A_518 = arith.index_cast %add3A_478 : i32 to index
        %get3A_519 = arith.constant 64 : index
        %get3A_520 = tpu.vector_load %get3A_517[%get3A_518, %get3A_519] {strides = array<i32>} : memref<352x128xf32, #tpu.memory_space<vmem>>, vector<16xf32>,
        %mul3A_521 = arith.mulf %get3A_216, %get3A_520 : vector<16xf32>
        %add3A_522 = arith.addf %add3A_513, %mul3A_521 : vector<16xf32>
        %get3A_523 = arith.constant 0 : i32
        %get3A_524 = arith.constant 0 : i32
        %get3A_525 = tpu.memref_slice %arg7[%scan3A_174, %get3A_523, %get3A_524] : memref<2x352x128xf32, #tpu.memory_space<vmem>> -> memref<1x352x128xf32, #tpu.memory_space<vmem>>
        %get3A_526 = tpu.memref_squeeze %get3A_525 : memref<1x352x128xf32, #tpu.memory_space<vmem>> -> memref<352x128xf32, #tpu.memory_space<vmem>>
        %get3A_527 = arith.index_cast %add3A_478 : i32 to index
        %get3A_528 = arith.constant 80 : index
        %get3A_529 = tpu.vector_load %get3A_526[%get3A_527, %get3A_528] {strides = array<i32>} : memref<352x128xf32, #tpu.memory_space<vmem>>, vector<16xf32>,
        %mul3A_530 = arith.mulf %get3A_223, %get3A_529 : vector<16xf32>
        %add3A_531 = arith.addf %add3A_522, %mul3A_530 : vector<16xf32>
        %get3A_532 = arith.constant 0 : i32
        %get3A_533 = arith.constant 0 : i32
        %get3A_534 = tpu.memref_slice %arg7[%scan3A_174, %get3A_532, %get3A_533] : memref<2x352x128xf32, #tpu.memory_space<vmem>> -> memref<1x352x128xf32, #tpu.memory_space<vmem>>
        %get3A_535 = tpu.memref_squeeze %get3A_534 : memref<1x352x128xf32, #tpu.memory_space<vmem>> -> memref<352x128xf32, #tpu.memory_space<vmem>>
        %get3A_536 = arith.index_cast %add3A_478 : i32 to index
        %get3A_537 = arith.constant 96 : index
        %get3A_538 = tpu.vector_load %get3A_535[%get3A_536, %get3A_537] {strides = array<i32>} : memref<352x128xf32, #tpu.memory_space<vmem>>, vector<16xf32>,
        %mul3A_539 = arith.mulf %get3A_230, %get3A_538 : vector<16xf32>
        %add3A_540 = arith.addf %add3A_531, %mul3A_539 : vector<16xf32>
        %get3A_541 = arith.constant 0 : i32
        %get3A_542 = arith.constant 0 : i32
        %get3A_543 = tpu.memref_slice %arg7[%scan3A_174, %get3A_541, %get3A_542] : memref<2x352x128xf32, #tpu.memory_space<vmem>> -> memref<1x352x128xf32, #tpu.memory_space<vmem>>
        %get3A_544 = tpu.memref_squeeze %get3A_543 : memref<1x352x128xf32, #tpu.memory_space<vmem>> -> memref<352x128xf32, #tpu.memory_space<vmem>>
        %get3A_545 = arith.index_cast %add3A_478 : i32 to index
        %get3A_546 = arith.constant 112 : index
        %get3A_547 = tpu.vector_load %get3A_544[%get3A_545, %get3A_546] {strides = array<i32>} : memref<352x128xf32, #tpu.memory_space<vmem>>, vector<16xf32>,
        %mul3A_548 = arith.mulf %get3A_237, %get3A_547 : vector<16xf32>
        %add3A_549 = arith.addf %add3A_540, %mul3A_548 : vector<16xf32>
        %swap3A_550 = arith.constant 3 : i32
        %swap3A_551 = arith.index_cast %swap3A_550 : i32 to index
        %swap3A_552 = arith.constant 0 : index
        %swap3A_553 = tpu.vector_load %arg8[%swap3A_551, %swap3A_552] {strides = array<i32>} : memref<32x16xf32, #tpu.memory_space<vmem>>, vector<16xf32>,
        tpu.vector_store %arg8[%swap3A_551, %swap3A_552], %add3A_549 {strides = array<i32>} : memref<32x16xf32, #tpu.memory_space<vmem>>, vector<16xf32>,
        %add3A_554 = arith.constant 1 : i32
        %add3A_555 = arith.addi %mul3A_182, %add3A_554 : i32
        %add3A_556 = arith.constant 4 : i32
        %add3A_557 = arith.addi %add3A_555, %add3A_556 : i32
        %get3A_558 = arith.constant 0 : i32
        %get3A_559 = arith.constant 0 : i32
        %get3A_560 = tpu.memref_slice %arg7[%scan3A_174, %get3A_558, %get3A_559] : memref<2x352x128xf32, #tpu.memory_space<vmem>> -> memref<1x352x128xf32, #tpu.memory_space<vmem>>
        %get3A_561 = tpu.memref_squeeze %get3A_560 : memref<1x352x128xf32, #tpu.memory_space<vmem>> -> memref<352x128xf32, #tpu.memory_space<vmem>>
        %get3A_562 = arith.index_cast %add3A_557 : i32 to index
        %get3A_563 = arith.constant 0 : index
        %get3A_564 = tpu.vector_load %get3A_561[%get3A_562, %get3A_563] {strides = array<i32>} : memref<352x128xf32, #tpu.memory_space<vmem>>, vector<16xf32>,
        %mul3A_565 = arith.mulf %get3A_188, %get3A_564 : vector<16xf32>
        %get3A_566 = arith.constant 0 : i32
        %get3A_567 = arith.constant 0 : i32
        %get3A_568 = tpu.memref_slice %arg7[%scan3A_174, %get3A_566, %get3A_567] : memref<2x352x128xf32, #tpu.memory_space<vmem>> -> memref<1x352x128xf32, #tpu.memory_space<vmem>>
        %get3A_569 = tpu.memref_squeeze %get3A_568 : memref<1x352x128xf32, #tpu.memory_space<vmem>> -> memref<352x128xf32, #tpu.memory_space<vmem>>
        %get3A_570 = arith.index_cast %add3A_557 : i32 to index
        %get3A_571 = arith.constant 16 : index
        %get3A_572 = tpu.vector_load %get3A_569[%get3A_570, %get3A_571] {strides = array<i32>} : memref<352x128xf32, #tpu.memory_space<vmem>>, vector<16xf32>,
        %mul3A_573 = arith.mulf %get3A_195, %get3A_572 : vector<16xf32>
        %add3A_574 = arith.addf %mul3A_565, %mul3A_573 : vector<16xf32>
        %get3A_575 = arith.constant 0 : i32
        %get3A_576 = arith.constant 0 : i32
        %get3A_577 = tpu.memref_slice %arg7[%scan3A_174, %get3A_575, %get3A_576] : memref<2x352x128xf32, #tpu.memory_space<vmem>> -> memref<1x352x128xf32, #tpu.memory_space<vmem>>
        %get3A_578 = tpu.memref_squeeze %get3A_577 : memref<1x352x128xf32, #tpu.memory_space<vmem>> -> memref<352x128xf32, #tpu.memory_space<vmem>>
        %get3A_579 = arith.index_cast %add3A_557 : i32 to index
        %get3A_580 = arith.constant 32 : index
        %get3A_581 = tpu.vector_load %get3A_578[%get3A_579, %get3A_580] {strides = array<i32>} : memref<352x128xf32, #tpu.memory_space<vmem>>, vector<16xf32>,
        %mul3A_582 = arith.mulf %get3A_202, %get3A_581 : vector<16xf32>
        %add3A_583 = arith.addf %add3A_574, %mul3A_582 : vector<16xf32>
        %get3A_584 = arith.constant 0 : i32
        %get3A_585 = arith.constant 0 : i32
        %get3A_586 = tpu.memref_slice %arg7[%scan3A_174, %get3A_584, %get3A_585] : memref<2x352x128xf32, #tpu.memory_space<vmem>> -> memref<1x352x128xf32, #tpu.memory_space<vmem>>
        %get3A_587 = tpu.memref_squeeze %get3A_586 : memref<1x352x128xf32, #tpu.memory_space<vmem>> -> memref<352x128xf32, #tpu.memory_space<vmem>>
        %get3A_588 = arith.index_cast %add3A_557 : i32 to index
        %get3A_589 = arith.constant 48 : index
        %get3A_590 = tpu.vector_load %get3A_587[%get3A_588, %get3A_589] {strides = array<i32>} : memref<352x128xf32, #tpu.memory_space<vmem>>, vector<16xf32>,
        %mul3A_591 = arith.mulf %get3A_209, %get3A_590 : vector<16xf32>
        %add3A_592 = arith.addf %add3A_583, %mul3A_591 : vector<16xf32>
        %get3A_593 = arith.constant 0 : i32
        %get3A_594 = arith.constant 0 : i32
        %get3A_595 = tpu.memref_slice %arg7[%scan3A_174, %get3A_593, %get3A_594] : memref<2x352x128xf32, #tpu.memory_space<vmem>> -> memref<1x352x128xf32, #tpu.memory_space<vmem>>
        %get3A_596 = tpu.memref_squeeze %get3A_595 : memref<1x352x128xf32, #tpu.memory_space<vmem>> -> memref<352x128xf32, #tpu.memory_space<vmem>>
        %get3A_597 = arith.index_cast %add3A_557 : i32 to index
        %get3A_598 = arith.constant 64 : index
        %get3A_599 = tpu.vector_load %get3A_596[%get3A_597, %get3A_598] {strides = array<i32>} : memref<352x128xf32, #tpu.memory_space<vmem>>, vector<16xf32>,
        %mul3A_600 = arith.mulf %get3A_216, %get3A_599 : vector<16xf32>
        %add3A_601 = arith.addf %add3A_592, %mul3A_600 : vector<16xf32>
        %get3A_602 = arith.constant 0 : i32
        %get3A_603 = arith.constant 0 : i32
        %get3A_604 = tpu.memref_slice %arg7[%scan3A_174, %get3A_602, %get3A_603] : memref<2x352x128xf32, #tpu.memory_space<vmem>> -> memref<1x352x128xf32, #tpu.memory_space<vmem>>
        %get3A_605 = tpu.memref_squeeze %get3A_604 : memref<1x352x128xf32, #tpu.memory_space<vmem>> -> memref<352x128xf32, #tpu.memory_space<vmem>>
        %get3A_606 = arith.index_cast %add3A_557 : i32 to index
        %get3A_607 = arith.constant 80 : index
        %get3A_608 = tpu.vector_load %get3A_605[%get3A_606, %get3A_607] {strides = array<i32>} : memref<352x128xf32, #tpu.memory_space<vmem>>, vector<16xf32>,
        %mul3A_609 = arith.mulf %get3A_223, %get3A_608 : vector<16xf32>
        %add3A_610 = arith.addf %add3A_601, %mul3A_609 : vector<16xf32>
        %get3A_611 = arith.constant 0 : i32
        %get3A_612 = arith.constant 0 : i32
        %get3A_613 = tpu.memref_slice %arg7[%scan3A_174, %get3A_611, %get3A_612] : memref<2x352x128xf32, #tpu.memory_space<vmem>> -> memref<1x352x128xf32, #tpu.memory_space<vmem>>
        %get3A_614 = tpu.memref_squeeze %get3A_613 : memref<1x352x128xf32, #tpu.memory_space<vmem>> -> memref<352x128xf32, #tpu.memory_space<vmem>>
        %get3A_615 = arith.index_cast %add3A_557 : i32 to index
        %get3A_616 = arith.constant 96 : index
        %get3A_617 = tpu.vector_load %get3A_614[%get3A_615, %get3A_616] {strides = array<i32>} : memref<352x128xf32, #tpu.memory_space<vmem>>, vector<16xf32>,
        %mul3A_618 = arith.mulf %get3A_230, %get3A_617 : vector<16xf32>
        %add3A_619 = arith.addf %add3A_610, %mul3A_618 : vector<16xf32>
        %get3A_620 = arith.constant 0 : i32
        %get3A_621 = arith.constant 0 : i32
        %get3A_622 = tpu.memref_slice %arg7[%scan3A_174, %get3A_620, %get3A_621] : memref<2x352x128xf32, #tpu.memory_space<vmem>> -> memref<1x352x128xf32, #tpu.memory_space<vmem>>
        %get3A_623 = tpu.memref_squeeze %get3A_622 : memref<1x352x128xf32, #tpu.memory_space<vmem>> -> memref<352x128xf32, #tpu.memory_space<vmem>>
        %get3A_624 = arith.index_cast %add3A_557 : i32 to index
        %get3A_625 = arith.constant 112 : index
        %get3A_626 = tpu.vector_load %get3A_623[%get3A_624, %get3A_625] {strides = array<i32>} : memref<352x128xf32, #tpu.memory_space<vmem>>, vector<16xf32>,
        %mul3A_627 = arith.mulf %get3A_237, %get3A_626 : vector<16xf32>
        %add3A_628 = arith.addf %add3A_619, %mul3A_627 : vector<16xf32>
        %swap3A_629 = arith.constant 4 : i32
        %swap3A_630 = arith.index_cast %swap3A_629 : i32 to index
        %swap3A_631 = arith.constant 0 : index
        %swap3A_632 = tpu.vector_load %arg8[%swap3A_630, %swap3A_631] {strides = array<i32>} : memref<32x16xf32, #tpu.memory_space<vmem>>, vector<16xf32>,
        tpu.vector_store %arg8[%swap3A_630, %swap3A_631], %add3A_628 {strides = array<i32>} : memref<32x16xf32, #tpu.memory_space<vmem>>, vector<16xf32>,
        %add3A_633 = arith.constant 1 : i32
        %add3A_634 = arith.addi %mul3A_182, %add3A_633 : i32
        %add3A_635 = arith.constant 5 : i32
        %add3A_636 = arith.addi %add3A_634, %add3A_635 : i32
        %get3A_637 = arith.constant 0 : i32
        %get3A_638 = arith.constant 0 : i32
        %get3A_639 = tpu.memref_slice %arg7[%scan3A_174, %get3A_637, %get3A_638] : memref<2x352x128xf32, #tpu.memory_space<vmem>> -> memref<1x352x128xf32, #tpu.memory_space<vmem>>
        %get3A_640 = tpu.memref_squeeze %get3A_639 : memref<1x352x128xf32, #tpu.memory_space<vmem>> -> memref<352x128xf32, #tpu.memory_space<vmem>>
        %get3A_641 = arith.index_cast %add3A_636 : i32 to index
        %get3A_642 = arith.constant 0 : index
        %get3A_643 = tpu.vector_load %get3A_640[%get3A_641, %get3A_642] {strides = array<i32>} : memref<352x128xf32, #tpu.memory_space<vmem>>, vector<16xf32>,
        %mul3A_644 = arith.mulf %get3A_188, %get3A_643 : vector<16xf32>
        %get3A_645 = arith.constant 0 : i32
        %get3A_646 = arith.constant 0 : i32
        %get3A_647 = tpu.memref_slice %arg7[%scan3A_174, %get3A_645, %get3A_646] : memref<2x352x128xf32, #tpu.memory_space<vmem>> -> memref<1x352x128xf32, #tpu.memory_space<vmem>>
        %get3A_648 = tpu.memref_squeeze %get3A_647 : memref<1x352x128xf32, #tpu.memory_space<vmem>> -> memref<352x128xf32, #tpu.memory_space<vmem>>
        %get3A_649 = arith.index_cast %add3A_636 : i32 to index
        %get3A_650 = arith.constant 16 : index
        %get3A_651 = tpu.vector_load %get3A_648[%get3A_649, %get3A_650] {strides = array<i32>} : memref<352x128xf32, #tpu.memory_space<vmem>>, vector<16xf32>,
        %mul3A_652 = arith.mulf %get3A_195, %get3A_651 : vector<16xf32>
        %add3A_653 = arith.addf %mul3A_644, %mul3A_652 : vector<16xf32>
        %get3A_654 = arith.constant 0 : i32
        %get3A_655 = arith.constant 0 : i32
        %get3A_656 = tpu.memref_slice %arg7[%scan3A_174, %get3A_654, %get3A_655] : memref<2x352x128xf32, #tpu.memory_space<vmem>> -> memref<1x352x128xf32, #tpu.memory_space<vmem>>
        %get3A_657 = tpu.memref_squeeze %get3A_656 : memref<1x352x128xf32, #tpu.memory_space<vmem>> -> memref<352x128xf32, #tpu.memory_space<vmem>>
        %get3A_658 = arith.index_cast %add3A_636 : i32 to index
        %get3A_659 = arith.constant 32 : index
        %get3A_660 = tpu.vector_load %get3A_657[%get3A_658, %get3A_659] {strides = array<i32>} : memref<352x128xf32, #tpu.memory_space<vmem>>, vector<16xf32>,
        %mul3A_661 = arith.mulf %get3A_202, %get3A_660 : vector<16xf32>
        %add3A_662 = arith.addf %add3A_653, %mul3A_661 : vector<16xf32>
        %get3A_663 = arith.constant 0 : i32
        %get3A_664 = arith.constant 0 : i32
        %get3A_665 = tpu.memref_slice %arg7[%scan3A_174, %get3A_663, %get3A_664] : memref<2x352x128xf32, #tpu.memory_space<vmem>> -> memref<1x352x128xf32, #tpu.memory_space<vmem>>
        %get3A_666 = tpu.memref_squeeze %get3A_665 : memref<1x352x128xf32, #tpu.memory_space<vmem>> -> memref<352x128xf32, #tpu.memory_space<vmem>>
        %get3A_667 = arith.index_cast %add3A_636 : i32 to index
        %get3A_668 = arith.constant 48 : index
        %get3A_669 = tpu.vector_load %get3A_666[%get3A_667, %get3A_668] {strides = array<i32>} : memref<352x128xf32, #tpu.memory_space<vmem>>, vector<16xf32>,
        %mul3A_670 = arith.mulf %get3A_209, %get3A_669 : vector<16xf32>
        %add3A_671 = arith.addf %add3A_662, %mul3A_670 : vector<16xf32>
        %get3A_672 = arith.constant 0 : i32
        %get3A_673 = arith.constant 0 : i32
        %get3A_674 = tpu.memref_slice %arg7[%scan3A_174, %get3A_672, %get3A_673] : memref<2x352x128xf32, #tpu.memory_space<vmem>> -> memref<1x352x128xf32, #tpu.memory_space<vmem>>
        %get3A_675 = tpu.memref_squeeze %get3A_674 : memref<1x352x128xf32, #tpu.memory_space<vmem>> -> memref<352x128xf32, #tpu.memory_space<vmem>>
        %get3A_676 = arith.index_cast %add3A_636 : i32 to index
        %get3A_677 = arith.constant 64 : index
        %get3A_678 = tpu.vector_load %get3A_675[%get3A_676, %get3A_677] {strides = array<i32>} : memref<352x128xf32, #tpu.memory_space<vmem>>, vector<16xf32>,
        %mul3A_679 = arith.mulf %get3A_216, %get3A_678 : vector<16xf32>
        %add3A_680 = arith.addf %add3A_671, %mul3A_679 : vector<16xf32>
        %get3A_681 = arith.constant 0 : i32
        %get3A_682 = arith.constant 0 : i32
        %get3A_683 = tpu.memref_slice %arg7[%scan3A_174, %get3A_681, %get3A_682] : memref<2x352x128xf32, #tpu.memory_space<vmem>> -> memref<1x352x128xf32, #tpu.memory_space<vmem>>
        %get3A_684 = tpu.memref_squeeze %get3A_683 : memref<1x352x128xf32, #tpu.memory_space<vmem>> -> memref<352x128xf32, #tpu.memory_space<vmem>>
        %get3A_685 = arith.index_cast %add3A_636 : i32 to index
        %get3A_686 = arith.constant 80 : index
        %get3A_687 = tpu.vector_load %get3A_684[%get3A_685, %get3A_686] {strides = array<i32>} : memref<352x128xf32, #tpu.memory_space<vmem>>, vector<16xf32>,
        %mul3A_688 = arith.mulf %get3A_223, %get3A_687 : vector<16xf32>
        %add3A_689 = arith.addf %add3A_680, %mul3A_688 : vector<16xf32>
        %get3A_690 = arith.constant 0 : i32
        %get3A_691 = arith.constant 0 : i32
        %get3A_692 = tpu.memref_slice %arg7[%scan3A_174, %get3A_690, %get3A_691] : memref<2x352x128xf32, #tpu.memory_space<vmem>> -> memref<1x352x128xf32, #tpu.memory_space<vmem>>
        %get3A_693 = tpu.memref_squeeze %get3A_692 : memref<1x352x128xf32, #tpu.memory_space<vmem>> -> memref<352x128xf32, #tpu.memory_space<vmem>>
        %get3A_694 = arith.index_cast %add3A_636 : i32 to index
        %get3A_695 = arith.constant 96 : index
        %get3A_696 = tpu.vector_load %get3A_693[%get3A_694, %get3A_695] {strides = array<i32>} : memref<352x128xf32, #tpu.memory_space<vmem>>, vector<16xf32>,
        %mul3A_697 = arith.mulf %get3A_230, %get3A_696 : vector<16xf32>
        %add3A_698 = arith.addf %add3A_689, %mul3A_697 : vector<16xf32>
        %get3A_699 = arith.constant 0 : i32
        %get3A_700 = arith.constant 0 : i32
        %get3A_701 = tpu.memref_slice %arg7[%scan3A_174, %get3A_699, %get3A_700] : memref<2x352x128xf32, #tpu.memory_space<vmem>> -> memref<1x352x128xf32, #tpu.memory_space<vmem>>
        %get3A_702 = tpu.memref_squeeze %get3A_701 : memref<1x352x128xf32, #tpu.memory_space<vmem>> -> memref<352x128xf32, #tpu.memory_space<vmem>>
        %get3A_703 = arith.index_cast %add3A_636 : i32 to index
        %get3A_704 = arith.constant 112 : index
        %get3A_705 = tpu.vector_load %get3A_702[%get3A_703, %get3A_704] {strides = array<i32>} : memref<352x128xf32, #tpu.memory_space<vmem>>, vector<16xf32>,
        %mul3A_706 = arith.mulf %get3A_237, %get3A_705 : vector<16xf32>
        %add3A_707 = arith.addf %add3A_698, %mul3A_706 : vector<16xf32>
        %swap3A_708 = arith.constant 5 : i32
        %swap3A_709 = arith.index_cast %swap3A_708 : i32 to index
        %swap3A_710 = arith.constant 0 : index
        %swap3A_711 = tpu.vector_load %arg8[%swap3A_709, %swap3A_710] {strides = array<i32>} : memref<32x16xf32, #tpu.memory_space<vmem>>, vector<16xf32>,
        tpu.vector_store %arg8[%swap3A_709, %swap3A_710], %add3A_707 {strides = array<i32>} : memref<32x16xf32, #tpu.memory_space<vmem>>, vector<16xf32>,
        %add3A_712 = arith.constant 1 : i32
        %add3A_713 = arith.addi %mul3A_182, %add3A_712 : i32
        %add3A_714 = arith.constant 6 : i32
        %add3A_715 = arith.addi %add3A_713, %add3A_714 : i32
        %get3A_716 = arith.constant 0 : i32
        %get3A_717 = arith.constant 0 : i32
        %get3A_718 = tpu.memref_slice %arg7[%scan3A_174, %get3A_716, %get3A_717] : memref<2x352x128xf32, #tpu.memory_space<vmem>> -> memref<1x352x128xf32, #tpu.memory_space<vmem>>
        %get3A_719 = tpu.memref_squeeze %get3A_718 : memref<1x352x128xf32, #tpu.memory_space<vmem>> -> memref<352x128xf32, #tpu.memory_space<vmem>>
        %get3A_720 = arith.index_cast %add3A_715 : i32 to index
        %get3A_721 = arith.constant 0 : index
        %get3A_722 = tpu.vector_load %get3A_719[%get3A_720, %get3A_721] {strides = array<i32>} : memref<352x128xf32, #tpu.memory_space<vmem>>, vector<16xf32>,
        %mul3A_723 = arith.mulf %get3A_188, %get3A_722 : vector<16xf32>
        %get3A_724 = arith.constant 0 : i32
        %get3A_725 = arith.constant 0 : i32
        %get3A_726 = tpu.memref_slice %arg7[%scan3A_174, %get3A_724, %get3A_725] : memref<2x352x128xf32, #tpu.memory_space<vmem>> -> memref<1x352x128xf32, #tpu.memory_space<vmem>>
        %get3A_727 = tpu.memref_squeeze %get3A_726 : memref<1x352x128xf32, #tpu.memory_space<vmem>> -> memref<352x128xf32, #tpu.memory_space<vmem>>
        %get3A_728 = arith.index_cast %add3A_715 : i32 to index
        %get3A_729 = arith.constant 16 : index
        %get3A_730 = tpu.vector_load %get3A_727[%get3A_728, %get3A_729] {strides = array<i32>} : memref<352x128xf32, #tpu.memory_space<vmem>>, vector<16xf32>,
        %mul3A_731 = arith.mulf %get3A_195, %get3A_730 : vector<16xf32>
        %add3A_732 = arith.addf %mul3A_723, %mul3A_731 : vector<16xf32>
        %get3A_733 = arith.constant 0 : i32
        %get3A_734 = arith.constant 0 : i32
        %get3A_735 = tpu.memref_slice %arg7[%scan3A_174, %get3A_733, %get3A_734] : memref<2x352x128xf32, #tpu.memory_space<vmem>> -> memref<1x352x128xf32, #tpu.memory_space<vmem>>
        %get3A_736 = tpu.memref_squeeze %get3A_735 : memref<1x352x128xf32, #tpu.memory_space<vmem>> -> memref<352x128xf32, #tpu.memory_space<vmem>>
        %get3A_737 = arith.index_cast %add3A_715 : i32 to index
        %get3A_738 = arith.constant 32 : index
        %get3A_739 = tpu.vector_load %get3A_736[%get3A_737, %get3A_738] {strides = array<i32>} : memref<352x128xf32, #tpu.memory_space<vmem>>, vector<16xf32>,
        %mul3A_740 = arith.mulf %get3A_202, %get3A_739 : vector<16xf32>
        %add3A_741 = arith.addf %add3A_732, %mul3A_740 : vector<16xf32>
        %get3A_742 = arith.constant 0 : i32
        %get3A_743 = arith.constant 0 : i32
        %get3A_744 = tpu.memref_slice %arg7[%scan3A_174, %get3A_742, %get3A_743] : memref<2x352x128xf32, #tpu.memory_space<vmem>> -> memref<1x352x128xf32, #tpu.memory_space<vmem>>
        %get3A_745 = tpu.memref_squeeze %get3A_744 : memref<1x352x128xf32, #tpu.memory_space<vmem>> -> memref<352x128xf32, #tpu.memory_space<vmem>>
        %get3A_746 = arith.index_cast %add3A_715 : i32 to index
        %get3A_747 = arith.constant 48 : index
        %get3A_748 = tpu.vector_load %get3A_745[%get3A_746, %get3A_747] {strides = array<i32>} : memref<352x128xf32, #tpu.memory_space<vmem>>, vector<16xf32>,
        %mul3A_749 = arith.mulf %get3A_209, %get3A_748 : vector<16xf32>
        %add3A_750 = arith.addf %add3A_741, %mul3A_749 : vector<16xf32>
        %get3A_751 = arith.constant 0 : i32
        %get3A_752 = arith.constant 0 : i32
        %get3A_753 = tpu.memref_slice %arg7[%scan3A_174, %get3A_751, %get3A_752] : memref<2x352x128xf32, #tpu.memory_space<vmem>> -> memref<1x352x128xf32, #tpu.memory_space<vmem>>
        %get3A_754 = tpu.memref_squeeze %get3A_753 : memref<1x352x128xf32, #tpu.memory_space<vmem>> -> memref<352x128xf32, #tpu.memory_space<vmem>>
        %get3A_755 = arith.index_cast %add3A_715 : i32 to index
        %get3A_756 = arith.constant 64 : index
        %get3A_757 = tpu.vector_load %get3A_754[%get3A_755, %get3A_756] {strides = array<i32>} : memref<352x128xf32, #tpu.memory_space<vmem>>, vector<16xf32>,
        %mul3A_758 = arith.mulf %get3A_216, %get3A_757 : vector<16xf32>
        %add3A_759 = arith.addf %add3A_750, %mul3A_758 : vector<16xf32>
        %get3A_760 = arith.constant 0 : i32
        %get3A_761 = arith.constant 0 : i32
        %get3A_762 = tpu.memref_slice %arg7[%scan3A_174, %get3A_760, %get3A_761] : memref<2x352x128xf32, #tpu.memory_space<vmem>> -> memref<1x352x128xf32, #tpu.memory_space<vmem>>
        %get3A_763 = tpu.memref_squeeze %get3A_762 : memref<1x352x128xf32, #tpu.memory_space<vmem>> -> memref<352x128xf32, #tpu.memory_space<vmem>>
        %get3A_764 = arith.index_cast %add3A_715 : i32 to index
        %get3A_765 = arith.constant 80 : index
        %get3A_766 = tpu.vector_load %get3A_763[%get3A_764, %get3A_765] {strides = array<i32>} : memref<352x128xf32, #tpu.memory_space<vmem>>, vector<16xf32>,
        %mul3A_767 = arith.mulf %get3A_223, %get3A_766 : vector<16xf32>
        %add3A_768 = arith.addf %add3A_759, %mul3A_767 : vector<16xf32>
        %get3A_769 = arith.constant 0 : i32
        %get3A_770 = arith.constant 0 : i32
        %get3A_771 = tpu.memref_slice %arg7[%scan3A_174, %get3A_769, %get3A_770] : memref<2x352x128xf32, #tpu.memory_space<vmem>> -> memref<1x352x128xf32, #tpu.memory_space<vmem>>
        %get3A_772 = tpu.memref_squeeze %get3A_771 : memref<1x352x128xf32, #tpu.memory_space<vmem>> -> memref<352x128xf32, #tpu.memory_space<vmem>>
        %get3A_773 = arith.index_cast %add3A_715 : i32 to index
        %get3A_774 = arith.constant 96 : index
        %get3A_775 = tpu.vector_load %get3A_772[%get3A_773, %get3A_774] {strides = array<i32>} : memref<352x128xf32, #tpu.memory_space<vmem>>, vector<16xf32>,
        %mul3A_776 = arith.mulf %get3A_230, %get3A_775 : vector<16xf32>
        %add3A_777 = arith.addf %add3A_768, %mul3A_776 : vector<16xf32>
        %get3A_778 = arith.constant 0 : i32
        %get3A_779 = arith.constant 0 : i32
        %get3A_780 = tpu.memref_slice %arg7[%scan3A_174, %get3A_778, %get3A_779] : memref<2x352x128xf32, #tpu.memory_space<vmem>> -> memref<1x352x128xf32, #tpu.memory_space<vmem>>
        %get3A_781 = tpu.memref_squeeze %get3A_780 : memref<1x352x128xf32, #tpu.memory_space<vmem>> -> memref<352x128xf32, #tpu.memory_space<vmem>>
        %get3A_782 = arith.index_cast %add3A_715 : i32 to index
        %get3A_783 = arith.constant 112 : index
        %get3A_784 = tpu.vector_load %get3A_781[%get3A_782, %get3A_783] {strides = array<i32>} : memref<352x128xf32, #tpu.memory_space<vmem>>, vector<16xf32>,
        %mul3A_785 = arith.mulf %get3A_237, %get3A_784 : vector<16xf32>
        %add3A_786 = arith.addf %add3A_777, %mul3A_785 : vector<16xf32>
        %swap3A_787 = arith.constant 6 : i32
        %swap3A_788 = arith.index_cast %swap3A_787 : i32 to index
        %swap3A_789 = arith.constant 0 : index
        %swap3A_790 = tpu.vector_load %arg8[%swap3A_788, %swap3A_789] {strides = array<i32>} : memref<32x16xf32, #tpu.memory_space<vmem>>, vector<16xf32>,
        tpu.vector_store %arg8[%swap3A_788, %swap3A_789], %add3A_786 {strides = array<i32>} : memref<32x16xf32, #tpu.memory_space<vmem>>, vector<16xf32>,
        %add3A_791 = arith.constant 1 : i32
        %add3A_792 = arith.addi %mul3A_182, %add3A_791 : i32
        %add3A_793 = arith.constant 7 : i32
        %add3A_794 = arith.addi %add3A_792, %add3A_793 : i32
        %get3A_795 = arith.constant 0 : i32
        %get3A_796 = arith.constant 0 : i32
        %get3A_797 = tpu.memref_slice %arg7[%scan3A_174, %get3A_795, %get3A_796] : memref<2x352x128xf32, #tpu.memory_space<vmem>> -> memref<1x352x128xf32, #tpu.memory_space<vmem>>
        %get3A_798 = tpu.memref_squeeze %get3A_797 : memref<1x352x128xf32, #tpu.memory_space<vmem>> -> memref<352x128xf32, #tpu.memory_space<vmem>>
        %get3A_799 = arith.index_cast %add3A_794 : i32 to index
        %get3A_800 = arith.constant 0 : index
        %get3A_801 = tpu.vector_load %get3A_798[%get3A_799, %get3A_800] {strides = array<i32>} : memref<352x128xf32, #tpu.memory_space<vmem>>, vector<16xf32>,
        %mul3A_802 = arith.mulf %get3A_188, %get3A_801 : vector<16xf32>
        %get3A_803 = arith.constant 0 : i32
        %get3A_804 = arith.constant 0 : i32
        %get3A_805 = tpu.memref_slice %arg7[%scan3A_174, %get3A_803, %get3A_804] : memref<2x352x128xf32, #tpu.memory_space<vmem>> -> memref<1x352x128xf32, #tpu.memory_space<vmem>>
        %get3A_806 = tpu.memref_squeeze %get3A_805 : memref<1x352x128xf32, #tpu.memory_space<vmem>> -> memref<352x128xf32, #tpu.memory_space<vmem>>
        %get3A_807 = arith.index_cast %add3A_794 : i32 to index
        %get3A_808 = arith.constant 16 : index
        %get3A_809 = tpu.vector_load %get3A_806[%get3A_807, %get3A_808] {strides = array<i32>} : memref<352x128xf32, #tpu.memory_space<vmem>>, vector<16xf32>,
        %mul3A_810 = arith.mulf %get3A_195, %get3A_809 : vector<16xf32>
        %add3A_811 = arith.addf %mul3A_802, %mul3A_810 : vector<16xf32>
        %get3A_812 = arith.constant 0 : i32
        %get3A_813 = arith.constant 0 : i32
        %get3A_814 = tpu.memref_slice %arg7[%scan3A_174, %get3A_812, %get3A_813] : memref<2x352x128xf32, #tpu.memory_space<vmem>> -> memref<1x352x128xf32, #tpu.memory_space<vmem>>
        %get3A_815 = tpu.memref_squeeze %get3A_814 : memref<1x352x128xf32, #tpu.memory_space<vmem>> -> memref<352x128xf32, #tpu.memory_space<vmem>>
        %get3A_816 = arith.index_cast %add3A_794 : i32 to index
        %get3A_817 = arith.constant 32 : index
        %get3A_818 = tpu.vector_load %get3A_815[%get3A_816, %get3A_817] {strides = array<i32>} : memref<352x128xf32, #tpu.memory_space<vmem>>, vector<16xf32>,
        %mul3A_819 = arith.mulf %get3A_202, %get3A_818 : vector<16xf32>
        %add3A_820 = arith.addf %add3A_811, %mul3A_819 : vector<16xf32>
        %get3A_821 = arith.constant 0 : i32
        %get3A_822 = arith.constant 0 : i32
        %get3A_823 = tpu.memref_slice %arg7[%scan3A_174, %get3A_821, %get3A_822] : memref<2x352x128xf32, #tpu.memory_space<vmem>> -> memref<1x352x128xf32, #tpu.memory_space<vmem>>
        %get3A_824 = tpu.memref_squeeze %get3A_823 : memref<1x352x128xf32, #tpu.memory_space<vmem>> -> memref<352x128xf32, #tpu.memory_space<vmem>>
        %get3A_825 = arith.index_cast %add3A_794 : i32 to index
        %get3A_826 = arith.constant 48 : index
        %get3A_827 = tpu.vector_load %get3A_824[%get3A_825, %get3A_826] {strides = array<i32>} : memref<352x128xf32, #tpu.memory_space<vmem>>, vector<16xf32>,
        %mul3A_828 = arith.mulf %get3A_209, %get3A_827 : vector<16xf32>
        %add3A_829 = arith.addf %add3A_820, %mul3A_828 : vector<16xf32>
        %get3A_830 = arith.constant 0 : i32
        %get3A_831 = arith.constant 0 : i32
        %get3A_832 = tpu.memref_slice %arg7[%scan3A_174, %get3A_830, %get3A_831] : memref<2x352x128xf32, #tpu.memory_space<vmem>> -> memref<1x352x128xf32, #tpu.memory_space<vmem>>
        %get3A_833 = tpu.memref_squeeze %get3A_832 : memref<1x352x128xf32, #tpu.memory_space<vmem>> -> memref<352x128xf32, #tpu.memory_space<vmem>>
        %get3A_834 = arith.index_cast %add3A_794 : i32 to index
        %get3A_835 = arith.constant 64 : index
        %get3A_836 = tpu.vector_load %get3A_833[%get3A_834, %get3A_835] {strides = array<i32>} : memref<352x128xf32, #tpu.memory_space<vmem>>, vector<16xf32>,
        %mul3A_837 = arith.mulf %get3A_216, %get3A_836 : vector<16xf32>
        %add3A_838 = arith.addf %add3A_829, %mul3A_837 : vector<16xf32>
        %get3A_839 = arith.constant 0 : i32
        %get3A_840 = arith.constant 0 : i32
        %get3A_841 = tpu.memref_slice %arg7[%scan3A_174, %get3A_839, %get3A_840] : memref<2x352x128xf32, #tpu.memory_space<vmem>> -> memref<1x352x128xf32, #tpu.memory_space<vmem>>
        %get3A_842 = tpu.memref_squeeze %get3A_841 : memref<1x352x128xf32, #tpu.memory_space<vmem>> -> memref<352x128xf32, #tpu.memory_space<vmem>>
        %get3A_843 = arith.index_cast %add3A_794 : i32 to index
        %get3A_844 = arith.constant 80 : index
        %get3A_845 = tpu.vector_load %get3A_842[%get3A_843, %get3A_844] {strides = array<i32>} : memref<352x128xf32, #tpu.memory_space<vmem>>, vector<16xf32>,
        %mul3A_846 = arith.mulf %get3A_223, %get3A_845 : vector<16xf32>
        %add3A_847 = arith.addf %add3A_838, %mul3A_846 : vector<16xf32>
        %get3A_848 = arith.constant 0 : i32
        %get3A_849 = arith.constant 0 : i32
        %get3A_850 = tpu.memref_slice %arg7[%scan3A_174, %get3A_848, %get3A_849] : memref<2x352x128xf32, #tpu.memory_space<vmem>> -> memref<1x352x128xf32, #tpu.memory_space<vmem>>
        %get3A_851 = tpu.memref_squeeze %get3A_850 : memref<1x352x128xf32, #tpu.memory_space<vmem>> -> memref<352x128xf32, #tpu.memory_space<vmem>>
        %get3A_852 = arith.index_cast %add3A_794 : i32 to index
        %get3A_853 = arith.constant 96 : index
        %get3A_854 = tpu.vector_load %get3A_851[%get3A_852, %get3A_853] {strides = array<i32>} : memref<352x128xf32, #tpu.memory_space<vmem>>, vector<16xf32>,
        %mul3A_855 = arith.mulf %get3A_230, %get3A_854 : vector<16xf32>
        %add3A_856 = arith.addf %add3A_847, %mul3A_855 : vector<16xf32>
        %get3A_857 = arith.constant 0 : i32
        %get3A_858 = arith.constant 0 : i32
        %get3A_859 = tpu.memref_slice %arg7[%scan3A_174, %get3A_857, %get3A_858] : memref<2x352x128xf32, #tpu.memory_space<vmem>> -> memref<1x352x128xf32, #tpu.memory_space<vmem>>
        %get3A_860 = tpu.memref_squeeze %get3A_859 : memref<1x352x128xf32, #tpu.memory_space<vmem>> -> memref<352x128xf32, #tpu.memory_space<vmem>>
        %get3A_861 = arith.index_cast %add3A_794 : i32 to index
        %get3A_862 = arith.constant 112 : index
        %get3A_863 = tpu.vector_load %get3A_860[%get3A_861, %get3A_862] {strides = array<i32>} : memref<352x128xf32, #tpu.memory_space<vmem>>, vector<16xf32>,
        %mul3A_864 = arith.mulf %get3A_237, %get3A_863 : vector<16xf32>
        %add3A_865 = arith.addf %add3A_856, %mul3A_864 : vector<16xf32>
        %swap3A_866 = arith.constant 7 : i32
        %swap3A_867 = arith.index_cast %swap3A_866 : i32 to index
        %swap3A_868 = arith.constant 0 : index
        %swap3A_869 = tpu.vector_load %arg8[%swap3A_867, %swap3A_868] {strides = array<i32>} : memref<32x16xf32, #tpu.memory_space<vmem>>, vector<16xf32>,
        tpu.vector_store %arg8[%swap3A_867, %swap3A_868], %add3A_865 {strides = array<i32>} : memref<32x16xf32, #tpu.memory_space<vmem>>, vector<16xf32>,
        %add3A_870 = arith.constant 1 : i32
        %add3A_871 = arith.addi %mul3A_182, %add3A_870 : i32
        %add3A_872 = arith.constant 8 : i32
        %add3A_873 = arith.addi %add3A_871, %add3A_872 : i32
        %get3A_874 = arith.constant 0 : i32
        %get3A_875 = arith.constant 0 : i32
        %get3A_876 = tpu.memref_slice %arg7[%scan3A_174, %get3A_874, %get3A_875] : memref<2x352x128xf32, #tpu.memory_space<vmem>> -> memref<1x352x128xf32, #tpu.memory_space<vmem>>
        %get3A_877 = tpu.memref_squeeze %get3A_876 : memref<1x352x128xf32, #tpu.memory_space<vmem>> -> memref<352x128xf32, #tpu.memory_space<vmem>>
        %get3A_878 = arith.index_cast %add3A_873 : i32 to index
        %get3A_879 = arith.constant 0 : index
        %get3A_880 = tpu.vector_load %get3A_877[%get3A_878, %get3A_879] {strides = array<i32>} : memref<352x128xf32, #tpu.memory_space<vmem>>, vector<16xf32>,
        %mul3A_881 = arith.mulf %get3A_188, %get3A_880 : vector<16xf32>
        %get3A_882 = arith.constant 0 : i32
        %get3A_883 = arith.constant 0 : i32
        %get3A_884 = tpu.memref_slice %arg7[%scan3A_174, %get3A_882, %get3A_883] : memref<2x352x128xf32, #tpu.memory_space<vmem>> -> memref<1x352x128xf32, #tpu.memory_space<vmem>>
        %get3A_885 = tpu.memref_squeeze %get3A_884 : memref<1x352x128xf32, #tpu.memory_space<vmem>> -> memref<352x128xf32, #tpu.memory_space<vmem>>
        %get3A_886 = arith.index_cast %add3A_873 : i32 to index
        %get3A_887 = arith.constant 16 : index
        %get3A_888 = tpu.vector_load %get3A_885[%get3A_886, %get3A_887] {strides = array<i32>} : memref<352x128xf32, #tpu.memory_space<vmem>>, vector<16xf32>,
        %mul3A_889 = arith.mulf %get3A_195, %get3A_888 : vector<16xf32>
        %add3A_890 = arith.addf %mul3A_881, %mul3A_889 : vector<16xf32>
        %get3A_891 = arith.constant 0 : i32
        %get3A_892 = arith.constant 0 : i32
        %get3A_893 = tpu.memref_slice %arg7[%scan3A_174, %get3A_891, %get3A_892] : memref<2x352x128xf32, #tpu.memory_space<vmem>> -> memref<1x352x128xf32, #tpu.memory_space<vmem>>
        %get3A_894 = tpu.memref_squeeze %get3A_893 : memref<1x352x128xf32, #tpu.memory_space<vmem>> -> memref<352x128xf32, #tpu.memory_space<vmem>>
        %get3A_895 = arith.index_cast %add3A_873 : i32 to index
        %get3A_896 = arith.constant 32 : index
        %get3A_897 = tpu.vector_load %get3A_894[%get3A_895, %get3A_896] {strides = array<i32>} : memref<352x128xf32, #tpu.memory_space<vmem>>, vector<16xf32>,
        %mul3A_898 = arith.mulf %get3A_202, %get3A_897 : vector<16xf32>
        %add3A_899 = arith.addf %add3A_890, %mul3A_898 : vector<16xf32>
        %get3A_900 = arith.constant 0 : i32
        %get3A_901 = arith.constant 0 : i32
        %get3A_902 = tpu.memref_slice %arg7[%scan3A_174, %get3A_900, %get3A_901] : memref<2x352x128xf32, #tpu.memory_space<vmem>> -> memref<1x352x128xf32, #tpu.memory_space<vmem>>
        %get3A_903 = tpu.memref_squeeze %get3A_902 : memref<1x352x128xf32, #tpu.memory_space<vmem>> -> memref<352x128xf32, #tpu.memory_space<vmem>>
        %get3A_904 = arith.index_cast %add3A_873 : i32 to index
        %get3A_905 = arith.constant 48 : index
        %get3A_906 = tpu.vector_load %get3A_903[%get3A_904, %get3A_905] {strides = array<i32>} : memref<352x128xf32, #tpu.memory_space<vmem>>, vector<16xf32>,
        %mul3A_907 = arith.mulf %get3A_209, %get3A_906 : vector<16xf32>
        %add3A_908 = arith.addf %add3A_899, %mul3A_907 : vector<16xf32>
        %get3A_909 = arith.constant 0 : i32
        %get3A_910 = arith.constant 0 : i32
        %get3A_911 = tpu.memref_slice %arg7[%scan3A_174, %get3A_909, %get3A_910] : memref<2x352x128xf32, #tpu.memory_space<vmem>> -> memref<1x352x128xf32, #tpu.memory_space<vmem>>
        %get3A_912 = tpu.memref_squeeze %get3A_911 : memref<1x352x128xf32, #tpu.memory_space<vmem>> -> memref<352x128xf32, #tpu.memory_space<vmem>>
        %get3A_913 = arith.index_cast %add3A_873 : i32 to index
        %get3A_914 = arith.constant 64 : index
        %get3A_915 = tpu.vector_load %get3A_912[%get3A_913, %get3A_914] {strides = array<i32>} : memref<352x128xf32, #tpu.memory_space<vmem>>, vector<16xf32>,
        %mul3A_916 = arith.mulf %get3A_216, %get3A_915 : vector<16xf32>
        %add3A_917 = arith.addf %add3A_908, %mul3A_916 : vector<16xf32>
        %get3A_918 = arith.constant 0 : i32
        %get3A_919 = arith.constant 0 : i32
        %get3A_920 = tpu.memref_slice %arg7[%scan3A_174, %get3A_918, %get3A_919] : memref<2x352x128xf32, #tpu.memory_space<vmem>> -> memref<1x352x128xf32, #tpu.memory_space<vmem>>
        %get3A_921 = tpu.memref_squeeze %get3A_920 : memref<1x352x128xf32, #tpu.memory_space<vmem>> -> memref<352x128xf32, #tpu.memory_space<vmem>>
        %get3A_922 = arith.index_cast %add3A_873 : i32 to index
        %get3A_923 = arith.constant 80 : index
        %get3A_924 = tpu.vector_load %get3A_921[%get3A_922, %get3A_923] {strides = array<i32>} : memref<352x128xf32, #tpu.memory_space<vmem>>, vector<16xf32>,
        %mul3A_925 = arith.mulf %get3A_223, %get3A_924 : vector<16xf32>
        %add3A_926 = arith.addf %add3A_917, %mul3A_925 : vector<16xf32>
        %get3A_927 = arith.constant 0 : i32
        %get3A_928 = arith.constant 0 : i32
        %get3A_929 = tpu.memref_slice %arg7[%scan3A_174, %get3A_927, %get3A_928] : memref<2x352x128xf32, #tpu.memory_space<vmem>> -> memref<1x352x128xf32, #tpu.memory_space<vmem>>
        %get3A_930 = tpu.memref_squeeze %get3A_929 : memref<1x352x128xf32, #tpu.memory_space<vmem>> -> memref<352x128xf32, #tpu.memory_space<vmem>>
        %get3A_931 = arith.index_cast %add3A_873 : i32 to index
        %get3A_932 = arith.constant 96 : index
        %get3A_933 = tpu.vector_load %get3A_930[%get3A_931, %get3A_932] {strides = array<i32>} : memref<352x128xf32, #tpu.memory_space<vmem>>, vector<16xf32>,
        %mul3A_934 = arith.mulf %get3A_230, %get3A_933 : vector<16xf32>
        %add3A_935 = arith.addf %add3A_926, %mul3A_934 : vector<16xf32>
        %get3A_936 = arith.constant 0 : i32
        %get3A_937 = arith.constant 0 : i32
        %get3A_938 = tpu.memref_slice %arg7[%scan3A_174, %get3A_936, %get3A_937] : memref<2x352x128xf32, #tpu.memory_space<vmem>> -> memref<1x352x128xf32, #tpu.memory_space<vmem>>
        %get3A_939 = tpu.memref_squeeze %get3A_938 : memref<1x352x128xf32, #tpu.memory_space<vmem>> -> memref<352x128xf32, #tpu.memory_space<vmem>>
        %get3A_940 = arith.index_cast %add3A_873 : i32 to index
        %get3A_941 = arith.constant 112 : index
        %get3A_942 = tpu.vector_load %get3A_939[%get3A_940, %get3A_941] {strides = array<i32>} : memref<352x128xf32, #tpu.memory_space<vmem>>, vector<16xf32>,
        %mul3A_943 = arith.mulf %get3A_237, %get3A_942 : vector<16xf32>
        %add3A_944 = arith.addf %add3A_935, %mul3A_943 : vector<16xf32>
        %swap3A_945 = arith.constant 8 : i32
        %swap3A_946 = arith.index_cast %swap3A_945 : i32 to index
        %swap3A_947 = arith.constant 0 : index
        %swap3A_948 = tpu.vector_load %arg8[%swap3A_946, %swap3A_947] {strides = array<i32>} : memref<32x16xf32, #tpu.memory_space<vmem>>, vector<16xf32>,
        tpu.vector_store %arg8[%swap3A_946, %swap3A_947], %add3A_944 {strides = array<i32>} : memref<32x16xf32, #tpu.memory_space<vmem>>, vector<16xf32>,
        %add3A_949 = arith.constant 1 : i32
        %add3A_950 = arith.addi %mul3A_182, %add3A_949 : i32
        %add3A_951 = arith.constant 9 : i32
        %add3A_952 = arith.addi %add3A_950, %add3A_951 : i32
        %get3A_953 = arith.constant 0 : i32
        %get3A_954 = arith.constant 0 : i32
        %get3A_955 = tpu.memref_slice %arg7[%scan3A_174, %get3A_953, %get3A_954] : memref<2x352x128xf32, #tpu.memory_space<vmem>> -> memref<1x352x128xf32, #tpu.memory_space<vmem>>
        %get3A_956 = tpu.memref_squeeze %get3A_955 : memref<1x352x128xf32, #tpu.memory_space<vmem>> -> memref<352x128xf32, #tpu.memory_space<vmem>>
        %get3A_957 = arith.index_cast %add3A_952 : i32 to index
        %get3A_958 = arith.constant 0 : index
        %get3A_959 = tpu.vector_load %get3A_956[%get3A_957, %get3A_958] {strides = array<i32>} : memref<352x128xf32, #tpu.memory_space<vmem>>, vector<16xf32>,
        %mul3A_960 = arith.mulf %get3A_188, %get3A_959 : vector<16xf32>
        %get3A_961 = arith.constant 0 : i32
        %get3A_962 = arith.constant 0 : i32
        %get3A_963 = tpu.memref_slice %arg7[%scan3A_174, %get3A_961, %get3A_962] : memref<2x352x128xf32, #tpu.memory_space<vmem>> -> memref<1x352x128xf32, #tpu.memory_space<vmem>>
        %get3A_964 = tpu.memref_squeeze %get3A_963 : memref<1x352x128xf32, #tpu.memory_space<vmem>> -> memref<352x128xf32, #tpu.memory_space<vmem>>
        %get3A_965 = arith.index_cast %add3A_952 : i32 to index
        %get3A_966 = arith.constant 16 : index
        %get3A_967 = tpu.vector_load %get3A_964[%get3A_965, %get3A_966] {strides = array<i32>} : memref<352x128xf32, #tpu.memory_space<vmem>>, vector<16xf32>,
        %mul3A_968 = arith.mulf %get3A_195, %get3A_967 : vector<16xf32>
        %add3A_969 = arith.addf %mul3A_960, %mul3A_968 : vector<16xf32>
        %get3A_970 = arith.constant 0 : i32
        %get3A_971 = arith.constant 0 : i32
        %get3A_972 = tpu.memref_slice %arg7[%scan3A_174, %get3A_970, %get3A_971] : memref<2x352x128xf32, #tpu.memory_space<vmem>> -> memref<1x352x128xf32, #tpu.memory_space<vmem>>
        %get3A_973 = tpu.memref_squeeze %get3A_972 : memref<1x352x128xf32, #tpu.memory_space<vmem>> -> memref<352x128xf32, #tpu.memory_space<vmem>>
        %get3A_974 = arith.index_cast %add3A_952 : i32 to index
        %get3A_975 = arith.constant 32 : index
        %get3A_976 = tpu.vector_load %get3A_973[%get3A_974, %get3A_975] {strides = array<i32>} : memref<352x128xf32, #tpu.memory_space<vmem>>, vector<16xf32>,
        %mul3A_977 = arith.mulf %get3A_202, %get3A_976 : vector<16xf32>
        %add3A_978 = arith.addf %add3A_969, %mul3A_977 : vector<16xf32>
        %get3A_979 = arith.constant 0 : i32
        %get3A_980 = arith.constant 0 : i32
        %get3A_981 = tpu.memref_slice %arg7[%scan3A_174, %get3A_979, %get3A_980] : memref<2x352x128xf32, #tpu.memory_space<vmem>> -> memref<1x352x128xf32, #tpu.memory_space<vmem>>
        %get3A_982 = tpu.memref_squeeze %get3A_981 : memref<1x352x128xf32, #tpu.memory_space<vmem>> -> memref<352x128xf32, #tpu.memory_space<vmem>>
        %get3A_983 = arith.index_cast %add3A_952 : i32 to index
        %get3A_984 = arith.constant 48 : index
        %get3A_985 = tpu.vector_load %get3A_982[%get3A_983, %get3A_984] {strides = array<i32>} : memref<352x128xf32, #tpu.memory_space<vmem>>, vector<16xf32>,
        %mul3A_986 = arith.mulf %get3A_209, %get3A_985 : vector<16xf32>
        %add3A_987 = arith.addf %add3A_978, %mul3A_986 : vector<16xf32>
        %get3A_988 = arith.constant 0 : i32
        %get3A_989 = arith.constant 0 : i32
        %get3A_990 = tpu.memref_slice %arg7[%scan3A_174, %get3A_988, %get3A_989] : memref<2x352x128xf32, #tpu.memory_space<vmem>> -> memref<1x352x128xf32, #tpu.memory_space<vmem>>
        %get3A_991 = tpu.memref_squeeze %get3A_990 : memref<1x352x128xf32, #tpu.memory_space<vmem>> -> memref<352x128xf32, #tpu.memory_space<vmem>>
        %get3A_992 = arith.index_cast %add3A_952 : i32 to index
        %get3A_993 = arith.constant 64 : index
        %get3A_994 = tpu.vector_load %get3A_991[%get3A_992, %get3A_993] {strides = array<i32>} : memref<352x128xf32, #tpu.memory_space<vmem>>, vector<16xf32>,
        %mul3A_995 = arith.mulf %get3A_216, %get3A_994 : vector<16xf32>
        %add3A_996 = arith.addf %add3A_987, %mul3A_995 : vector<16xf32>
        %get3A_997 = arith.constant 0 : i32
        %get3A_998 = arith.constant 0 : i32
        %get3A_999 = tpu.memref_slice %arg7[%scan3A_174, %get3A_997, %get3A_998] : memref<2x352x128xf32, #tpu.memory_space<vmem>> -> memref<1x352x128xf32, #tpu.memory_space<vmem>>
        %get3A_1000 = tpu.memref_squeeze %get3A_999 : memref<1x352x128xf32, #tpu.memory_space<vmem>> -> memref<352x128xf32, #tpu.memory_space<vmem>>
        %get3A_1001 = arith.index_cast %add3A_952 : i32 to index
        %get3A_1002 = arith.constant 80 : index
        %get3A_1003 = tpu.vector_load %get3A_1000[%get3A_1001, %get3A_1002] {strides = array<i32>} : memref<352x128xf32, #tpu.memory_space<vmem>>, vector<16xf32>,
        %mul3A_1004 = arith.mulf %get3A_223, %get3A_1003 : vector<16xf32>
        %add3A_1005 = arith.addf %add3A_996, %mul3A_1004 : vector<16xf32>
        %get3A_1006 = arith.constant 0 : i32
        %get3A_1007 = arith.constant 0 : i32
        %get3A_1008 = tpu.memref_slice %arg7[%scan3A_174, %get3A_1006, %get3A_1007] : memref<2x352x128xf32, #tpu.memory_space<vmem>> -> memref<1x352x128xf32, #tpu.memory_space<vmem>>
        %get3A_1009 = tpu.memref_squeeze %get3A_1008 : memref<1x352x128xf32, #tpu.memory_space<vmem>> -> memref<352x128xf32, #tpu.memory_space<vmem>>
        %get3A_1010 = arith.index_cast %add3A_952 : i32 to index
        %get3A_1011 = arith.constant 96 : index
        %get3A_1012 = tpu.vector_load %get3A_1009[%get3A_1010, %get3A_1011] {strides = array<i32>} : memref<352x128xf32, #tpu.memory_space<vmem>>, vector<16xf32>,
        %mul3A_1013 = arith.mulf %get3A_230, %get3A_1012 : vector<16xf32>
        %add3A_1014 = arith.addf %add3A_1005, %mul3A_1013 : vector<16xf32>
        %get3A_1015 = arith.constant 0 : i32
        %get3A_1016 = arith.constant 0 : i32
        %get3A_1017 = tpu.memref_slice %arg7[%scan3A_174, %get3A_1015, %get3A_1016] : memref<2x352x128xf32, #tpu.memory_space<vmem>> -> memref<1x352x128xf32, #tpu.memory_space<vmem>>
        %get3A_1018 = tpu.memref_squeeze %get3A_1017 : memref<1x352x128xf32, #tpu.memory_space<vmem>> -> memref<352x128xf32, #tpu.memory_space<vmem>>
        %get3A_1019 = arith.index_cast %add3A_952 : i32 to index
        %get3A_1020 = arith.constant 112 : index
        %get3A_1021 = tpu.vector_load %get3A_1018[%get3A_1019, %get3A_1020] {strides = array<i32>} : memref<352x128xf32, #tpu.memory_space<vmem>>, vector<16xf32>,
        %mul3A_1022 = arith.mulf %get3A_237, %get3A_1021 : vector<16xf32>
        %add3A_1023 = arith.addf %add3A_1014, %mul3A_1022 : vector<16xf32>
        %swap3A_1024 = arith.constant 9 : i32
        %swap3A_1025 = arith.index_cast %swap3A_1024 : i32 to index
        %swap3A_1026 = arith.constant 0 : index
        %swap3A_1027 = tpu.vector_load %arg8[%swap3A_1025, %swap3A_1026] {strides = array<i32>} : memref<32x16xf32, #tpu.memory_space<vmem>>, vector<16xf32>,
        tpu.vector_store %arg8[%swap3A_1025, %swap3A_1026], %add3A_1023 {strides = array<i32>} : memref<32x16xf32, #tpu.memory_space<vmem>>, vector<16xf32>,
        %add3A_1028 = arith.constant 1 : i32
        %add3A_1029 = arith.addi %mul3A_182, %add3A_1028 : i32
        %add3A_1030 = arith.constant 10 : i32
        %add3A_1031 = arith.addi %add3A_1029, %add3A_1030 : i32
        %get3A_1032 = arith.constant 0 : i32
        %get3A_1033 = arith.constant 0 : i32
        %get3A_1034 = tpu.memref_slice %arg7[%scan3A_174, %get3A_1032, %get3A_1033] : memref<2x352x128xf32, #tpu.memory_space<vmem>> -> memref<1x352x128xf32, #tpu.memory_space<vmem>>
        %get3A_1035 = tpu.memref_squeeze %get3A_1034 : memref<1x352x128xf32, #tpu.memory_space<vmem>> -> memref<352x128xf32, #tpu.memory_space<vmem>>
        %get3A_1036 = arith.index_cast %add3A_1031 : i32 to index
        %get3A_1037 = arith.constant 0 : index
        %get3A_1038 = tpu.vector_load %get3A_1035[%get3A_1036, %get3A_1037] {strides = array<i32>} : memref<352x128xf32, #tpu.memory_space<vmem>>, vector<16xf32>,
        %mul3A_1039 = arith.mulf %get3A_188, %get3A_1038 : vector<16xf32>
        %get3A_1040 = arith.constant 0 : i32
        %get3A_1041 = arith.constant 0 : i32
        %get3A_1042 = tpu.memref_slice %arg7[%scan3A_174, %get3A_1040, %get3A_1041] : memref<2x352x128xf32, #tpu.memory_space<vmem>> -> memref<1x352x128xf32, #tpu.memory_space<vmem>>
        %get3A_1043 = tpu.memref_squeeze %get3A_1042 : memref<1x352x128xf32, #tpu.memory_space<vmem>> -> memref<352x128xf32, #tpu.memory_space<vmem>>
        %get3A_1044 = arith.index_cast %add3A_1031 : i32 to index
        %get3A_1045 = arith.constant 16 : index
        %get3A_1046 = tpu.vector_load %get3A_1043[%get3A_1044, %get3A_1045] {strides = array<i32>} : memref<352x128xf32, #tpu.memory_space<vmem>>, vector<16xf32>,
        %mul3A_1047 = arith.mulf %get3A_195, %get3A_1046 : vector<16xf32>
        %add3A_1048 = arith.addf %mul3A_1039, %mul3A_1047 : vector<16xf32>
        %get3A_1049 = arith.constant 0 : i32
        %get3A_1050 = arith.constant 0 : i32
        %get3A_1051 = tpu.memref_slice %arg7[%scan3A_174, %get3A_1049, %get3A_1050] : memref<2x352x128xf32, #tpu.memory_space<vmem>> -> memref<1x352x128xf32, #tpu.memory_space<vmem>>
        %get3A_1052 = tpu.memref_squeeze %get3A_1051 : memref<1x352x128xf32, #tpu.memory_space<vmem>> -> memref<352x128xf32, #tpu.memory_space<vmem>>
        %get3A_1053 = arith.index_cast %add3A_1031 : i32 to index
        %get3A_1054 = arith.constant 32 : index
        %get3A_1055 = tpu.vector_load %get3A_1052[%get3A_1053, %get3A_1054] {strides = array<i32>} : memref<352x128xf32, #tpu.memory_space<vmem>>, vector<16xf32>,
        %mul3A_1056 = arith.mulf %get3A_202, %get3A_1055 : vector<16xf32>
        %add3A_1057 = arith.addf %add3A_1048, %mul3A_1056 : vector<16xf32>
        %get3A_1058 = arith.constant 0 : i32
        %get3A_1059 = arith.constant 0 : i32
        %get3A_1060 = tpu.memref_slice %arg7[%scan3A_174, %get3A_1058, %get3A_1059] : memref<2x352x128xf32, #tpu.memory_space<vmem>> -> memref<1x352x128xf32, #tpu.memory_space<vmem>>
        %get3A_1061 = tpu.memref_squeeze %get3A_1060 : memref<1x352x128xf32, #tpu.memory_space<vmem>> -> memref<352x128xf32, #tpu.memory_space<vmem>>
        %get3A_1062 = arith.index_cast %add3A_1031 : i32 to index
        %get3A_1063 = arith.constant 48 : index
        %get3A_1064 = tpu.vector_load %get3A_1061[%get3A_1062, %get3A_1063] {strides = array<i32>} : memref<352x128xf32, #tpu.memory_space<vmem>>, vector<16xf32>,
        %mul3A_1065 = arith.mulf %get3A_209, %get3A_1064 : vector<16xf32>
        %add3A_1066 = arith.addf %add3A_1057, %mul3A_1065 : vector<16xf32>
        %get3A_1067 = arith.constant 0 : i32
        %get3A_1068 = arith.constant 0 : i32
        %get3A_1069 = tpu.memref_slice %arg7[%scan3A_174, %get3A_1067, %get3A_1068] : memref<2x352x128xf32, #tpu.memory_space<vmem>> -> memref<1x352x128xf32, #tpu.memory_space<vmem>>
        %get3A_1070 = tpu.memref_squeeze %get3A_1069 : memref<1x352x128xf32, #tpu.memory_space<vmem>> -> memref<352x128xf32, #tpu.memory_space<vmem>>
        %get3A_1071 = arith.index_cast %add3A_1031 : i32 to index
        %get3A_1072 = arith.constant 64 : index
        %get3A_1073 = tpu.vector_load %get3A_1070[%get3A_1071, %get3A_1072] {strides = array<i32>} : memref<352x128xf32, #tpu.memory_space<vmem>>, vector<16xf32>,
        %mul3A_1074 = arith.mulf %get3A_216, %get3A_1073 : vector<16xf32>
        %add3A_1075 = arith.addf %add3A_1066, %mul3A_1074 : vector<16xf32>
        %get3A_1076 = arith.constant 0 : i32
        %get3A_1077 = arith.constant 0 : i32
        %get3A_1078 = tpu.memref_slice %arg7[%scan3A_174, %get3A_1076, %get3A_1077] : memref<2x352x128xf32, #tpu.memory_space<vmem>> -> memref<1x352x128xf32, #tpu.memory_space<vmem>>
        %get3A_1079 = tpu.memref_squeeze %get3A_1078 : memref<1x352x128xf32, #tpu.memory_space<vmem>> -> memref<352x128xf32, #tpu.memory_space<vmem>>
        %get3A_1080 = arith.index_cast %add3A_1031 : i32 to index
        %get3A_1081 = arith.constant 80 : index
        %get3A_1082 = tpu.vector_load %get3A_1079[%get3A_1080, %get3A_1081] {strides = array<i32>} : memref<352x128xf32, #tpu.memory_space<vmem>>, vector<16xf32>,
        %mul3A_1083 = arith.mulf %get3A_223, %get3A_1082 : vector<16xf32>
        %add3A_1084 = arith.addf %add3A_1075, %mul3A_1083 : vector<16xf32>
        %get3A_1085 = arith.constant 0 : i32
        %get3A_1086 = arith.constant 0 : i32
        %get3A_1087 = tpu.memref_slice %arg7[%scan3A_174, %get3A_1085, %get3A_1086] : memref<2x352x128xf32, #tpu.memory_space<vmem>> -> memref<1x352x128xf32, #tpu.memory_space<vmem>>
        %get3A_1088 = tpu.memref_squeeze %get3A_1087 : memref<1x352x128xf32, #tpu.memory_space<vmem>> -> memref<352x128xf32, #tpu.memory_space<vmem>>
        %get3A_1089 = arith.index_cast %add3A_1031 : i32 to index
        %get3A_1090 = arith.constant 96 : index
        %get3A_1091 = tpu.vector_load %get3A_1088[%get3A_1089, %get3A_1090] {strides = array<i32>} : memref<352x128xf32, #tpu.memory_space<vmem>>, vector<16xf32>,
        %mul3A_1092 = arith.mulf %get3A_230, %get3A_1091 : vector<16xf32>
        %add3A_1093 = arith.addf %add3A_1084, %mul3A_1092 : vector<16xf32>
        %get3A_1094 = arith.constant 0 : i32
        %get3A_1095 = arith.constant 0 : i32
        %get3A_1096 = tpu.memref_slice %arg7[%scan3A_174, %get3A_1094, %get3A_1095] : memref<2x352x128xf32, #tpu.memory_space<vmem>> -> memref<1x352x128xf32, #tpu.memory_space<vmem>>
        %get3A_1097 = tpu.memref_squeeze %get3A_1096 : memref<1x352x128xf32, #tpu.memory_space<vmem>> -> memref<352x128xf32, #tpu.memory_space<vmem>>
        %get3A_1098 = arith.index_cast %add3A_1031 : i32 to index
        %get3A_1099 = arith.constant 112 : index
        %get3A_1100 = tpu.vector_load %get3A_1097[%get3A_1098, %get3A_1099] {strides = array<i32>} : memref<352x128xf32, #tpu.memory_space<vmem>>, vector<16xf32>,
        %mul3A_1101 = arith.mulf %get3A_237, %get3A_1100 : vector<16xf32>
        %add3A_1102 = arith.addf %add3A_1093, %mul3A_1101 : vector<16xf32>
        %swap3A_1103 = arith.constant 10 : i32
        %swap3A_1104 = arith.index_cast %swap3A_1103 : i32 to index
        %swap3A_1105 = arith.constant 0 : index
        %swap3A_1106 = tpu.vector_load %arg8[%swap3A_1104, %swap3A_1105] {strides = array<i32>} : memref<32x16xf32, #tpu.memory_space<vmem>>, vector<16xf32>,
        tpu.vector_store %arg8[%swap3A_1104, %swap3A_1105], %add3A_1102 {strides = array<i32>} : memref<32x16xf32, #tpu.memory_space<vmem>>, vector<16xf32>,
        %add3A_1107 = arith.constant 1 : i32
        %add3A_1108 = arith.addi %mul3A_182, %add3A_1107 : i32
        %add3A_1109 = arith.constant 11 : i32
        %add3A_1110 = arith.addi %add3A_1108, %add3A_1109 : i32
        %get3A_1111 = arith.constant 0 : i32
        %get3A_1112 = arith.constant 0 : i32
        %get3A_1113 = tpu.memref_slice %arg7[%scan3A_174, %get3A_1111, %get3A_1112] : memref<2x352x128xf32, #tpu.memory_space<vmem>> -> memref<1x352x128xf32, #tpu.memory_space<vmem>>
        %get3A_1114 = tpu.memref_squeeze %get3A_1113 : memref<1x352x128xf32, #tpu.memory_space<vmem>> -> memref<352x128xf32, #tpu.memory_space<vmem>>
        %get3A_1115 = arith.index_cast %add3A_1110 : i32 to index
        %get3A_1116 = arith.constant 0 : index
        %get3A_1117 = tpu.vector_load %get3A_1114[%get3A_1115, %get3A_1116] {strides = array<i32>} : memref<352x128xf32, #tpu.memory_space<vmem>>, vector<16xf32>,
        %mul3A_1118 = arith.mulf %get3A_188, %get3A_1117 : vector<16xf32>
        %get3A_1119 = arith.constant 0 : i32
        %get3A_1120 = arith.constant 0 : i32
        %get3A_1121 = tpu.memref_slice %arg7[%scan3A_174, %get3A_1119, %get3A_1120] : memref<2x352x128xf32, #tpu.memory_space<vmem>> -> memref<1x352x128xf32, #tpu.memory_space<vmem>>
        %get3A_1122 = tpu.memref_squeeze %get3A_1121 : memref<1x352x128xf32, #tpu.memory_space<vmem>> -> memref<352x128xf32, #tpu.memory_space<vmem>>
        %get3A_1123 = arith.index_cast %add3A_1110 : i32 to index
        %get3A_1124 = arith.constant 16 : index
        %get3A_1125 = tpu.vector_load %get3A_1122[%get3A_1123, %get3A_1124] {strides = array<i32>} : memref<352x128xf32, #tpu.memory_space<vmem>>, vector<16xf32>,
        %mul3A_1126 = arith.mulf %get3A_195, %get3A_1125 : vector<16xf32>
        %add3A_1127 = arith.addf %mul3A_1118, %mul3A_1126 : vector<16xf32>
        %get3A_1128 = arith.constant 0 : i32
        %get3A_1129 = arith.constant 0 : i32
        %get3A_1130 = tpu.memref_slice %arg7[%scan3A_174, %get3A_1128, %get3A_1129] : memref<2x352x128xf32, #tpu.memory_space<vmem>> -> memref<1x352x128xf32, #tpu.memory_space<vmem>>
        %get3A_1131 = tpu.memref_squeeze %get3A_1130 : memref<1x352x128xf32, #tpu.memory_space<vmem>> -> memref<352x128xf32, #tpu.memory_space<vmem>>
        %get3A_1132 = arith.index_cast %add3A_1110 : i32 to index
        %get3A_1133 = arith.constant 32 : index
        %get3A_1134 = tpu.vector_load %get3A_1131[%get3A_1132, %get3A_1133] {strides = array<i32>} : memref<352x128xf32, #tpu.memory_space<vmem>>, vector<16xf32>,
        %mul3A_1135 = arith.mulf %get3A_202, %get3A_1134 : vector<16xf32>
        %add3A_1136 = arith.addf %add3A_1127, %mul3A_1135 : vector<16xf32>
        %get3A_1137 = arith.constant 0 : i32
        %get3A_1138 = arith.constant 0 : i32
        %get3A_1139 = tpu.memref_slice %arg7[%scan3A_174, %get3A_1137, %get3A_1138] : memref<2x352x128xf32, #tpu.memory_space<vmem>> -> memref<1x352x128xf32, #tpu.memory_space<vmem>>
        %get3A_1140 = tpu.memref_squeeze %get3A_1139 : memref<1x352x128xf32, #tpu.memory_space<vmem>> -> memref<352x128xf32, #tpu.memory_space<vmem>>
        %get3A_1141 = arith.index_cast %add3A_1110 : i32 to index
        %get3A_1142 = arith.constant 48 : index
        %get3A_1143 = tpu.vector_load %get3A_1140[%get3A_1141, %get3A_1142] {strides = array<i32>} : memref<352x128xf32, #tpu.memory_space<vmem>>, vector<16xf32>,
        %mul3A_1144 = arith.mulf %get3A_209, %get3A_1143 : vector<16xf32>
        %add3A_1145 = arith.addf %add3A_1136, %mul3A_1144 : vector<16xf32>
        %get3A_1146 = arith.constant 0 : i32
        %get3A_1147 = arith.constant 0 : i32
        %get3A_1148 = tpu.memref_slice %arg7[%scan3A_174, %get3A_1146, %get3A_1147] : memref<2x352x128xf32, #tpu.memory_space<vmem>> -> memref<1x352x128xf32, #tpu.memory_space<vmem>>
        %get3A_1149 = tpu.memref_squeeze %get3A_1148 : memref<1x352x128xf32, #tpu.memory_space<vmem>> -> memref<352x128xf32, #tpu.memory_space<vmem>>
        %get3A_1150 = arith.index_cast %add3A_1110 : i32 to index
        %get3A_1151 = arith.constant 64 : index
        %get3A_1152 = tpu.vector_load %get3A_1149[%get3A_1150, %get3A_1151] {strides = array<i32>} : memref<352x128xf32, #tpu.memory_space<vmem>>, vector<16xf32>,
        %mul3A_1153 = arith.mulf %get3A_216, %get3A_1152 : vector<16xf32>
        %add3A_1154 = arith.addf %add3A_1145, %mul3A_1153 : vector<16xf32>
        %get3A_1155 = arith.constant 0 : i32
        %get3A_1156 = arith.constant 0 : i32
        %get3A_1157 = tpu.memref_slice %arg7[%scan3A_174, %get3A_1155, %get3A_1156] : memref<2x352x128xf32, #tpu.memory_space<vmem>> -> memref<1x352x128xf32, #tpu.memory_space<vmem>>
        %get3A_1158 = tpu.memref_squeeze %get3A_1157 : memref<1x352x128xf32, #tpu.memory_space<vmem>> -> memref<352x128xf32, #tpu.memory_space<vmem>>
        %get3A_1159 = arith.index_cast %add3A_1110 : i32 to index
        %get3A_1160 = arith.constant 80 : index
        %get3A_1161 = tpu.vector_load %get3A_1158[%get3A_1159, %get3A_1160] {strides = array<i32>} : memref<352x128xf32, #tpu.memory_space<vmem>>, vector<16xf32>,
        %mul3A_1162 = arith.mulf %get3A_223, %get3A_1161 : vector<16xf32>
        %add3A_1163 = arith.addf %add3A_1154, %mul3A_1162 : vector<16xf32>
        %get3A_1164 = arith.constant 0 : i32
        %get3A_1165 = arith.constant 0 : i32
        %get3A_1166 = tpu.memref_slice %arg7[%scan3A_174, %get3A_1164, %get3A_1165] : memref<2x352x128xf32, #tpu.memory_space<vmem>> -> memref<1x352x128xf32, #tpu.memory_space<vmem>>
        %get3A_1167 = tpu.memref_squeeze %get3A_1166 : memref<1x352x128xf32, #tpu.memory_space<vmem>> -> memref<352x128xf32, #tpu.memory_space<vmem>>
        %get3A_1168 = arith.index_cast %add3A_1110 : i32 to index
        %get3A_1169 = arith.constant 96 : index
        %get3A_1170 = tpu.vector_load %get3A_1167[%get3A_1168, %get3A_1169] {strides = array<i32>} : memref<352x128xf32, #tpu.memory_space<vmem>>, vector<16xf32>,
        %mul3A_1171 = arith.mulf %get3A_230, %get3A_1170 : vector<16xf32>
        %add3A_1172 = arith.addf %add3A_1163, %mul3A_1171 : vector<16xf32>
        %get3A_1173 = arith.constant 0 : i32
        %get3A_1174 = arith.constant 0 : i32
        %get3A_1175 = tpu.memref_slice %arg7[%scan3A_174, %get3A_1173, %get3A_1174] : memref<2x352x128xf32, #tpu.memory_space<vmem>> -> memref<1x352x128xf32, #tpu.memory_space<vmem>>
        %get3A_1176 = tpu.memref_squeeze %get3A_1175 : memref<1x352x128xf32, #tpu.memory_space<vmem>> -> memref<352x128xf32, #tpu.memory_space<vmem>>
        %get3A_1177 = arith.index_cast %add3A_1110 : i32 to index
        %get3A_1178 = arith.constant 112 : index
        %get3A_1179 = tpu.vector_load %get3A_1176[%get3A_1177, %get3A_1178] {strides = array<i32>} : memref<352x128xf32, #tpu.memory_space<vmem>>, vector<16xf32>,
        %mul3A_1180 = arith.mulf %get3A_237, %get3A_1179 : vector<16xf32>
        %add3A_1181 = arith.addf %add3A_1172, %mul3A_1180 : vector<16xf32>
        %swap3A_1182 = arith.constant 11 : i32
        %swap3A_1183 = arith.index_cast %swap3A_1182 : i32 to index
        %swap3A_1184 = arith.constant 0 : index
        %swap3A_1185 = tpu.vector_load %arg8[%swap3A_1183, %swap3A_1184] {strides = array<i32>} : memref<32x16xf32, #tpu.memory_space<vmem>>, vector<16xf32>,
        tpu.vector_store %arg8[%swap3A_1183, %swap3A_1184], %add3A_1181 {strides = array<i32>} : memref<32x16xf32, #tpu.memory_space<vmem>>, vector<16xf32>,
        %add3A_1186 = arith.constant 1 : i32
        %add3A_1187 = arith.addi %mul3A_182, %add3A_1186 : i32
        %add3A_1188 = arith.constant 12 : i32
        %add3A_1189 = arith.addi %add3A_1187, %add3A_1188 : i32
        %get3A_1190 = arith.constant 0 : i32
        %get3A_1191 = arith.constant 0 : i32
        %get3A_1192 = tpu.memref_slice %arg7[%scan3A_174, %get3A_1190, %get3A_1191] : memref<2x352x128xf32, #tpu.memory_space<vmem>> -> memref<1x352x128xf32, #tpu.memory_space<vmem>>
        %get3A_1193 = tpu.memref_squeeze %get3A_1192 : memref<1x352x128xf32, #tpu.memory_space<vmem>> -> memref<352x128xf32, #tpu.memory_space<vmem>>
        %get3A_1194 = arith.index_cast %add3A_1189 : i32 to index
        %get3A_1195 = arith.constant 0 : index
        %get3A_1196 = tpu.vector_load %get3A_1193[%get3A_1194, %get3A_1195] {strides = array<i32>} : memref<352x128xf32, #tpu.memory_space<vmem>>, vector<16xf32>,
        %mul3A_1197 = arith.mulf %get3A_188, %get3A_1196 : vector<16xf32>
        %get3A_1198 = arith.constant 0 : i32
        %get3A_1199 = arith.constant 0 : i32
        %get3A_1200 = tpu.memref_slice %arg7[%scan3A_174, %get3A_1198, %get3A_1199] : memref<2x352x128xf32, #tpu.memory_space<vmem>> -> memref<1x352x128xf32, #tpu.memory_space<vmem>>
        %get3A_1201 = tpu.memref_squeeze %get3A_1200 : memref<1x352x128xf32, #tpu.memory_space<vmem>> -> memref<352x128xf32, #tpu.memory_space<vmem>>
        %get3A_1202 = arith.index_cast %add3A_1189 : i32 to index
        %get3A_1203 = arith.constant 16 : index
        %get3A_1204 = tpu.vector_load %get3A_1201[%get3A_1202, %get3A_1203] {strides = array<i32>} : memref<352x128xf32, #tpu.memory_space<vmem>>, vector<16xf32>,
        %mul3A_1205 = arith.mulf %get3A_195, %get3A_1204 : vector<16xf32>
        %add3A_1206 = arith.addf %mul3A_1197, %mul3A_1205 : vector<16xf32>
        %get3A_1207 = arith.constant 0 : i32
        %get3A_1208 = arith.constant 0 : i32
        %get3A_1209 = tpu.memref_slice %arg7[%scan3A_174, %get3A_1207, %get3A_1208] : memref<2x352x128xf32, #tpu.memory_space<vmem>> -> memref<1x352x128xf32, #tpu.memory_space<vmem>>
        %get3A_1210 = tpu.memref_squeeze %get3A_1209 : memref<1x352x128xf32, #tpu.memory_space<vmem>> -> memref<352x128xf32, #tpu.memory_space<vmem>>
        %get3A_1211 = arith.index_cast %add3A_1189 : i32 to index
        %get3A_1212 = arith.constant 32 : index
        %get3A_1213 = tpu.vector_load %get3A_1210[%get3A_1211, %get3A_1212] {strides = array<i32>} : memref<352x128xf32, #tpu.memory_space<vmem>>, vector<16xf32>,
        %mul3A_1214 = arith.mulf %get3A_202, %get3A_1213 : vector<16xf32>
        %add3A_1215 = arith.addf %add3A_1206, %mul3A_1214 : vector<16xf32>
        %get3A_1216 = arith.constant 0 : i32
        %get3A_1217 = arith.constant 0 : i32
        %get3A_1218 = tpu.memref_slice %arg7[%scan3A_174, %get3A_1216, %get3A_1217] : memref<2x352x128xf32, #tpu.memory_space<vmem>> -> memref<1x352x128xf32, #tpu.memory_space<vmem>>
        %get3A_1219 = tpu.memref_squeeze %get3A_1218 : memref<1x352x128xf32, #tpu.memory_space<vmem>> -> memref<352x128xf32, #tpu.memory_space<vmem>>
        %get3A_1220 = arith.index_cast %add3A_1189 : i32 to index
        %get3A_1221 = arith.constant 48 : index
        %get3A_1222 = tpu.vector_load %get3A_1219[%get3A_1220, %get3A_1221] {strides = array<i32>} : memref<352x128xf32, #tpu.memory_space<vmem>>, vector<16xf32>,
        %mul3A_1223 = arith.mulf %get3A_209, %get3A_1222 : vector<16xf32>
        %add3A_1224 = arith.addf %add3A_1215, %mul3A_1223 : vector<16xf32>
        %get3A_1225 = arith.constant 0 : i32
        %get3A_1226 = arith.constant 0 : i32
        %get3A_1227 = tpu.memref_slice %arg7[%scan3A_174, %get3A_1225, %get3A_1226] : memref<2x352x128xf32, #tpu.memory_space<vmem>> -> memref<1x352x128xf32, #tpu.memory_space<vmem>>
        %get3A_1228 = tpu.memref_squeeze %get3A_1227 : memref<1x352x128xf32, #tpu.memory_space<vmem>> -> memref<352x128xf32, #tpu.memory_space<vmem>>
        %get3A_1229 = arith.index_cast %add3A_1189 : i32 to index
        %get3A_1230 = arith.constant 64 : index
        %get3A_1231 = tpu.vector_load %get3A_1228[%get3A_1229, %get3A_1230] {strides = array<i32>} : memref<352x128xf32, #tpu.memory_space<vmem>>, vector<16xf32>,
        %mul3A_1232 = arith.mulf %get3A_216, %get3A_1231 : vector<16xf32>
        %add3A_1233 = arith.addf %add3A_1224, %mul3A_1232 : vector<16xf32>
        %get3A_1234 = arith.constant 0 : i32
        %get3A_1235 = arith.constant 0 : i32
        %get3A_1236 = tpu.memref_slice %arg7[%scan3A_174, %get3A_1234, %get3A_1235] : memref<2x352x128xf32, #tpu.memory_space<vmem>> -> memref<1x352x128xf32, #tpu.memory_space<vmem>>
        %get3A_1237 = tpu.memref_squeeze %get3A_1236 : memref<1x352x128xf32, #tpu.memory_space<vmem>> -> memref<352x128xf32, #tpu.memory_space<vmem>>
        %get3A_1238 = arith.index_cast %add3A_1189 : i32 to index
        %get3A_1239 = arith.constant 80 : index
        %get3A_1240 = tpu.vector_load %get3A_1237[%get3A_1238, %get3A_1239] {strides = array<i32>} : memref<352x128xf32, #tpu.memory_space<vmem>>, vector<16xf32>,
        %mul3A_1241 = arith.mulf %get3A_223, %get3A_1240 : vector<16xf32>
        %add3A_1242 = arith.addf %add3A_1233, %mul3A_1241 : vector<16xf32>
        %get3A_1243 = arith.constant 0 : i32
        %get3A_1244 = arith.constant 0 : i32
        %get3A_1245 = tpu.memref_slice %arg7[%scan3A_174, %get3A_1243, %get3A_1244] : memref<2x352x128xf32, #tpu.memory_space<vmem>> -> memref<1x352x128xf32, #tpu.memory_space<vmem>>
        %get3A_1246 = tpu.memref_squeeze %get3A_1245 : memref<1x352x128xf32, #tpu.memory_space<vmem>> -> memref<352x128xf32, #tpu.memory_space<vmem>>
        %get3A_1247 = arith.index_cast %add3A_1189 : i32 to index
        %get3A_1248 = arith.constant 96 : index
        %get3A_1249 = tpu.vector_load %get3A_1246[%get3A_1247, %get3A_1248] {strides = array<i32>} : memref<352x128xf32, #tpu.memory_space<vmem>>, vector<16xf32>,
        %mul3A_1250 = arith.mulf %get3A_230, %get3A_1249 : vector<16xf32>
        %add3A_1251 = arith.addf %add3A_1242, %mul3A_1250 : vector<16xf32>
        %get3A_1252 = arith.constant 0 : i32
        %get3A_1253 = arith.constant 0 : i32
        %get3A_1254 = tpu.memref_slice %arg7[%scan3A_174, %get3A_1252, %get3A_1253] : memref<2x352x128xf32, #tpu.memory_space<vmem>> -> memref<1x352x128xf32, #tpu.memory_space<vmem>>
        %get3A_1255 = tpu.memref_squeeze %get3A_1254 : memref<1x352x128xf32, #tpu.memory_space<vmem>> -> memref<352x128xf32, #tpu.memory_space<vmem>>
        %get3A_1256 = arith.index_cast %add3A_1189 : i32 to index
        %get3A_1257 = arith.constant 112 : index
        %get3A_1258 = tpu.vector_load %get3A_1255[%get3A_1256, %get3A_1257] {strides = array<i32>} : memref<352x128xf32, #tpu.memory_space<vmem>>, vector<16xf32>,
        %mul3A_1259 = arith.mulf %get3A_237, %get3A_1258 : vector<16xf32>
        %add3A_1260 = arith.addf %add3A_1251, %mul3A_1259 : vector<16xf32>
        %swap3A_1261 = arith.constant 12 : i32
        %swap3A_1262 = arith.index_cast %swap3A_1261 : i32 to index
        %swap3A_1263 = arith.constant 0 : index
        %swap3A_1264 = tpu.vector_load %arg8[%swap3A_1262, %swap3A_1263] {strides = array<i32>} : memref<32x16xf32, #tpu.memory_space<vmem>>, vector<16xf32>,
        tpu.vector_store %arg8[%swap3A_1262, %swap3A_1263], %add3A_1260 {strides = array<i32>} : memref<32x16xf32, #tpu.memory_space<vmem>>, vector<16xf32>,
        %add3A_1265 = arith.constant 1 : i32
        %add3A_1266 = arith.addi %mul3A_182, %add3A_1265 : i32
        %add3A_1267 = arith.constant 13 : i32
        %add3A_1268 = arith.addi %add3A_1266, %add3A_1267 : i32
        %get3A_1269 = arith.constant 0 : i32
        %get3A_1270 = arith.constant 0 : i32
        %get3A_1271 = tpu.memref_slice %arg7[%scan3A_174, %get3A_1269, %get3A_1270] : memref<2x352x128xf32, #tpu.memory_space<vmem>> -> memref<1x352x128xf32, #tpu.memory_space<vmem>>
        %get3A_1272 = tpu.memref_squeeze %get3A_1271 : memref<1x352x128xf32, #tpu.memory_space<vmem>> -> memref<352x128xf32, #tpu.memory_space<vmem>>
        %get3A_1273 = arith.index_cast %add3A_1268 : i32 to index
        %get3A_1274 = arith.constant 0 : index
        %get3A_1275 = tpu.vector_load %get3A_1272[%get3A_1273, %get3A_1274] {strides = array<i32>} : memref<352x128xf32, #tpu.memory_space<vmem>>, vector<16xf32>,
        %mul3A_1276 = arith.mulf %get3A_188, %get3A_1275 : vector<16xf32>
        %get3A_1277 = arith.constant 0 : i32
        %get3A_1278 = arith.constant 0 : i32
        %get3A_1279 = tpu.memref_slice %arg7[%scan3A_174, %get3A_1277, %get3A_1278] : memref<2x352x128xf32, #tpu.memory_space<vmem>> -> memref<1x352x128xf32, #tpu.memory_space<vmem>>
        %get3A_1280 = tpu.memref_squeeze %get3A_1279 : memref<1x352x128xf32, #tpu.memory_space<vmem>> -> memref<352x128xf32, #tpu.memory_space<vmem>>
        %get3A_1281 = arith.index_cast %add3A_1268 : i32 to index
        %get3A_1282 = arith.constant 16 : index
        %get3A_1283 = tpu.vector_load %get3A_1280[%get3A_1281, %get3A_1282] {strides = array<i32>} : memref<352x128xf32, #tpu.memory_space<vmem>>, vector<16xf32>,
        %mul3A_1284 = arith.mulf %get3A_195, %get3A_1283 : vector<16xf32>
        %add3A_1285 = arith.addf %mul3A_1276, %mul3A_1284 : vector<16xf32>
        %get3A_1286 = arith.constant 0 : i32
        %get3A_1287 = arith.constant 0 : i32
        %get3A_1288 = tpu.memref_slice %arg7[%scan3A_174, %get3A_1286, %get3A_1287] : memref<2x352x128xf32, #tpu.memory_space<vmem>> -> memref<1x352x128xf32, #tpu.memory_space<vmem>>
        %get3A_1289 = tpu.memref_squeeze %get3A_1288 : memref<1x352x128xf32, #tpu.memory_space<vmem>> -> memref<352x128xf32, #tpu.memory_space<vmem>>
        %get3A_1290 = arith.index_cast %add3A_1268 : i32 to index
        %get3A_1291 = arith.constant 32 : index
        %get3A_1292 = tpu.vector_load %get3A_1289[%get3A_1290, %get3A_1291] {strides = array<i32>} : memref<352x128xf32, #tpu.memory_space<vmem>>, vector<16xf32>,
        %mul3A_1293 = arith.mulf %get3A_202, %get3A_1292 : vector<16xf32>
        %add3A_1294 = arith.addf %add3A_1285, %mul3A_1293 : vector<16xf32>
        %get3A_1295 = arith.constant 0 : i32
        %get3A_1296 = arith.constant 0 : i32
        %get3A_1297 = tpu.memref_slice %arg7[%scan3A_174, %get3A_1295, %get3A_1296] : memref<2x352x128xf32, #tpu.memory_space<vmem>> -> memref<1x352x128xf32, #tpu.memory_space<vmem>>
        %get3A_1298 = tpu.memref_squeeze %get3A_1297 : memref<1x352x128xf32, #tpu.memory_space<vmem>> -> memref<352x128xf32, #tpu.memory_space<vmem>>
        %get3A_1299 = arith.index_cast %add3A_1268 : i32 to index
        %get3A_1300 = arith.constant 48 : index
        %get3A_1301 = tpu.vector_load %get3A_1298[%get3A_1299, %get3A_1300] {strides = array<i32>} : memref<352x128xf32, #tpu.memory_space<vmem>>, vector<16xf32>,
        %mul3A_1302 = arith.mulf %get3A_209, %get3A_1301 : vector<16xf32>
        %add3A_1303 = arith.addf %add3A_1294, %mul3A_1302 : vector<16xf32>
        %get3A_1304 = arith.constant 0 : i32
        %get3A_1305 = arith.constant 0 : i32
        %get3A_1306 = tpu.memref_slice %arg7[%scan3A_174, %get3A_1304, %get3A_1305] : memref<2x352x128xf32, #tpu.memory_space<vmem>> -> memref<1x352x128xf32, #tpu.memory_space<vmem>>
        %get3A_1307 = tpu.memref_squeeze %get3A_1306 : memref<1x352x128xf32, #tpu.memory_space<vmem>> -> memref<352x128xf32, #tpu.memory_space<vmem>>
        %get3A_1308 = arith.index_cast %add3A_1268 : i32 to index
        %get3A_1309 = arith.constant 64 : index
        %get3A_1310 = tpu.vector_load %get3A_1307[%get3A_1308, %get3A_1309] {strides = array<i32>} : memref<352x128xf32, #tpu.memory_space<vmem>>, vector<16xf32>,
        %mul3A_1311 = arith.mulf %get3A_216, %get3A_1310 : vector<16xf32>
        %add3A_1312 = arith.addf %add3A_1303, %mul3A_1311 : vector<16xf32>
        %get3A_1313 = arith.constant 0 : i32
        %get3A_1314 = arith.constant 0 : i32
        %get3A_1315 = tpu.memref_slice %arg7[%scan3A_174, %get3A_1313, %get3A_1314] : memref<2x352x128xf32, #tpu.memory_space<vmem>> -> memref<1x352x128xf32, #tpu.memory_space<vmem>>
        %get3A_1316 = tpu.memref_squeeze %get3A_1315 : memref<1x352x128xf32, #tpu.memory_space<vmem>> -> memref<352x128xf32, #tpu.memory_space<vmem>>
        %get3A_1317 = arith.index_cast %add3A_1268 : i32 to index
        %get3A_1318 = arith.constant 80 : index
        %get3A_1319 = tpu.vector_load %get3A_1316[%get3A_1317, %get3A_1318] {strides = array<i32>} : memref<352x128xf32, #tpu.memory_space<vmem>>, vector<16xf32>,
        %mul3A_1320 = arith.mulf %get3A_223, %get3A_1319 : vector<16xf32>
        %add3A_1321 = arith.addf %add3A_1312, %mul3A_1320 : vector<16xf32>
        %get3A_1322 = arith.constant 0 : i32
        %get3A_1323 = arith.constant 0 : i32
        %get3A_1324 = tpu.memref_slice %arg7[%scan3A_174, %get3A_1322, %get3A_1323] : memref<2x352x128xf32, #tpu.memory_space<vmem>> -> memref<1x352x128xf32, #tpu.memory_space<vmem>>
        %get3A_1325 = tpu.memref_squeeze %get3A_1324 : memref<1x352x128xf32, #tpu.memory_space<vmem>> -> memref<352x128xf32, #tpu.memory_space<vmem>>
        %get3A_1326 = arith.index_cast %add3A_1268 : i32 to index
        %get3A_1327 = arith.constant 96 : index
        %get3A_1328 = tpu.vector_load %get3A_1325[%get3A_1326, %get3A_1327] {strides = array<i32>} : memref<352x128xf32, #tpu.memory_space<vmem>>, vector<16xf32>,
        %mul3A_1329 = arith.mulf %get3A_230, %get3A_1328 : vector<16xf32>
        %add3A_1330 = arith.addf %add3A_1321, %mul3A_1329 : vector<16xf32>
        %get3A_1331 = arith.constant 0 : i32
        %get3A_1332 = arith.constant 0 : i32
        %get3A_1333 = tpu.memref_slice %arg7[%scan3A_174, %get3A_1331, %get3A_1332] : memref<2x352x128xf32, #tpu.memory_space<vmem>> -> memref<1x352x128xf32, #tpu.memory_space<vmem>>
        %get3A_1334 = tpu.memref_squeeze %get3A_1333 : memref<1x352x128xf32, #tpu.memory_space<vmem>> -> memref<352x128xf32, #tpu.memory_space<vmem>>
        %get3A_1335 = arith.index_cast %add3A_1268 : i32 to index
        %get3A_1336 = arith.constant 112 : index
        %get3A_1337 = tpu.vector_load %get3A_1334[%get3A_1335, %get3A_1336] {strides = array<i32>} : memref<352x128xf32, #tpu.memory_space<vmem>>, vector<16xf32>,
        %mul3A_1338 = arith.mulf %get3A_237, %get3A_1337 : vector<16xf32>
        %add3A_1339 = arith.addf %add3A_1330, %mul3A_1338 : vector<16xf32>
        %swap3A_1340 = arith.constant 13 : i32
        %swap3A_1341 = arith.index_cast %swap3A_1340 : i32 to index
        %swap3A_1342 = arith.constant 0 : index
        %swap3A_1343 = tpu.vector_load %arg8[%swap3A_1341, %swap3A_1342] {strides = array<i32>} : memref<32x16xf32, #tpu.memory_space<vmem>>, vector<16xf32>,
        tpu.vector_store %arg8[%swap3A_1341, %swap3A_1342], %add3A_1339 {strides = array<i32>} : memref<32x16xf32, #tpu.memory_space<vmem>>, vector<16xf32>,
        %add3A_1344 = arith.constant 1 : i32
        %add3A_1345 = arith.addi %mul3A_182, %add3A_1344 : i32
        %add3A_1346 = arith.constant 14 : i32
        %add3A_1347 = arith.addi %add3A_1345, %add3A_1346 : i32
        %get3A_1348 = arith.constant 0 : i32
        %get3A_1349 = arith.constant 0 : i32
        %get3A_1350 = tpu.memref_slice %arg7[%scan3A_174, %get3A_1348, %get3A_1349] : memref<2x352x128xf32, #tpu.memory_space<vmem>> -> memref<1x352x128xf32, #tpu.memory_space<vmem>>
        %get3A_1351 = tpu.memref_squeeze %get3A_1350 : memref<1x352x128xf32, #tpu.memory_space<vmem>> -> memref<352x128xf32, #tpu.memory_space<vmem>>
        %get3A_1352 = arith.index_cast %add3A_1347 : i32 to index
        %get3A_1353 = arith.constant 0 : index
        %get3A_1354 = tpu.vector_load %get3A_1351[%get3A_1352, %get3A_1353] {strides = array<i32>} : memref<352x128xf32, #tpu.memory_space<vmem>>, vector<16xf32>,
        %mul3A_1355 = arith.mulf %get3A_188, %get3A_1354 : vector<16xf32>
        %get3A_1356 = arith.constant 0 : i32
        %get3A_1357 = arith.constant 0 : i32
        %get3A_1358 = tpu.memref_slice %arg7[%scan3A_174, %get3A_1356, %get3A_1357] : memref<2x352x128xf32, #tpu.memory_space<vmem>> -> memref<1x352x128xf32, #tpu.memory_space<vmem>>
        %get3A_1359 = tpu.memref_squeeze %get3A_1358 : memref<1x352x128xf32, #tpu.memory_space<vmem>> -> memref<352x128xf32, #tpu.memory_space<vmem>>
        %get3A_1360 = arith.index_cast %add3A_1347 : i32 to index
        %get3A_1361 = arith.constant 16 : index
        %get3A_1362 = tpu.vector_load %get3A_1359[%get3A_1360, %get3A_1361] {strides = array<i32>} : memref<352x128xf32, #tpu.memory_space<vmem>>, vector<16xf32>,
        %mul3A_1363 = arith.mulf %get3A_195, %get3A_1362 : vector<16xf32>
        %add3A_1364 = arith.addf %mul3A_1355, %mul3A_1363 : vector<16xf32>
        %get3A_1365 = arith.constant 0 : i32
        %get3A_1366 = arith.constant 0 : i32
        %get3A_1367 = tpu.memref_slice %arg7[%scan3A_174, %get3A_1365, %get3A_1366] : memref<2x352x128xf32, #tpu.memory_space<vmem>> -> memref<1x352x128xf32, #tpu.memory_space<vmem>>
        %get3A_1368 = tpu.memref_squeeze %get3A_1367 : memref<1x352x128xf32, #tpu.memory_space<vmem>> -> memref<352x128xf32, #tpu.memory_space<vmem>>
        %get3A_1369 = arith.index_cast %add3A_1347 : i32 to index
        %get3A_1370 = arith.constant 32 : index
        %get3A_1371 = tpu.vector_load %get3A_1368[%get3A_1369, %get3A_1370] {strides = array<i32>} : memref<352x128xf32, #tpu.memory_space<vmem>>, vector<16xf32>,
        %mul3A_1372 = arith.mulf %get3A_202, %get3A_1371 : vector<16xf32>
        %add3A_1373 = arith.addf %add3A_1364, %mul3A_1372 : vector<16xf32>
        %get3A_1374 = arith.constant 0 : i32
        %get3A_1375 = arith.constant 0 : i32
        %get3A_1376 = tpu.memref_slice %arg7[%scan3A_174, %get3A_1374, %get3A_1375] : memref<2x352x128xf32, #tpu.memory_space<vmem>> -> memref<1x352x128xf32, #tpu.memory_space<vmem>>
        %get3A_1377 = tpu.memref_squeeze %get3A_1376 : memref<1x352x128xf32, #tpu.memory_space<vmem>> -> memref<352x128xf32, #tpu.memory_space<vmem>>
        %get3A_1378 = arith.index_cast %add3A_1347 : i32 to index
        %get3A_1379 = arith.constant 48 : index
        %get3A_1380 = tpu.vector_load %get3A_1377[%get3A_1378, %get3A_1379] {strides = array<i32>} : memref<352x128xf32, #tpu.memory_space<vmem>>, vector<16xf32>,
        %mul3A_1381 = arith.mulf %get3A_209, %get3A_1380 : vector<16xf32>
        %add3A_1382 = arith.addf %add3A_1373, %mul3A_1381 : vector<16xf32>
        %get3A_1383 = arith.constant 0 : i32
        %get3A_1384 = arith.constant 0 : i32
        %get3A_1385 = tpu.memref_slice %arg7[%scan3A_174, %get3A_1383, %get3A_1384] : memref<2x352x128xf32, #tpu.memory_space<vmem>> -> memref<1x352x128xf32, #tpu.memory_space<vmem>>
        %get3A_1386 = tpu.memref_squeeze %get3A_1385 : memref<1x352x128xf32, #tpu.memory_space<vmem>> -> memref<352x128xf32, #tpu.memory_space<vmem>>
        %get3A_1387 = arith.index_cast %add3A_1347 : i32 to index
        %get3A_1388 = arith.constant 64 : index
        %get3A_1389 = tpu.vector_load %get3A_1386[%get3A_1387, %get3A_1388] {strides = array<i32>} : memref<352x128xf32, #tpu.memory_space<vmem>>, vector<16xf32>,
        %mul3A_1390 = arith.mulf %get3A_216, %get3A_1389 : vector<16xf32>
        %add3A_1391 = arith.addf %add3A_1382, %mul3A_1390 : vector<16xf32>
        %get3A_1392 = arith.constant 0 : i32
        %get3A_1393 = arith.constant 0 : i32
        %get3A_1394 = tpu.memref_slice %arg7[%scan3A_174, %get3A_1392, %get3A_1393] : memref<2x352x128xf32, #tpu.memory_space<vmem>> -> memref<1x352x128xf32, #tpu.memory_space<vmem>>
        %get3A_1395 = tpu.memref_squeeze %get3A_1394 : memref<1x352x128xf32, #tpu.memory_space<vmem>> -> memref<352x128xf32, #tpu.memory_space<vmem>>
        %get3A_1396 = arith.index_cast %add3A_1347 : i32 to index
        %get3A_1397 = arith.constant 80 : index
        %get3A_1398 = tpu.vector_load %get3A_1395[%get3A_1396, %get3A_1397] {strides = array<i32>} : memref<352x128xf32, #tpu.memory_space<vmem>>, vector<16xf32>,
        %mul3A_1399 = arith.mulf %get3A_223, %get3A_1398 : vector<16xf32>
        %add3A_1400 = arith.addf %add3A_1391, %mul3A_1399 : vector<16xf32>
        %get3A_1401 = arith.constant 0 : i32
        %get3A_1402 = arith.constant 0 : i32
        %get3A_1403 = tpu.memref_slice %arg7[%scan3A_174, %get3A_1401, %get3A_1402] : memref<2x352x128xf32, #tpu.memory_space<vmem>> -> memref<1x352x128xf32, #tpu.memory_space<vmem>>
        %get3A_1404 = tpu.memref_squeeze %get3A_1403 : memref<1x352x128xf32, #tpu.memory_space<vmem>> -> memref<352x128xf32, #tpu.memory_space<vmem>>
        %get3A_1405 = arith.index_cast %add3A_1347 : i32 to index
        %get3A_1406 = arith.constant 96 : index
        %get3A_1407 = tpu.vector_load %get3A_1404[%get3A_1405, %get3A_1406] {strides = array<i32>} : memref<352x128xf32, #tpu.memory_space<vmem>>, vector<16xf32>,
        %mul3A_1408 = arith.mulf %get3A_230, %get3A_1407 : vector<16xf32>
        %add3A_1409 = arith.addf %add3A_1400, %mul3A_1408 : vector<16xf32>
        %get3A_1410 = arith.constant 0 : i32
        %get3A_1411 = arith.constant 0 : i32
        %get3A_1412 = tpu.memref_slice %arg7[%scan3A_174, %get3A_1410, %get3A_1411] : memref<2x352x128xf32, #tpu.memory_space<vmem>> -> memref<1x352x128xf32, #tpu.memory_space<vmem>>
        %get3A_1413 = tpu.memref_squeeze %get3A_1412 : memref<1x352x128xf32, #tpu.memory_space<vmem>> -> memref<352x128xf32, #tpu.memory_space<vmem>>
        %get3A_1414 = arith.index_cast %add3A_1347 : i32 to index
        %get3A_1415 = arith.constant 112 : index
        %get3A_1416 = tpu.vector_load %get3A_1413[%get3A_1414, %get3A_1415] {strides = array<i32>} : memref<352x128xf32, #tpu.memory_space<vmem>>, vector<16xf32>,
        %mul3A_1417 = arith.mulf %get3A_237, %get3A_1416 : vector<16xf32>
        %add3A_1418 = arith.addf %add3A_1409, %mul3A_1417 : vector<16xf32>
        %swap3A_1419 = arith.constant 14 : i32
        %swap3A_1420 = arith.index_cast %swap3A_1419 : i32 to index
        %swap3A_1421 = arith.constant 0 : index
        %swap3A_1422 = tpu.vector_load %arg8[%swap3A_1420, %swap3A_1421] {strides = array<i32>} : memref<32x16xf32, #tpu.memory_space<vmem>>, vector<16xf32>,
        tpu.vector_store %arg8[%swap3A_1420, %swap3A_1421], %add3A_1418 {strides = array<i32>} : memref<32x16xf32, #tpu.memory_space<vmem>>, vector<16xf32>,
        %add3A_1423 = arith.constant 1 : i32
        %add3A_1424 = arith.addi %mul3A_182, %add3A_1423 : i32
        %add3A_1425 = arith.constant 15 : i32
        %add3A_1426 = arith.addi %add3A_1424, %add3A_1425 : i32
        %get3A_1427 = arith.constant 0 : i32
        %get3A_1428 = arith.constant 0 : i32
        %get3A_1429 = tpu.memref_slice %arg7[%scan3A_174, %get3A_1427, %get3A_1428] : memref<2x352x128xf32, #tpu.memory_space<vmem>> -> memref<1x352x128xf32, #tpu.memory_space<vmem>>
        %get3A_1430 = tpu.memref_squeeze %get3A_1429 : memref<1x352x128xf32, #tpu.memory_space<vmem>> -> memref<352x128xf32, #tpu.memory_space<vmem>>
        %get3A_1431 = arith.index_cast %add3A_1426 : i32 to index
        %get3A_1432 = arith.constant 0 : index
        %get3A_1433 = tpu.vector_load %get3A_1430[%get3A_1431, %get3A_1432] {strides = array<i32>} : memref<352x128xf32, #tpu.memory_space<vmem>>, vector<16xf32>,
        %mul3A_1434 = arith.mulf %get3A_188, %get3A_1433 : vector<16xf32>
        %get3A_1435 = arith.constant 0 : i32
        %get3A_1436 = arith.constant 0 : i32
        %get3A_1437 = tpu.memref_slice %arg7[%scan3A_174, %get3A_1435, %get3A_1436] : memref<2x352x128xf32, #tpu.memory_space<vmem>> -> memref<1x352x128xf32, #tpu.memory_space<vmem>>
        %get3A_1438 = tpu.memref_squeeze %get3A_1437 : memref<1x352x128xf32, #tpu.memory_space<vmem>> -> memref<352x128xf32, #tpu.memory_space<vmem>>
        %get3A_1439 = arith.index_cast %add3A_1426 : i32 to index
        %get3A_1440 = arith.constant 16 : index
        %get3A_1441 = tpu.vector_load %get3A_1438[%get3A_1439, %get3A_1440] {strides = array<i32>} : memref<352x128xf32, #tpu.memory_space<vmem>>, vector<16xf32>,
        %mul3A_1442 = arith.mulf %get3A_195, %get3A_1441 : vector<16xf32>
        %add3A_1443 = arith.addf %mul3A_1434, %mul3A_1442 : vector<16xf32>
        %get3A_1444 = arith.constant 0 : i32
        %get3A_1445 = arith.constant 0 : i32
        %get3A_1446 = tpu.memref_slice %arg7[%scan3A_174, %get3A_1444, %get3A_1445] : memref<2x352x128xf32, #tpu.memory_space<vmem>> -> memref<1x352x128xf32, #tpu.memory_space<vmem>>
        %get3A_1447 = tpu.memref_squeeze %get3A_1446 : memref<1x352x128xf32, #tpu.memory_space<vmem>> -> memref<352x128xf32, #tpu.memory_space<vmem>>
        %get3A_1448 = arith.index_cast %add3A_1426 : i32 to index
        %get3A_1449 = arith.constant 32 : index
        %get3A_1450 = tpu.vector_load %get3A_1447[%get3A_1448, %get3A_1449] {strides = array<i32>} : memref<352x128xf32, #tpu.memory_space<vmem>>, vector<16xf32>,
        %mul3A_1451 = arith.mulf %get3A_202, %get3A_1450 : vector<16xf32>
        %add3A_1452 = arith.addf %add3A_1443, %mul3A_1451 : vector<16xf32>
        %get3A_1453 = arith.constant 0 : i32
        %get3A_1454 = arith.constant 0 : i32
        %get3A_1455 = tpu.memref_slice %arg7[%scan3A_174, %get3A_1453, %get3A_1454] : memref<2x352x128xf32, #tpu.memory_space<vmem>> -> memref<1x352x128xf32, #tpu.memory_space<vmem>>
        %get3A_1456 = tpu.memref_squeeze %get3A_1455 : memref<1x352x128xf32, #tpu.memory_space<vmem>> -> memref<352x128xf32, #tpu.memory_space<vmem>>
        %get3A_1457 = arith.index_cast %add3A_1426 : i32 to index
        %get3A_1458 = arith.constant 48 : index
        %get3A_1459 = tpu.vector_load %get3A_1456[%get3A_1457, %get3A_1458] {strides = array<i32>} : memref<352x128xf32, #tpu.memory_space<vmem>>, vector<16xf32>,
        %mul3A_1460 = arith.mulf %get3A_209, %get3A_1459 : vector<16xf32>
        %add3A_1461 = arith.addf %add3A_1452, %mul3A_1460 : vector<16xf32>
        %get3A_1462 = arith.constant 0 : i32
        %get3A_1463 = arith.constant 0 : i32
        %get3A_1464 = tpu.memref_slice %arg7[%scan3A_174, %get3A_1462, %get3A_1463] : memref<2x352x128xf32, #tpu.memory_space<vmem>> -> memref<1x352x128xf32, #tpu.memory_space<vmem>>
        %get3A_1465 = tpu.memref_squeeze %get3A_1464 : memref<1x352x128xf32, #tpu.memory_space<vmem>> -> memref<352x128xf32, #tpu.memory_space<vmem>>
        %get3A_1466 = arith.index_cast %add3A_1426 : i32 to index
        %get3A_1467 = arith.constant 64 : index
        %get3A_1468 = tpu.vector_load %get3A_1465[%get3A_1466, %get3A_1467] {strides = array<i32>} : memref<352x128xf32, #tpu.memory_space<vmem>>, vector<16xf32>,
        %mul3A_1469 = arith.mulf %get3A_216, %get3A_1468 : vector<16xf32>
        %add3A_1470 = arith.addf %add3A_1461, %mul3A_1469 : vector<16xf32>
        %get3A_1471 = arith.constant 0 : i32
        %get3A_1472 = arith.constant 0 : i32
        %get3A_1473 = tpu.memref_slice %arg7[%scan3A_174, %get3A_1471, %get3A_1472] : memref<2x352x128xf32, #tpu.memory_space<vmem>> -> memref<1x352x128xf32, #tpu.memory_space<vmem>>
        %get3A_1474 = tpu.memref_squeeze %get3A_1473 : memref<1x352x128xf32, #tpu.memory_space<vmem>> -> memref<352x128xf32, #tpu.memory_space<vmem>>
        %get3A_1475 = arith.index_cast %add3A_1426 : i32 to index
        %get3A_1476 = arith.constant 80 : index
        %get3A_1477 = tpu.vector_load %get3A_1474[%get3A_1475, %get3A_1476] {strides = array<i32>} : memref<352x128xf32, #tpu.memory_space<vmem>>, vector<16xf32>,
        %mul3A_1478 = arith.mulf %get3A_223, %get3A_1477 : vector<16xf32>
        %add3A_1479 = arith.addf %add3A_1470, %mul3A_1478 : vector<16xf32>
        %get3A_1480 = arith.constant 0 : i32
        %get3A_1481 = arith.constant 0 : i32
        %get3A_1482 = tpu.memref_slice %arg7[%scan3A_174, %get3A_1480, %get3A_1481] : memref<2x352x128xf32, #tpu.memory_space<vmem>> -> memref<1x352x128xf32, #tpu.memory_space<vmem>>
        %get3A_1483 = tpu.memref_squeeze %get3A_1482 : memref<1x352x128xf32, #tpu.memory_space<vmem>> -> memref<352x128xf32, #tpu.memory_space<vmem>>
        %get3A_1484 = arith.index_cast %add3A_1426 : i32 to index
        %get3A_1485 = arith.constant 96 : index
        %get3A_1486 = tpu.vector_load %get3A_1483[%get3A_1484, %get3A_1485] {strides = array<i32>} : memref<352x128xf32, #tpu.memory_space<vmem>>, vector<16xf32>,
        %mul3A_1487 = arith.mulf %get3A_230, %get3A_1486 : vector<16xf32>
        %add3A_1488 = arith.addf %add3A_1479, %mul3A_1487 : vector<16xf32>
        %get3A_1489 = arith.constant 0 : i32
        %get3A_1490 = arith.constant 0 : i32
        %get3A_1491 = tpu.memref_slice %arg7[%scan3A_174, %get3A_1489, %get3A_1490] : memref<2x352x128xf32, #tpu.memory_space<vmem>> -> memref<1x352x128xf32, #tpu.memory_space<vmem>>
        %get3A_1492 = tpu.memref_squeeze %get3A_1491 : memref<1x352x128xf32, #tpu.memory_space<vmem>> -> memref<352x128xf32, #tpu.memory_space<vmem>>
        %get3A_1493 = arith.index_cast %add3A_1426 : i32 to index
        %get3A_1494 = arith.constant 112 : index
        %get3A_1495 = tpu.vector_load %get3A_1492[%get3A_1493, %get3A_1494] {strides = array<i32>} : memref<352x128xf32, #tpu.memory_space<vmem>>, vector<16xf32>,
        %mul3A_1496 = arith.mulf %get3A_237, %get3A_1495 : vector<16xf32>
        %add3A_1497 = arith.addf %add3A_1488, %mul3A_1496 : vector<16xf32>
        %swap3A_1498 = arith.constant 15 : i32
        %swap3A_1499 = arith.index_cast %swap3A_1498 : i32 to index
        %swap3A_1500 = arith.constant 0 : index
        %swap3A_1501 = tpu.vector_load %arg8[%swap3A_1499, %swap3A_1500] {strides = array<i32>} : memref<32x16xf32, #tpu.memory_space<vmem>>, vector<16xf32>,
        tpu.vector_store %arg8[%swap3A_1499, %swap3A_1500], %add3A_1497 {strides = array<i32>} : memref<32x16xf32, #tpu.memory_space<vmem>>, vector<16xf32>,
        %add3A_1502 = arith.constant 1 : i32
        %add3A_1503 = arith.addi %mul3A_182, %add3A_1502 : i32
        %add3A_1504 = arith.constant 16 : i32
        %add3A_1505 = arith.addi %add3A_1503, %add3A_1504 : i32
        %get3A_1506 = arith.constant 0 : i32
        %get3A_1507 = arith.constant 0 : i32
        %get3A_1508 = tpu.memref_slice %arg7[%scan3A_174, %get3A_1506, %get3A_1507] : memref<2x352x128xf32, #tpu.memory_space<vmem>> -> memref<1x352x128xf32, #tpu.memory_space<vmem>>
        %get3A_1509 = tpu.memref_squeeze %get3A_1508 : memref<1x352x128xf32, #tpu.memory_space<vmem>> -> memref<352x128xf32, #tpu.memory_space<vmem>>
        %get3A_1510 = arith.index_cast %add3A_1505 : i32 to index
        %get3A_1511 = arith.constant 0 : index
        %get3A_1512 = tpu.vector_load %get3A_1509[%get3A_1510, %get3A_1511] {strides = array<i32>} : memref<352x128xf32, #tpu.memory_space<vmem>>, vector<16xf32>,
        %mul3A_1513 = arith.mulf %get3A_188, %get3A_1512 : vector<16xf32>
        %get3A_1514 = arith.constant 0 : i32
        %get3A_1515 = arith.constant 0 : i32
        %get3A_1516 = tpu.memref_slice %arg7[%scan3A_174, %get3A_1514, %get3A_1515] : memref<2x352x128xf32, #tpu.memory_space<vmem>> -> memref<1x352x128xf32, #tpu.memory_space<vmem>>
        %get3A_1517 = tpu.memref_squeeze %get3A_1516 : memref<1x352x128xf32, #tpu.memory_space<vmem>> -> memref<352x128xf32, #tpu.memory_space<vmem>>
        %get3A_1518 = arith.index_cast %add3A_1505 : i32 to index
        %get3A_1519 = arith.constant 16 : index
        %get3A_1520 = tpu.vector_load %get3A_1517[%get3A_1518, %get3A_1519] {strides = array<i32>} : memref<352x128xf32, #tpu.memory_space<vmem>>, vector<16xf32>,
        %mul3A_1521 = arith.mulf %get3A_195, %get3A_1520 : vector<16xf32>
        %add3A_1522 = arith.addf %mul3A_1513, %mul3A_1521 : vector<16xf32>
        %get3A_1523 = arith.constant 0 : i32
        %get3A_1524 = arith.constant 0 : i32
        %get3A_1525 = tpu.memref_slice %arg7[%scan3A_174, %get3A_1523, %get3A_1524] : memref<2x352x128xf32, #tpu.memory_space<vmem>> -> memref<1x352x128xf32, #tpu.memory_space<vmem>>
        %get3A_1526 = tpu.memref_squeeze %get3A_1525 : memref<1x352x128xf32, #tpu.memory_space<vmem>> -> memref<352x128xf32, #tpu.memory_space<vmem>>
        %get3A_1527 = arith.index_cast %add3A_1505 : i32 to index
        %get3A_1528 = arith.constant 32 : index
        %get3A_1529 = tpu.vector_load %get3A_1526[%get3A_1527, %get3A_1528] {strides = array<i32>} : memref<352x128xf32, #tpu.memory_space<vmem>>, vector<16xf32>,
        %mul3A_1530 = arith.mulf %get3A_202, %get3A_1529 : vector<16xf32>
        %add3A_1531 = arith.addf %add3A_1522, %mul3A_1530 : vector<16xf32>
        %get3A_1532 = arith.constant 0 : i32
        %get3A_1533 = arith.constant 0 : i32
        %get3A_1534 = tpu.memref_slice %arg7[%scan3A_174, %get3A_1532, %get3A_1533] : memref<2x352x128xf32, #tpu.memory_space<vmem>> -> memref<1x352x128xf32, #tpu.memory_space<vmem>>
        %get3A_1535 = tpu.memref_squeeze %get3A_1534 : memref<1x352x128xf32, #tpu.memory_space<vmem>> -> memref<352x128xf32, #tpu.memory_space<vmem>>
        %get3A_1536 = arith.index_cast %add3A_1505 : i32 to index
        %get3A_1537 = arith.constant 48 : index
        %get3A_1538 = tpu.vector_load %get3A_1535[%get3A_1536, %get3A_1537] {strides = array<i32>} : memref<352x128xf32, #tpu.memory_space<vmem>>, vector<16xf32>,
        %mul3A_1539 = arith.mulf %get3A_209, %get3A_1538 : vector<16xf32>
        %add3A_1540 = arith.addf %add3A_1531, %mul3A_1539 : vector<16xf32>
        %get3A_1541 = arith.constant 0 : i32
        %get3A_1542 = arith.constant 0 : i32
        %get3A_1543 = tpu.memref_slice %arg7[%scan3A_174, %get3A_1541, %get3A_1542] : memref<2x352x128xf32, #tpu.memory_space<vmem>> -> memref<1x352x128xf32, #tpu.memory_space<vmem>>
        %get3A_1544 = tpu.memref_squeeze %get3A_1543 : memref<1x352x128xf32, #tpu.memory_space<vmem>> -> memref<352x128xf32, #tpu.memory_space<vmem>>
        %get3A_1545 = arith.index_cast %add3A_1505 : i32 to index
        %get3A_1546 = arith.constant 64 : index
        %get3A_1547 = tpu.vector_load %get3A_1544[%get3A_1545, %get3A_1546] {strides = array<i32>} : memref<352x128xf32, #tpu.memory_space<vmem>>, vector<16xf32>,
        %mul3A_1548 = arith.mulf %get3A_216, %get3A_1547 : vector<16xf32>
        %add3A_1549 = arith.addf %add3A_1540, %mul3A_1548 : vector<16xf32>
        %get3A_1550 = arith.constant 0 : i32
        %get3A_1551 = arith.constant 0 : i32
        %get3A_1552 = tpu.memref_slice %arg7[%scan3A_174, %get3A_1550, %get3A_1551] : memref<2x352x128xf32, #tpu.memory_space<vmem>> -> memref<1x352x128xf32, #tpu.memory_space<vmem>>
        %get3A_1553 = tpu.memref_squeeze %get3A_1552 : memref<1x352x128xf32, #tpu.memory_space<vmem>> -> memref<352x128xf32, #tpu.memory_space<vmem>>
        %get3A_1554 = arith.index_cast %add3A_1505 : i32 to index
        %get3A_1555 = arith.constant 80 : index
        %get3A_1556 = tpu.vector_load %get3A_1553[%get3A_1554, %get3A_1555] {strides = array<i32>} : memref<352x128xf32, #tpu.memory_space<vmem>>, vector<16xf32>,
        %mul3A_1557 = arith.mulf %get3A_223, %get3A_1556 : vector<16xf32>
        %add3A_1558 = arith.addf %add3A_1549, %mul3A_1557 : vector<16xf32>
        %get3A_1559 = arith.constant 0 : i32
        %get3A_1560 = arith.constant 0 : i32
        %get3A_1561 = tpu.memref_slice %arg7[%scan3A_174, %get3A_1559, %get3A_1560] : memref<2x352x128xf32, #tpu.memory_space<vmem>> -> memref<1x352x128xf32, #tpu.memory_space<vmem>>
        %get3A_1562 = tpu.memref_squeeze %get3A_1561 : memref<1x352x128xf32, #tpu.memory_space<vmem>> -> memref<352x128xf32, #tpu.memory_space<vmem>>
        %get3A_1563 = arith.index_cast %add3A_1505 : i32 to index
        %get3A_1564 = arith.constant 96 : index
        %get3A_1565 = tpu.vector_load %get3A_1562[%get3A_1563, %get3A_1564] {strides = array<i32>} : memref<352x128xf32, #tpu.memory_space<vmem>>, vector<16xf32>,
        %mul3A_1566 = arith.mulf %get3A_230, %get3A_1565 : vector<16xf32>
        %add3A_1567 = arith.addf %add3A_1558, %mul3A_1566 : vector<16xf32>
        %get3A_1568 = arith.constant 0 : i32
        %get3A_1569 = arith.constant 0 : i32
        %get3A_1570 = tpu.memref_slice %arg7[%scan3A_174, %get3A_1568, %get3A_1569] : memref<2x352x128xf32, #tpu.memory_space<vmem>> -> memref<1x352x128xf32, #tpu.memory_space<vmem>>
        %get3A_1571 = tpu.memref_squeeze %get3A_1570 : memref<1x352x128xf32, #tpu.memory_space<vmem>> -> memref<352x128xf32, #tpu.memory_space<vmem>>
        %get3A_1572 = arith.index_cast %add3A_1505 : i32 to index
        %get3A_1573 = arith.constant 112 : index
        %get3A_1574 = tpu.vector_load %get3A_1571[%get3A_1572, %get3A_1573] {strides = array<i32>} : memref<352x128xf32, #tpu.memory_space<vmem>>, vector<16xf32>,
        %mul3A_1575 = arith.mulf %get3A_237, %get3A_1574 : vector<16xf32>
        %add3A_1576 = arith.addf %add3A_1567, %mul3A_1575 : vector<16xf32>
        %swap3A_1577 = arith.constant 16 : i32
        %swap3A_1578 = arith.index_cast %swap3A_1577 : i32 to index
        %swap3A_1579 = arith.constant 0 : index
        %swap3A_1580 = tpu.vector_load %arg8[%swap3A_1578, %swap3A_1579] {strides = array<i32>} : memref<32x16xf32, #tpu.memory_space<vmem>>, vector<16xf32>,
        tpu.vector_store %arg8[%swap3A_1578, %swap3A_1579], %add3A_1576 {strides = array<i32>} : memref<32x16xf32, #tpu.memory_space<vmem>>, vector<16xf32>,
        %add3A_1581 = arith.constant 1 : i32
        %add3A_1582 = arith.addi %mul3A_182, %add3A_1581 : i32
        %add3A_1583 = arith.constant 17 : i32
        %add3A_1584 = arith.addi %add3A_1582, %add3A_1583 : i32
        %get3A_1585 = arith.constant 0 : i32
        %get3A_1586 = arith.constant 0 : i32
        %get3A_1587 = tpu.memref_slice %arg7[%scan3A_174, %get3A_1585, %get3A_1586] : memref<2x352x128xf32, #tpu.memory_space<vmem>> -> memref<1x352x128xf32, #tpu.memory_space<vmem>>
        %get3A_1588 = tpu.memref_squeeze %get3A_1587 : memref<1x352x128xf32, #tpu.memory_space<vmem>> -> memref<352x128xf32, #tpu.memory_space<vmem>>
        %get3A_1589 = arith.index_cast %add3A_1584 : i32 to index
        %get3A_1590 = arith.constant 0 : index
        %get3A_1591 = tpu.vector_load %get3A_1588[%get3A_1589, %get3A_1590] {strides = array<i32>} : memref<352x128xf32, #tpu.memory_space<vmem>>, vector<16xf32>,
        %mul3A_1592 = arith.mulf %get3A_188, %get3A_1591 : vector<16xf32>
        %get3A_1593 = arith.constant 0 : i32
        %get3A_1594 = arith.constant 0 : i32
        %get3A_1595 = tpu.memref_slice %arg7[%scan3A_174, %get3A_1593, %get3A_1594] : memref<2x352x128xf32, #tpu.memory_space<vmem>> -> memref<1x352x128xf32, #tpu.memory_space<vmem>>
        %get3A_1596 = tpu.memref_squeeze %get3A_1595 : memref<1x352x128xf32, #tpu.memory_space<vmem>> -> memref<352x128xf32, #tpu.memory_space<vmem>>
        %get3A_1597 = arith.index_cast %add3A_1584 : i32 to index
        %get3A_1598 = arith.constant 16 : index
        %get3A_1599 = tpu.vector_load %get3A_1596[%get3A_1597, %get3A_1598] {strides = array<i32>} : memref<352x128xf32, #tpu.memory_space<vmem>>, vector<16xf32>,
        %mul3A_1600 = arith.mulf %get3A_195, %get3A_1599 : vector<16xf32>
        %add3A_1601 = arith.addf %mul3A_1592, %mul3A_1600 : vector<16xf32>
        %get3A_1602 = arith.constant 0 : i32
        %get3A_1603 = arith.constant 0 : i32
        %get3A_1604 = tpu.memref_slice %arg7[%scan3A_174, %get3A_1602, %get3A_1603] : memref<2x352x128xf32, #tpu.memory_space<vmem>> -> memref<1x352x128xf32, #tpu.memory_space<vmem>>
        %get3A_1605 = tpu.memref_squeeze %get3A_1604 : memref<1x352x128xf32, #tpu.memory_space<vmem>> -> memref<352x128xf32, #tpu.memory_space<vmem>>
        %get3A_1606 = arith.index_cast %add3A_1584 : i32 to index
        %get3A_1607 = arith.constant 32 : index
        %get3A_1608 = tpu.vector_load %get3A_1605[%get3A_1606, %get3A_1607] {strides = array<i32>} : memref<352x128xf32, #tpu.memory_space<vmem>>, vector<16xf32>,
        %mul3A_1609 = arith.mulf %get3A_202, %get3A_1608 : vector<16xf32>
        %add3A_1610 = arith.addf %add3A_1601, %mul3A_1609 : vector<16xf32>
        %get3A_1611 = arith.constant 0 : i32
        %get3A_1612 = arith.constant 0 : i32
        %get3A_1613 = tpu.memref_slice %arg7[%scan3A_174, %get3A_1611, %get3A_1612] : memref<2x352x128xf32, #tpu.memory_space<vmem>> -> memref<1x352x128xf32, #tpu.memory_space<vmem>>
        %get3A_1614 = tpu.memref_squeeze %get3A_1613 : memref<1x352x128xf32, #tpu.memory_space<vmem>> -> memref<352x128xf32, #tpu.memory_space<vmem>>
        %get3A_1615 = arith.index_cast %add3A_1584 : i32 to index
        %get3A_1616 = arith.constant 48 : index
        %get3A_1617 = tpu.vector_load %get3A_1614[%get3A_1615, %get3A_1616] {strides = array<i32>} : memref<352x128xf32, #tpu.memory_space<vmem>>, vector<16xf32>,
        %mul3A_1618 = arith.mulf %get3A_209, %get3A_1617 : vector<16xf32>
        %add3A_1619 = arith.addf %add3A_1610, %mul3A_1618 : vector<16xf32>
        %get3A_1620 = arith.constant 0 : i32
        %get3A_1621 = arith.constant 0 : i32
        %get3A_1622 = tpu.memref_slice %arg7[%scan3A_174, %get3A_1620, %get3A_1621] : memref<2x352x128xf32, #tpu.memory_space<vmem>> -> memref<1x352x128xf32, #tpu.memory_space<vmem>>
        %get3A_1623 = tpu.memref_squeeze %get3A_1622 : memref<1x352x128xf32, #tpu.memory_space<vmem>> -> memref<352x128xf32, #tpu.memory_space<vmem>>
        %get3A_1624 = arith.index_cast %add3A_1584 : i32 to index
        %get3A_1625 = arith.constant 64 : index
        %get3A_1626 = tpu.vector_load %get3A_1623[%get3A_1624, %get3A_1625] {strides = array<i32>} : memref<352x128xf32, #tpu.memory_space<vmem>>, vector<16xf32>,
        %mul3A_1627 = arith.mulf %get3A_216, %get3A_1626 : vector<16xf32>
        %add3A_1628 = arith.addf %add3A_1619, %mul3A_1627 : vector<16xf32>
        %get3A_1629 = arith.constant 0 : i32
        %get3A_1630 = arith.constant 0 : i32
        %get3A_1631 = tpu.memref_slice %arg7[%scan3A_174, %get3A_1629, %get3A_1630] : memref<2x352x128xf32, #tpu.memory_space<vmem>> -> memref<1x352x128xf32, #tpu.memory_space<vmem>>
        %get3A_1632 = tpu.memref_squeeze %get3A_1631 : memref<1x352x128xf32, #tpu.memory_space<vmem>> -> memref<352x128xf32, #tpu.memory_space<vmem>>
        %get3A_1633 = arith.index_cast %add3A_1584 : i32 to index
        %get3A_1634 = arith.constant 80 : index
        %get3A_1635 = tpu.vector_load %get3A_1632[%get3A_1633, %get3A_1634] {strides = array<i32>} : memref<352x128xf32, #tpu.memory_space<vmem>>, vector<16xf32>,
        %mul3A_1636 = arith.mulf %get3A_223, %get3A_1635 : vector<16xf32>
        %add3A_1637 = arith.addf %add3A_1628, %mul3A_1636 : vector<16xf32>
        %get3A_1638 = arith.constant 0 : i32
        %get3A_1639 = arith.constant 0 : i32
        %get3A_1640 = tpu.memref_slice %arg7[%scan3A_174, %get3A_1638, %get3A_1639] : memref<2x352x128xf32, #tpu.memory_space<vmem>> -> memref<1x352x128xf32, #tpu.memory_space<vmem>>
        %get3A_1641 = tpu.memref_squeeze %get3A_1640 : memref<1x352x128xf32, #tpu.memory_space<vmem>> -> memref<352x128xf32, #tpu.memory_space<vmem>>
        %get3A_1642 = arith.index_cast %add3A_1584 : i32 to index
        %get3A_1643 = arith.constant 96 : index
        %get3A_1644 = tpu.vector_load %get3A_1641[%get3A_1642, %get3A_1643] {strides = array<i32>} : memref<352x128xf32, #tpu.memory_space<vmem>>, vector<16xf32>,
        %mul3A_1645 = arith.mulf %get3A_230, %get3A_1644 : vector<16xf32>
        %add3A_1646 = arith.addf %add3A_1637, %mul3A_1645 : vector<16xf32>
        %get3A_1647 = arith.constant 0 : i32
        %get3A_1648 = arith.constant 0 : i32
        %get3A_1649 = tpu.memref_slice %arg7[%scan3A_174, %get3A_1647, %get3A_1648] : memref<2x352x128xf32, #tpu.memory_space<vmem>> -> memref<1x352x128xf32, #tpu.memory_space<vmem>>
        %get3A_1650 = tpu.memref_squeeze %get3A_1649 : memref<1x352x128xf32, #tpu.memory_space<vmem>> -> memref<352x128xf32, #tpu.memory_space<vmem>>
        %get3A_1651 = arith.index_cast %add3A_1584 : i32 to index
        %get3A_1652 = arith.constant 112 : index
        %get3A_1653 = tpu.vector_load %get3A_1650[%get3A_1651, %get3A_1652] {strides = array<i32>} : memref<352x128xf32, #tpu.memory_space<vmem>>, vector<16xf32>,
        %mul3A_1654 = arith.mulf %get3A_237, %get3A_1653 : vector<16xf32>
        %add3A_1655 = arith.addf %add3A_1646, %mul3A_1654 : vector<16xf32>
        %swap3A_1656 = arith.constant 17 : i32
        %swap3A_1657 = arith.index_cast %swap3A_1656 : i32 to index
        %swap3A_1658 = arith.constant 0 : index
        %swap3A_1659 = tpu.vector_load %arg8[%swap3A_1657, %swap3A_1658] {strides = array<i32>} : memref<32x16xf32, #tpu.memory_space<vmem>>, vector<16xf32>,
        tpu.vector_store %arg8[%swap3A_1657, %swap3A_1658], %add3A_1655 {strides = array<i32>} : memref<32x16xf32, #tpu.memory_space<vmem>>, vector<16xf32>,
        %add3A_1660 = arith.constant 1 : i32
        %add3A_1661 = arith.addi %mul3A_182, %add3A_1660 : i32
        %add3A_1662 = arith.constant 18 : i32
        %add3A_1663 = arith.addi %add3A_1661, %add3A_1662 : i32
        %get3A_1664 = arith.constant 0 : i32
        %get3A_1665 = arith.constant 0 : i32
        %get3A_1666 = tpu.memref_slice %arg7[%scan3A_174, %get3A_1664, %get3A_1665] : memref<2x352x128xf32, #tpu.memory_space<vmem>> -> memref<1x352x128xf32, #tpu.memory_space<vmem>>
        %get3A_1667 = tpu.memref_squeeze %get3A_1666 : memref<1x352x128xf32, #tpu.memory_space<vmem>> -> memref<352x128xf32, #tpu.memory_space<vmem>>
        %get3A_1668 = arith.index_cast %add3A_1663 : i32 to index
        %get3A_1669 = arith.constant 0 : index
        %get3A_1670 = tpu.vector_load %get3A_1667[%get3A_1668, %get3A_1669] {strides = array<i32>} : memref<352x128xf32, #tpu.memory_space<vmem>>, vector<16xf32>,
        %mul3A_1671 = arith.mulf %get3A_188, %get3A_1670 : vector<16xf32>
        %get3A_1672 = arith.constant 0 : i32
        %get3A_1673 = arith.constant 0 : i32
        %get3A_1674 = tpu.memref_slice %arg7[%scan3A_174, %get3A_1672, %get3A_1673] : memref<2x352x128xf32, #tpu.memory_space<vmem>> -> memref<1x352x128xf32, #tpu.memory_space<vmem>>
        %get3A_1675 = tpu.memref_squeeze %get3A_1674 : memref<1x352x128xf32, #tpu.memory_space<vmem>> -> memref<352x128xf32, #tpu.memory_space<vmem>>
        %get3A_1676 = arith.index_cast %add3A_1663 : i32 to index
        %get3A_1677 = arith.constant 16 : index
        %get3A_1678 = tpu.vector_load %get3A_1675[%get3A_1676, %get3A_1677] {strides = array<i32>} : memref<352x128xf32, #tpu.memory_space<vmem>>, vector<16xf32>,
        %mul3A_1679 = arith.mulf %get3A_195, %get3A_1678 : vector<16xf32>
        %add3A_1680 = arith.addf %mul3A_1671, %mul3A_1679 : vector<16xf32>
        %get3A_1681 = arith.constant 0 : i32
        %get3A_1682 = arith.constant 0 : i32
        %get3A_1683 = tpu.memref_slice %arg7[%scan3A_174, %get3A_1681, %get3A_1682] : memref<2x352x128xf32, #tpu.memory_space<vmem>> -> memref<1x352x128xf32, #tpu.memory_space<vmem>>
        %get3A_1684 = tpu.memref_squeeze %get3A_1683 : memref<1x352x128xf32, #tpu.memory_space<vmem>> -> memref<352x128xf32, #tpu.memory_space<vmem>>
        %get3A_1685 = arith.index_cast %add3A_1663 : i32 to index
        %get3A_1686 = arith.constant 32 : index
        %get3A_1687 = tpu.vector_load %get3A_1684[%get3A_1685, %get3A_1686] {strides = array<i32>} : memref<352x128xf32, #tpu.memory_space<vmem>>, vector<16xf32>,
        %mul3A_1688 = arith.mulf %get3A_202, %get3A_1687 : vector<16xf32>
        %add3A_1689 = arith.addf %add3A_1680, %mul3A_1688 : vector<16xf32>
        %get3A_1690 = arith.constant 0 : i32
        %get3A_1691 = arith.constant 0 : i32
        %get3A_1692 = tpu.memref_slice %arg7[%scan3A_174, %get3A_1690, %get3A_1691] : memref<2x352x128xf32, #tpu.memory_space<vmem>> -> memref<1x352x128xf32, #tpu.memory_space<vmem>>
        %get3A_1693 = tpu.memref_squeeze %get3A_1692 : memref<1x352x128xf32, #tpu.memory_space<vmem>> -> memref<352x128xf32, #tpu.memory_space<vmem>>
        %get3A_1694 = arith.index_cast %add3A_1663 : i32 to index
        %get3A_1695 = arith.constant 48 : index
        %get3A_1696 = tpu.vector_load %get3A_1693[%get3A_1694, %get3A_1695] {strides = array<i32>} : memref<352x128xf32, #tpu.memory_space<vmem>>, vector<16xf32>,
        %mul3A_1697 = arith.mulf %get3A_209, %get3A_1696 : vector<16xf32>
        %add3A_1698 = arith.addf %add3A_1689, %mul3A_1697 : vector<16xf32>
        %get3A_1699 = arith.constant 0 : i32
        %get3A_1700 = arith.constant 0 : i32
        %get3A_1701 = tpu.memref_slice %arg7[%scan3A_174, %get3A_1699, %get3A_1700] : memref<2x352x128xf32, #tpu.memory_space<vmem>> -> memref<1x352x128xf32, #tpu.memory_space<vmem>>
        %get3A_1702 = tpu.memref_squeeze %get3A_1701 : memref<1x352x128xf32, #tpu.memory_space<vmem>> -> memref<352x128xf32, #tpu.memory_space<vmem>>
        %get3A_1703 = arith.index_cast %add3A_1663 : i32 to index
        %get3A_1704 = arith.constant 64 : index
        %get3A_1705 = tpu.vector_load %get3A_1702[%get3A_1703, %get3A_1704] {strides = array<i32>} : memref<352x128xf32, #tpu.memory_space<vmem>>, vector<16xf32>,
        %mul3A_1706 = arith.mulf %get3A_216, %get3A_1705 : vector<16xf32>
        %add3A_1707 = arith.addf %add3A_1698, %mul3A_1706 : vector<16xf32>
        %get3A_1708 = arith.constant 0 : i32
        %get3A_1709 = arith.constant 0 : i32
        %get3A_1710 = tpu.memref_slice %arg7[%scan3A_174, %get3A_1708, %get3A_1709] : memref<2x352x128xf32, #tpu.memory_space<vmem>> -> memref<1x352x128xf32, #tpu.memory_space<vmem>>
        %get3A_1711 = tpu.memref_squeeze %get3A_1710 : memref<1x352x128xf32, #tpu.memory_space<vmem>> -> memref<352x128xf32, #tpu.memory_space<vmem>>
        %get3A_1712 = arith.index_cast %add3A_1663 : i32 to index
        %get3A_1713 = arith.constant 80 : index
        %get3A_1714 = tpu.vector_load %get3A_1711[%get3A_1712, %get3A_1713] {strides = array<i32>} : memref<352x128xf32, #tpu.memory_space<vmem>>, vector<16xf32>,
        %mul3A_1715 = arith.mulf %get3A_223, %get3A_1714 : vector<16xf32>
        %add3A_1716 = arith.addf %add3A_1707, %mul3A_1715 : vector<16xf32>
        %get3A_1717 = arith.constant 0 : i32
        %get3A_1718 = arith.constant 0 : i32
        %get3A_1719 = tpu.memref_slice %arg7[%scan3A_174, %get3A_1717, %get3A_1718] : memref<2x352x128xf32, #tpu.memory_space<vmem>> -> memref<1x352x128xf32, #tpu.memory_space<vmem>>
        %get3A_1720 = tpu.memref_squeeze %get3A_1719 : memref<1x352x128xf32, #tpu.memory_space<vmem>> -> memref<352x128xf32, #tpu.memory_space<vmem>>
        %get3A_1721 = arith.index_cast %add3A_1663 : i32 to index
        %get3A_1722 = arith.constant 96 : index
        %get3A_1723 = tpu.vector_load %get3A_1720[%get3A_1721, %get3A_1722] {strides = array<i32>} : memref<352x128xf32, #tpu.memory_space<vmem>>, vector<16xf32>,
        %mul3A_1724 = arith.mulf %get3A_230, %get3A_1723 : vector<16xf32>
        %add3A_1725 = arith.addf %add3A_1716, %mul3A_1724 : vector<16xf32>
        %get3A_1726 = arith.constant 0 : i32
        %get3A_1727 = arith.constant 0 : i32
        %get3A_1728 = tpu.memref_slice %arg7[%scan3A_174, %get3A_1726, %get3A_1727] : memref<2x352x128xf32, #tpu.memory_space<vmem>> -> memref<1x352x128xf32, #tpu.memory_space<vmem>>
        %get3A_1729 = tpu.memref_squeeze %get3A_1728 : memref<1x352x128xf32, #tpu.memory_space<vmem>> -> memref<352x128xf32, #tpu.memory_space<vmem>>
        %get3A_1730 = arith.index_cast %add3A_1663 : i32 to index
        %get3A_1731 = arith.constant 112 : index
        %get3A_1732 = tpu.vector_load %get3A_1729[%get3A_1730, %get3A_1731] {strides = array<i32>} : memref<352x128xf32, #tpu.memory_space<vmem>>, vector<16xf32>,
        %mul3A_1733 = arith.mulf %get3A_237, %get3A_1732 : vector<16xf32>
        %add3A_1734 = arith.addf %add3A_1725, %mul3A_1733 : vector<16xf32>
        %swap3A_1735 = arith.constant 18 : i32
        %swap3A_1736 = arith.index_cast %swap3A_1735 : i32 to index
        %swap3A_1737 = arith.constant 0 : index
        %swap3A_1738 = tpu.vector_load %arg8[%swap3A_1736, %swap3A_1737] {strides = array<i32>} : memref<32x16xf32, #tpu.memory_space<vmem>>, vector<16xf32>,
        tpu.vector_store %arg8[%swap3A_1736, %swap3A_1737], %add3A_1734 {strides = array<i32>} : memref<32x16xf32, #tpu.memory_space<vmem>>, vector<16xf32>,
        %add3A_1739 = arith.constant 1 : i32
        %add3A_1740 = arith.addi %mul3A_182, %add3A_1739 : i32
        %add3A_1741 = arith.constant 19 : i32
        %add3A_1742 = arith.addi %add3A_1740, %add3A_1741 : i32
        %get3A_1743 = arith.constant 0 : i32
        %get3A_1744 = arith.constant 0 : i32
        %get3A_1745 = tpu.memref_slice %arg7[%scan3A_174, %get3A_1743, %get3A_1744] : memref<2x352x128xf32, #tpu.memory_space<vmem>> -> memref<1x352x128xf32, #tpu.memory_space<vmem>>
        %get3A_1746 = tpu.memref_squeeze %get3A_1745 : memref<1x352x128xf32, #tpu.memory_space<vmem>> -> memref<352x128xf32, #tpu.memory_space<vmem>>
        %get3A_1747 = arith.index_cast %add3A_1742 : i32 to index
        %get3A_1748 = arith.constant 0 : index
        %get3A_1749 = tpu.vector_load %get3A_1746[%get3A_1747, %get3A_1748] {strides = array<i32>} : memref<352x128xf32, #tpu.memory_space<vmem>>, vector<16xf32>,
        %mul3A_1750 = arith.mulf %get3A_188, %get3A_1749 : vector<16xf32>
        %get3A_1751 = arith.constant 0 : i32
        %get3A_1752 = arith.constant 0 : i32
        %get3A_1753 = tpu.memref_slice %arg7[%scan3A_174, %get3A_1751, %get3A_1752] : memref<2x352x128xf32, #tpu.memory_space<vmem>> -> memref<1x352x128xf32, #tpu.memory_space<vmem>>
        %get3A_1754 = tpu.memref_squeeze %get3A_1753 : memref<1x352x128xf32, #tpu.memory_space<vmem>> -> memref<352x128xf32, #tpu.memory_space<vmem>>
        %get3A_1755 = arith.index_cast %add3A_1742 : i32 to index
        %get3A_1756 = arith.constant 16 : index
        %get3A_1757 = tpu.vector_load %get3A_1754[%get3A_1755, %get3A_1756] {strides = array<i32>} : memref<352x128xf32, #tpu.memory_space<vmem>>, vector<16xf32>,
        %mul3A_1758 = arith.mulf %get3A_195, %get3A_1757 : vector<16xf32>
        %add3A_1759 = arith.addf %mul3A_1750, %mul3A_1758 : vector<16xf32>
        %get3A_1760 = arith.constant 0 : i32
        %get3A_1761 = arith.constant 0 : i32
        %get3A_1762 = tpu.memref_slice %arg7[%scan3A_174, %get3A_1760, %get3A_1761] : memref<2x352x128xf32, #tpu.memory_space<vmem>> -> memref<1x352x128xf32, #tpu.memory_space<vmem>>
        %get3A_1763 = tpu.memref_squeeze %get3A_1762 : memref<1x352x128xf32, #tpu.memory_space<vmem>> -> memref<352x128xf32, #tpu.memory_space<vmem>>
        %get3A_1764 = arith.index_cast %add3A_1742 : i32 to index
        %get3A_1765 = arith.constant 32 : index
        %get3A_1766 = tpu.vector_load %get3A_1763[%get3A_1764, %get3A_1765] {strides = array<i32>} : memref<352x128xf32, #tpu.memory_space<vmem>>, vector<16xf32>,
        %mul3A_1767 = arith.mulf %get3A_202, %get3A_1766 : vector<16xf32>
        %add3A_1768 = arith.addf %add3A_1759, %mul3A_1767 : vector<16xf32>
        %get3A_1769 = arith.constant 0 : i32
        %get3A_1770 = arith.constant 0 : i32
        %get3A_1771 = tpu.memref_slice %arg7[%scan3A_174, %get3A_1769, %get3A_1770] : memref<2x352x128xf32, #tpu.memory_space<vmem>> -> memref<1x352x128xf32, #tpu.memory_space<vmem>>
        %get3A_1772 = tpu.memref_squeeze %get3A_1771 : memref<1x352x128xf32, #tpu.memory_space<vmem>> -> memref<352x128xf32, #tpu.memory_space<vmem>>
        %get3A_1773 = arith.index_cast %add3A_1742 : i32 to index
        %get3A_1774 = arith.constant 48 : index
        %get3A_1775 = tpu.vector_load %get3A_1772[%get3A_1773, %get3A_1774] {strides = array<i32>} : memref<352x128xf32, #tpu.memory_space<vmem>>, vector<16xf32>,
        %mul3A_1776 = arith.mulf %get3A_209, %get3A_1775 : vector<16xf32>
        %add3A_1777 = arith.addf %add3A_1768, %mul3A_1776 : vector<16xf32>
        %get3A_1778 = arith.constant 0 : i32
        %get3A_1779 = arith.constant 0 : i32
        %get3A_1780 = tpu.memref_slice %arg7[%scan3A_174, %get3A_1778, %get3A_1779] : memref<2x352x128xf32, #tpu.memory_space<vmem>> -> memref<1x352x128xf32, #tpu.memory_space<vmem>>
        %get3A_1781 = tpu.memref_squeeze %get3A_1780 : memref<1x352x128xf32, #tpu.memory_space<vmem>> -> memref<352x128xf32, #tpu.memory_space<vmem>>
        %get3A_1782 = arith.index_cast %add3A_1742 : i32 to index
        %get3A_1783 = arith.constant 64 : index
        %get3A_1784 = tpu.vector_load %get3A_1781[%get3A_1782, %get3A_1783] {strides = array<i32>} : memref<352x128xf32, #tpu.memory_space<vmem>>, vector<16xf32>,
        %mul3A_1785 = arith.mulf %get3A_216, %get3A_1784 : vector<16xf32>
        %add3A_1786 = arith.addf %add3A_1777, %mul3A_1785 : vector<16xf32>
        %get3A_1787 = arith.constant 0 : i32
        %get3A_1788 = arith.constant 0 : i32
        %get3A_1789 = tpu.memref_slice %arg7[%scan3A_174, %get3A_1787, %get3A_1788] : memref<2x352x128xf32, #tpu.memory_space<vmem>> -> memref<1x352x128xf32, #tpu.memory_space<vmem>>
        %get3A_1790 = tpu.memref_squeeze %get3A_1789 : memref<1x352x128xf32, #tpu.memory_space<vmem>> -> memref<352x128xf32, #tpu.memory_space<vmem>>
        %get3A_1791 = arith.index_cast %add3A_1742 : i32 to index
        %get3A_1792 = arith.constant 80 : index
        %get3A_1793 = tpu.vector_load %get3A_1790[%get3A_1791, %get3A_1792] {strides = array<i32>} : memref<352x128xf32, #tpu.memory_space<vmem>>, vector<16xf32>,
        %mul3A_1794 = arith.mulf %get3A_223, %get3A_1793 : vector<16xf32>
        %add3A_1795 = arith.addf %add3A_1786, %mul3A_1794 : vector<16xf32>
        %get3A_1796 = arith.constant 0 : i32
        %get3A_1797 = arith.constant 0 : i32
        %get3A_1798 = tpu.memref_slice %arg7[%scan3A_174, %get3A_1796, %get3A_1797] : memref<2x352x128xf32, #tpu.memory_space<vmem>> -> memref<1x352x128xf32, #tpu.memory_space<vmem>>
        %get3A_1799 = tpu.memref_squeeze %get3A_1798 : memref<1x352x128xf32, #tpu.memory_space<vmem>> -> memref<352x128xf32, #tpu.memory_space<vmem>>
        %get3A_1800 = arith.index_cast %add3A_1742 : i32 to index
        %get3A_1801 = arith.constant 96 : index
        %get3A_1802 = tpu.vector_load %get3A_1799[%get3A_1800, %get3A_1801] {strides = array<i32>} : memref<352x128xf32, #tpu.memory_space<vmem>>, vector<16xf32>,
        %mul3A_1803 = arith.mulf %get3A_230, %get3A_1802 : vector<16xf32>
        %add3A_1804 = arith.addf %add3A_1795, %mul3A_1803 : vector<16xf32>
        %get3A_1805 = arith.constant 0 : i32
        %get3A_1806 = arith.constant 0 : i32
        %get3A_1807 = tpu.memref_slice %arg7[%scan3A_174, %get3A_1805, %get3A_1806] : memref<2x352x128xf32, #tpu.memory_space<vmem>> -> memref<1x352x128xf32, #tpu.memory_space<vmem>>
        %get3A_1808 = tpu.memref_squeeze %get3A_1807 : memref<1x352x128xf32, #tpu.memory_space<vmem>> -> memref<352x128xf32, #tpu.memory_space<vmem>>
        %get3A_1809 = arith.index_cast %add3A_1742 : i32 to index
        %get3A_1810 = arith.constant 112 : index
        %get3A_1811 = tpu.vector_load %get3A_1808[%get3A_1809, %get3A_1810] {strides = array<i32>} : memref<352x128xf32, #tpu.memory_space<vmem>>, vector<16xf32>,
        %mul3A_1812 = arith.mulf %get3A_237, %get3A_1811 : vector<16xf32>
        %add3A_1813 = arith.addf %add3A_1804, %mul3A_1812 : vector<16xf32>
        %swap3A_1814 = arith.constant 19 : i32
        %swap3A_1815 = arith.index_cast %swap3A_1814 : i32 to index
        %swap3A_1816 = arith.constant 0 : index
        %swap3A_1817 = tpu.vector_load %arg8[%swap3A_1815, %swap3A_1816] {strides = array<i32>} : memref<32x16xf32, #tpu.memory_space<vmem>>, vector<16xf32>,
        tpu.vector_store %arg8[%swap3A_1815, %swap3A_1816], %add3A_1813 {strides = array<i32>} : memref<32x16xf32, #tpu.memory_space<vmem>>, vector<16xf32>,
        %add3A_1818 = arith.constant 1 : i32
        %add3A_1819 = arith.addi %mul3A_182, %add3A_1818 : i32
        %add3A_1820 = arith.constant 20 : i32
        %add3A_1821 = arith.addi %add3A_1819, %add3A_1820 : i32
        %get3A_1822 = arith.constant 0 : i32
        %get3A_1823 = arith.constant 0 : i32
        %get3A_1824 = tpu.memref_slice %arg7[%scan3A_174, %get3A_1822, %get3A_1823] : memref<2x352x128xf32, #tpu.memory_space<vmem>> -> memref<1x352x128xf32, #tpu.memory_space<vmem>>
        %get3A_1825 = tpu.memref_squeeze %get3A_1824 : memref<1x352x128xf32, #tpu.memory_space<vmem>> -> memref<352x128xf32, #tpu.memory_space<vmem>>
        %get3A_1826 = arith.index_cast %add3A_1821 : i32 to index
        %get3A_1827 = arith.constant 0 : index
        %get3A_1828 = tpu.vector_load %get3A_1825[%get3A_1826, %get3A_1827] {strides = array<i32>} : memref<352x128xf32, #tpu.memory_space<vmem>>, vector<16xf32>,
        %mul3A_1829 = arith.mulf %get3A_188, %get3A_1828 : vector<16xf32>
        %get3A_1830 = arith.constant 0 : i32
        %get3A_1831 = arith.constant 0 : i32
        %get3A_1832 = tpu.memref_slice %arg7[%scan3A_174, %get3A_1830, %get3A_1831] : memref<2x352x128xf32, #tpu.memory_space<vmem>> -> memref<1x352x128xf32, #tpu.memory_space<vmem>>
        %get3A_1833 = tpu.memref_squeeze %get3A_1832 : memref<1x352x128xf32, #tpu.memory_space<vmem>> -> memref<352x128xf32, #tpu.memory_space<vmem>>
        %get3A_1834 = arith.index_cast %add3A_1821 : i32 to index
        %get3A_1835 = arith.constant 16 : index
        %get3A_1836 = tpu.vector_load %get3A_1833[%get3A_1834, %get3A_1835] {strides = array<i32>} : memref<352x128xf32, #tpu.memory_space<vmem>>, vector<16xf32>,
        %mul3A_1837 = arith.mulf %get3A_195, %get3A_1836 : vector<16xf32>
        %add3A_1838 = arith.addf %mul3A_1829, %mul3A_1837 : vector<16xf32>
        %get3A_1839 = arith.constant 0 : i32
        %get3A_1840 = arith.constant 0 : i32
        %get3A_1841 = tpu.memref_slice %arg7[%scan3A_174, %get3A_1839, %get3A_1840] : memref<2x352x128xf32, #tpu.memory_space<vmem>> -> memref<1x352x128xf32, #tpu.memory_space<vmem>>
        %get3A_1842 = tpu.memref_squeeze %get3A_1841 : memref<1x352x128xf32, #tpu.memory_space<vmem>> -> memref<352x128xf32, #tpu.memory_space<vmem>>
        %get3A_1843 = arith.index_cast %add3A_1821 : i32 to index
        %get3A_1844 = arith.constant 32 : index
        %get3A_1845 = tpu.vector_load %get3A_1842[%get3A_1843, %get3A_1844] {strides = array<i32>} : memref<352x128xf32, #tpu.memory_space<vmem>>, vector<16xf32>,
        %mul3A_1846 = arith.mulf %get3A_202, %get3A_1845 : vector<16xf32>
        %add3A_1847 = arith.addf %add3A_1838, %mul3A_1846 : vector<16xf32>
        %get3A_1848 = arith.constant 0 : i32
        %get3A_1849 = arith.constant 0 : i32
        %get3A_1850 = tpu.memref_slice %arg7[%scan3A_174, %get3A_1848, %get3A_1849] : memref<2x352x128xf32, #tpu.memory_space<vmem>> -> memref<1x352x128xf32, #tpu.memory_space<vmem>>
        %get3A_1851 = tpu.memref_squeeze %get3A_1850 : memref<1x352x128xf32, #tpu.memory_space<vmem>> -> memref<352x128xf32, #tpu.memory_space<vmem>>
        %get3A_1852 = arith.index_cast %add3A_1821 : i32 to index
        %get3A_1853 = arith.constant 48 : index
        %get3A_1854 = tpu.vector_load %get3A_1851[%get3A_1852, %get3A_1853] {strides = array<i32>} : memref<352x128xf32, #tpu.memory_space<vmem>>, vector<16xf32>,
        %mul3A_1855 = arith.mulf %get3A_209, %get3A_1854 : vector<16xf32>
        %add3A_1856 = arith.addf %add3A_1847, %mul3A_1855 : vector<16xf32>
        %get3A_1857 = arith.constant 0 : i32
        %get3A_1858 = arith.constant 0 : i32
        %get3A_1859 = tpu.memref_slice %arg7[%scan3A_174, %get3A_1857, %get3A_1858] : memref<2x352x128xf32, #tpu.memory_space<vmem>> -> memref<1x352x128xf32, #tpu.memory_space<vmem>>
        %get3A_1860 = tpu.memref_squeeze %get3A_1859 : memref<1x352x128xf32, #tpu.memory_space<vmem>> -> memref<352x128xf32, #tpu.memory_space<vmem>>
        %get3A_1861 = arith.index_cast %add3A_1821 : i32 to index
        %get3A_1862 = arith.constant 64 : index
        %get3A_1863 = tpu.vector_load %get3A_1860[%get3A_1861, %get3A_1862] {strides = array<i32>} : memref<352x128xf32, #tpu.memory_space<vmem>>, vector<16xf32>,
        %mul3A_1864 = arith.mulf %get3A_216, %get3A_1863 : vector<16xf32>
        %add3A_1865 = arith.addf %add3A_1856, %mul3A_1864 : vector<16xf32>
        %get3A_1866 = arith.constant 0 : i32
        %get3A_1867 = arith.constant 0 : i32
        %get3A_1868 = tpu.memref_slice %arg7[%scan3A_174, %get3A_1866, %get3A_1867] : memref<2x352x128xf32, #tpu.memory_space<vmem>> -> memref<1x352x128xf32, #tpu.memory_space<vmem>>
        %get3A_1869 = tpu.memref_squeeze %get3A_1868 : memref<1x352x128xf32, #tpu.memory_space<vmem>> -> memref<352x128xf32, #tpu.memory_space<vmem>>
        %get3A_1870 = arith.index_cast %add3A_1821 : i32 to index
        %get3A_1871 = arith.constant 80 : index
        %get3A_1872 = tpu.vector_load %get3A_1869[%get3A_1870, %get3A_1871] {strides = array<i32>} : memref<352x128xf32, #tpu.memory_space<vmem>>, vector<16xf32>,
        %mul3A_1873 = arith.mulf %get3A_223, %get3A_1872 : vector<16xf32>
        %add3A_1874 = arith.addf %add3A_1865, %mul3A_1873 : vector<16xf32>
        %get3A_1875 = arith.constant 0 : i32
        %get3A_1876 = arith.constant 0 : i32
        %get3A_1877 = tpu.memref_slice %arg7[%scan3A_174, %get3A_1875, %get3A_1876] : memref<2x352x128xf32, #tpu.memory_space<vmem>> -> memref<1x352x128xf32, #tpu.memory_space<vmem>>
        %get3A_1878 = tpu.memref_squeeze %get3A_1877 : memref<1x352x128xf32, #tpu.memory_space<vmem>> -> memref<352x128xf32, #tpu.memory_space<vmem>>
        %get3A_1879 = arith.index_cast %add3A_1821 : i32 to index
        %get3A_1880 = arith.constant 96 : index
        %get3A_1881 = tpu.vector_load %get3A_1878[%get3A_1879, %get3A_1880] {strides = array<i32>} : memref<352x128xf32, #tpu.memory_space<vmem>>, vector<16xf32>,
        %mul3A_1882 = arith.mulf %get3A_230, %get3A_1881 : vector<16xf32>
        %add3A_1883 = arith.addf %add3A_1874, %mul3A_1882 : vector<16xf32>
        %get3A_1884 = arith.constant 0 : i32
        %get3A_1885 = arith.constant 0 : i32
        %get3A_1886 = tpu.memref_slice %arg7[%scan3A_174, %get3A_1884, %get3A_1885] : memref<2x352x128xf32, #tpu.memory_space<vmem>> -> memref<1x352x128xf32, #tpu.memory_space<vmem>>
        %get3A_1887 = tpu.memref_squeeze %get3A_1886 : memref<1x352x128xf32, #tpu.memory_space<vmem>> -> memref<352x128xf32, #tpu.memory_space<vmem>>
        %get3A_1888 = arith.index_cast %add3A_1821 : i32 to index
        %get3A_1889 = arith.constant 112 : index
        %get3A_1890 = tpu.vector_load %get3A_1887[%get3A_1888, %get3A_1889] {strides = array<i32>} : memref<352x128xf32, #tpu.memory_space<vmem>>, vector<16xf32>,
        %mul3A_1891 = arith.mulf %get3A_237, %get3A_1890 : vector<16xf32>
        %add3A_1892 = arith.addf %add3A_1883, %mul3A_1891 : vector<16xf32>
        %swap3A_1893 = arith.constant 20 : i32
        %swap3A_1894 = arith.index_cast %swap3A_1893 : i32 to index
        %swap3A_1895 = arith.constant 0 : index
        %swap3A_1896 = tpu.vector_load %arg8[%swap3A_1894, %swap3A_1895] {strides = array<i32>} : memref<32x16xf32, #tpu.memory_space<vmem>>, vector<16xf32>,
        tpu.vector_store %arg8[%swap3A_1894, %swap3A_1895], %add3A_1892 {strides = array<i32>} : memref<32x16xf32, #tpu.memory_space<vmem>>, vector<16xf32>,
        %broadcast_in_dim3A_1897 = arith.constant 0 : i32
        %broadcast_in_dim3A_1898 = vector.broadcast %broadcast_in_dim3A_1897 : i32 to vector<16xi32>
        %gather3A = tpu.vector_load_idx %arg8[%iota3A, %broadcast_in_dim3A_1898] : memref<32x16xf32, #tpu.memory_space<vmem>>[vector<16xi32>, vector<16xi32>], vector<16xf32>,
        %add3A_1899 = arith.constant 16 : i32
        %add3A_1900 = vector.broadcast %add3A_1899 : i32 to vector<16xi32>
        %add3A_1901 = arith.addi %iota3A, %add3A_1900 : vector<16xi32>
        %broadcast_in_dim3A_1902 = arith.constant 0 : i32
        %broadcast_in_dim3A_1903 = vector.broadcast %broadcast_in_dim3A_1902 : i32 to vector<16xi32>
        %gather3A_1904 = tpu.vector_load_idx %arg8[%add3A_1901, %broadcast_in_dim3A_1903] : memref<32x16xf32, #tpu.memory_space<vmem>>[vector<16xi32>, vector<16xi32>], vector<16xf32>,
        %broadcast_in_dim3A_1905 = arith.constant 1 : i32
        %broadcast_in_dim3A_1906 = vector.broadcast %broadcast_in_dim3A_1905 : i32 to vector<16xi32>
        %gather3A_1907 = tpu.vector_load_idx %arg8[%iota3A, %broadcast_in_dim3A_1906] : memref<32x16xf32, #tpu.memory_space<vmem>>[vector<16xi32>, vector<16xi32>], vector<16xf32>,
        %add3A_1908 = arith.addf %gather3A, %gather3A_1907 : vector<16xf32>
        %add3A_1909 = arith.constant 16 : i32
        %add3A_1910 = vector.broadcast %add3A_1909 : i32 to vector<16xi32>
        %add3A_1911 = arith.addi %iota3A, %add3A_1910 : vector<16xi32>
        %gather3A_1912 = tpu.vector_load_idx %arg8[%add3A_1911, %broadcast_in_dim3A_1906] : memref<32x16xf32, #tpu.memory_space<vmem>>[vector<16xi32>, vector<16xi32>], vector<16xf32>,
        %add3A_1913 = arith.addf %gather3A_1904, %gather3A_1912 : vector<16xf32>
        %broadcast_in_dim3A_1914 = arith.constant 2 : i32
        %broadcast_in_dim3A_1915 = vector.broadcast %broadcast_in_dim3A_1914 : i32 to vector<16xi32>
        %gather3A_1916 = tpu.vector_load_idx %arg8[%iota3A, %broadcast_in_dim3A_1915] : memref<32x16xf32, #tpu.memory_space<vmem>>[vector<16xi32>, vector<16xi32>], vector<16xf32>,
        %add3A_1917 = arith.addf %add3A_1908, %gather3A_1916 : vector<16xf32>
        %add3A_1918 = arith.constant 16 : i32
        %add3A_1919 = vector.broadcast %add3A_1918 : i32 to vector<16xi32>
        %add3A_1920 = arith.addi %iota3A, %add3A_1919 : vector<16xi32>
        %gather3A_1921 = tpu.vector_load_idx %arg8[%add3A_1920, %broadcast_in_dim3A_1915] : memref<32x16xf32, #tpu.memory_space<vmem>>[vector<16xi32>, vector<16xi32>], vector<16xf32>,
        %add3A_1922 = arith.addf %add3A_1913, %gather3A_1921 : vector<16xf32>
        %broadcast_in_dim3A_1923 = arith.constant 3 : i32
        %broadcast_in_dim3A_1924 = vector.broadcast %broadcast_in_dim3A_1923 : i32 to vector<16xi32>
        %gather3A_1925 = tpu.vector_load_idx %arg8[%iota3A, %broadcast_in_dim3A_1924] : memref<32x16xf32, #tpu.memory_space<vmem>>[vector<16xi32>, vector<16xi32>], vector<16xf32>,
        %add3A_1926 = arith.addf %add3A_1917, %gather3A_1925 : vector<16xf32>
        %add3A_1927 = arith.constant 16 : i32
        %add3A_1928 = vector.broadcast %add3A_1927 : i32 to vector<16xi32>
        %add3A_1929 = arith.addi %iota3A, %add3A_1928 : vector<16xi32>
        %gather3A_1930 = tpu.vector_load_idx %arg8[%add3A_1929, %broadcast_in_dim3A_1924] : memref<32x16xf32, #tpu.memory_space<vmem>>[vector<16xi32>, vector<16xi32>], vector<16xf32>,
        %add3A_1931 = arith.addf %add3A_1922, %gather3A_1930 : vector<16xf32>
        %broadcast_in_dim3A_1932 = arith.constant 4 : i32
        %broadcast_in_dim3A_1933 = vector.broadcast %broadcast_in_dim3A_1932 : i32 to vector<16xi32>
        %gather3A_1934 = tpu.vector_load_idx %arg8[%iota3A, %broadcast_in_dim3A_1933] : memref<32x16xf32, #tpu.memory_space<vmem>>[vector<16xi32>, vector<16xi32>], vector<16xf32>,
        %add3A_1935 = arith.addf %add3A_1926, %gather3A_1934 : vector<16xf32>
        %add3A_1936 = arith.constant 16 : i32
        %add3A_1937 = vector.broadcast %add3A_1936 : i32 to vector<16xi32>
        %add3A_1938 = arith.addi %iota3A, %add3A_1937 : vector<16xi32>
        %gather3A_1939 = tpu.vector_load_idx %arg8[%add3A_1938, %broadcast_in_dim3A_1933] : memref<32x16xf32, #tpu.memory_space<vmem>>[vector<16xi32>, vector<16xi32>], vector<16xf32>,
        %add3A_1940 = arith.addf %add3A_1931, %gather3A_1939 : vector<16xf32>
        %broadcast_in_dim3A_1941 = arith.constant 5 : i32
        %broadcast_in_dim3A_1942 = vector.broadcast %broadcast_in_dim3A_1941 : i32 to vector<16xi32>
        %gather3A_1943 = tpu.vector_load_idx %arg8[%iota3A, %broadcast_in_dim3A_1942] : memref<32x16xf32, #tpu.memory_space<vmem>>[vector<16xi32>, vector<16xi32>], vector<16xf32>,
        %add3A_1944 = arith.addf %add3A_1935, %gather3A_1943 : vector<16xf32>
        %add3A_1945 = arith.constant 16 : i32
        %add3A_1946 = vector.broadcast %add3A_1945 : i32 to vector<16xi32>
        %add3A_1947 = arith.addi %iota3A, %add3A_1946 : vector<16xi32>
        %gather3A_1948 = tpu.vector_load_idx %arg8[%add3A_1947, %broadcast_in_dim3A_1942] : memref<32x16xf32, #tpu.memory_space<vmem>>[vector<16xi32>, vector<16xi32>], vector<16xf32>,
        %add3A_1949 = arith.addf %add3A_1940, %gather3A_1948 : vector<16xf32>
        %broadcast_in_dim3A_1950 = arith.constant 6 : i32
        %broadcast_in_dim3A_1951 = vector.broadcast %broadcast_in_dim3A_1950 : i32 to vector<16xi32>
        %gather3A_1952 = tpu.vector_load_idx %arg8[%iota3A, %broadcast_in_dim3A_1951] : memref<32x16xf32, #tpu.memory_space<vmem>>[vector<16xi32>, vector<16xi32>], vector<16xf32>,
        %add3A_1953 = arith.addf %add3A_1944, %gather3A_1952 : vector<16xf32>
        %add3A_1954 = arith.constant 16 : i32
        %add3A_1955 = vector.broadcast %add3A_1954 : i32 to vector<16xi32>
        %add3A_1956 = arith.addi %iota3A, %add3A_1955 : vector<16xi32>
        %gather3A_1957 = tpu.vector_load_idx %arg8[%add3A_1956, %broadcast_in_dim3A_1951] : memref<32x16xf32, #tpu.memory_space<vmem>>[vector<16xi32>, vector<16xi32>], vector<16xf32>,
        %add3A_1958 = arith.addf %add3A_1949, %gather3A_1957 : vector<16xf32>
        %broadcast_in_dim3A_1959 = arith.constant 7 : i32
        %broadcast_in_dim3A_1960 = vector.broadcast %broadcast_in_dim3A_1959 : i32 to vector<16xi32>
        %gather3A_1961 = tpu.vector_load_idx %arg8[%iota3A, %broadcast_in_dim3A_1960] : memref<32x16xf32, #tpu.memory_space<vmem>>[vector<16xi32>, vector<16xi32>], vector<16xf32>,
        %add3A_1962 = arith.addf %add3A_1953, %gather3A_1961 : vector<16xf32>
        %add3A_1963 = arith.constant 16 : i32
        %add3A_1964 = vector.broadcast %add3A_1963 : i32 to vector<16xi32>
        %add3A_1965 = arith.addi %iota3A, %add3A_1964 : vector<16xi32>
        %gather3A_1966 = tpu.vector_load_idx %arg8[%add3A_1965, %broadcast_in_dim3A_1960] : memref<32x16xf32, #tpu.memory_space<vmem>>[vector<16xi32>, vector<16xi32>], vector<16xf32>,
        %add3A_1967 = arith.addf %add3A_1958, %gather3A_1966 : vector<16xf32>
        %broadcast_in_dim3A_1968 = arith.constant 8 : i32
        %broadcast_in_dim3A_1969 = vector.broadcast %broadcast_in_dim3A_1968 : i32 to vector<16xi32>
        %gather3A_1970 = tpu.vector_load_idx %arg8[%iota3A, %broadcast_in_dim3A_1969] : memref<32x16xf32, #tpu.memory_space<vmem>>[vector<16xi32>, vector<16xi32>], vector<16xf32>,
        %add3A_1971 = arith.addf %add3A_1962, %gather3A_1970 : vector<16xf32>
        %add3A_1972 = arith.constant 16 : i32
        %add3A_1973 = vector.broadcast %add3A_1972 : i32 to vector<16xi32>
        %add3A_1974 = arith.addi %iota3A, %add3A_1973 : vector<16xi32>
        %gather3A_1975 = tpu.vector_load_idx %arg8[%add3A_1974, %broadcast_in_dim3A_1969] : memref<32x16xf32, #tpu.memory_space<vmem>>[vector<16xi32>, vector<16xi32>], vector<16xf32>,
        %add3A_1976 = arith.addf %add3A_1967, %gather3A_1975 : vector<16xf32>
        %broadcast_in_dim3A_1977 = arith.constant 9 : i32
        %broadcast_in_dim3A_1978 = vector.broadcast %broadcast_in_dim3A_1977 : i32 to vector<16xi32>
        %gather3A_1979 = tpu.vector_load_idx %arg8[%iota3A, %broadcast_in_dim3A_1978] : memref<32x16xf32, #tpu.memory_space<vmem>>[vector<16xi32>, vector<16xi32>], vector<16xf32>,
        %add3A_1980 = arith.addf %add3A_1971, %gather3A_1979 : vector<16xf32>
        %add3A_1981 = arith.constant 16 : i32
        %add3A_1982 = vector.broadcast %add3A_1981 : i32 to vector<16xi32>
        %add3A_1983 = arith.addi %iota3A, %add3A_1982 : vector<16xi32>
        %gather3A_1984 = tpu.vector_load_idx %arg8[%add3A_1983, %broadcast_in_dim3A_1978] : memref<32x16xf32, #tpu.memory_space<vmem>>[vector<16xi32>, vector<16xi32>], vector<16xf32>,
        %add3A_1985 = arith.addf %add3A_1976, %gather3A_1984 : vector<16xf32>
        %broadcast_in_dim3A_1986 = arith.constant 10 : i32
        %broadcast_in_dim3A_1987 = vector.broadcast %broadcast_in_dim3A_1986 : i32 to vector<16xi32>
        %gather3A_1988 = tpu.vector_load_idx %arg8[%iota3A, %broadcast_in_dim3A_1987] : memref<32x16xf32, #tpu.memory_space<vmem>>[vector<16xi32>, vector<16xi32>], vector<16xf32>,
        %add3A_1989 = arith.addf %add3A_1980, %gather3A_1988 : vector<16xf32>
        %add3A_1990 = arith.constant 16 : i32
        %add3A_1991 = vector.broadcast %add3A_1990 : i32 to vector<16xi32>
        %add3A_1992 = arith.addi %iota3A, %add3A_1991 : vector<16xi32>
        %gather3A_1993 = tpu.vector_load_idx %arg8[%add3A_1992, %broadcast_in_dim3A_1987] : memref<32x16xf32, #tpu.memory_space<vmem>>[vector<16xi32>, vector<16xi32>], vector<16xf32>,
        %add3A_1994 = arith.addf %add3A_1985, %gather3A_1993 : vector<16xf32>
        %broadcast_in_dim3A_1995 = arith.constant 11 : i32
        %broadcast_in_dim3A_1996 = vector.broadcast %broadcast_in_dim3A_1995 : i32 to vector<16xi32>
        %gather3A_1997 = tpu.vector_load_idx %arg8[%iota3A, %broadcast_in_dim3A_1996] : memref<32x16xf32, #tpu.memory_space<vmem>>[vector<16xi32>, vector<16xi32>], vector<16xf32>,
        %add3A_1998 = arith.addf %add3A_1989, %gather3A_1997 : vector<16xf32>
        %add3A_1999 = arith.constant 16 : i32
        %add3A_2000 = vector.broadcast %add3A_1999 : i32 to vector<16xi32>
        %add3A_2001 = arith.addi %iota3A, %add3A_2000 : vector<16xi32>
        %gather3A_2002 = tpu.vector_load_idx %arg8[%add3A_2001, %broadcast_in_dim3A_1996] : memref<32x16xf32, #tpu.memory_space<vmem>>[vector<16xi32>, vector<16xi32>], vector<16xf32>,
        %add3A_2003 = arith.addf %add3A_1994, %gather3A_2002 : vector<16xf32>
        %broadcast_in_dim3A_2004 = arith.constant 12 : i32
        %broadcast_in_dim3A_2005 = vector.broadcast %broadcast_in_dim3A_2004 : i32 to vector<16xi32>
        %gather3A_2006 = tpu.vector_load_idx %arg8[%iota3A, %broadcast_in_dim3A_2005] : memref<32x16xf32, #tpu.memory_space<vmem>>[vector<16xi32>, vector<16xi32>], vector<16xf32>,
        %add3A_2007 = arith.addf %add3A_1998, %gather3A_2006 : vector<16xf32>
        %add3A_2008 = arith.constant 16 : i32
        %add3A_2009 = vector.broadcast %add3A_2008 : i32 to vector<16xi32>
        %add3A_2010 = arith.addi %iota3A, %add3A_2009 : vector<16xi32>
        %gather3A_2011 = tpu.vector_load_idx %arg8[%add3A_2010, %broadcast_in_dim3A_2005] : memref<32x16xf32, #tpu.memory_space<vmem>>[vector<16xi32>, vector<16xi32>], vector<16xf32>,
        %add3A_2012 = arith.addf %add3A_2003, %gather3A_2011 : vector<16xf32>
        %broadcast_in_dim3A_2013 = arith.constant 13 : i32
        %broadcast_in_dim3A_2014 = vector.broadcast %broadcast_in_dim3A_2013 : i32 to vector<16xi32>
        %gather3A_2015 = tpu.vector_load_idx %arg8[%iota3A, %broadcast_in_dim3A_2014] : memref<32x16xf32, #tpu.memory_space<vmem>>[vector<16xi32>, vector<16xi32>], vector<16xf32>,
        %add3A_2016 = arith.addf %add3A_2007, %gather3A_2015 : vector<16xf32>
        %add3A_2017 = arith.constant 16 : i32
        %add3A_2018 = vector.broadcast %add3A_2017 : i32 to vector<16xi32>
        %add3A_2019 = arith.addi %iota3A, %add3A_2018 : vector<16xi32>
        %gather3A_2020 = tpu.vector_load_idx %arg8[%add3A_2019, %broadcast_in_dim3A_2014] : memref<32x16xf32, #tpu.memory_space<vmem>>[vector<16xi32>, vector<16xi32>], vector<16xf32>,
        %add3A_2021 = arith.addf %add3A_2012, %gather3A_2020 : vector<16xf32>
        %broadcast_in_dim3A_2022 = arith.constant 14 : i32
        %broadcast_in_dim3A_2023 = vector.broadcast %broadcast_in_dim3A_2022 : i32 to vector<16xi32>
        %gather3A_2024 = tpu.vector_load_idx %arg8[%iota3A, %broadcast_in_dim3A_2023] : memref<32x16xf32, #tpu.memory_space<vmem>>[vector<16xi32>, vector<16xi32>], vector<16xf32>,
        %add3A_2025 = arith.addf %add3A_2016, %gather3A_2024 : vector<16xf32>
        %add3A_2026 = arith.constant 16 : i32
        %add3A_2027 = vector.broadcast %add3A_2026 : i32 to vector<16xi32>
        %add3A_2028 = arith.addi %iota3A, %add3A_2027 : vector<16xi32>
        %gather3A_2029 = tpu.vector_load_idx %arg8[%add3A_2028, %broadcast_in_dim3A_2023] : memref<32x16xf32, #tpu.memory_space<vmem>>[vector<16xi32>, vector<16xi32>], vector<16xf32>,
        %add3A_2030 = arith.addf %add3A_2021, %gather3A_2029 : vector<16xf32>
        %broadcast_in_dim3A_2031 = arith.constant 15 : i32
        %broadcast_in_dim3A_2032 = vector.broadcast %broadcast_in_dim3A_2031 : i32 to vector<16xi32>
        %gather3A_2033 = tpu.vector_load_idx %arg8[%iota3A, %broadcast_in_dim3A_2032] : memref<32x16xf32, #tpu.memory_space<vmem>>[vector<16xi32>, vector<16xi32>], vector<16xf32>,
        %add3A_2034 = arith.addf %add3A_2025, %gather3A_2033 : vector<16xf32>
        %add3A_2035 = arith.constant 16 : i32
        %add3A_2036 = vector.broadcast %add3A_2035 : i32 to vector<16xi32>
        %add3A_2037 = arith.addi %iota3A, %add3A_2036 : vector<16xi32>
        %gather3A_2038 = tpu.vector_load_idx %arg8[%add3A_2037, %broadcast_in_dim3A_2032] : memref<32x16xf32, #tpu.memory_space<vmem>>[vector<16xi32>, vector<16xi32>], vector<16xf32>,
        %add3A_2039 = arith.addf %add3A_2030, %gather3A_2038 : vector<16xf32>
        %mul3A_2040 = arith.constant 16 : i32
        %mul3A_2041 = arith.muli %add3A_135, %mul3A_2040 : i32
        %add3A_2042 = arith.addi %mul3A_2041, %scan3A_180 : i32
        %mul3A_2043 = arith.constant 32 : i32
        %mul3A_2044 = arith.muli %add3A_2042, %mul3A_2043 : i32
        %swap3A_2045 = arith.index_cast %mul3A_2044 : i32 to index
        %swap3A_2046 = tpu.vector_load %arg9[%swap3A_2045] {strides = array<i32>} : memref<16384xf32, #tpu.memory_space<vmem>>, vector<16xf32>,
        tpu.vector_store %arg9[%swap3A_2045], %add3A_2034 {strides = array<i32>} : memref<16384xf32, #tpu.memory_space<vmem>>, vector<16xf32>,
        %mul3A_2047 = arith.constant 32 : i32
        %mul3A_2048 = arith.muli %add3A_2042, %mul3A_2047 : i32
        %add3A_2049 = arith.constant 16 : i32
        %add3A_2050 = arith.addi %mul3A_2048, %add3A_2049 : i32
        %swap3A_2051 = arith.index_cast %add3A_2050 : i32 to index
        %swap3A_2052 = tpu.vector_load %arg9[%swap3A_2051] {strides = array<i32>} : memref<16384xf32, #tpu.memory_space<vmem>>, vector<16xf32>,
        tpu.vector_store %arg9[%swap3A_2051], %add3A_2039 {strides = array<i32>} : memref<16384xf32, #tpu.memory_space<vmem>>, vector<16xf32>,
      }
      %scan3A_179 = arith.constant 16 : i32
    }
    %scan3A_84 = arith.constant 16 : i32
    %mul3A_85 = arith.constant 32 : i32
    %mul3A_86 = arith.muli %mul3A_2, %mul3A_85 : i32
    "tpu.region"() ({
      %run_scoped3A = tpu.sem_alloc : memref<!tpu.dma_semaphore, #tpu.memory_space<semaphore_mem>>
      %dma_start3A_87 = tpu.memref_slice %arg4[%mul3A_86] : memref<524288xf32, #tpu.memory_space<hbm>> -> memref<16384xf32, #tpu.memory_space<hbm>>
      %dma_start3A_88 = tpu.memref_slice %arg4[%mul3A_86] : memref<524288xf32, #tpu.memory_space<hbm>> -> memref<16384xf32, #tpu.memory_space<hbm>>
      tpu.enqueue_dma source(%arg9 : memref<16384xf32, #tpu.memory_space<vmem>>) target(%dma_start3A_88 : memref<16384xf32, #tpu.memory_space<hbm>>) target_semaphore(%run_scoped3A : memref<!tpu.dma_semaphore, #tpu.memory_space<semaphore_mem>>)
      %dma_wait3A = tpu.memref_slice %arg4[%mul3A_86] : memref<524288xf32, #tpu.memory_space<hbm>> -> memref<16384xf32, #tpu.memory_space<hbm>>
      %dma_wait3A_89 = tpu.memref_slice %arg4[%mul3A_86] : memref<524288xf32, #tpu.memory_space<hbm>> -> memref<16384xf32, #tpu.memory_space<hbm>>
      tpu.wait_dma2 semaphore(%run_scoped3A : memref<!tpu.dma_semaphore, #tpu.memory_space<semaphore_mem>>) src(%arg9 : memref<16384xf32, #tpu.memory_space<vmem>>) dst(%dma_wait3A_89 : memref<16384xf32, #tpu.memory_space<hbm>>)
      tpu.yield
    }) : () -> ()
    return
  }
}

module attributes {stable_mosaic.version = 14 : i64} {
  func.func @body(%arg0: memref<16384x32xf32, #tpu.memory_space<vmem>>, %arg1: memref<1x1xf32, #tpu.memory_space<smem>>) attributes {dimension_semantics = [], scalar_prefetch = 0 : i64, scratch_operands = 0 : i64, tpu.core_type = #tpu.core_type<tc>} {
    %get3A = arith.constant 0 : index
    %get3A_0 = arith.constant 0 : index
    %get3A_1 = vector.load %arg0[%get3A, %get3A_0] : memref<16384x32xf32, #tpu.memory_space<vmem>>, vector<16384x32xf32>
    %slice3A = vector.extract_strided_slice %get3A_1 {offsets = [0, 0], sizes = [16384, 1], strides = [1, 1]} : vector<16384x32xf32> to vector<16384x1xf32>
    %squeeze3A = vector.shape_cast %slice3A : vector<16384x1xf32> to vector<16384xf32>
    %slice3A_2 = vector.extract_strided_slice %get3A_1 {offsets = [0, 1], sizes = [16384, 20], strides = [1, 1]} : vector<16384x32xf32> to vector<16384x20xf32>
    %neg3A = arith.constant 0.000000e+00 : f32
    %neg3A_3 = vector.broadcast %neg3A : f32 to vector<16384xf32>
    %neg3A_4 = arith.subf %neg3A_3, %squeeze3A : vector<16384xf32>
    %max3A = arith.constant 0.000000e+00 : f32
    %max3A_5 = vector.broadcast %max3A : f32 to vector<16384xf32>
    %max3A_6 = arith.maximumf %neg3A_4, %max3A_5 : vector<16384xf32>
    %abs3A = math.absf %squeeze3A : vector<16384xf32>
    %neg3A_7 = arith.constant 0.000000e+00 : f32
    %neg3A_8 = vector.broadcast %neg3A_7 : f32 to vector<16384xf32>
    %neg3A_9 = arith.subf %neg3A_8, %abs3A : vector<16384xf32>
    %exp3A = math.exp %neg3A_9 : vector<16384xf32>
    %log1p3A = math.log1p %exp3A : vector<16384xf32>
    %add3A = arith.addf %max3A_6, %log1p3A : vector<16384xf32>
    %max3A_10 = arith.constant 0.000000e+00 : f32
    %max3A_11 = vector.broadcast %max3A_10 : f32 to vector<16384x20xf32>
    %max3A_12 = arith.maximumf %slice3A_2, %max3A_11 : vector<16384x20xf32>
    %abs3A_13 = math.absf %slice3A_2 : vector<16384x20xf32>
    %neg3A_14 = arith.constant 0.000000e+00 : f32
    %neg3A_15 = vector.broadcast %neg3A_14 : f32 to vector<16384x20xf32>
    %neg3A_16 = arith.subf %neg3A_15, %abs3A_13 : vector<16384x20xf32>
    %exp3A_17 = math.exp %neg3A_16 : vector<16384x20xf32>
    %log1p3A_18 = math.log1p %exp3A_17 : vector<16384x20xf32>
    %add3A_19 = arith.addf %max3A_12, %log1p3A_18 : vector<16384x20xf32>
    %reduce_sum3A = vector.shape_cast %add3A : vector<16384xf32> to vector<1x16384xf32>
    %reduce_sum3A_20 = arith.constant dense<0.000000e+00> : vector<1xf32>
    %reduce_sum3A_21 = vector.multi_reduction <add>, %reduce_sum3A, %reduce_sum3A_20 [1] : vector<1x16384xf32> to vector<1xf32>
    %reduce_sum3A_22 = vector.shape_cast %reduce_sum3A_21 : vector<1xf32> to vector<1x1xf32>
    %reduce_sum3A_23 = vector.extract %reduce_sum3A_22[0, 0] : f32 from vector<1x1xf32>
    %reduce_sum3A_24 = vector.shape_cast %add3A_19 : vector<16384x20xf32> to vector<1x16384x20xf32>
    %reduce_sum3A_25 = arith.constant dense<0.000000e+00> : vector<1xf32>
    %reduce_sum3A_26 = vector.multi_reduction <add>, %reduce_sum3A_24, %reduce_sum3A_25 [1, 2] : vector<1x16384x20xf32> to vector<1xf32>
    %reduce_sum3A_27 = vector.shape_cast %reduce_sum3A_26 : vector<1xf32> to vector<1x1x1xf32>
    %reduce_sum3A_28 = vector.extract %reduce_sum3A_27[0, 0, 0] : f32 from vector<1x1x1xf32>
    %add3A_29 = arith.addf %reduce_sum3A_23, %reduce_sum3A_28 : f32
    %div3A = arith.constant 1.638400e+04 : f32
    %div3A_30 = arith.divf %add3A_29, %div3A : f32
    %swap3A = arith.constant 0 : index
    %swap3A_31 = arith.constant 0 : index
    %swap3A_32 = memref.load %arg1[%swap3A, %swap3A_31] : memref<1x1xf32, #tpu.memory_space<smem>>
    memref.store %div3A_30, %arg1[%swap3A, %swap3A_31] : memref<1x1xf32, #tpu.memory_space<smem>>
    return
  }
}

</mosaic_0001>

<sc_bundles>
// kernel: kernel.4.cloned.1.call-start
scs
__scs_entry_jumppad:
0x0: {  	(pc) =	sbr.rel $0x88, $3  }
0x1: {  	(tag) =	ssettag $0x0;
	lr =	simm.s32 $0x1  }
0x2: {  	[smem:$0x3F9D] =	sst lr;
	_ =	strace $0xD0000000  }
0x3: {  	_ = 	snop  }
0x4: {  	_ = 	snop  }
0x5: {  	_ = 	snop  }
0x6: {  	_ = 	snop  }
0x7: {  	_ = 	snop  }
__scs_overlays_trampoline_lowered:
0x8: {  	[smem:$0x3FAC] =	sst s0  }
0x9: {  	[smem:$0x3FAD] =	sst s1  }
0xa: {  	[smem:$0x3FAE] =	sst s2  }
0xb: {  	[smem:$0x3FAF] =	sst s3  }
0xc: {  	[smem:$0x3FB0] =	sst s4  }
0xd: {  	[smem:$0x3FB1] =	sst s5  }
0xe: {  	[smem:$0x3FB2] =	sst s6  }
0xf: {  	[smem:$0x3FB3] =	sst s7  }
0x10: {  	[smem:$0x3FB4] =	sst s8  }
0x11: {  	[smem:$0x3FB5] =	sst s9;
	s0 =	simm.s32 @!p0 $0x0  }
0x12: {  	s1 =	sld [smem:$0x3F9B];
	s0 =	simm.s32 @p0 $0x1  }
0x13: {  	[smem:$0x3FB6] =	sst s0;
	s0 =	simm.s32 @!p1 $0x0  }
0x14: {  	s2 =	sld [smem:$0x3F9A];
	s0 =	simm.s32 @p1 $0x1  }
0x15: {  	[smem:$0x3FB7] =	sst s0;
	s0 =	simm.s32 @!p2 $0x0  }
0x16: {  	s3 =	sld [smem:$0x3FDB];
	s0 =	simm.s32 @p2 $0x1  }
0x17: {  	s4 =	simm.s32 $0x1BF5;
	[smem:$0x3FB9] =	sst s0  }
0x18: {  	s0 =	sld [smem:$0x3F9C];
	_ =	swait.ge [sflag:s4], $0x0  }
0x19: {  	s7 =	sld [smem:$0x3F9D]  }
0x1a: {  	s8 =	sadd.s32 $0xFFFFE003, lr  }
0x1b: {  	s9 =	sadd.s32 $0xFFFFFEF7, lr;
	s5 =	simm.s32 $0xFFFFFFFF;
	p2 =	slt.u32 s8, $0xFFFFF086  }
0x1c: {  	p1 =	slt.u32 s9, $0xF7A;
	s5 =	simm.s32 @!p2 $0x0  }
0x1d: {  	s5 =	simm.s32 @p1 $0x1;
	p0 =	seq.s32 s7, s2  }
0x1e: {  	s7 =	smul.u32 @!p0 $0xF7A, s2;
	p2 =	seq.s32 @!p0 s5, $0x0  }
0x1f: {  	s9 =	smul.u32 $0xF7A, s1;
	s8 =	simm.s32 @!p0 $0x1BF5;
	p2 =	por !p2, p0  }
0x20: {  	[sflag:s8] =	ssyncset.s32 @!p0 $0xFFFFF086;
	s6 =	sadd.s32 @!p0 s3, s7;
	s7 =	simm.s32 @!p0 $0x108  }
0x21: {  	s3 =	sadd.s32 s3, s9;
	s6 =	sadd.s32 @!p0 $0x88, s6;
	s7 =	simm.s32 @p2 $0x1082  }
0x22: {  	[simem:s7], [sflag:s8] =	dma.local @!p0 [hbm:s6], $0xF7A  }
0x23: {  	s9 =	sor.u32 $0xD0000000, s2;
	s6 =	simm.s32 $0x108;
	_ =	swait.ge @!p0 [sflag:s8], $0x0  }
0x24: {  	s3 =	sadd.s32 $0x88, s3;
	s6 =	simm.s32 @!p1 $0x1082;
	[sflag:s4] =	ssyncset.s32 $0xFFFFF086  }
0x25: {  	[simem:s6], [sflag:s4] =	dma.local [hbm:s3], $0xF7A  }
0x26: {  	[smem:$0x3F9D] =	sst s1;
	(tag) =	ssettag s2;
	_ =	strace s9  }
0x27: {  	s1 =	sld [smem:$0x3FAD]  }
0x28: {  	s2 =	sld [smem:$0x3FAE]  }
0x29: {  	s4 =	sld [smem:$0x3FB0]  }
0x2a: {  	p0 =	seq.s32 s5, $0x0;
	s5 =	sld [smem:$0x3FB1]  }
0x2b: {  	s6 =	sld [smem:$0x3FB2]  }
0x2c: {  	s7 =	sld [smem:$0x3FB3]  }
0x2d: {  	s3 =	simm.s32 $0x108;
	s8 =	sld [smem:$0x3FB4]  }
0x2e: {  	s3 =	simm.s32 @!p0 $0x1082;
	s9 =	sld [smem:$0x3FB5]  }
0x2f: {  	lr =	sadd.s32 s0, s3;
	s0 =	sld [smem:$0x3FAC]  }
0x30: {  	s3 =	sld [smem:$0x3FAF]  }
0x31: {  	[smem:$0x3FB8] =	sst s10  }
0x32: {  	s10 =	sld [smem:$0x3FB6];
	_ =	sdelay $0x3  }
0x33: {  	p0 =	seq.s32 s10, $0x1;
	s10 =	sld [smem:$0x3FB8];
	_ =	sdelay $0x3  }
0x34: {  	[smem:$0x3FB8] =	sst s10  }
0x35: {  	s10 =	sld [smem:$0x3FB7];
	_ =	sdelay $0x3  }
0x36: {  	p1 =	seq.s32 s10, $0x1;
	s10 =	sld [smem:$0x3FB8];
	_ =	sdelay $0x3  }
0x37: {  	[smem:$0x3FB8] =	sst s10  }
0x38: {  	s10 =	sld [smem:$0x3FB9]  }
0x39: {  	_ = 	snop;
	(pc) =	sbr.ind lr, $3  }
0x3a: {  	_ = 	snop  }
0x3b: {  	_ = 	snop  }
0x3c: {  	p2 =	seq.s32 s10, $0x1;
	s10 =	sld [smem:$0x3FB8]  }
0x3d: {  	_ =	shalt  }
0x3e: {  	_ =	shalt  }
0x3f: {  	_ =	shalt  }
0x40: {  	_ =	shalt  }
0x41: {  	_ =	shalt  }
0x42: {  	_ =	shalt  }
0x43: {  	_ =	shalt  }
0x44: {  	_ =	shalt  }
0x45: {  	_ =	shalt  }
0x46: {  	_ =	shalt  }
0x47: {  	_ =	shalt  }
0x48: {  	_ =	shalt  }
0x49: {  	_ =	shalt  }
0x4a: {  	_ =	shalt  }
0x4b: {  	_ =	shalt  }
0x4c: {  	_ =	shalt  }
0x4d: {  	_ =	shalt  }
0x4e: {  	_ =	shalt  }
0x4f: {  	_ =	shalt  }
0x50: {  	_ =	shalt  }
0x51: {  	_ =	shalt  }
0x52: {  	_ =	shalt  }
0x53: {  	_ =	shalt  }
0x54: {  	_ =	shalt  }
0x55: {  	_ =	shalt  }
0x56: {  	_ =	shalt  }
0x57: {  	_ =	shalt  }
0x58: {  	_ =	shalt  }
0x59: {  	_ =	shalt  }
0x5a: {  	_ =	shalt  }
0x5b: {  	_ =	shalt  }
0x5c: {  	_ =	shalt  }
0x5d: {  	_ =	shalt  }
0x5e: {  	_ =	shalt  }
0x5f: {  	_ =	shalt  }
0x60: {  	_ =	shalt  }
0x61: {  	_ =	shalt  }
0x62: {  	_ =	shalt  }
0x63: {  	_ =	shalt  }
0x64: {  	_ =	shalt  }
0x65: {  	_ =	shalt  }
0x66: {  	_ =	shalt  }
0x67: {  	_ =	shalt  }
0x68: {  	_ =	shalt  }
0x69: {  	_ =	shalt  }
0x6a: {  	_ =	shalt  }
0x6b: {  	_ =	shalt  }
0x6c: {  	_ =	shalt  }
0x6d: {  	_ =	shalt  }
0x6e: {  	_ =	shalt  }
0x6f: {  	_ =	shalt  }
0x70: {  	_ =	shalt  }
0x71: {  	_ =	shalt  }
0x72: {  	_ =	shalt  }
0x73: {  	_ =	shalt  }
0x74: {  	_ =	shalt  }
0x75: {  	_ =	shalt  }
0x76: {  	_ =	shalt  }
0x77: {  	_ =	shalt  }
0x78: {  	_ =	shalt  }
0x79: {  	_ =	shalt  }
0x7a: {  	_ =	shalt  }
0x7b: {  	_ =	shalt  }
0x7c: {  	_ =	shalt  }
0x7d: {  	_ =	shalt  }
0x7e: {  	_ =	shalt  }
0x7f: {  	_ =	shalt  }
0x80: {  	_ =	shalt  }
0x81: {  	_ =	shalt  }
0x82: {  	_ =	shalt  }
0x83: {  	_ =	shalt  }
0x84: {  	_ =	shalt  }
0x85: {  	_ =	shalt  }
0x86: {  	_ =	shalt  }
0x87: {  	_ =	shalt  }
.Lfunc_end0:
.L_simem_size_0:
called_computation_lowered:
.L_overlay_start_0:
0x88: {  	s2 =	sld [smem:$0x3FD9]  }
0x89: {  	s3 =	sld [smem:$0x3FFE];
	_ =	sdelay $0x1  }
0x8a: {  	s1 =	srdreg.scid  }
0x8b: {  	s0 =	sand.u32 $0x1, s1  }
0x8c: {  	s17 =	sshll.u32 s0, $0xA;
	s2 =	sadd.s32 s3, s2  }
0x8d: {  	s2 =	sadd.s32 s2, s17  }
0x8e: {  	[smem:$0x3FC4] =	sst s2  }
0x8f: {  	_ = 	snop  }
0x90: {  	s2 =	sld [smem:$0x3FC6];
	(tm) =	ssettm $0x1  }
0x91: {  	s18 =	sld [smem:$0x3FFB];
	_ =	sdelay $0x3  }
0x92: {  	_ =	strace s18  }
0x93: {  	s3 =	sld [smem:$0x3FFC];
	_ =	sdelay $0x3  }
0x94: {  	_ =	strace s3  }
0x95: {  	s3 =	sld [smem:$0x3FFD];
	_ =	sdelay $0x3  }
0x96: {  	_ =	strace s3  }
0x97: {  	_ =	strace $0x8FFFFFFF  }
0x98: {  	s19 =	sld [smem:$0x3FDB];
	_ =	sdelay $0x1  }
0x99: {  	s4 =	simm.s32 $_scs_section_size  }
0x9a: {  	s5 =	simm.s32 $_size__tile_overlayer_lowered;
	s6 =	simm.s32 $_tile_overlayer_lowered  }
0x9b: {  	s22 =	simm.s32 $0x1BFF;
	s21 =	sshll.u32 s6, $0x1;
	s3 =	sadd.s32 s4, s19  }
0x9c: {  	s7 =	simm.s32 $0x0;
	s20 =	sshll.u32 s5, $0x1;
	s5 =	sadd.s32 s21, s3  }
0x9d: {  	[timem:s7], [sflag:s22] =	dma.local [hbm:s5], s20  }
0x9e: {  	_ =	swait.ge [sflag:s22], s20  }
0x9f: {  	s4 =	ssub.s32 $0x0, s20;
	[sflag:s22] =	ssyncset.done $0x0  }
0xa0: {  	[sflag:s22] =	ssyncadd.s32 s4;
	_ =	sdelay $0x1  }
0xa1: {  	s23 =	simm.s32 $0x1B8B  }
0xa2: {  	_ =	swait.ge [sflag:s23], $0x1  }
0xa3: {  	[sflag:s23] =	ssyncset.done $0x0  }
0xa4: {  	s25 =	simm.s32 $0x1B8E;
	s24 =	sld [smem:$0x3FFE];
	[sflag:s23] =	ssyncadd.s32 $0xFFFFFFFF  }
0xa5: {  	s26 =	simm.s32 $execute0_lowered;
	[smem:$0x3FD2] =	sst s25  }
0xa6: {  	s5 =	sshll.u32 s26, $0x1;
	_ =	strace $0x80000046;
	[dreg:$0x1] =	wrdreg $0xFFFFFFFF  }
0xa7: {  	s28 =	simm.s32 $_size_execute0_lowered;
	s3 =	sadd.s32 s3, s5;
	[dreg:$0x0] =	wrdreg $0x0  }
0xa8: {  	s5 =	sshll.u32 s28, $0x1;
	[dreg:$0x2] =	wrdreg s3  }
0xa9: {  	[dreg:$0x3] =	wrdreg s5  }
0xaa: {  	[dreg:$0x4] =	wrdreg $0xC0  }
0xab: {  	_ =	task [dreg:s7], $0x5FFFF  }
0xac: {  	[dreg:$0x1] =	wrdreg $0xFFFFFFFF  }
0xad: {  	[dreg:$0x0] =	wrdreg $0x60  }
0xae: {  	[dreg:$0x2] =	wrdreg s2  }
0xaf: {  	[dreg:$0x3] =	wrdreg s24  }
0xb0: {  	[dreg:$0x4] =	wrdreg $0x9  }
0xb1: {  	_ =	task.clear_ibuf [dreg:s7], $0x5FFFF;
	_ =	strace $0x90000046  }
0xb2: {  	s29 =	simm.s32 $0x9;
	_ =	strace $0x80000048  }
0xb3: {  	_ =	swait.ge [sflag:s29], $0x1  }
0xb4: {  	[sflag:s29] =	ssyncadd.s32 $0xFFFFFFFF  }
0xb5: {  	_ =	strace $0x90000048  }
0xb6: {  	_ =	sfence  }
0xb7: {  	s30 =	sld [smem:$0x0];
	_ =	sdelay $0x2  }
0xb8: {  	s31 =	sshll.u32 s1, $0xD;
	s1 =	sshrl.u32 s1, $0x2  }
0xb9: {  	s3 =	sand.u32 $0x4000, s31;
	s1 =	sadd.s32 s1, s30  }
0xba: {  	s0 =	sor.u32 s3, s0;
	s1 =	sshll.u32 s1, $0x11  }
0xbb: {  	s0 =	sor.u32 s1, s0  }
0xbc: {  	s0 =	sadd.s32 $0x8F2B, s0  }
0xbd: {  	[sflag:s0] =	ssyncadd.remote.s32 $0x1  }
0xbe: {  	_ =	sfence.sel $0xFFFF  }
0xbf: {  	[dreg:$0x0] =	wrdreg $0xFFFFFFFF;
	(pc) =	sbr.abs _section_cstart, $3  }
0xc0: {  	[dreg:$0x1] =	wrdreg $0xFFFFFFFF  }
0xc1: {  	_ =	task.clear_ibuf [dreg:s7], $0x2FFFF;
	_ =	strace $0x9FFFFFFF  }
0xc2: {  	(tm) =	ssettm $0x7FFFFFFF  }
0xc3: {  	_ =	shalt  }
tec
execute0_lowered:
.L_overlay_start_1:
0x0: {  	(tag) =	ssettag $0x1  }
0x1: {  	s1 =	rddreg [dreg:$0x0];
	v0 =	vlaneseq.u32  }
0x2: {  	s0 =	rddreg [dreg:$0x1];
	v0 =	vmul.u32 $0x80, v0  }
0x3: {  	s3 =	simm.s32 $0x0;
	s2 =	srdreg.scid;
	s4 =	stileid.u32  }
0x4: {  	v1 =	vimm.f32 $0.0e+00;
	s10 =	simm.s32 $0x3;
	s11 =	simm.s32 $0x80;
	s14 =	simm.s32 $0x60;
	v2 =	vor.u32 $0x800, v0  }
0x5: {  	s15 =	simm.s32 $0x100;
	s16 =	simm.s32 $0x8300;
	s17 =	simm.s32 $0x180;
	v3 =	vor.u32 $0x1, v0;
	v4 =	vor.u32 $0x801, v0;
	v5 =	vor.u32 $0x2, v0  }
0x6: {  	s18 =	simm.s32 $0xB300;
	s19 =	simm.s32 $0x200;
	s20 =	simm.s32 $0xF300;
	v6 =	vor.u32 $0x802, v0;
	v7 =	vor.u32 $0x3, v0;
	v8 =	vor.u32 $0x803, v0  }
0x7: {  	s21 =	simm.s32 $0x280;
	s22 =	simm.s32 $0x13300;
	s23 =	simm.s32 $0x1;
	v9 =	vor.u32 $0x4, v0;
	v10 =	vor.u32 $0x804, v0;
	v11 =	vor.u32 $0x5, v0  }
0x8: {  	s24 =	simm.s32 $0x16300;
	s25 =	simm.s32 $0x2;
	s26 =	simm.s32 $0x17300;
	v12 =	vor.u32 $0x805, v0;
	v13 =	vor.u32 $0x6, v0;
	v14 =	vor.u32 $0x806, v0  }
0x9: {  	[smem:$0x7FF] =	sst s3;
	s2 =	sand.u32 $0x1, s2;
	s4 =	sshll.u32 s4, $0x1;
	v15 =	vor.u32 $0x7, v0;
	v16 =	vor.u32 $0x807, v0;
	v17 =	vor.u32 $0x8, v0  }
0xa: {  	s28 =	simm.s32 $0x0;
	_ =	strace $0x80000047;
	s5 =	sor.u32 s2, s4;
	v18 =	vor.u32 $0x808, v0;
	v19 =	vor.u32 $0x9, v0;
	v20 =	vor.u32 $0x809, v0  }
0xb: {  	s2 =	ssub.s32 $0x2, s2;
	s4 =	sadd.s32 $0x400, s0;
	s7 =	smul.u32 $0x580, s5;
	v21 =	vor.u32 $0xA, v0;
	v22 =	vor.u32 $0x80A, v0;
	v23 =	vor.u32 $0xB, v0  }
0xc: {  	s6 =	sshll.u32 s5, $0xB;
	s31 =	sshrl.u32 s2, $0x1;
	s5 =	sshll.u32 s5, $0x9;
	v24 =	vor.u32 $0x80B, v0;
	v25 =	vor.u32 $0xC, v0;
	v26 =	vor.u32 $0x80C, v0  }
0xd: {  	v27 =	vor.u32 $0xD, v0;
	v28 =	vor.u32 $0x80D, v0;
	v29 =	vor.u32 $0xE, v0;
	s0 =	sadd.s32 s6, s0;
	s2 =	ssub.s32 s2, s31;
	s6 =	sadd.s32 s4, s7  }
0xe: {  	v30 =	vor.u32 $0x80E, v0;
	v31 =	vor.u32 $0xF, v0;
	v32 =	vor.u32 $0x80F, v0;
	s7 =	sor.u32 $0x20, s5;
	s8 =	sadd.s32 $0xB600, s0;
	s9 =	smax.u32 s2, $0x1  }
.LBB2_1:
0xf: {  	[tilespmem:$0x16D80] =	vst v1  }
0x10: {  	[tilespmem:$0x16E00] =	vst v1  }
0x11: {  	[tilespmem:$0x16E80] =	vst v1  }
0x12: {  	[tilespmem:$0x16F00] =	vst v1  }
0x13: {  	[tilespmem:$0x16F80] =	vst v1  }
0x14: {  	[tilespmem:$0x17000] =	vst v1  }
0x15: {  	[tilespmem:$0x17080] =	vst v1  }
0x16: {  	[tilespmem:$0x17100] =	vst v1  }
0x17: {  	[tilespmem:$0x17180] =	vst v1  }
0x18: {  	[tilespmem:$0x17200] =	vst v1  }
0x19: {  	[tilespmem:$0x17280] =	vst v1  }
0x1a: {  	[tilespmem:s3], [sflag:$0x3] =	stream.linear.gather [hbm4b:s6+s3], $0x180, $0x38;
	[tilespmem:$0x1B300] =	vst v63  }
0x1b: {  	_ =	swait.ge [sflag:s10], $0x180  }
0x1c: {  	[sflag:s10] =	ssyncset.done $0x0  }
0x1d: {  	s0 =	simm.s32 $0x300;
	[sflag:s10] =	ssyncadd.s32 $0xFFFFFE80  }
0x1e: {  	[tilespmem:s0], [sflag:$0x1] =	stream.indirect.gather [hbm4b:s1+s11], $0x80, s3, s11, $0xb8;
	[tilespmem:$0x1B300] =	vst v63  }
0x1f: {  	s31 =	simm.s32 $0x4300  }
0x20: {  	[tilespmem:s31], [sflag:$0x1] =	stream.indirect.gather [hbm4b:s1+s11], $0x80, s11, s11, $0xb8;
	[tilespmem:$0x1B300] =	vst v63  }
0x21: {  	s29 =	simm.s32 $0x0  }
0x22: {  	[tilespmem:s16], [sflag:$0x1] =	stream.indirect.gather [hbm4b:s1+s14], $0x80, s15, s14, $0xb8;
	[tilespmem:$0x1B300] =	vst v63  }
.LBB2_2:
0x23: {  	s30 =	sshllo.u32 s29, $0x1  }
0x24: {  	s0 =	sshll.u32 s30, $0x4  }
0x25: {  	s0 =	sadd.s32 s5, s0  }
0x26: {  	s0 =	smul.u32 $0x16, s0;
	_ =	sdelay $0x1  }
0x27: {  	s0 =	sshrl.u32 s0, $0x3  }
0x28: {  	s31 =	simm.s32 $0x0;
	s0 =	sadd.s32 s4, s0  }
0x29: {  	[tilespmem:s17], [sflag:$0x3] =	stream.linear.gather [hbm4b:s0+s31], $0x180, $0x38;
	[tilespmem:$0x1B300] =	vst v63  }
0x2a: {  	_ =	swait.ge [sflag:s10], $0x180  }
0x2b: {  	[sflag:s10] =	ssyncset.done $0x0  }
0x2c: {  	[sflag:s10] =	ssyncadd.s32 $0xFFFFFE80  }
0x2d: {  	[tilespmem:s18], [sflag:$0x2] =	stream.indirect.gather [hbm4b:s1+s11], $0x80, s17, s11, $0xb8;
	[tilespmem:$0x1B300] =	vst v63  }
0x2e: {  	_ = 	snop  }
0x2f: {  	[tilespmem:s20], [sflag:$0x2] =	stream.indirect.gather [hbm4b:s1+s11], $0x80, s19, s11, $0xb8;
	[tilespmem:$0x1B300] =	vst v63  }
0x30: {  	_ = 	snop  }
0x31: {  	[tilespmem:s22], [sflag:$0x2] =	stream.indirect.gather [hbm4b:s1+s14], $0x80, s21, s14, $0xb8;
	[tilespmem:$0x1B300] =	vst v63  }
0x32: {  	_ =	swait.ge [sflag:s23], $0x4000  }
0x33: {  	[sflag:s23] =	ssyncset.done $0x0  }
0x34: {  	[sflag:s23] =	ssyncadd.s32 $0xFFFFC000  }
0x35: {  	_ =	swait.ge [sflag:s23], $0x4000  }
0x36: {  	[sflag:s23] =	ssyncset.done $0x0  }
0x37: {  	[sflag:s23] =	ssyncadd.s32 $0xFFFFC000  }
0x38: {  	s13 =	sshll.u32 s29, $0xA;
	_ =	swait.ge [sflag:s23], $0x3000  }
0x39: {  	s0 =	sand.u32 $0x3FFFFC00, s13;
	[sflag:s23] =	ssyncset.done $0x0  }
0x3a: {  	s2 =	simm.s32 $0x880;
	s0 =	sadd.s32 $0x17300, s0;
	[sflag:s23] =	ssyncadd.s32 $0xFFFFD000  }
.LBB2_3:
0x3b: {  	v36 =	vld [tilespmem:s2+$0xFFFFFA80]  }
0x3c: {  	v37 =	vld [tilespmem:s2+$0xFFFFFA90]  }
0x3d: {  	v35 =	vld [tilespmem:s2+$0xFFFFFB00]  }
0x3e: {  	v39 =	vld [tilespmem:s2+$0xFFFFFB10]  }
0x3f: {  	v38 =	vld [tilespmem:s2+$0xFFFFFAA0]  }
0x40: {  	v40 =	vld [tilespmem:s2+$0xFFFFFB20]  }
0x41: {  	v34 =	vld [tilespmem:s2+$0xFFFFFAB0]  }
0x42: {  	v41 =	vld [tilespmem:s2+$0xFFFFFB30]  }
0x43: {  	v33 =	vld [tilespmem:s2+$0xFFFFFAC0];
	v42 =	vmul.f32 v35, v36;
	v39 =	vmul.f32 v39, v37  }
0x44: {  	v43 =	vld [tilespmem:s2+$0xFFFFFB40]  }
0x45: {  	v44 =	vld [tilespmem:s2+$0xFFFFFB50];
	v40 =	vmul.f32 v40, v38;
	v42 =	vadd.f32 v39, v42  }
0x46: {  	v35 =	vld [tilespmem:s2+$0xFFFFFAD0]  }
0x47: {  	v45 =	vld [tilespmem:s2+$0xFFFFFB60];
	v41 =	vmul.f32 v41, v34;
	v42 =	vadd.f32 v40, v42  }
0x48: {  	v39 =	vld [tilespmem:s2+$0xFFFFFAE0]  }
0x49: {  	v56 =	vld [tilespmem:s2+$0xFFFFFB70];
	v55 =	vmul.f32 v43, v33;
	v41 =	vadd.f32 v41, v42  }
0x4a: {  	v40 =	vld [tilespmem:s2+$0xFFFFFAF0]  }
0x4b: {  	v57 =	vmul.f32 v44, v35;
	v41 =	vadd.f32 v55, v41;
	_ =	sdelay $0x1  }
0x4c: {  	v58 =	vmul.f32 v45, v39;
	v41 =	vadd.f32 v57, v41;
	_ =	sdelay $0x1  }
0x4d: {  	v59 =	vmul.f32 v56, v40;
	v41 =	vadd.f32 v58, v41;
	_ =	sdelay $0x1  }
0x4e: {  	v41 =	vadd.f32 v59, v41;
	_ =	sdelay $0x1  }
0x4f: {  	[tilespmem:$0x16300] =	vst v41  }
0x50: {  	v41 =	vld [tilespmem:s2+$0xFFFFFB80]  }
0x51: {  	v60 =	vld [tilespmem:s2+$0xFFFFFB90];
	_ =	sdelay $0x1  }
0x52: {  	v61 =	vld [tilespmem:s2+$0xFFFFFBA0];
	_ =	sdelay $0x1  }
0x53: {  	v62 =	vld [tilespmem:s2+$0xFFFFFBB0]  }
0x54: {  	v41 =	vmul.f32 v41, v36;
	v42 =	vmul.f32 v60, v37  }
0x55: {  	v63 =	vld [tilespmem:s2+$0xFFFFFBC0]  }
0x56: {  	v48 =	vmul.f32 v61, v38;
	v41 =	vadd.f32 v42, v41  }
0x57: {  	v49 =	vld [tilespmem:s2+$0xFFFFFBD0]  }
0x58: {  	v50 =	vmul.f32 v62, v34;
	v41 =	vadd.f32 v48, v41  }
0x59: {  	v51 =	vld [tilespmem:s2+$0xFFFFFBE0]  }
0x5a: {  	v52 =	vmul.f32 v63, v33;
	v41 =	vadd.f32 v50, v41  }
0x5b: {  	v53 =	vld [tilespmem:s2+$0xFFFFFBF0]  }
0x5c: {  	v54 =	vmul.f32 v49, v35;
	v41 =	vadd.f32 v52, v41;
	_ =	sdelay $0x1  }
0x5d: {  	v55 =	vmul.f32 v51, v39;
	v41 =	vadd.f32 v54, v41;
	_ =	sdelay $0x1  }
0x5e: {  	v56 =	vmul.f32 v53, v40;
	v41 =	vadd.f32 v55, v41;
	_ =	sdelay $0x1  }
0x5f: {  	v41 =	vadd.f32 v56, v41;
	_ =	sdelay $0x1  }
0x60: {  	[tilespmem:$0x16380] =	vst v41  }
0x61: {  	v41 =	vld [tilespmem:s2+$0xFFFFFC00]  }
0x62: {  	v57 =	vld [tilespmem:s2+$0xFFFFFC10];
	_ =	sdelay $0x1  }
0x63: {  	v58 =	vld [tilespmem:s2+$0xFFFFFC20];
	_ =	sdelay $0x1  }
0x64: {  	v59 =	vld [tilespmem:s2+$0xFFFFFC30]  }
0x65: {  	v41 =	vmul.f32 v41, v36;
	v42 =	vmul.f32 v57, v37  }
0x66: {  	v60 =	vld [tilespmem:s2+$0xFFFFFC40]  }
0x67: {  	v61 =	vmul.f32 v58, v38;
	v41 =	vadd.f32 v42, v41  }
0x68: {  	v62 =	vld [tilespmem:s2+$0xFFFFFC50]  }
0x69: {  	v63 =	vmul.f32 v59, v34;
	v41 =	vadd.f32 v61, v41  }
0x6a: {  	v48 =	vld [tilespmem:s2+$0xFFFFFC60]  }
0x6b: {  	v49 =	vmul.f32 v60, v33;
	v41 =	vadd.f32 v63, v41  }
0x6c: {  	v50 =	vld [tilespmem:s2+$0xFFFFFC70]  }
0x6d: {  	v51 =	vmul.f32 v62, v35;
	v41 =	vadd.f32 v49, v41;
	_ =	sdelay $0x1  }
0x6e: {  	v52 =	vmul.f32 v48, v39;
	v41 =	vadd.f32 v51, v41;
	_ =	sdelay $0x1  }
0x6f: {  	v53 =	vmul.f32 v50, v40;
	v41 =	vadd.f32 v52, v41;
	_ =	sdelay $0x1  }
0x70: {  	v41 =	vadd.f32 v53, v41;
	_ =	sdelay $0x1  }
0x71: {  	[tilespmem:$0x16400] =	vst v41  }
0x72: {  	v41 =	vld [tilespmem:s2+$0xFFFFFC80]  }
0x73: {  	v54 =	vld [tilespmem:s2+$0xFFFFFC90];
	_ =	sdelay $0x1  }
0x74: {  	v55 =	vld [tilespmem:s2+$0xFFFFFCA0];
	_ =	sdelay $0x1  }
0x75: {  	v56 =	vld [tilespmem:s2+$0xFFFFFCB0]  }
0x76: {  	v41 =	vmul.f32 v41, v36;
	v42 =	vmul.f32 v54, v37  }
0x77: {  	v57 =	vld [tilespmem:s2+$0xFFFFFCC0]  }
0x78: {  	v58 =	vmul.f32 v55, v38;
	v41 =	vadd.f32 v42, v41  }
0x79: {  	v59 =	vld [tilespmem:s2+$0xFFFFFCD0]  }
0x7a: {  	v60 =	vmul.f32 v56, v34;
	v41 =	vadd.f32 v58, v41  }
0x7b: {  	v61 =	vld [tilespmem:s2+$0xFFFFFCE0]  }
0x7c: {  	v62 =	vmul.f32 v57, v33;
	v41 =	vadd.f32 v60, v41  }
0x7d: {  	v63 =	vld [tilespmem:s2+$0xFFFFFCF0]  }
0x7e: {  	v47 =	vmul.f32 v59, v35;
	v41 =	vadd.f32 v62, v41;
	_ =	sdelay $0x1  }
0x7f: {  	v48 =	vmul.f32 v61, v39;
	v41 =	vadd.f32 v47, v41;
	_ =	sdelay $0x1  }
0x80: {  	v49 =	vmul.f32 v63, v40;
	v41 =	vadd.f32 v48, v41;
	_ =	sdelay $0x1  }
0x81: {  	v41 =	vadd.f32 v49, v41;
	_ =	sdelay $0x1  }
0x82: {  	[tilespmem:$0x16480] =	vst v41  }
0x83: {  	v41 =	vld [tilespmem:s2+$0xFFFFFD00]  }
0x84: {  	v50 =	vld [tilespmem:s2+$0xFFFFFD10];
	_ =	sdelay $0x1  }
0x85: {  	v51 =	vld [tilespmem:s2+$0xFFFFFD20];
	_ =	sdelay $0x1  }
0x86: {  	v52 =	vld [tilespmem:s2+$0xFFFFFD30]  }
0x87: {  	v41 =	vmul.f32 v41, v36;
	v42 =	vmul.f32 v50, v37  }
0x88: {  	v53 =	vld [tilespmem:s2+$0xFFFFFD40]  }
0x89: {  	v54 =	vmul.f32 v51, v38;
	v41 =	vadd.f32 v42, v41  }
0x8a: {  	v55 =	vld [tilespmem:s2+$0xFFFFFD50]  }
0x8b: {  	v56 =	vmul.f32 v52, v34;
	v41 =	vadd.f32 v54, v41  }
0x8c: {  	v57 =	vld [tilespmem:s2+$0xFFFFFD60]  }
0x8d: {  	v58 =	vmul.f32 v53, v33;
	v41 =	vadd.f32 v56, v41  }
0x8e: {  	v59 =	vld [tilespmem:s2+$0xFFFFFD70]  }
0x8f: {  	v60 =	vmul.f32 v55, v35;
	v41 =	vadd.f32 v58, v41;
	_ =	sdelay $0x1  }
0x90: {  	v61 =	vmul.f32 v57, v39;
	v41 =	vadd.f32 v60, v41;
	_ =	sdelay $0x1  }
0x91: {  	v62 =	vmul.f32 v59, v40;
	v41 =	vadd.f32 v61, v41;
	_ =	sdelay $0x1  }
0x92: {  	v41 =	vadd.f32 v62, v41;
	_ =	sdelay $0x1  }
0x93: {  	[tilespmem:$0x16500] =	vst v41  }
0x94: {  	v41 =	vld [tilespmem:s2+$0xFFFFFD80]  }
0x95: {  	v63 =	vld [tilespmem:s2+$0xFFFFFD90];
	_ =	sdelay $0x1  }
0x96: {  	v48 =	vld [tilespmem:s2+$0xFFFFFDA0];
	_ =	sdelay $0x1  }
0x97: {  	v49 =	vld [tilespmem:s2+$0xFFFFFDB0]  }
0x98: {  	v41 =	vmul.f32 v41, v36;
	v42 =	vmul.f32 v63, v37  }
0x99: {  	v50 =	vld [tilespmem:s2+$0xFFFFFDC0]  }
0x9a: {  	v51 =	vmul.f32 v48, v38;
	v41 =	vadd.f32 v42, v41  }
0x9b: {  	v52 =	vld [tilespmem:s2+$0xFFFFFDD0]  }
0x9c: {  	v53 =	vmul.f32 v49, v34;
	v41 =	vadd.f32 v51, v41  }
0x9d: {  	v54 =	vld [tilespmem:s2+$0xFFFFFDE0]  }
0x9e: {  	v55 =	vmul.f32 v50, v33;
	v41 =	vadd.f32 v53, v41  }
0x9f: {  	v56 =	vld [tilespmem:s2+$0xFFFFFDF0]  }
0xa0: {  	v57 =	vmul.f32 v52, v35;
	v41 =	vadd.f32 v55, v41;
	_ =	sdelay $0x1  }
0xa1: {  	v58 =	vmul.f32 v54, v39;
	v41 =	vadd.f32 v57, v41;
	_ =	sdelay $0x1  }
0xa2: {  	v59 =	vmul.f32 v56, v40;
	v41 =	vadd.f32 v58, v41;
	_ =	sdelay $0x1  }
0xa3: {  	v41 =	vadd.f32 v59, v41;
	_ =	sdelay $0x1  }
0xa4: {  	[tilespmem:$0x16580] =	vst v41  }
0xa5: {  	v41 =	vld [tilespmem:s2+$0xFFFFFE00]  }
0xa6: {  	v60 =	vld [tilespmem:s2+$0xFFFFFE10];
	_ =	sdelay $0x1  }
0xa7: {  	v61 =	vld [tilespmem:s2+$0xFFFFFE20];
	_ =	sdelay $0x1  }
0xa8: {  	v62 =	vld [tilespmem:s2+$0xFFFFFE30]  }
0xa9: {  	v41 =	vmul.f32 v41, v36;
	v42 =	vmul.f32 v60, v37  }
0xaa: {  	v63 =	vld [tilespmem:s2+$0xFFFFFE40]  }
0xab: {  	v48 =	vmul.f32 v61, v38;
	v41 =	vadd.f32 v42, v41  }
0xac: {  	v49 =	vld [tilespmem:s2+$0xFFFFFE50]  }
0xad: {  	v50 =	vmul.f32 v62, v34;
	v41 =	vadd.f32 v48, v41  }
0xae: {  	v51 =	vld [tilespmem:s2+$0xFFFFFE60]  }
0xaf: {  	v52 =	vmul.f32 v63, v33;
	v41 =	vadd.f32 v50, v41  }
0xb0: {  	v53 =	vld [tilespmem:s2+$0xFFFFFE70]  }
0xb1: {  	v54 =	vmul.f32 v49, v35;
	v41 =	vadd.f32 v52, v41;
	_ =	sdelay $0x1  }
0xb2: {  	v55 =	vmul.f32 v51, v39;
	v41 =	vadd.f32 v54, v41;
	_ =	sdelay $0x1  }
0xb3: {  	v56 =	vmul.f32 v53, v40;
	v41 =	vadd.f32 v55, v41;
	_ =	sdelay $0x1  }
0xb4: {  	v41 =	vadd.f32 v56, v41;
	_ =	sdelay $0x1  }
0xb5: {  	[tilespmem:$0x16600] =	vst v41  }
0xb6: {  	v41 =	vld [tilespmem:s2+$0xFFFFFE80]  }
0xb7: {  	v57 =	vld [tilespmem:s2+$0xFFFFFE90];
	_ =	sdelay $0x1  }
0xb8: {  	v58 =	vld [tilespmem:s2+$0xFFFFFEA0];
	_ =	sdelay $0x1  }
0xb9: {  	v59 =	vld [tilespmem:s2+$0xFFFFFEB0]  }
0xba: {  	v41 =	vmul.f32 v41, v36;
	v42 =	vmul.f32 v57, v37  }
0xbb: {  	v60 =	vld [tilespmem:s2+$0xFFFFFEC0]  }
0xbc: {  	v61 =	vmul.f32 v58, v38;
	v41 =	vadd.f32 v42, v41  }
0xbd: {  	v62 =	vld [tilespmem:s2+$0xFFFFFED0]  }
0xbe: {  	v63 =	vmul.f32 v59, v34;
	v41 =	vadd.f32 v61, v41  }
0xbf: {  	v48 =	vld [tilespmem:s2+$0xFFFFFEE0]  }
0xc0: {  	v49 =	vmul.f32 v60, v33;
	v41 =	vadd.f32 v63, v41  }
0xc1: {  	v50 =	vld [tilespmem:s2+$0xFFFFFEF0]  }
0xc2: {  	v51 =	vmul.f32 v62, v35;
	v41 =	vadd.f32 v49, v41;
	_ =	sdelay $0x1  }
0xc3: {  	v52 =	vmul.f32 v48, v39;
	v41 =	vadd.f32 v51, v41;
	_ =	sdelay $0x1  }
0xc4: {  	v53 =	vmul.f32 v50, v40;
	v41 =	vadd.f32 v52, v41;
	_ =	sdelay $0x1  }
0xc5: {  	v41 =	vadd.f32 v53, v41;
	_ =	sdelay $0x1  }
0xc6: {  	[tilespmem:$0x16680] =	vst v41  }
0xc7: {  	v41 =	vld [tilespmem:s2+$0xFFFFFF00]  }
0xc8: {  	v54 =	vld [tilespmem:s2+$0xFFFFFF10];
	_ =	sdelay $0x1  }
0xc9: {  	v55 =	vld [tilespmem:s2+$0xFFFFFF20];
	_ =	sdelay $0x1  }
0xca: {  	v56 =	vld [tilespmem:s2+$0xFFFFFF30]  }
0xcb: {  	v41 =	vmul.f32 v41, v36;
	v42 =	vmul.f32 v54, v37  }
0xcc: {  	v57 =	vld [tilespmem:s2+$0xFFFFFF40]  }
0xcd: {  	v58 =	vmul.f32 v55, v38;
	v41 =	vadd.f32 v42, v41  }
0xce: {  	v59 =	vld [tilespmem:s2+$0xFFFFFF50]  }
0xcf: {  	v60 =	vmul.f32 v56, v34;
	v41 =	vadd.f32 v58, v41  }
0xd0: {  	v61 =	vld [tilespmem:s2+$0xFFFFFF60]  }
0xd1: {  	v62 =	vmul.f32 v57, v33;
	v41 =	vadd.f32 v60, v41  }
0xd2: {  	v63 =	vld [tilespmem:s2+$0xFFFFFF70]  }
0xd3: {  	v47 =	vmul.f32 v59, v35;
	v41 =	vadd.f32 v62, v41;
	_ =	sdelay $0x1  }
0xd4: {  	v48 =	vmul.f32 v61, v39;
	v41 =	vadd.f32 v47, v41;
	_ =	sdelay $0x1  }
0xd5: {  	v49 =	vmul.f32 v63, v40;
	v41 =	vadd.f32 v48, v41;
	_ =	sdelay $0x1  }
0xd6: {  	v41 =	vadd.f32 v49, v41;
	_ =	sdelay $0x1  }
0xd7: {  	[tilespmem:$0x16700] =	vst v41  }
0xd8: {  	v41 =	vld [tilespmem:s2+$0xFFFFFF80]  }
0xd9: {  	v50 =	vld [tilespmem:s2+$0xFFFFFF90];
	_ =	sdelay $0x1  }
0xda: {  	v51 =	vld [tilespmem:s2+$0xFFFFFFA0];
	_ =	sdelay $0x1  }
0xdb: {  	v52 =	vld [tilespmem:s2+$0xFFFFFFB0]  }
0xdc: {  	v41 =	vmul.f32 v41, v36;
	v42 =	vmul.f32 v50, v37  }
0xdd: {  	v53 =	vld [tilespmem:s2+$0xFFFFFFC0]  }
0xde: {  	v54 =	vmul.f32 v51, v38;
	v41 =	vadd.f32 v42, v41  }
0xdf: {  	v55 =	vld [tilespmem:s2+$0xFFFFFFD0]  }
0xe0: {  	v56 =	vmul.f32 v52, v34;
	v41 =	vadd.f32 v54, v41  }
0xe1: {  	v57 =	vld [tilespmem:s2+$0xFFFFFFE0]  }
0xe2: {  	v58 =	vmul.f32 v53, v33;
	v41 =	vadd.f32 v56, v41  }
0xe3: {  	v59 =	vld [tilespmem:s2+$0xFFFFFFF0]  }
0xe4: {  	v60 =	vmul.f32 v55, v35;
	v41 =	vadd.f32 v58, v41;
	_ =	sdelay $0x1  }
0xe5: {  	v61 =	vmul.f32 v57, v39;
	v41 =	vadd.f32 v60, v41;
	_ =	sdelay $0x1  }
0xe6: {  	v62 =	vmul.f32 v59, v40;
	v41 =	vadd.f32 v61, v41;
	_ =	sdelay $0x1  }
0xe7: {  	v41 =	vadd.f32 v62, v41;
	_ =	sdelay $0x1  }
0xe8: {  	[tilespmem:$0x16780] =	vst v41  }
0xe9: {  	v41 =	vld [tilespmem:s2+$0x0]  }
0xea: {  	v63 =	vld [tilespmem:s2+$0x10];
	_ =	sdelay $0x1  }
0xeb: {  	v48 =	vld [tilespmem:s2+$0x20];
	_ =	sdelay $0x1  }
0xec: {  	v49 =	vld [tilespmem:s2+$0x30]  }
0xed: {  	v41 =	vmul.f32 v41, v36;
	v42 =	vmul.f32 v63, v37  }
0xee: {  	v50 =	vld [tilespmem:s2+$0x40]  }
0xef: {  	v51 =	vmul.f32 v48, v38;
	v41 =	vadd.f32 v42, v41  }
0xf0: {  	v52 =	vld [tilespmem:s2+$0x50]  }
0xf1: {  	v53 =	vmul.f32 v49, v34;
	v41 =	vadd.f32 v51, v41  }
0xf2: {  	v54 =	vld [tilespmem:s2+$0x60]  }
0xf3: {  	v55 =	vmul.f32 v50, v33;
	v41 =	vadd.f32 v53, v41  }
0xf4: {  	v56 =	vld [tilespmem:s2+$0x70]  }
0xf5: {  	v57 =	vmul.f32 v52, v35;
	v41 =	vadd.f32 v55, v41;
	_ =	sdelay $0x1  }
0xf6: {  	v58 =	vmul.f32 v54, v39;
	v41 =	vadd.f32 v57, v41;
	_ =	sdelay $0x1  }
0xf7: {  	v59 =	vmul.f32 v56, v40;
	v41 =	vadd.f32 v58, v41;
	_ =	sdelay $0x1  }
0xf8: {  	v41 =	vadd.f32 v59, v41;
	_ =	sdelay $0x1  }
0xf9: {  	[tilespmem:$0x16800] =	vst v41  }
0xfa: {  	v41 =	vld [tilespmem:s2+$0x80]  }
0xfb: {  	v60 =	vld [tilespmem:s2+$0x90];
	_ =	sdelay $0x1  }
0xfc: {  	v61 =	vld [tilespmem:s2+$0xA0];
	_ =	sdelay $0x1  }
0xfd: {  	v62 =	vld [tilespmem:s2+$0xB0]  }
0xfe: {  	v41 =	vmul.f32 v41, v36;
	v42 =	vmul.f32 v60, v37  }
0xff: {  	v63 =	vld [tilespmem:s2+$0xC0]  }
0x100: {  	v48 =	vmul.f32 v61, v38;
	v41 =	vadd.f32 v42, v41  }
0x101: {  	v49 =	vld [tilespmem:s2+$0xD0]  }
0x102: {  	v50 =	vmul.f32 v62, v34;
	v41 =	vadd.f32 v48, v41  }
0x103: {  	v51 =	vld [tilespmem:s2+$0xE0]  }
0x104: {  	v52 =	vmul.f32 v63, v33;
	v41 =	vadd.f32 v50, v41  }
0x105: {  	v53 =	vld [tilespmem:s2+$0xF0]  }
0x106: {  	v54 =	vmul.f32 v49, v35;
	v41 =	vadd.f32 v52, v41;
	_ =	sdelay $0x1  }
0x107: {  	v55 =	vmul.f32 v51, v39;
	v41 =	vadd.f32 v54, v41;
	_ =	sdelay $0x1  }
0x108: {  	v56 =	vmul.f32 v53, v40;
	v41 =	vadd.f32 v55, v41;
	_ =	sdelay $0x1  }
0x109: {  	v41 =	vadd.f32 v56, v41;
	_ =	sdelay $0x1  }
0x10a: {  	[tilespmem:$0x16880] =	vst v41  }
0x10b: {  	v41 =	vld [tilespmem:s2+$0x100]  }
0x10c: {  	v57 =	vld [tilespmem:s2+$0x110];
	_ =	sdelay $0x1  }
0x10d: {  	v58 =	vld [tilespmem:s2+$0x120];
	_ =	sdelay $0x1  }
0x10e: {  	v59 =	vld [tilespmem:s2+$0x130]  }
0x10f: {  	v41 =	vmul.f32 v41, v36;
	v42 =	vmul.f32 v57, v37  }
0x110: {  	v60 =	vld [tilespmem:s2+$0x140]  }
0x111: {  	v61 =	vmul.f32 v58, v38;
	v41 =	vadd.f32 v42, v41  }
0x112: {  	v62 =	vld [tilespmem:s2+$0x150]  }
0x113: {  	v63 =	vmul.f32 v59, v34;
	v41 =	vadd.f32 v61, v41  }
0x114: {  	v48 =	vld [tilespmem:s2+$0x160]  }
0x115: {  	v49 =	vmul.f32 v60, v33;
	v41 =	vadd.f32 v63, v41  }
0x116: {  	v50 =	vld [tilespmem:s2+$0x170]  }
0x117: {  	v51 =	vmul.f32 v62, v35;
	v41 =	vadd.f32 v49, v41;
	_ =	sdelay $0x1  }
0x118: {  	v52 =	vmul.f32 v48, v39;
	v41 =	vadd.f32 v51, v41;
	_ =	sdelay $0x1  }
0x119: {  	v53 =	vmul.f32 v50, v40;
	v41 =	vadd.f32 v52, v41;
	_ =	sdelay $0x1  }
0x11a: {  	v41 =	vadd.f32 v53, v41;
	_ =	sdelay $0x1  }
0x11b: {  	[tilespmem:$0x16900] =	vst v41  }
0x11c: {  	v41 =	vld [tilespmem:s2+$0x180]  }
0x11d: {  	v54 =	vld [tilespmem:s2+$0x190];
	_ =	sdelay $0x1  }
0x11e: {  	v55 =	vld [tilespmem:s2+$0x1A0];
	_ =	sdelay $0x1  }
0x11f: {  	v56 =	vld [tilespmem:s2+$0x1B0]  }
0x120: {  	v41 =	vmul.f32 v41, v36;
	v42 =	vmul.f32 v54, v37  }
0x121: {  	v57 =	vld [tilespmem:s2+$0x1C0]  }
0x122: {  	v58 =	vmul.f32 v55, v38;
	v41 =	vadd.f32 v42, v41  }
0x123: {  	v59 =	vld [tilespmem:s2+$0x1D0]  }
0x124: {  	v60 =	vmul.f32 v56, v34;
	v41 =	vadd.f32 v58, v41  }
0x125: {  	v61 =	vld [tilespmem:s2+$0x1E0]  }
0x126: {  	v62 =	vmul.f32 v57, v33;
	v41 =	vadd.f32 v60, v41  }
0x127: {  	v63 =	vld [tilespmem:s2+$0x1F0]  }
0x128: {  	v47 =	vmul.f32 v59, v35;
	v41 =	vadd.f32 v62, v41;
	_ =	sdelay $0x1  }
0x129: {  	v48 =	vmul.f32 v61, v39;
	v41 =	vadd.f32 v47, v41;
	_ =	sdelay $0x1  }
0x12a: {  	v49 =	vmul.f32 v63, v40;
	v41 =	vadd.f32 v48, v41;
	_ =	sdelay $0x1  }
0x12b: {  	v41 =	vadd.f32 v49, v41;
	_ =	sdelay $0x1  }
0x12c: {  	[tilespmem:$0x16980] =	vst v41  }
0x12d: {  	v41 =	vld [tilespmem:s2+$0x200]  }
0x12e: {  	v50 =	vld [tilespmem:s2+$0x210];
	_ =	sdelay $0x1  }
0x12f: {  	v51 =	vld [tilespmem:s2+$0x220];
	_ =	sdelay $0x1  }
0x130: {  	v52 =	vld [tilespmem:s2+$0x230]  }
0x131: {  	v41 =	vmul.f32 v41, v36;
	v42 =	vmul.f32 v50, v37  }
0x132: {  	v53 =	vld [tilespmem:s2+$0x240]  }
0x133: {  	v54 =	vmul.f32 v51, v38;
	v41 =	vadd.f32 v42, v41  }
0x134: {  	v55 =	vld [tilespmem:s2+$0x250]  }
0x135: {  	v56 =	vmul.f32 v52, v34;
	v41 =	vadd.f32 v54, v41  }
0x136: {  	v57 =	vld [tilespmem:s2+$0x260]  }
0x137: {  	v58 =	vmul.f32 v53, v33;
	v41 =	vadd.f32 v56, v41  }
0x138: {  	v59 =	vld [tilespmem:s2+$0x270]  }
0x139: {  	v60 =	vmul.f32 v55, v35;
	v41 =	vadd.f32 v58, v41;
	_ =	sdelay $0x1  }
0x13a: {  	v61 =	vmul.f32 v57, v39;
	v41 =	vadd.f32 v60, v41;
	_ =	sdelay $0x1  }
0x13b: {  	v62 =	vmul.f32 v59, v40;
	v41 =	vadd.f32 v61, v41;
	_ =	sdelay $0x1  }
0x13c: {  	v41 =	vadd.f32 v62, v41;
	_ =	sdelay $0x1  }
0x13d: {  	[tilespmem:$0x16A00] =	vst v41  }
0x13e: {  	v41 =	vld [tilespmem:s2+$0x280]  }
0x13f: {  	v63 =	vld [tilespmem:s2+$0x290];
	_ =	sdelay $0x1  }
0x140: {  	v48 =	vld [tilespmem:s2+$0x2A0];
	_ =	sdelay $0x1  }
0x141: {  	v49 =	vld [tilespmem:s2+$0x2B0]  }
0x142: {  	v41 =	vmul.f32 v41, v36;
	v42 =	vmul.f32 v63, v37  }
0x143: {  	v50 =	vld [tilespmem:s2+$0x2C0]  }
0x144: {  	v51 =	vmul.f32 v48, v38;
	v41 =	vadd.f32 v42, v41  }
0x145: {  	v52 =	vld [tilespmem:s2+$0x2D0]  }
0x146: {  	v53 =	vmul.f32 v49, v34;
	v41 =	vadd.f32 v51, v41  }
0x147: {  	v54 =	vld [tilespmem:s2+$0x2E0]  }
0x148: {  	v55 =	vmul.f32 v50, v33;
	v41 =	vadd.f32 v53, v41  }
0x149: {  	v56 =	vld [tilespmem:s2+$0x2F0]  }
0x14a: {  	v57 =	vmul.f32 v52, v35;
	v41 =	vadd.f32 v55, v41;
	_ =	sdelay $0x1  }
0x14b: {  	v58 =	vmul.f32 v54, v39;
	v41 =	vadd.f32 v57, v41;
	_ =	sdelay $0x1  }
0x14c: {  	v59 =	vmul.f32 v56, v40;
	v41 =	vadd.f32 v58, v41;
	_ =	sdelay $0x1  }
0x14d: {  	v41 =	vadd.f32 v59, v41;
	_ =	sdelay $0x1  }
0x14e: {  	[tilespmem:$0x16A80] =	vst v41  }
0x14f: {  	v41 =	vld [tilespmem:s2+$0x300]  }
0x150: {  	v60 =	vld [tilespmem:s2+$0x310];
	_ =	sdelay $0x1  }
0x151: {  	v61 =	vld [tilespmem:s2+$0x320];
	_ =	sdelay $0x1  }
0x152: {  	v62 =	vld [tilespmem:s2+$0x330]  }
0x153: {  	v41 =	vmul.f32 v41, v36;
	v42 =	vmul.f32 v60, v37  }
0x154: {  	v63 =	vld [tilespmem:s2+$0x340]  }
0x155: {  	v47 =	vmul.f32 v61, v38;
	v41 =	vadd.f32 v42, v41  }
0x156: {  	v48 =	vld [tilespmem:s2+$0x350]  }
0x157: {  	v49 =	vmul.f32 v62, v34;
	v41 =	vadd.f32 v47, v41  }
0x158: {  	v50 =	vld [tilespmem:s2+$0x360]  }
0x159: {  	v51 =	vmul.f32 v63, v33;
	v41 =	vadd.f32 v49, v41  }
0x15a: {  	v52 =	vld [tilespmem:s2+$0x370]  }
0x15b: {  	v53 =	vmul.f32 v48, v35;
	v41 =	vadd.f32 v51, v41;
	_ =	sdelay $0x1  }
0x15c: {  	v54 =	vmul.f32 v50, v39;
	v41 =	vadd.f32 v53, v41;
	_ =	sdelay $0x1  }
0x15d: {  	v55 =	vmul.f32 v52, v40;
	v41 =	vadd.f32 v54, v41;
	_ =	sdelay $0x1  }
0x15e: {  	v41 =	vadd.f32 v55, v41;
	_ =	sdelay $0x1  }
0x15f: {  	[tilespmem:$0x16B00] =	vst v41  }
0x160: {  	v41 =	vld [tilespmem:s2+$0x380]  }
0x161: {  	v56 =	vld [tilespmem:s2+$0x390];
	_ =	sdelay $0x1  }
0x162: {  	v57 =	vld [tilespmem:s2+$0x3A0];
	_ =	sdelay $0x1  }
0x163: {  	v58 =	vld [tilespmem:s2+$0x3B0]  }
0x164: {  	v41 =	vmul.f32 v41, v36;
	v42 =	vmul.f32 v56, v37  }
0x165: {  	v59 =	vld [tilespmem:s2+$0x3C0]  }
0x166: {  	v60 =	vmul.f32 v57, v38;
	v41 =	vadd.f32 v42, v41  }
0x167: {  	v61 =	vld [tilespmem:s2+$0x3D0]  }
0x168: {  	v62 =	vmul.f32 v58, v34;
	v41 =	vadd.f32 v60, v41  }
0x169: {  	v63 =	vld [tilespmem:s2+$0x3E0]  }
0x16a: {  	v48 =	vmul.f32 v59, v33;
	v41 =	vadd.f32 v62, v41  }
0x16b: {  	v49 =	vld [tilespmem:s2+$0x3F0]  }
0x16c: {  	v50 =	vmul.f32 v61, v35;
	v41 =	vadd.f32 v48, v41;
	_ =	sdelay $0x1  }
0x16d: {  	v51 =	vmul.f32 v63, v39;
	v41 =	vadd.f32 v50, v41;
	_ =	sdelay $0x1  }
0x16e: {  	v52 =	vmul.f32 v49, v40;
	v41 =	vadd.f32 v51, v41;
	_ =	sdelay $0x1  }
0x16f: {  	v41 =	vadd.f32 v52, v41;
	_ =	sdelay $0x1  }
0x170: {  	[tilespmem:$0x16B80] =	vst v41  }
0x171: {  	v41 =	vld [tilespmem:s2+$0x400]  }
0x172: {  	v53 =	vld [tilespmem:s2+$0x410];
	_ =	sdelay $0x1  }
0x173: {  	v54 =	vld [tilespmem:s2+$0x420];
	_ =	sdelay $0x1  }
0x174: {  	v55 =	vld [tilespmem:s2+$0x430]  }
0x175: {  	v41 =	vmul.f32 v41, v36;
	v42 =	vmul.f32 v53, v37  }
0x176: {  	v56 =	vld [tilespmem:s2+$0x440]  }
0x177: {  	v57 =	vmul.f32 v54, v38;
	v41 =	vadd.f32 v42, v41  }
0x178: {  	v58 =	vld [tilespmem:s2+$0x450]  }
0x179: {  	v59 =	vmul.f32 v55, v34;
	v41 =	vadd.f32 v57, v41  }
0x17a: {  	v60 =	vld [tilespmem:s2+$0x460]  }
0x17b: {  	v61 =	vmul.f32 v56, v33;
	v41 =	vadd.f32 v59, v41  }
0x17c: {  	v62 =	vld [tilespmem:s2+$0x470]  }
0x17d: {  	v63 =	vmul.f32 v58, v35;
	v41 =	vadd.f32 v61, v41;
	_ =	sdelay $0x1  }
0x17e: {  	v46 =	vmul.f32 v60, v39;
	v41 =	vadd.f32 v63, v41;
	_ =	sdelay $0x1  }
0x17f: {  	v47 =	vmul.f32 v62, v40;
	v41 =	vadd.f32 v46, v41;
	_ =	sdelay $0x1  }
0x180: {  	v41 =	vadd.f32 v47, v41;
	_ =	sdelay $0x1  }
0x181: {  	[tilespmem:$0x16C00] =	vst v41  }
0x182: {  	v41 =	vld [tilespmem:s2+$0x480]  }
0x183: {  	v48 =	vld [tilespmem:s2+$0x490];
	_ =	sdelay $0x1  }
0x184: {  	v49 =	vld [tilespmem:s2+$0x4A0];
	_ =	sdelay $0x1  }
0x185: {  	v50 =	vld [tilespmem:s2+$0x4B0]  }
0x186: {  	v41 =	vmul.f32 v41, v36;
	v42 =	vmul.f32 v48, v37  }
0x187: {  	v51 =	vld [tilespmem:s2+$0x4C0]  }
0x188: {  	v52 =	vmul.f32 v49, v38;
	v41 =	vadd.f32 v42, v41  }
0x189: {  	v53 =	vld [tilespmem:s2+$0x4D0]  }
0x18a: {  	v54 =	vmul.f32 v50, v34;
	v41 =	vadd.f32 v52, v41  }
0x18b: {  	v55 =	vld [tilespmem:s2+$0x4E0]  }
0x18c: {  	v56 =	vmul.f32 v51, v33;
	v41 =	vadd.f32 v54, v41  }
0x18d: {  	v57 =	vld [tilespmem:s2+$0x4F0]  }
0x18e: {  	v58 =	vmul.f32 v53, v35;
	v41 =	vadd.f32 v56, v41;
	_ =	sdelay $0x1  }
0x18f: {  	v59 =	vmul.f32 v55, v39;
	v41 =	vadd.f32 v58, v41;
	_ =	sdelay $0x1  }
0x190: {  	v60 =	vmul.f32 v57, v40;
	v41 =	vadd.f32 v59, v41;
	_ =	sdelay $0x1  }
0x191: {  	v41 =	vadd.f32 v60, v41;
	_ =	sdelay $0x1  }
0x192: {  	[tilespmem:$0x16C80] =	vst v41  }
0x193: {  	v41 =	vld [tilespmem:s2+$0x500]  }
0x194: {  	v61 =	vld [tilespmem:s2+$0x510];
	_ =	sdelay $0x1  }
0x195: {  	v62 =	vld [tilespmem:s2+$0x520];
	_ =	sdelay $0x1  }
0x196: {  	v63 =	vld [tilespmem:s2+$0x530]  }
0x197: {  	v36 =	vmul.f32 v41, v36;
	v37 =	vmul.f32 v61, v37  }
0x198: {  	v47 =	vld [tilespmem:s2+$0x540]  }
0x199: {  	v48 =	vmul.f32 v62, v38;
	v36 =	vadd.f32 v37, v36  }
0x19a: {  	v49 =	vld [tilespmem:s2+$0x550]  }
0x19b: {  	v34 =	vmul.f32 v63, v34;
	v36 =	vadd.f32 v48, v36  }
0x19c: {  	v50 =	vld [tilespmem:s2+$0x560]  }
0x19d: {  	v33 =	vmul.f32 v47, v33;
	v34 =	vadd.f32 v34, v36  }
0x19e: {  	v51 =	vld [tilespmem:s2+$0x570]  }
0x19f: {  	v52 =	vmul.f32 v49, v35;
	v33 =	vadd.f32 v33, v34;
	_ =	sdelay $0x1  }
0x1a0: {  	v53 =	vmul.f32 v50, v39;
	v33 =	vadd.f32 v52, v33;
	_ =	sdelay $0x1  }
0x1a1: {  	v54 =	vmul.f32 v51, v40;
	v33 =	vadd.f32 v53, v33;
	_ =	sdelay $0x1  }
0x1a2: {  	v33 =	vadd.f32 v54, v33;
	_ =	sdelay $0x1  }
0x1a3: {  	[tilespmem:$0x16D00] =	vst v33  }
0x1a4: {  	v33 =	vld.idx.msk [tilespmem:v0+s24+$0x0], $0xffff  }
0x1a5: {  	v55 =	vld.idx.msk [tilespmem:v2+s24+$0x0], $0xffff  }
0x1a6: {  	v56 =	vld.idx.msk [tilespmem:v3+s24+$0x0], $0xffff  }
0x1a7: {  	v57 =	vld.idx.msk [tilespmem:v4+s24+$0x0], $0xffff  }
0x1a8: {  	v58 =	vld.idx.msk [tilespmem:v5+s24+$0x0], $0xffff  }
0x1a9: {  	v59 =	vld.idx.msk [tilespmem:v6+s24+$0x0], $0xffff  }
0x1aa: {  	v60 =	vld.idx.msk [tilespmem:v7+s24+$0x0], $0xffff  }
0x1ab: {  	v61 =	vld.idx.msk [tilespmem:v8+s24+$0x0], $0xffff;
	v33 =	vadd.f32 v56, v33  }
0x1ac: {  	v62 =	vld.idx.msk [tilespmem:v9+s24+$0x0], $0xffff;
	v34 =	vadd.f32 v57, v55  }
0x1ad: {  	v63 =	vld.idx.msk [tilespmem:v10+s24+$0x0], $0xffff;
	v33 =	vadd.f32 v58, v33  }
0x1ae: {  	v42 =	vld.idx.msk [tilespmem:v11+s24+$0x0], $0xffff;
	v34 =	vadd.f32 v59, v34  }
0x1af: {  	v43 =	vld.idx.msk [tilespmem:v12+s24+$0x0], $0xffff;
	v33 =	vadd.f32 v60, v33  }
0x1b0: {  	v44 =	vld.idx.msk [tilespmem:v13+s24+$0x0], $0xffff;
	v34 =	vadd.f32 v61, v34  }
0x1b1: {  	v45 =	vld.idx.msk [tilespmem:v14+s24+$0x0], $0xffff;
	v33 =	vadd.f32 v62, v33  }
0x1b2: {  	v46 =	vld.idx.msk [tilespmem:v15+s24+$0x0], $0xffff;
	v34 =	vadd.f32 v63, v34  }
0x1b3: {  	v47 =	vld.idx.msk [tilespmem:v16+s24+$0x0], $0xffff;
	v33 =	vadd.f32 v42, v33  }
0x1b4: {  	v48 =	vld.idx.msk [tilespmem:v17+s24+$0x0], $0xffff;
	v34 =	vadd.f32 v43, v34  }
0x1b5: {  	v49 =	vld.idx.msk [tilespmem:v18+s24+$0x0], $0xffff;
	v33 =	vadd.f32 v44, v33  }
0x1b6: {  	v50 =	vld.idx.msk [tilespmem:v19+s24+$0x0], $0xffff;
	v34 =	vadd.f32 v45, v34  }
0x1b7: {  	v51 =	vld.idx.msk [tilespmem:v20+s24+$0x0], $0xffff;
	v33 =	vadd.f32 v46, v33  }
0x1b8: {  	v52 =	vld.idx.msk [tilespmem:v21+s24+$0x0], $0xffff;
	v34 =	vadd.f32 v47, v34  }
0x1b9: {  	v53 =	vld.idx.msk [tilespmem:v22+s24+$0x0], $0xffff;
	v33 =	vadd.f32 v48, v33  }
0x1ba: {  	v54 =	vld.idx.msk [tilespmem:v23+s24+$0x0], $0xffff;
	v34 =	vadd.f32 v49, v34  }
0x1bb: {  	v55 =	vld.idx.msk [tilespmem:v24+s24+$0x0], $0xffff;
	v33 =	vadd.f32 v50, v33  }
0x1bc: {  	v56 =	vld.idx.msk [tilespmem:v25+s24+$0x0], $0xffff;
	v34 =	vadd.f32 v51, v34  }
0x1bd: {  	v57 =	vld.idx.msk [tilespmem:v26+s24+$0x0], $0xffff;
	v33 =	vadd.f32 v52, v33  }
0x1be: {  	v58 =	vld.idx.msk [tilespmem:v27+s24+$0x0], $0xffff;
	v34 =	vadd.f32 v53, v34  }
0x1bf: {  	v59 =	vld.idx.msk [tilespmem:v28+s24+$0x0], $0xffff;
	v33 =	vadd.f32 v54, v33  }
0x1c0: {  	v60 =	vld.idx.msk [tilespmem:v29+s24+$0x0], $0xffff;
	v34 =	vadd.f32 v55, v34  }
0x1c1: {  	v61 =	vld.idx.msk [tilespmem:v30+s24+$0x0], $0xffff;
	v33 =	vadd.f32 v56, v33  }
0x1c2: {  	v62 =	vld.idx.msk [tilespmem:v31+s24+$0x0], $0xffff;
	v34 =	vadd.f32 v57, v34  }
0x1c3: {  	v63 =	vld.idx.msk [tilespmem:v32+s24+$0x0], $0xffff;
	v33 =	vadd.f32 v58, v33  }
0x1c4: {  	v34 =	vadd.f32 v59, v34  }
0x1c5: {  	p0 =	sne.s32 s31, $0x1E0;
	v33 =	vadd.f32 v60, v33  }
.Ltmp0:
0x1c6: {  	s12 =	sand.u32 $0x180, s31;
	v34 =	vadd.f32 v61, v34;
	(pc) =	sbr.rel @p0 .LBB2_3-.Ltmp0, $4  }
0x1c7: {  	s13 =	sand.u32 $0x60, s31;
	s12 =	sadd.s32 s12, s0;
	v33 =	vadd.f32 v62, v33  }
0x1c8: {  	s12 =	sadd.s32 s13, s12;
	v34 =	vadd.f32 v63, v34  }
0x1c9: {  	[tilespmem:s12+$0x0] =	vst v33  }
0x1ca: {  	s31 =	sadd.s32 $0x20, s31;
	s2 =	sadd.s32 $0xB00, s2;
	[tilespmem:s12+$0x10] =	vst v34  }
0x1cb: {  	p0 =	seq.s32 s29, $0xF  }
0x1cc: {  	s0 =	sshll.u32 @!p0 s29, $0x5  }
0x1cd: {  	s0 =	sadd.s32 @!p0 s0, s7  }
0x1ce: {  	s0 =	smul.u32 @!p0 $0x16, s0;
	_ =	sdelay $0x1  }
0x1cf: {  	s0 =	sshrl.u32 @!p0 s0, $0x3  }
0x1d0: {  	s2 =	simm.s32 @!p0 $0x0;
	s0 =	sadd.s32 @!p0 s4, s0  }
0x1d1: {  	[tilespmem:s2], [sflag:$0x3] =	stream.linear.gather @!p0 [hbm4b:s0+s2], $0x180, $0x38;
	[tilespmem:$0x1B300] =	vst v63  }
0x1d2: {  	s0 =	simm.s32 @!p0 $0x3  }
0x1d3: {  	_ =	swait.ge @!p0 [sflag:s0], $0x180  }
0x1d4: {  	[sflag:s0] =	ssyncset.done @!p0 $0x0  }
0x1d5: {  	s12 =	simm.s32 @!p0 $0x300;
	[sflag:s0] =	ssyncadd.s32 @!p0 $0xFFFFFE80;
	s0 =	simm.s32 @!p0 $0x80  }
0x1d6: {  	[tilespmem:s12], [sflag:$0x1] =	stream.indirect.gather @!p0 [hbm4b:s1+s0], $0x80, s2, s0, $0xb8;
	[tilespmem:$0x1B300] =	vst v63  }
0x1d7: {  	s2 =	simm.s32 @!p0 $0x4300  }
0x1d8: {  	[tilespmem:s2], [sflag:$0x1] =	stream.indirect.gather @!p0 [hbm4b:s1+s0], $0x80, s0, s0, $0xb8;
	[tilespmem:$0x1B300] =	vst v63  }
0x1d9: {  	s12 =	simm.s32 @!p0 $0x8300;
	s0 =	simm.s32 @!p0 $0x60;
	s2 =	simm.s32 @!p0 $0x100  }
0x1da: {  	[tilespmem:s12], [sflag:$0x1] =	stream.indirect.gather @!p0 [hbm4b:s1+s0], $0x80, s2, s0, $0xb8;
	[tilespmem:$0x1B300] =	vst v63  }
0x1db: {  	_ =	swait.ge [sflag:s25], $0x4000  }
0x1dc: {  	[sflag:s25] =	ssyncset.done $0x0  }
0x1dd: {  	[sflag:s25] =	ssyncadd.s32 $0xFFFFC000  }
0x1de: {  	_ =	swait.ge [sflag:s25], $0x4000  }
0x1df: {  	[sflag:s25] =	ssyncset.done $0x0  }
0x1e0: {  	[sflag:s25] =	ssyncadd.s32 $0xFFFFC000  }
0x1e1: {  	s13 =	sshll.u32 s30, $0x9;
	_ =	swait.ge [sflag:s25], $0x3000  }
0x1e2: {  	s31 =	simm.s32 $0x0;
	s0 =	sand.u32 $0x3FFFFE00, s13;
	[sflag:s25] =	ssyncset.done $0x0  }
0x1e3: {  	s30 =	sadd.s32 $0x17300, s0;
	s0 =	simm.s32 $0x0;
	[sflag:s25] =	ssyncadd.s32 $0xFFFFD000  }
.LBB2_5:
0x1e4: {  	s2 =	sshra.s32 s0, $0x2  }
0x1e5: {  	v36 =	vld [tilespmem:s2+$0xB300]  }
0x1e6: {  	v37 =	vld [tilespmem:s2+$0xB310]  }
0x1e7: {  	v35 =	vld [tilespmem:s2+$0xB380]  }
0x1e8: {  	v39 =	vld [tilespmem:s2+$0xB390]  }
0x1e9: {  	v38 =	vld [tilespmem:s2+$0xB320]  }
0x1ea: {  	v40 =	vld [tilespmem:s2+$0xB3A0]  }
0x1eb: {  	v34 =	vld [tilespmem:s2+$0xB330]  }
0x1ec: {  	v41 =	vld [tilespmem:s2+$0xB3B0]  }
0x1ed: {  	v33 =	vld [tilespmem:s2+$0xB340];
	v42 =	vmul.f32 v35, v36;
	v39 =	vmul.f32 v39, v37  }
0x1ee: {  	v43 =	vld [tilespmem:s2+$0xB3C0]  }
0x1ef: {  	v44 =	vld [tilespmem:s2+$0xB3D0];
	v40 =	vmul.f32 v40, v38;
	v42 =	vadd.f32 v39, v42  }
0x1f0: {  	v35 =	vld [tilespmem:s2+$0xB350]  }
0x1f1: {  	v45 =	vld [tilespmem:s2+$0xB3E0];
	v41 =	vmul.f32 v41, v34;
	v42 =	vadd.f32 v40, v42  }
0x1f2: {  	v39 =	vld [tilespmem:s2+$0xB360]  }
0x1f3: {  	v56 =	vld [tilespmem:s2+$0xB3F0];
	v55 =	vmul.f32 v43, v33;
	v41 =	vadd.f32 v41, v42  }
0x1f4: {  	v40 =	vld [tilespmem:s2+$0xB370]  }
0x1f5: {  	v57 =	vmul.f32 v44, v35;
	v41 =	vadd.f32 v55, v41;
	_ =	sdelay $0x1  }
0x1f6: {  	v58 =	vmul.f32 v45, v39;
	v41 =	vadd.f32 v57, v41;
	_ =	sdelay $0x1  }
0x1f7: {  	v59 =	vmul.f32 v56, v40;
	v41 =	vadd.f32 v58, v41;
	_ =	sdelay $0x1  }
0x1f8: {  	v41 =	vadd.f32 v59, v41;
	_ =	sdelay $0x1  }
0x1f9: {  	[tilespmem:$0x16300] =	vst v41  }
0x1fa: {  	v41 =	vld [tilespmem:s2+$0xB400]  }
0x1fb: {  	v60 =	vld [tilespmem:s2+$0xB410];
	_ =	sdelay $0x1  }
0x1fc: {  	v61 =	vld [tilespmem:s2+$0xB420];
	_ =	sdelay $0x1  }
0x1fd: {  	v62 =	vld [tilespmem:s2+$0xB430]  }
0x1fe: {  	v41 =	vmul.f32 v41, v36;
	v42 =	vmul.f32 v60, v37  }
0x1ff: {  	v63 =	vld [tilespmem:s2+$0xB440]  }
0x200: {  	v48 =	vmul.f32 v61, v38;
	v41 =	vadd.f32 v42, v41  }
0x201: {  	v49 =	vld [tilespmem:s2+$0xB450]  }
0x202: {  	v50 =	vmul.f32 v62, v34;
	v41 =	vadd.f32 v48, v41  }
0x203: {  	v51 =	vld [tilespmem:s2+$0xB460]  }
0x204: {  	v52 =	vmul.f32 v63, v33;
	v41 =	vadd.f32 v50, v41  }
0x205: {  	v53 =	vld [tilespmem:s2+$0xB470]  }
0x206: {  	v54 =	vmul.f32 v49, v35;
	v41 =	vadd.f32 v52, v41;
	_ =	sdelay $0x1  }
0x207: {  	v55 =	vmul.f32 v51, v39;
	v41 =	vadd.f32 v54, v41;
	_ =	sdelay $0x1  }
0x208: {  	v56 =	vmul.f32 v53, v40;
	v41 =	vadd.f32 v55, v41;
	_ =	sdelay $0x1  }
0x209: {  	v41 =	vadd.f32 v56, v41;
	_ =	sdelay $0x1  }
0x20a: {  	[tilespmem:$0x16380] =	vst v41  }
0x20b: {  	v41 =	vld [tilespmem:s2+$0xB480]  }
0x20c: {  	v57 =	vld [tilespmem:s2+$0xB490];
	_ =	sdelay $0x1  }
0x20d: {  	v58 =	vld [tilespmem:s2+$0xB4A0];
	_ =	sdelay $0x1  }
0x20e: {  	v59 =	vld [tilespmem:s2+$0xB4B0]  }
0x20f: {  	v41 =	vmul.f32 v41, v36;
	v42 =	vmul.f32 v57, v37  }
0x210: {  	v60 =	vld [tilespmem:s2+$0xB4C0]  }
0x211: {  	v61 =	vmul.f32 v58, v38;
	v41 =	vadd.f32 v42, v41  }
0x212: {  	v62 =	vld [tilespmem:s2+$0xB4D0]  }
0x213: {  	v63 =	vmul.f32 v59, v34;
	v41 =	vadd.f32 v61, v41  }
0x214: {  	v48 =	vld [tilespmem:s2+$0xB4E0]  }
0x215: {  	v49 =	vmul.f32 v60, v33;
	v41 =	vadd.f32 v63, v41  }
0x216: {  	v50 =	vld [tilespmem:s2+$0xB4F0]  }
0x217: {  	v51 =	vmul.f32 v62, v35;
	v41 =	vadd.f32 v49, v41;
	_ =	sdelay $0x1  }
0x218: {  	v52 =	vmul.f32 v48, v39;
	v41 =	vadd.f32 v51, v41;
	_ =	sdelay $0x1  }
0x219: {  	v53 =	vmul.f32 v50, v40;
	v41 =	vadd.f32 v52, v41;
	_ =	sdelay $0x1  }
0x21a: {  	v41 =	vadd.f32 v53, v41;
	_ =	sdelay $0x1  }
0x21b: {  	[tilespmem:$0x16400] =	vst v41  }
0x21c: {  	v41 =	vld [tilespmem:s2+$0xB500]  }
0x21d: {  	v54 =	vld [tilespmem:s2+$0xB510];
	_ =	sdelay $0x1  }
0x21e: {  	v55 =	vld [tilespmem:s2+$0xB520];
	_ =	sdelay $0x1  }
0x21f: {  	v56 =	vld [tilespmem:s2+$0xB530]  }
0x220: {  	v41 =	vmul.f32 v41, v36;
	v42 =	vmul.f32 v54, v37  }
0x221: {  	v57 =	vld [tilespmem:s2+$0xB540]  }
0x222: {  	v58 =	vmul.f32 v55, v38;
	v41 =	vadd.f32 v42, v41  }
0x223: {  	v59 =	vld [tilespmem:s2+$0xB550]  }
0x224: {  	v60 =	vmul.f32 v56, v34;
	v41 =	vadd.f32 v58, v41  }
0x225: {  	v61 =	vld [tilespmem:s2+$0xB560]  }
0x226: {  	v62 =	vmul.f32 v57, v33;
	v41 =	vadd.f32 v60, v41  }
0x227: {  	v63 =	vld [tilespmem:s2+$0xB570]  }
0x228: {  	v47 =	vmul.f32 v59, v35;
	v41 =	vadd.f32 v62, v41;
	_ =	sdelay $0x1  }
0x229: {  	v48 =	vmul.f32 v61, v39;
	v41 =	vadd.f32 v47, v41;
	_ =	sdelay $0x1  }
0x22a: {  	v49 =	vmul.f32 v63, v40;
	v41 =	vadd.f32 v48, v41;
	_ =	sdelay $0x1  }
0x22b: {  	v41 =	vadd.f32 v49, v41;
	_ =	sdelay $0x1  }
0x22c: {  	[tilespmem:$0x16480] =	vst v41  }
0x22d: {  	v41 =	vld [tilespmem:s2+$0xB580]  }
0x22e: {  	v50 =	vld [tilespmem:s2+$0xB590];
	_ =	sdelay $0x1  }
0x22f: {  	v51 =	vld [tilespmem:s2+$0xB5A0];
	_ =	sdelay $0x1  }
0x230: {  	v52 =	vld [tilespmem:s2+$0xB5B0]  }
0x231: {  	v41 =	vmul.f32 v41, v36;
	v42 =	vmul.f32 v50, v37  }
0x232: {  	v53 =	vld [tilespmem:s2+$0xB5C0]  }
0x233: {  	v54 =	vmul.f32 v51, v38;
	v41 =	vadd.f32 v42, v41  }
0x234: {  	v55 =	vld [tilespmem:s2+$0xB5D0]  }
0x235: {  	v56 =	vmul.f32 v52, v34;
	v41 =	vadd.f32 v54, v41  }
0x236: {  	v57 =	vld [tilespmem:s2+$0xB5E0]  }
0x237: {  	v58 =	vmul.f32 v53, v33;
	v41 =	vadd.f32 v56, v41  }
0x238: {  	v59 =	vld [tilespmem:s2+$0xB5F0]  }
0x239: {  	v60 =	vmul.f32 v55, v35;
	v41 =	vadd.f32 v58, v41;
	_ =	sdelay $0x1  }
0x23a: {  	v61 =	vmul.f32 v57, v39;
	v41 =	vadd.f32 v60, v41;
	_ =	sdelay $0x1  }
0x23b: {  	v62 =	vmul.f32 v59, v40;
	v41 =	vadd.f32 v61, v41;
	_ =	sdelay $0x1  }
0x23c: {  	v41 =	vadd.f32 v62, v41;
	_ =	sdelay $0x1  }
0x23d: {  	[tilespmem:$0x16500] =	vst v41  }
0x23e: {  	v41 =	vld [tilespmem:s2+$0xB600]  }
0x23f: {  	v63 =	vld [tilespmem:s2+$0xB610];
	_ =	sdelay $0x1  }
0x240: {  	v48 =	vld [tilespmem:s2+$0xB620];
	_ =	sdelay $0x1  }
0x241: {  	v49 =	vld [tilespmem:s2+$0xB630]  }
0x242: {  	v41 =	vmul.f32 v41, v36;
	v42 =	vmul.f32 v63, v37  }
0x243: {  	v50 =	vld [tilespmem:s2+$0xB640]  }
0x244: {  	v51 =	vmul.f32 v48, v38;
	v41 =	vadd.f32 v42, v41  }
0x245: {  	v52 =	vld [tilespmem:s2+$0xB650]  }
0x246: {  	v53 =	vmul.f32 v49, v34;
	v41 =	vadd.f32 v51, v41  }
0x247: {  	v54 =	vld [tilespmem:s2+$0xB660]  }
0x248: {  	v55 =	vmul.f32 v50, v33;
	v41 =	vadd.f32 v53, v41  }
0x249: {  	v56 =	vld [tilespmem:s2+$0xB670]  }
0x24a: {  	v57 =	vmul.f32 v52, v35;
	v41 =	vadd.f32 v55, v41;
	_ =	sdelay $0x1  }
0x24b: {  	v58 =	vmul.f32 v54, v39;
	v41 =	vadd.f32 v57, v41;
	_ =	sdelay $0x1  }
0x24c: {  	v59 =	vmul.f32 v56, v40;
	v41 =	vadd.f32 v58, v41;
	_ =	sdelay $0x1  }
0x24d: {  	v41 =	vadd.f32 v59, v41;
	_ =	sdelay $0x1  }
0x24e: {  	[tilespmem:$0x16580] =	vst v41  }
0x24f: {  	v41 =	vld [tilespmem:s2+$0xB680]  }
0x250: {  	v60 =	vld [tilespmem:s2+$0xB690];
	_ =	sdelay $0x1  }
0x251: {  	v61 =	vld [tilespmem:s2+$0xB6A0];
	_ =	sdelay $0x1  }
0x252: {  	v62 =	vld [tilespmem:s2+$0xB6B0]  }
0x253: {  	v41 =	vmul.f32 v41, v36;
	v42 =	vmul.f32 v60, v37  }
0x254: {  	v63 =	vld [tilespmem:s2+$0xB6C0]  }
0x255: {  	v48 =	vmul.f32 v61, v38;
	v41 =	vadd.f32 v42, v41  }
0x256: {  	v49 =	vld [tilespmem:s2+$0xB6D0]  }
0x257: {  	v50 =	vmul.f32 v62, v34;
	v41 =	vadd.f32 v48, v41  }
0x258: {  	v51 =	vld [tilespmem:s2+$0xB6E0]  }
0x259: {  	v52 =	vmul.f32 v63, v33;
	v41 =	vadd.f32 v50, v41  }
0x25a: {  	v53 =	vld [tilespmem:s2+$0xB6F0]  }
0x25b: {  	v54 =	vmul.f32 v49, v35;
	v41 =	vadd.f32 v52, v41;
	_ =	sdelay $0x1  }
0x25c: {  	v55 =	vmul.f32 v51, v39;
	v41 =	vadd.f32 v54, v41;
	_ =	sdelay $0x1  }
0x25d: {  	v56 =	vmul.f32 v53, v40;
	v41 =	vadd.f32 v55, v41;
	_ =	sdelay $0x1  }
0x25e: {  	v41 =	vadd.f32 v56, v41;
	_ =	sdelay $0x1  }
0x25f: {  	[tilespmem:$0x16600] =	vst v41  }
0x260: {  	v41 =	vld [tilespmem:s2+$0xB700]  }
0x261: {  	v57 =	vld [tilespmem:s2+$0xB710];
	_ =	sdelay $0x1  }
0x262: {  	v58 =	vld [tilespmem:s2+$0xB720];
	_ =	sdelay $0x1  }
0x263: {  	v59 =	vld [tilespmem:s2+$0xB730]  }
0x264: {  	v41 =	vmul.f32 v41, v36;
	v42 =	vmul.f32 v57, v37  }
0x265: {  	v60 =	vld [tilespmem:s2+$0xB740]  }
0x266: {  	v61 =	vmul.f32 v58, v38;
	v41 =	vadd.f32 v42, v41  }
0x267: {  	v62 =	vld [tilespmem:s2+$0xB750]  }
0x268: {  	v63 =	vmul.f32 v59, v34;
	v41 =	vadd.f32 v61, v41  }
0x269: {  	v48 =	vld [tilespmem:s2+$0xB760]  }
0x26a: {  	v49 =	vmul.f32 v60, v33;
	v41 =	vadd.f32 v63, v41  }
0x26b: {  	v50 =	vld [tilespmem:s2+$0xB770]  }
0x26c: {  	v51 =	vmul.f32 v62, v35;
	v41 =	vadd.f32 v49, v41;
	_ =	sdelay $0x1  }
0x26d: {  	v52 =	vmul.f32 v48, v39;
	v41 =	vadd.f32 v51, v41;
	_ =	sdelay $0x1  }
0x26e: {  	v53 =	vmul.f32 v50, v40;
	v41 =	vadd.f32 v52, v41;
	_ =	sdelay $0x1  }
0x26f: {  	v41 =	vadd.f32 v53, v41;
	_ =	sdelay $0x1  }
0x270: {  	[tilespmem:$0x16680] =	vst v41  }
0x271: {  	v41 =	vld [tilespmem:s2+$0xB780]  }
0x272: {  	v54 =	vld [tilespmem:s2+$0xB790];
	_ =	sdelay $0x1  }
0x273: {  	v55 =	vld [tilespmem:s2+$0xB7A0];
	_ =	sdelay $0x1  }
0x274: {  	v56 =	vld [tilespmem:s2+$0xB7B0]  }
0x275: {  	v41 =	vmul.f32 v41, v36;
	v42 =	vmul.f32 v54, v37  }
0x276: {  	v57 =	vld [tilespmem:s2+$0xB7C0]  }
0x277: {  	v58 =	vmul.f32 v55, v38;
	v41 =	vadd.f32 v42, v41  }
0x278: {  	v59 =	vld [tilespmem:s2+$0xB7D0]  }
0x279: {  	v60 =	vmul.f32 v56, v34;
	v41 =	vadd.f32 v58, v41  }
0x27a: {  	v61 =	vld [tilespmem:s2+$0xB7E0]  }
0x27b: {  	v62 =	vmul.f32 v57, v33;
	v41 =	vadd.f32 v60, v41  }
0x27c: {  	v63 =	vld [tilespmem:s2+$0xB7F0]  }
0x27d: {  	v47 =	vmul.f32 v59, v35;
	v41 =	vadd.f32 v62, v41;
	_ =	sdelay $0x1  }
0x27e: {  	v48 =	vmul.f32 v61, v39;
	v41 =	vadd.f32 v47, v41;
	_ =	sdelay $0x1  }
0x27f: {  	v49 =	vmul.f32 v63, v40;
	v41 =	vadd.f32 v48, v41;
	_ =	sdelay $0x1  }
0x280: {  	v41 =	vadd.f32 v49, v41;
	_ =	sdelay $0x1  }
0x281: {  	[tilespmem:$0x16700] =	vst v41  }
0x282: {  	v41 =	vld [tilespmem:s2+$0xB800]  }
0x283: {  	v50 =	vld [tilespmem:s2+$0xB810];
	_ =	sdelay $0x1  }
0x284: {  	v51 =	vld [tilespmem:s2+$0xB820];
	_ =	sdelay $0x1  }
0x285: {  	v52 =	vld [tilespmem:s2+$0xB830]  }
0x286: {  	v41 =	vmul.f32 v41, v36;
	v42 =	vmul.f32 v50, v37  }
0x287: {  	v53 =	vld [tilespmem:s2+$0xB840]  }
0x288: {  	v54 =	vmul.f32 v51, v38;
	v41 =	vadd.f32 v42, v41  }
0x289: {  	v55 =	vld [tilespmem:s2+$0xB850]  }
0x28a: {  	v56 =	vmul.f32 v52, v34;
	v41 =	vadd.f32 v54, v41  }
0x28b: {  	v57 =	vld [tilespmem:s2+$0xB860]  }
0x28c: {  	v58 =	vmul.f32 v53, v33;
	v41 =	vadd.f32 v56, v41  }
0x28d: {  	v59 =	vld [tilespmem:s2+$0xB870]  }
0x28e: {  	v60 =	vmul.f32 v55, v35;
	v41 =	vadd.f32 v58, v41;
	_ =	sdelay $0x1  }
0x28f: {  	v61 =	vmul.f32 v57, v39;
	v41 =	vadd.f32 v60, v41;
	_ =	sdelay $0x1  }
0x290: {  	v62 =	vmul.f32 v59, v40;
	v41 =	vadd.f32 v61, v41;
	_ =	sdelay $0x1  }
0x291: {  	v41 =	vadd.f32 v62, v41;
	_ =	sdelay $0x1  }
0x292: {  	[tilespmem:$0x16780] =	vst v41  }
0x293: {  	v41 =	vld [tilespmem:s2+$0xB880]  }
0x294: {  	v63 =	vld [tilespmem:s2+$0xB890];
	_ =	sdelay $0x1  }
0x295: {  	v48 =	vld [tilespmem:s2+$0xB8A0];
	_ =	sdelay $0x1  }
0x296: {  	v49 =	vld [tilespmem:s2+$0xB8B0]  }
0x297: {  	v41 =	vmul.f32 v41, v36;
	v42 =	vmul.f32 v63, v37  }
0x298: {  	v50 =	vld [tilespmem:s2+$0xB8C0]  }
0x299: {  	v51 =	vmul.f32 v48, v38;
	v41 =	vadd.f32 v42, v41  }
0x29a: {  	v52 =	vld [tilespmem:s2+$0xB8D0]  }
0x29b: {  	v53 =	vmul.f32 v49, v34;
	v41 =	vadd.f32 v51, v41  }
0x29c: {  	v54 =	vld [tilespmem:s2+$0xB8E0]  }
0x29d: {  	v55 =	vmul.f32 v50, v33;
	v41 =	vadd.f32 v53, v41  }
0x29e: {  	v56 =	vld [tilespmem:s2+$0xB8F0]  }
0x29f: {  	v57 =	vmul.f32 v52, v35;
	v41 =	vadd.f32 v55, v41;
	_ =	sdelay $0x1  }
0x2a0: {  	v58 =	vmul.f32 v54, v39;
	v41 =	vadd.f32 v57, v41;
	_ =	sdelay $0x1  }
0x2a1: {  	v59 =	vmul.f32 v56, v40;
	v41 =	vadd.f32 v58, v41;
	_ =	sdelay $0x1  }
0x2a2: {  	v41 =	vadd.f32 v59, v41;
	_ =	sdelay $0x1  }
0x2a3: {  	[tilespmem:$0x16800] =	vst v41  }
0x2a4: {  	v41 =	vld [tilespmem:s2+$0xB900]  }
0x2a5: {  	v60 =	vld [tilespmem:s2+$0xB910];
	_ =	sdelay $0x1  }
0x2a6: {  	v61 =	vld [tilespmem:s2+$0xB920];
	_ =	sdelay $0x1  }
0x2a7: {  	v62 =	vld [tilespmem:s2+$0xB930]  }
0x2a8: {  	v41 =	vmul.f32 v41, v36;
	v42 =	vmul.f32 v60, v37  }
0x2a9: {  	v63 =	vld [tilespmem:s2+$0xB940]  }
0x2aa: {  	v48 =	vmul.f32 v61, v38;
	v41 =	vadd.f32 v42, v41  }
0x2ab: {  	v49 =	vld [tilespmem:s2+$0xB950]  }
0x2ac: {  	v50 =	vmul.f32 v62, v34;
	v41 =	vadd.f32 v48, v41  }
0x2ad: {  	v51 =	vld [tilespmem:s2+$0xB960]  }
0x2ae: {  	v52 =	vmul.f32 v63, v33;
	v41 =	vadd.f32 v50, v41  }
0x2af: {  	v53 =	vld [tilespmem:s2+$0xB970]  }
0x2b0: {  	v54 =	vmul.f32 v49, v35;
	v41 =	vadd.f32 v52, v41;
	_ =	sdelay $0x1  }
0x2b1: {  	v55 =	vmul.f32 v51, v39;
	v41 =	vadd.f32 v54, v41;
	_ =	sdelay $0x1  }
0x2b2: {  	v56 =	vmul.f32 v53, v40;
	v41 =	vadd.f32 v55, v41;
	_ =	sdelay $0x1  }
0x2b3: {  	v41 =	vadd.f32 v56, v41;
	_ =	sdelay $0x1  }
0x2b4: {  	[tilespmem:$0x16880] =	vst v41  }
0x2b5: {  	v41 =	vld [tilespmem:s2+$0xB980]  }
0x2b6: {  	v57 =	vld [tilespmem:s2+$0xB990];
	_ =	sdelay $0x1  }
0x2b7: {  	v58 =	vld [tilespmem:s2+$0xB9A0];
	_ =	sdelay $0x1  }
0x2b8: {  	v59 =	vld [tilespmem:s2+$0xB9B0]  }
0x2b9: {  	v41 =	vmul.f32 v41, v36;
	v42 =	vmul.f32 v57, v37  }
0x2ba: {  	v60 =	vld [tilespmem:s2+$0xB9C0]  }
0x2bb: {  	v61 =	vmul.f32 v58, v38;
	v41 =	vadd.f32 v42, v41  }
0x2bc: {  	v62 =	vld [tilespmem:s2+$0xB9D0]  }
0x2bd: {  	v63 =	vmul.f32 v59, v34;
	v41 =	vadd.f32 v61, v41  }
0x2be: {  	v48 =	vld [tilespmem:s2+$0xB9E0]  }
0x2bf: {  	v49 =	vmul.f32 v60, v33;
	v41 =	vadd.f32 v63, v41  }
0x2c0: {  	v50 =	vld [tilespmem:s2+$0xB9F0]  }
0x2c1: {  	v51 =	vmul.f32 v62, v35;
	v41 =	vadd.f32 v49, v41;
	_ =	sdelay $0x1  }
0x2c2: {  	v52 =	vmul.f32 v48, v39;
	v41 =	vadd.f32 v51, v41;
	_ =	sdelay $0x1  }
0x2c3: {  	v53 =	vmul.f32 v50, v40;
	v41 =	vadd.f32 v52, v41;
	_ =	sdelay $0x1  }
0x2c4: {  	v41 =	vadd.f32 v53, v41;
	_ =	sdelay $0x1  }
0x2c5: {  	[tilespmem:$0x16900] =	vst v41  }
0x2c6: {  	v41 =	vld [tilespmem:s2+$0xBA00]  }
0x2c7: {  	v54 =	vld [tilespmem:s2+$0xBA10];
	_ =	sdelay $0x1  }
0x2c8: {  	v55 =	vld [tilespmem:s2+$0xBA20];
	_ =	sdelay $0x1  }
0x2c9: {  	v56 =	vld [tilespmem:s2+$0xBA30]  }
0x2ca: {  	v41 =	vmul.f32 v41, v36;
	v42 =	vmul.f32 v54, v37  }
0x2cb: {  	v57 =	vld [tilespmem:s2+$0xBA40]  }
0x2cc: {  	v58 =	vmul.f32 v55, v38;
	v41 =	vadd.f32 v42, v41  }
0x2cd: {  	v59 =	vld [tilespmem:s2+$0xBA50]  }
0x2ce: {  	v60 =	vmul.f32 v56, v34;
	v41 =	vadd.f32 v58, v41  }
0x2cf: {  	v61 =	vld [tilespmem:s2+$0xBA60]  }
0x2d0: {  	v62 =	vmul.f32 v57, v33;
	v41 =	vadd.f32 v60, v41  }
0x2d1: {  	v63 =	vld [tilespmem:s2+$0xBA70]  }
0x2d2: {  	v47 =	vmul.f32 v59, v35;
	v41 =	vadd.f32 v62, v41;
	_ =	sdelay $0x1  }
0x2d3: {  	v48 =	vmul.f32 v61, v39;
	v41 =	vadd.f32 v47, v41;
	_ =	sdelay $0x1  }
0x2d4: {  	v49 =	vmul.f32 v63, v40;
	v41 =	vadd.f32 v48, v41;
	_ =	sdelay $0x1  }
0x2d5: {  	v41 =	vadd.f32 v49, v41;
	_ =	sdelay $0x1  }
0x2d6: {  	[tilespmem:$0x16980] =	vst v41  }
0x2d7: {  	v41 =	vld [tilespmem:s2+$0xBA80]  }
0x2d8: {  	v50 =	vld [tilespmem:s2+$0xBA90];
	_ =	sdelay $0x1  }
0x2d9: {  	v51 =	vld [tilespmem:s2+$0xBAA0];
	_ =	sdelay $0x1  }
0x2da: {  	v52 =	vld [tilespmem:s2+$0xBAB0]  }
0x2db: {  	v41 =	vmul.f32 v41, v36;
	v42 =	vmul.f32 v50, v37  }
0x2dc: {  	v53 =	vld [tilespmem:s2+$0xBAC0]  }
0x2dd: {  	v54 =	vmul.f32 v51, v38;
	v41 =	vadd.f32 v42, v41  }
0x2de: {  	v55 =	vld [tilespmem:s2+$0xBAD0]  }
0x2df: {  	v56 =	vmul.f32 v52, v34;
	v41 =	vadd.f32 v54, v41  }
0x2e0: {  	v57 =	vld [tilespmem:s2+$0xBAE0]  }
0x2e1: {  	v58 =	vmul.f32 v53, v33;
	v41 =	vadd.f32 v56, v41  }
0x2e2: {  	v59 =	vld [tilespmem:s2+$0xBAF0]  }
0x2e3: {  	v60 =	vmul.f32 v55, v35;
	v41 =	vadd.f32 v58, v41;
	_ =	sdelay $0x1  }
0x2e4: {  	v61 =	vmul.f32 v57, v39;
	v41 =	vadd.f32 v60, v41;
	_ =	sdelay $0x1  }
0x2e5: {  	v62 =	vmul.f32 v59, v40;
	v41 =	vadd.f32 v61, v41;
	_ =	sdelay $0x1  }
0x2e6: {  	v41 =	vadd.f32 v62, v41;
	_ =	sdelay $0x1  }
0x2e7: {  	[tilespmem:$0x16A00] =	vst v41  }
0x2e8: {  	v41 =	vld [tilespmem:s2+$0xBB00]  }
0x2e9: {  	v63 =	vld [tilespmem:s2+$0xBB10];
	_ =	sdelay $0x1  }
0x2ea: {  	v48 =	vld [tilespmem:s2+$0xBB20];
	_ =	sdelay $0x1  }
0x2eb: {  	v49 =	vld [tilespmem:s2+$0xBB30]  }
0x2ec: {  	v41 =	vmul.f32 v41, v36;
	v42 =	vmul.f32 v63, v37  }
0x2ed: {  	v50 =	vld [tilespmem:s2+$0xBB40]  }
0x2ee: {  	v51 =	vmul.f32 v48, v38;
	v41 =	vadd.f32 v42, v41  }
0x2ef: {  	v52 =	vld [tilespmem:s2+$0xBB50]  }
0x2f0: {  	v53 =	vmul.f32 v49, v34;
	v41 =	vadd.f32 v51, v41  }
0x2f1: {  	v54 =	vld [tilespmem:s2+$0xBB60]  }
0x2f2: {  	v55 =	vmul.f32 v50, v33;
	v41 =	vadd.f32 v53, v41  }
0x2f3: {  	v56 =	vld [tilespmem:s2+$0xBB70]  }
0x2f4: {  	v57 =	vmul.f32 v52, v35;
	v41 =	vadd.f32 v55, v41;
	_ =	sdelay $0x1  }
0x2f5: {  	v58 =	vmul.f32 v54, v39;
	v41 =	vadd.f32 v57, v41;
	_ =	sdelay $0x1  }
0x2f6: {  	v59 =	vmul.f32 v56, v40;
	v41 =	vadd.f32 v58, v41;
	_ =	sdelay $0x1  }
0x2f7: {  	v41 =	vadd.f32 v59, v41;
	_ =	sdelay $0x1  }
0x2f8: {  	[tilespmem:$0x16A80] =	vst v41  }
0x2f9: {  	v41 =	vld [tilespmem:s2+$0xBB80]  }
0x2fa: {  	v60 =	vld [tilespmem:s2+$0xBB90];
	_ =	sdelay $0x1  }
0x2fb: {  	v61 =	vld [tilespmem:s2+$0xBBA0];
	_ =	sdelay $0x1  }
0x2fc: {  	v62 =	vld [tilespmem:s2+$0xBBB0]  }
0x2fd: {  	v41 =	vmul.f32 v41, v36;
	v42 =	vmul.f32 v60, v37  }
0x2fe: {  	v63 =	vld [tilespmem:s2+$0xBBC0]  }
0x2ff: {  	v47 =	vmul.f32 v61, v38;
	v41 =	vadd.f32 v42, v41  }
0x300: {  	v48 =	vld [tilespmem:s2+$0xBBD0]  }
0x301: {  	v49 =	vmul.f32 v62, v34;
	v41 =	vadd.f32 v47, v41  }
0x302: {  	v50 =	vld [tilespmem:s2+$0xBBE0]  }
0x303: {  	v51 =	vmul.f32 v63, v33;
	v41 =	vadd.f32 v49, v41  }
0x304: {  	v52 =	vld [tilespmem:s2+$0xBBF0]  }
0x305: {  	v53 =	vmul.f32 v48, v35;
	v41 =	vadd.f32 v51, v41;
	_ =	sdelay $0x1  }
0x306: {  	v54 =	vmul.f32 v50, v39;
	v41 =	vadd.f32 v53, v41;
	_ =	sdelay $0x1  }
0x307: {  	v55 =	vmul.f32 v52, v40;
	v41 =	vadd.f32 v54, v41;
	_ =	sdelay $0x1  }
0x308: {  	v41 =	vadd.f32 v55, v41;
	_ =	sdelay $0x1  }
0x309: {  	[tilespmem:$0x16B00] =	vst v41  }
0x30a: {  	v41 =	vld [tilespmem:s2+$0xBC00]  }
0x30b: {  	v56 =	vld [tilespmem:s2+$0xBC10];
	_ =	sdelay $0x1  }
0x30c: {  	v57 =	vld [tilespmem:s2+$0xBC20];
	_ =	sdelay $0x1  }
0x30d: {  	v58 =	vld [tilespmem:s2+$0xBC30]  }
0x30e: {  	v41 =	vmul.f32 v41, v36;
	v42 =	vmul.f32 v56, v37  }
0x30f: {  	v59 =	vld [tilespmem:s2+$0xBC40]  }
0x310: {  	v60 =	vmul.f32 v57, v38;
	v41 =	vadd.f32 v42, v41  }
0x311: {  	v61 =	vld [tilespmem:s2+$0xBC50]  }
0x312: {  	v62 =	vmul.f32 v58, v34;
	v41 =	vadd.f32 v60, v41  }
0x313: {  	v63 =	vld [tilespmem:s2+$0xBC60]  }
0x314: {  	v48 =	vmul.f32 v59, v33;
	v41 =	vadd.f32 v62, v41  }
0x315: {  	v49 =	vld [tilespmem:s2+$0xBC70]  }
0x316: {  	v50 =	vmul.f32 v61, v35;
	v41 =	vadd.f32 v48, v41;
	_ =	sdelay $0x1  }
0x317: {  	v51 =	vmul.f32 v63, v39;
	v41 =	vadd.f32 v50, v41;
	_ =	sdelay $0x1  }
0x318: {  	v52 =	vmul.f32 v49, v40;
	v41 =	vadd.f32 v51, v41;
	_ =	sdelay $0x1  }
0x319: {  	v41 =	vadd.f32 v52, v41;
	_ =	sdelay $0x1  }
0x31a: {  	[tilespmem:$0x16B80] =	vst v41  }
0x31b: {  	v41 =	vld [tilespmem:s2+$0xBC80]  }
0x31c: {  	v53 =	vld [tilespmem:s2+$0xBC90];
	_ =	sdelay $0x1  }
0x31d: {  	v54 =	vld [tilespmem:s2+$0xBCA0];
	_ =	sdelay $0x1  }
0x31e: {  	v55 =	vld [tilespmem:s2+$0xBCB0]  }
0x31f: {  	v41 =	vmul.f32 v41, v36;
	v42 =	vmul.f32 v53, v37  }
0x320: {  	v56 =	vld [tilespmem:s2+$0xBCC0]  }
0x321: {  	v57 =	vmul.f32 v54, v38;
	v41 =	vadd.f32 v42, v41  }
0x322: {  	v58 =	vld [tilespmem:s2+$0xBCD0]  }
0x323: {  	v59 =	vmul.f32 v55, v34;
	v41 =	vadd.f32 v57, v41  }
0x324: {  	v60 =	vld [tilespmem:s2+$0xBCE0]  }
0x325: {  	v61 =	vmul.f32 v56, v33;
	v41 =	vadd.f32 v59, v41  }
0x326: {  	v62 =	vld [tilespmem:s2+$0xBCF0]  }
0x327: {  	v63 =	vmul.f32 v58, v35;
	v41 =	vadd.f32 v61, v41;
	_ =	sdelay $0x1  }
0x328: {  	v46 =	vmul.f32 v60, v39;
	v41 =	vadd.f32 v63, v41;
	_ =	sdelay $0x1  }
0x329: {  	v47 =	vmul.f32 v62, v40;
	v41 =	vadd.f32 v46, v41;
	_ =	sdelay $0x1  }
0x32a: {  	v41 =	vadd.f32 v47, v41;
	_ =	sdelay $0x1  }
0x32b: {  	[tilespmem:$0x16C00] =	vst v41  }
0x32c: {  	v41 =	vld [tilespmem:s2+$0xBD00]  }
0x32d: {  	v48 =	vld [tilespmem:s2+$0xBD10];
	_ =	sdelay $0x1  }
0x32e: {  	v49 =	vld [tilespmem:s2+$0xBD20];
	_ =	sdelay $0x1  }
0x32f: {  	v50 =	vld [tilespmem:s2+$0xBD30]  }
0x330: {  	v41 =	vmul.f32 v41, v36;
	v42 =	vmul.f32 v48, v37  }
0x331: {  	v51 =	vld [tilespmem:s2+$0xBD40]  }
0x332: {  	v52 =	vmul.f32 v49, v38;
	v41 =	vadd.f32 v42, v41  }
0x333: {  	v53 =	vld [tilespmem:s2+$0xBD50]  }
0x334: {  	v54 =	vmul.f32 v50, v34;
	v41 =	vadd.f32 v52, v41  }
0x335: {  	v55 =	vld [tilespmem:s2+$0xBD60]  }
0x336: {  	v56 =	vmul.f32 v51, v33;
	v41 =	vadd.f32 v54, v41  }
0x337: {  	v57 =	vld [tilespmem:s2+$0xBD70]  }
0x338: {  	v58 =	vmul.f32 v53, v35;
	v41 =	vadd.f32 v56, v41;
	_ =	sdelay $0x1  }
0x339: {  	v59 =	vmul.f32 v55, v39;
	v41 =	vadd.f32 v58, v41;
	_ =	sdelay $0x1  }
0x33a: {  	v60 =	vmul.f32 v57, v40;
	v41 =	vadd.f32 v59, v41;
	_ =	sdelay $0x1  }
0x33b: {  	v41 =	vadd.f32 v60, v41;
	_ =	sdelay $0x1  }
0x33c: {  	[tilespmem:$0x16C80] =	vst v41  }
0x33d: {  	v41 =	vld [tilespmem:s2+$0xBD80]  }
0x33e: {  	v61 =	vld [tilespmem:s2+$0xBD90];
	_ =	sdelay $0x1  }
0x33f: {  	v62 =	vld [tilespmem:s2+$0xBDA0];
	_ =	sdelay $0x1  }
0x340: {  	v63 =	vld [tilespmem:s2+$0xBDB0]  }
0x341: {  	v36 =	vmul.f32 v41, v36;
	v37 =	vmul.f32 v61, v37  }
0x342: {  	v47 =	vld [tilespmem:s2+$0xBDC0]  }
0x343: {  	v48 =	vmul.f32 v62, v38;
	v36 =	vadd.f32 v37, v36  }
0x344: {  	v49 =	vld [tilespmem:s2+$0xBDD0]  }
0x345: {  	v34 =	vmul.f32 v63, v34;
	v36 =	vadd.f32 v48, v36  }
0x346: {  	v50 =	vld [tilespmem:s2+$0xBDE0]  }
0x347: {  	v33 =	vmul.f32 v47, v33;
	v34 =	vadd.f32 v34, v36  }
0x348: {  	v51 =	vld [tilespmem:s2+$0xBDF0]  }
0x349: {  	v52 =	vmul.f32 v49, v35;
	v33 =	vadd.f32 v33, v34;
	_ =	sdelay $0x1  }
0x34a: {  	v53 =	vmul.f32 v50, v39;
	v33 =	vadd.f32 v52, v33;
	_ =	sdelay $0x1  }
0x34b: {  	v54 =	vmul.f32 v51, v40;
	v33 =	vadd.f32 v53, v33;
	_ =	sdelay $0x1  }
0x34c: {  	v33 =	vadd.f32 v54, v33;
	_ =	sdelay $0x1  }
0x34d: {  	[tilespmem:$0x16D00] =	vst v33  }
0x34e: {  	v33 =	vld.idx.msk [tilespmem:v0+s24+$0x0], $0xffff  }
0x34f: {  	v55 =	vld.idx.msk [tilespmem:v2+s24+$0x0], $0xffff  }
0x350: {  	v56 =	vld.idx.msk [tilespmem:v3+s24+$0x0], $0xffff  }
0x351: {  	v57 =	vld.idx.msk [tilespmem:v4+s24+$0x0], $0xffff  }
0x352: {  	v58 =	vld.idx.msk [tilespmem:v5+s24+$0x0], $0xffff  }
0x353: {  	v59 =	vld.idx.msk [tilespmem:v6+s24+$0x0], $0xffff  }
0x354: {  	v60 =	vld.idx.msk [tilespmem:v7+s24+$0x0], $0xffff  }
0x355: {  	v61 =	vld.idx.msk [tilespmem:v8+s24+$0x0], $0xffff;
	v33 =	vadd.f32 v56, v33  }
0x356: {  	v62 =	vld.idx.msk [tilespmem:v9+s24+$0x0], $0xffff;
	v34 =	vadd.f32 v57, v55  }
0x357: {  	v63 =	vld.idx.msk [tilespmem:v10+s24+$0x0], $0xffff;
	v33 =	vadd.f32 v58, v33  }
0x358: {  	v42 =	vld.idx.msk [tilespmem:v11+s24+$0x0], $0xffff;
	v34 =	vadd.f32 v59, v34  }
0x359: {  	v43 =	vld.idx.msk [tilespmem:v12+s24+$0x0], $0xffff;
	v33 =	vadd.f32 v60, v33  }
0x35a: {  	v44 =	vld.idx.msk [tilespmem:v13+s24+$0x0], $0xffff;
	v34 =	vadd.f32 v61, v34  }
0x35b: {  	v45 =	vld.idx.msk [tilespmem:v14+s24+$0x0], $0xffff;
	v33 =	vadd.f32 v62, v33  }
0x35c: {  	v46 =	vld.idx.msk [tilespmem:v15+s24+$0x0], $0xffff;
	v34 =	vadd.f32 v63, v34  }
0x35d: {  	v47 =	vld.idx.msk [tilespmem:v16+s24+$0x0], $0xffff;
	v33 =	vadd.f32 v42, v33  }
0x35e: {  	v48 =	vld.idx.msk [tilespmem:v17+s24+$0x0], $0xffff;
	v34 =	vadd.f32 v43, v34  }
0x35f: {  	v49 =	vld.idx.msk [tilespmem:v18+s24+$0x0], $0xffff;
	v33 =	vadd.f32 v44, v33  }
0x360: {  	v50 =	vld.idx.msk [tilespmem:v19+s24+$0x0], $0xffff;
	v34 =	vadd.f32 v45, v34  }
0x361: {  	v51 =	vld.idx.msk [tilespmem:v20+s24+$0x0], $0xffff;
	v33 =	vadd.f32 v46, v33  }
0x362: {  	v52 =	vld.idx.msk [tilespmem:v21+s24+$0x0], $0xffff;
	v34 =	vadd.f32 v47, v34  }
0x363: {  	v53 =	vld.idx.msk [tilespmem:v22+s24+$0x0], $0xffff;
	v33 =	vadd.f32 v48, v33  }
0x364: {  	v54 =	vld.idx.msk [tilespmem:v23+s24+$0x0], $0xffff;
	v34 =	vadd.f32 v49, v34  }
0x365: {  	v55 =	vld.idx.msk [tilespmem:v24+s24+$0x0], $0xffff;
	v33 =	vadd.f32 v50, v33  }
0x366: {  	v56 =	vld.idx.msk [tilespmem:v25+s24+$0x0], $0xffff;
	v34 =	vadd.f32 v51, v34  }
0x367: {  	v57 =	vld.idx.msk [tilespmem:v26+s24+$0x0], $0xffff;
	v33 =	vadd.f32 v52, v33  }
0x368: {  	v58 =	vld.idx.msk [tilespmem:v27+s24+$0x0], $0xffff;
	v34 =	vadd.f32 v53, v34  }
0x369: {  	v59 =	vld.idx.msk [tilespmem:v28+s24+$0x0], $0xffff;
	v33 =	vadd.f32 v54, v33  }
0x36a: {  	v60 =	vld.idx.msk [tilespmem:v29+s24+$0x0], $0xffff;
	v34 =	vadd.f32 v55, v34  }
0x36b: {  	v61 =	vld.idx.msk [tilespmem:v30+s24+$0x0], $0xffff;
	v33 =	vadd.f32 v56, v33  }
0x36c: {  	v62 =	vld.idx.msk [tilespmem:v31+s24+$0x0], $0xffff;
	v34 =	vadd.f32 v57, v34  }
0x36d: {  	v63 =	vld.idx.msk [tilespmem:v32+s24+$0x0], $0xffff;
	v33 =	vadd.f32 v58, v33  }
0x36e: {  	v34 =	vadd.f32 v59, v34  }
0x36f: {  	p0 =	sne.s32 s0, $0x29400;
	v33 =	vadd.f32 v60, v33  }
.Ltmp1:
0x370: {  	s13 =	sand.u32 $0x180, s31;
	v34 =	vadd.f32 v61, v34;
	(pc) =	sbr.rel @p0 .LBB2_5-.Ltmp1, $4  }
0x371: {  	s12 =	sand.u32 $0x60, s31;
	s2 =	sadd.s32 s13, s30;
	v33 =	vadd.f32 v62, v33  }
0x372: {  	s2 =	sadd.s32 s12, s2;
	v34 =	vadd.f32 v63, v34  }
0x373: {  	[tilespmem:s2+$0x0] =	vst v33  }
0x374: {  	s31 =	sadd.s32 $0x20, s31;
	s0 =	sadd.s32 $0x2C00, s0;
	[tilespmem:s2+$0x10] =	vst v34  }
0x375: {  	s29 =	sadd.s32 $0x1, s29  }
0x376: {  	p0 =	sne.s32 s29, $0x10  }
.Ltmp2:
0x377: {  	_ = 	snop;
	(pc) =	sbr.rel @p0 .LBB2_2-.Ltmp2, $1  }
0x378: {  	_ =	sdelay $0x3  }
0x379: {  	s28 =	sadd.s32 $0x1, s28  }
0x37a: {  	p0 =	sne.s32 s28, s9  }
.Ltmp3:
0x37b: {  	_ = 	snop;
	(pc) =	sbr.rel @p0 .LBB2_1-.Ltmp3, $4  }
0x37c: {  	[hbm4b:s8+s3] =	stream.linear.scatter [tilespmem:s26], [sflag:$0x3], $0x4000, $0x38;
	[tilespmem:$0x1B300] =	vst v63  }
0x37d: {  	_ =	swait.ge [sflag:s10], $0x4000  }
0x37e: {  	[sflag:s10] =	ssyncset.done $0x0  }
0x37f: {  	[sflag:s10] =	ssyncadd.s32 $0xFFFFC000  }
0x380: {  	_ =	sfence.sel $0x180000  }
0x381: {  	[bflag:$0x0] =	sbarrier.arrive $0xFFFF  }
0x382: {  	_ =	strace $0x90000047  }
0x383: {  	s0 =	stileid.u32;
	[bflag:$0x2] =	sbarrier.arrive $0xFFFF  }
0x384: {  	p0 =	sne.s32 s0, $0x0;
	s0 =	rddreg [dreg:$0x2]  }
0x385: {  	s0 =	sadd.s32 @!p0 $0x100000, s0  }
0x386: {  	[sflag:s0] =	ssyncadd.tile.s32 @!p0 $0x1;
	_ =	shalt  }
.Lfunc_end2:
_tile_overlayer_lowered:
.L_overlay_start_2:
0x387: {  	(tag) =	ssettag $0x2  }
0x388: {  	s0 =	rddreg [dreg:$0x0];
	s2 =	stileid.u32  }
0x389: {  	s1 =	rddreg [dreg:$0x1];
	p0 =	sne.s32 s2, $0x0  }
0x38a: {  	s3 =	rddreg [dreg:$0x2];
	[bflag:$0x3] =	sbarrier.arrive $0xFFFF;
	s2 =	simm.s32 @!p0 $0x1C03  }
0x38b: {  	[timem:s3], [sflag:s2] =	dma.local @!p0 [hbm:s0], s1  }
0x38c: {  	s0 =	simm.s32 @!p0 $0x3  }
0x38d: {  	_ =	swait.ge @!p0 [sflag:s0], s1  }
0x38e: {  	s1 =	ssub.s32 @!p0 $0x0, s1;
	[sflag:s0] =	ssyncset.done @!p0 $0x0  }
0x38f: {  	[sflag:s0] =	ssyncadd.s32 @!p0 s1  }
0x390: {  	[bflag:$0x3] =	sbarrier.arrive $0xFFFF  }
0x391: {  	_ =	shalt  }

</sc_bundles>
